<compile_context>
chip_gen: v7x
topology: tpu7x:2x2x1
jax: 0.10.2.dev20260603
libtpu: 0.0.44.dev20260713+nightly
codegen_flags: <defaults>
</compile_context>

<pallas_src>
import functools

import jax
import jax.numpy as jnp
from jax import lax
from jax.experimental import pallas as pl
from jax.experimental.pallas import tpu as pltpu
from jax.experimental.pallas import tpu_sc as plsc

NC, NS, LANES = 2, 16, 16
NW = NC * NS
G = 128
S = 256
NG = S // G
D_OUT = 64
DT = D_OUT // 8
TIR = 24
PITCH = 133


def _tc_tables(x_ref, p_ref, w_ref, adj_ref, a_ref, b_ref, i0_ref, i1_ref):
    f = jnp.dot(x_ref[...], p_ref[...], preferred_element_type=jnp.float32)
    a = jnp.dot(f, w_ref[:D_OUT, :], preferred_element_type=jnp.float32)
    b = jnp.dot(f, w_ref[D_OUT:, :], preferred_element_type=jnp.float32)
    a_ref[...] = a.astype(jnp.bfloat16)
    b_ref[...] = b.astype(jnp.bfloat16)
    i0_ref[...] = adj_ref[0, :]
    i1_ref[...] = adj_ref[1, :]


def _sc_edge_body(nstages, a_hbm, b_hbm, i0_hbm, i1_hbm, out_hbm,
                  i0_v0, i0_v1, i1_v0, i1_v1, ra_v0, ra_v1, rb_v0, rb_v1,
                  ro_v0, ro_v1, sem_i0, sem_i1, sem_g0, sem_g1, sem_s0, sem_s1):
    i0_v, i1_v = (i0_v0, i0_v1), (i1_v0, i1_v1)
    ra_v, rb_v = (ra_v0, ra_v1), (rb_v0, rb_v1)
    ro_v = (ro_v0, ro_v1)
    sem_i, sem_g, sem_s = (sem_i0, sem_i1), (sem_g0, sem_g1), (sem_s0, sem_s1)

    wid = lax.axis_index("s") * NC + lax.axis_index("c")
    per = nstages // NW
    rem = nstages - per * NW
    nb = per + jnp.where(wid < rem, 1, 0)

    def issue_idx(j, s):
        blk = (wid + j * NW) * NG
        pltpu.async_copy(i0_hbm.at[pl.ds(blk, NG)], i0_v[s], sem_i[s])
        pltpu.async_copy(i1_hbm.at[pl.ds(blk, NG)], i1_v[s], sem_i[s])

    def wait_idx(s):
        pltpu.make_async_copy(i0_hbm.at[pl.ds(0, NG)], i0_v[s], sem_i[s]).wait()
        pltpu.make_async_copy(i1_hbm.at[pl.ds(0, NG)], i1_v[s], sem_i[s]).wait()

    def issue_gather(s):
        for h in range(NG):
            pltpu.async_copy(a_hbm.at[i0_v[s].at[h]],
                             ra_v[s].at[pl.ds(h * G, G)], sem_g[s])
            pltpu.async_copy(b_hbm.at[i1_v[s].at[h]],
                             rb_v[s].at[pl.ds(h * G, G)], sem_g[s])

    def wait_gather(s):
        pltpu.make_async_copy(a_hbm.at[pl.ds(0, S)], ra_v[s], sem_g[s]).wait()
        pltpu.make_async_copy(b_hbm.at[pl.ds(0, S)], rb_v[s], sem_g[s]).wait()

    lane = lax.iota(jnp.int32, LANES)
    row_base = [[(2 * c16 + (lane >> 3)) * TIR + (lane & 7) + 8 * tj
                 for c16 in range(D_OUT // LANES)] for tj in range(NG)]

    def compute(s):
        ra, rb, ro = ra_v[s], rb_v[s], ro_v[s]

        for tj in range(NG):
            @plsc.parallel_loop(tj * G, (tj + 1) * G, 1, unroll=4)
            def _(e, tj=tj):
                col = jnp.full((LANES,), e - tj * G, jnp.int32)
                for c32 in range(D_OUT // (2 * LANES)):
                    sl = pl.ds(c32 * 2 * LANES, 2 * LANES)
                    a0, a1 = plsc.unpack(ra[e, sl],
                                         format=plsc.PackFormat.INTERLEAVED)
                    b0, b1 = plsc.unpack(rb[e, sl],
                                         format=plsc.PackFormat.INTERLEAVED)
                    for k, v in ((0, a0 + b0), (1, a1 + b1)):
                        plsc.store_scatter(ro, [row_base[tj][2 * c32 + k], col],
                                           jnp.maximum(v, 0.2 * v))

    def issue_store(j, s):
        tjc = (wid + j * NW) * NG
        for ti in range(DT):
            pltpu.async_copy(
                ro_v[s].at[pl.ds(ti * TIR, NG * 8), pl.ds(0, G)],
                out_hbm.at[ti, pl.ds(tjc * 8, NG * 8)], sem_s[s])

    def wait_store(s):
        for ti in range(DT):
            pltpu.make_async_copy(
                ro_v[s].at[pl.ds(ti * TIR, NG * 8), pl.ds(0, G)],
                out_hbm.at[ti, pl.ds(0, NG * 8)], sem_s[s]).wait()

    issue_idx(0, 0)
    issue_idx(1, 1)
    wait_idx(0)
    issue_gather(0)

    def outer(jj, carry):
        for b in range(2):
            j = jj * 2 + b
            s, o = b, 1 - b

            @pl.when(j < nb)
            def _():
                @pl.when(j + 1 < nb)
                def _():
                    wait_idx(o)
                    issue_gather(o)

                wait_gather(s)

                @pl.when(j + 2 < nb)
                def _():
                    issue_idx(j + 2, s)

                @pl.when(j >= 2)
                def _():
                    wait_store(s)

                compute(s)
                issue_store(j, s)
        return carry

    lax.fori_loop(0, (nb + 1) // 2, outer, 0)
    wait_store(0)
    wait_store(1)


def kernel(disease_feats, gene_feats, chemical_feats, species_feats,
           trans_adj_list, pattern_name, P_disease, P_gene, P_chemical,
           P_species, W_DD):
    n, _ = disease_feats.shape
    e = trans_adj_list.shape[1]
    colperm = []
    for g in range(D_OUT // (2 * LANES)):
        for k in range(LANES):
            colperm += [g * 2 * LANES + k, g * 2 * LANES + LANES + k]
    w_perm = W_DD[:, jnp.array(colperm, jnp.int32)]
    a, b, i0, i1 = pl.pallas_call(
        _tc_tables,
        out_shape=[jax.ShapeDtypeStruct((n, D_OUT), jnp.bfloat16)] * 2
        + [jax.ShapeDtypeStruct((e,), jnp.int32)] * 2,
    )(disease_feats, P_disease, w_perm, trans_adj_list)

    idx0 = i0.reshape(e // G, G)
    idx1 = i1.reshape(e // G, G)
    nstages = e // S
    ntc = e // G

    sc = pl.kernel(
        functools.partial(_sc_edge_body, nstages),
        out_type=jax.ShapeDtypeStruct((DT, ntc * 8, G), jnp.float32),
        mesh=plsc.VectorSubcoreMesh(core_axis_name="c", subcore_axis_name="s"),
        compiler_params=pltpu.CompilerParams(use_tc_tiling_on_sc=False,
                                             needs_layout_passes=False),
        scratch_types=[
            pltpu.VMEM((NG, G), jnp.int32),
            pltpu.VMEM((NG, G), jnp.int32),
            pltpu.VMEM((NG, G), jnp.int32),
            pltpu.VMEM((NG, G), jnp.int32),
            pltpu.VMEM((S, D_OUT), jnp.bfloat16),
            pltpu.VMEM((S, D_OUT), jnp.bfloat16),
            pltpu.VMEM((S, D_OUT), jnp.bfloat16),
            pltpu.VMEM((S, D_OUT), jnp.bfloat16),
            pltpu.VMEM((DT * TIR, PITCH), jnp.float32),
            pltpu.VMEM((DT * TIR, PITCH), jnp.float32),
            pltpu.SemaphoreType.DMA,
            pltpu.SemaphoreType.DMA,
            pltpu.SemaphoreType.DMA,
            pltpu.SemaphoreType.DMA,
            pltpu.SemaphoreType.DMA,
            pltpu.SemaphoreType.DMA,
        ],
    )
    out4 = sc(a, b, idx0, idx1).reshape(DT, ntc, 8, G)
    return jnp.transpose(out4, (1, 3, 0, 2)).reshape(e, D_OUT)

# --- scband reference (transcript-rebuilt; emitter-appended) ---
"""Pipeline reference for scband-instance-agg-layer-58815282152043 (READ-ONLY COPY).

The authoritative reference and input builder live on the scoring server;
editing this copy changes nothing except your own understanding.
"""

import jax, jax.numpy as jnp
import numpy as np

N, D_IN, D_OUT, E = 10000, 128, 64, 320000

def _xavier(key, shape, gain=1.414):
    fan_in, fan_out = shape[0], shape[1]
    a = gain * np.sqrt(6.0 / (fan_in + fan_out))
    return jax.random.uniform(key, shape, minval=-a, maxval=a, dtype=jnp.float32)

def setup_inputs(seed: int = 0) -> dict:
    key = jax.random.key(seed)
    ks = jax.random.split(key, 10)
    return {
        "disease_feats": jax.random.normal(ks[0], (N, D_IN), dtype=jnp.float32),
        "gene_feats": jax.random.normal(ks[1], (N, D_IN), dtype=jnp.float32),
        "chemical_feats": jax.random.normal(ks[2], (N, D_IN), dtype=jnp.float32),
        "species_feats": jax.random.normal(ks[3], (N, D_IN), dtype=jnp.float32),
        "trans_adj_list": jax.random.randint(ks[4], (3, E), 0, N, dtype=jnp.int32),
        "pattern_name": 0,
        "P_disease": _xavier(ks[5], (D_IN, D_OUT)),
        "P_gene": _xavier(ks[6], (D_IN, D_OUT)),
        "P_chemical": _xavier(ks[7], (D_IN, D_OUT)),
        "P_species": _xavier(ks[8], (D_IN, D_OUT)),
        "W_DD": _xavier(ks[9], (D_OUT * 2, D_OUT)),
    }

def reference(disease_feats, gene_feats, chemical_feats, species_feats, trans_adj_list, pattern_name, P_disease, P_gene, P_chemical, P_species, W_DD):
    # project each node-type feature table (all branches compute these)
    f_disease = jnp.matmul(disease_feats, P_disease)
    f_gene = jnp.matmul(gene_feats, P_gene)
    f_chemical = jnp.matmul(chemical_feats, P_chemical)
    f_species = jnp.matmul(species_feats, P_species)
    # pattern_name is an int (0), so none of the string branches match -> DD (else) branch
    g0 = jnp.take(f_disease, trans_adj_list[0], axis=0)
    g1 = jnp.take(f_disease, trans_adj_list[1], axis=0)
    concat = jnp.concatenate([g0, g1], axis=1)
    instance = jax.nn.leaky_relu(jnp.matmul(concat, W_DD), negative_slope=0.2)
    return instance

if __name__ == "__main__":
    import jax
    _d = setup_inputs()
    print(jax.jit(kernel)(*tuple(_d.values())))

</pallas_src>

<mosaic_0001>
#map = affine_map<(d0, d1) -> (0, 0)>
#map1 = affine_map<(d0, d1) -> (0, 0, 0)>
module attributes {stable_mosaic.version = 14 : i64} {
  func.func @_sc_edge_body(%arg0: i32, %arg1: i32, %arg2: memref<10000x64xbf16, #tpu.memory_space<hbm>>, %arg3: memref<10000x64xbf16, #tpu.memory_space<hbm>>, %arg4: memref<2500x128xi32, #tpu.memory_space<hbm>>, %arg5: memref<2500x128xi32, #tpu.memory_space<hbm>>, %arg6: memref<8x20000x128xf32, #tpu.memory_space<hbm>>, %arg7: memref<2x128xi32, #tpu.memory_space<vmem>>, %arg8: memref<2x128xi32, #tpu.memory_space<vmem>>, %arg9: memref<2x128xi32, #tpu.memory_space<vmem>>, %arg10: memref<2x128xi32, #tpu.memory_space<vmem>>, %arg11: memref<256x64xbf16, #tpu.memory_space<vmem>>, %arg12: memref<256x64xbf16, #tpu.memory_space<vmem>>, %arg13: memref<256x64xbf16, #tpu.memory_space<vmem>>, %arg14: memref<256x64xbf16, #tpu.memory_space<vmem>>, %arg15: memref<192x133xf32, #tpu.memory_space<vmem>>, %arg16: memref<192x133xf32, #tpu.memory_space<vmem>>, %arg17: memref<!tpu.dma_semaphore, #tpu.memory_space<semaphore_mem>>, %arg18: memref<!tpu.dma_semaphore, #tpu.memory_space<semaphore_mem>>, %arg19: memref<!tpu.dma_semaphore, #tpu.memory_space<semaphore_mem>>, %arg20: memref<!tpu.dma_semaphore, #tpu.memory_space<semaphore_mem>>, %arg21: memref<!tpu.dma_semaphore, #tpu.memory_space<semaphore_mem>>, %arg22: memref<!tpu.dma_semaphore, #tpu.memory_space<semaphore_mem>>) attributes {dimension_semantics = [#tpu.dimension_semantics<core_parallel>, #tpu.dimension_semantics<subcore_parallel>], iteration_bounds = array<i64: 2, 16>, scalar_prefetch = 0 : i64, scratch_operands = 16 : i64, tpu.core_type = #tpu.core_type<sc_vector_subcore>, window_params = [{transform_indices = #map}, {transform_indices = #map}, {transform_indices = #map}, {transform_indices = #map}, {transform_indices = #map1}]} {
    %mul3A = arith.constant 2 : i32
    %mul3A_0 = arith.muli %arg1, %mul3A : i32
    %add3A = arith.addi %mul3A_0, %arg0 : i32
    %lt3A = arith.constant 2 : i32
    %lt3A_1 = arith.cmpi slt, %add3A, %lt3A : i32
    %jit3A = arith.constant 1 : i32
    %jit3A_2 = arith.constant 0 : i32
    %select_n3A = arith.select %lt3A_1, %jit3A, %jit3A_2 : i32
    %add3A_3 = arith.constant 39 : i32
    %add3A_4 = arith.addi %add3A_3, %select_n3A : i32
    %iota3A = tpu.iota {dimensions = array<i32: 0>} : vector<16xi32>
    %shift_right_arithmetic3A = arith.constant 3 : i32
    %shift_right_arithmetic3A_5 = vector.broadcast %shift_right_arithmetic3A : i32 to vector<16xi32>
    %shift_right_arithmetic3A_6 = arith.shrsi %iota3A, %shift_right_arithmetic3A_5 : vector<16xi32>
    %add3A_7 = arith.constant 0 : i32
    %add3A_8 = vector.broadcast %add3A_7 : i32 to vector<16xi32>
    %add3A_9 = arith.addi %add3A_8, %shift_right_arithmetic3A_6 : vector<16xi32>
    %mul3A_10 = arith.constant 24 : i32
    %mul3A_11 = vector.broadcast %mul3A_10 : i32 to vector<16xi32>
    %mul3A_12 = arith.muli %add3A_9, %mul3A_11 : vector<16xi32>
    %and3A = arith.constant 7 : i32
    %and3A_13 = vector.broadcast %and3A : i32 to vector<16xi32>
    %and3A_14 = arith.andi %iota3A, %and3A_13 : vector<16xi32>
    %add3A_15 = arith.addi %mul3A_12, %and3A_14 : vector<16xi32>
    %add3A_16 = arith.constant 0 : i32
    %add3A_17 = vector.broadcast %add3A_16 : i32 to vector<16xi32>
    %add3A_18 = arith.addi %add3A_15, %add3A_17 : vector<16xi32>
    %shift_right_arithmetic3A_19 = arith.constant 3 : i32
    %shift_right_arithmetic3A_20 = vector.broadcast %shift_right_arithmetic3A_19 : i32 to vector<16xi32>
    %shift_right_arithmetic3A_21 = arith.shrsi %iota3A, %shift_right_arithmetic3A_20 : vector<16xi32>
    %add3A_22 = arith.constant 2 : i32
    %add3A_23 = vector.broadcast %add3A_22 : i32 to vector<16xi32>
    %add3A_24 = arith.addi %add3A_23, %shift_right_arithmetic3A_21 : vector<16xi32>
    %mul3A_25 = arith.constant 24 : i32
    %mul3A_26 = vector.broadcast %mul3A_25 : i32 to vector<16xi32>
    %mul3A_27 = arith.muli %add3A_24, %mul3A_26 : vector<16xi32>
    %and3A_28 = arith.constant 7 : i32
    %and3A_29 = vector.broadcast %and3A_28 : i32 to vector<16xi32>
    %and3A_30 = arith.andi %iota3A, %and3A_29 : vector<16xi32>
    %add3A_31 = arith.addi %mul3A_27, %and3A_30 : vector<16xi32>
    %add3A_32 = arith.constant 0 : i32
    %add3A_33 = vector.broadcast %add3A_32 : i32 to vector<16xi32>
    %add3A_34 = arith.addi %add3A_31, %add3A_33 : vector<16xi32>
    %shift_right_arithmetic3A_35 = arith.constant 3 : i32
    %shift_right_arithmetic3A_36 = vector.broadcast %shift_right_arithmetic3A_35 : i32 to vector<16xi32>
    %shift_right_arithmetic3A_37 = arith.shrsi %iota3A, %shift_right_arithmetic3A_36 : vector<16xi32>
    %add3A_38 = arith.constant 4 : i32
    %add3A_39 = vector.broadcast %add3A_38 : i32 to vector<16xi32>
    %add3A_40 = arith.addi %add3A_39, %shift_right_arithmetic3A_37 : vector<16xi32>
    %mul3A_41 = arith.constant 24 : i32
    %mul3A_42 = vector.broadcast %mul3A_41 : i32 to vector<16xi32>
    %mul3A_43 = arith.muli %add3A_40, %mul3A_42 : vector<16xi32>
    %and3A_44 = arith.constant 7 : i32
    %and3A_45 = vector.broadcast %and3A_44 : i32 to vector<16xi32>
    %and3A_46 = arith.andi %iota3A, %and3A_45 : vector<16xi32>
    %add3A_47 = arith.addi %mul3A_43, %and3A_46 : vector<16xi32>
    %add3A_48 = arith.constant 0 : i32
    %add3A_49 = vector.broadcast %add3A_48 : i32 to vector<16xi32>
    %add3A_50 = arith.addi %add3A_47, %add3A_49 : vector<16xi32>
    %shift_right_arithmetic3A_51 = arith.constant 3 : i32
    %shift_right_arithmetic3A_52 = vector.broadcast %shift_right_arithmetic3A_51 : i32 to vector<16xi32>
    %shift_right_arithmetic3A_53 = arith.shrsi %iota3A, %shift_right_arithmetic3A_52 : vector<16xi32>
    %add3A_54 = arith.constant 6 : i32
    %add3A_55 = vector.broadcast %add3A_54 : i32 to vector<16xi32>
    %add3A_56 = arith.addi %add3A_55, %shift_right_arithmetic3A_53 : vector<16xi32>
    %mul3A_57 = arith.constant 24 : i32
    %mul3A_58 = vector.broadcast %mul3A_57 : i32 to vector<16xi32>
    %mul3A_59 = arith.muli %add3A_56, %mul3A_58 : vector<16xi32>
    %and3A_60 = arith.constant 7 : i32
    %and3A_61 = vector.broadcast %and3A_60 : i32 to vector<16xi32>
    %and3A_62 = arith.andi %iota3A, %and3A_61 : vector<16xi32>
    %add3A_63 = arith.addi %mul3A_59, %and3A_62 : vector<16xi32>
    %add3A_64 = arith.constant 0 : i32
    %add3A_65 = vector.broadcast %add3A_64 : i32 to vector<16xi32>
    %add3A_66 = arith.addi %add3A_63, %add3A_65 : vector<16xi32>
    %shift_right_arithmetic3A_67 = arith.constant 3 : i32
    %shift_right_arithmetic3A_68 = vector.broadcast %shift_right_arithmetic3A_67 : i32 to vector<16xi32>
    %shift_right_arithmetic3A_69 = arith.shrsi %iota3A, %shift_right_arithmetic3A_68 : vector<16xi32>
    %add3A_70 = arith.constant 0 : i32
    %add3A_71 = vector.broadcast %add3A_70 : i32 to vector<16xi32>
    %add3A_72 = arith.addi %add3A_71, %shift_right_arithmetic3A_69 : vector<16xi32>
    %mul3A_73 = arith.constant 24 : i32
    %mul3A_74 = vector.broadcast %mul3A_73 : i32 to vector<16xi32>
    %mul3A_75 = arith.muli %add3A_72, %mul3A_74 : vector<16xi32>
    %and3A_76 = arith.constant 7 : i32
    %and3A_77 = vector.broadcast %and3A_76 : i32 to vector<16xi32>
    %and3A_78 = arith.andi %iota3A, %and3A_77 : vector<16xi32>
    %add3A_79 = arith.addi %mul3A_75, %and3A_78 : vector<16xi32>
    %add3A_80 = arith.constant 8 : i32
    %add3A_81 = vector.broadcast %add3A_80 : i32 to vector<16xi32>
    %add3A_82 = arith.addi %add3A_79, %add3A_81 : vector<16xi32>
    %shift_right_arithmetic3A_83 = arith.constant 3 : i32
    %shift_right_arithmetic3A_84 = vector.broadcast %shift_right_arithmetic3A_83 : i32 to vector<16xi32>
    %shift_right_arithmetic3A_85 = arith.shrsi %iota3A, %shift_right_arithmetic3A_84 : vector<16xi32>
    %add3A_86 = arith.constant 2 : i32
    %add3A_87 = vector.broadcast %add3A_86 : i32 to vector<16xi32>
    %add3A_88 = arith.addi %add3A_87, %shift_right_arithmetic3A_85 : vector<16xi32>
    %mul3A_89 = arith.constant 24 : i32
    %mul3A_90 = vector.broadcast %mul3A_89 : i32 to vector<16xi32>
    %mul3A_91 = arith.muli %add3A_88, %mul3A_90 : vector<16xi32>
    %and3A_92 = arith.constant 7 : i32
    %and3A_93 = vector.broadcast %and3A_92 : i32 to vector<16xi32>
    %and3A_94 = arith.andi %iota3A, %and3A_93 : vector<16xi32>
    %add3A_95 = arith.addi %mul3A_91, %and3A_94 : vector<16xi32>
    %add3A_96 = arith.constant 8 : i32
    %add3A_97 = vector.broadcast %add3A_96 : i32 to vector<16xi32>
    %add3A_98 = arith.addi %add3A_95, %add3A_97 : vector<16xi32>
    %shift_right_arithmetic3A_99 = arith.constant 3 : i32
    %shift_right_arithmetic3A_100 = vector.broadcast %shift_right_arithmetic3A_99 : i32 to vector<16xi32>
    %shift_right_arithmetic3A_101 = arith.shrsi %iota3A, %shift_right_arithmetic3A_100 : vector<16xi32>
    %add3A_102 = arith.constant 4 : i32
    %add3A_103 = vector.broadcast %add3A_102 : i32 to vector<16xi32>
    %add3A_104 = arith.addi %add3A_103, %shift_right_arithmetic3A_101 : vector<16xi32>
    %mul3A_105 = arith.constant 24 : i32
    %mul3A_106 = vector.broadcast %mul3A_105 : i32 to vector<16xi32>
    %mul3A_107 = arith.muli %add3A_104, %mul3A_106 : vector<16xi32>
    %and3A_108 = arith.constant 7 : i32
    %and3A_109 = vector.broadcast %and3A_108 : i32 to vector<16xi32>
    %and3A_110 = arith.andi %iota3A, %and3A_109 : vector<16xi32>
    %add3A_111 = arith.addi %mul3A_107, %and3A_110 : vector<16xi32>
    %add3A_112 = arith.constant 8 : i32
    %add3A_113 = vector.broadcast %add3A_112 : i32 to vector<16xi32>
    %add3A_114 = arith.addi %add3A_111, %add3A_113 : vector<16xi32>
    %shift_right_arithmetic3A_115 = arith.constant 3 : i32
    %shift_right_arithmetic3A_116 = vector.broadcast %shift_right_arithmetic3A_115 : i32 to vector<16xi32>
    %shift_right_arithmetic3A_117 = arith.shrsi %iota3A, %shift_right_arithmetic3A_116 : vector<16xi32>
    %add3A_118 = arith.constant 6 : i32
    %add3A_119 = vector.broadcast %add3A_118 : i32 to vector<16xi32>
    %add3A_120 = arith.addi %add3A_119, %shift_right_arithmetic3A_117 : vector<16xi32>
    %mul3A_121 = arith.constant 24 : i32
    %mul3A_122 = vector.broadcast %mul3A_121 : i32 to vector<16xi32>
    %mul3A_123 = arith.muli %add3A_120, %mul3A_122 : vector<16xi32>
    %and3A_124 = arith.constant 7 : i32
    %and3A_125 = vector.broadcast %and3A_124 : i32 to vector<16xi32>
    %and3A_126 = arith.andi %iota3A, %and3A_125 : vector<16xi32>
    %add3A_127 = arith.addi %mul3A_123, %and3A_126 : vector<16xi32>
    %add3A_128 = arith.constant 8 : i32
    %add3A_129 = vector.broadcast %add3A_128 : i32 to vector<16xi32>
    %add3A_130 = arith.addi %add3A_127, %add3A_129 : vector<16xi32>
    %add3A_131 = arith.constant 0 : i32
    %add3A_132 = arith.addi %add3A, %add3A_131 : i32
    %mul3A_133 = arith.constant 2 : i32
    %mul3A_134 = arith.muli %add3A_132, %mul3A_133 : i32
    %dma_start3A = arith.constant 0 : i32
    %dma_start3A_135 = tpu.memref_slice %arg4[%mul3A_134, %dma_start3A] : memref<2500x128xi32, #tpu.memory_space<hbm>> -> memref<2x128xi32, #tpu.memory_space<hbm>>
    %dma_start3A_136 = arith.constant 0 : i32
    %dma_start3A_137 = tpu.memref_slice %arg4[%mul3A_134, %dma_start3A_136] : memref<2500x128xi32, #tpu.memory_space<hbm>> -> memref<2x128xi32, #tpu.memory_space<hbm>>
    tpu.enqueue_dma source(%dma_start3A_137 : memref<2x128xi32, #tpu.memory_space<hbm>>) target(%arg7 : memref<2x128xi32, #tpu.memory_space<vmem>>) target_semaphore(%arg17 : memref<!tpu.dma_semaphore, #tpu.memory_space<semaphore_mem>>)
    %dma_start3A_138 = arith.constant 0 : i32
    %dma_start3A_139 = tpu.memref_slice %arg5[%mul3A_134, %dma_start3A_138] : memref<2500x128xi32, #tpu.memory_space<hbm>> -> memref<2x128xi32, #tpu.memory_space<hbm>>
    %dma_start3A_140 = arith.constant 0 : i32
    %dma_start3A_141 = tpu.memref_slice %arg5[%mul3A_134, %dma_start3A_140] : memref<2500x128xi32, #tpu.memory_space<hbm>> -> memref<2x128xi32, #tpu.memory_space<hbm>>
    tpu.enqueue_dma source(%dma_start3A_141 : memref<2x128xi32, #tpu.memory_space<hbm>>) target(%arg9 : memref<2x128xi32, #tpu.memory_space<vmem>>) target_semaphore(%arg17 : memref<!tpu.dma_semaphore, #tpu.memory_space<semaphore_mem>>)
    %add3A_142 = arith.constant 32 : i32
    %add3A_143 = arith.addi %add3A, %add3A_142 : i32
    %mul3A_144 = arith.constant 2 : i32
    %mul3A_145 = arith.muli %add3A_143, %mul3A_144 : i32
    %dma_start3A_146 = arith.constant 0 : i32
    %dma_start3A_147 = tpu.memref_slice %arg4[%mul3A_145, %dma_start3A_146] : memref<2500x128xi32, #tpu.memory_space<hbm>> -> memref<2x128xi32, #tpu.memory_space<hbm>>
    %dma_start3A_148 = arith.constant 0 : i32
    %dma_start3A_149 = tpu.memref_slice %arg4[%mul3A_145, %dma_start3A_148] : memref<2500x128xi32, #tpu.memory_space<hbm>> -> memref<2x128xi32, #tpu.memory_space<hbm>>
    tpu.enqueue_dma source(%dma_start3A_149 : memref<2x128xi32, #tpu.memory_space<hbm>>) target(%arg8 : memref<2x128xi32, #tpu.memory_space<vmem>>) target_semaphore(%arg18 : memref<!tpu.dma_semaphore, #tpu.memory_space<semaphore_mem>>)
    %dma_start3A_150 = arith.constant 0 : i32
    %dma_start3A_151 = tpu.memref_slice %arg5[%mul3A_145, %dma_start3A_150] : memref<2500x128xi32, #tpu.memory_space<hbm>> -> memref<2x128xi32, #tpu.memory_space<hbm>>
    %dma_start3A_152 = arith.constant 0 : i32
    %dma_start3A_153 = tpu.memref_slice %arg5[%mul3A_145, %dma_start3A_152] : memref<2500x128xi32, #tpu.memory_space<hbm>> -> memref<2x128xi32, #tpu.memory_space<hbm>>
    tpu.enqueue_dma source(%dma_start3A_153 : memref<2x128xi32, #tpu.memory_space<hbm>>) target(%arg10 : memref<2x128xi32, #tpu.memory_space<vmem>>) target_semaphore(%arg18 : memref<!tpu.dma_semaphore, #tpu.memory_space<semaphore_mem>>)
    %dma_wait3A = arith.constant 0 : i32
    %dma_wait3A_154 = arith.constant 0 : i32
    %dma_wait3A_155 = tpu.memref_slice %arg4[%dma_wait3A, %dma_wait3A_154] : memref<2500x128xi32, #tpu.memory_space<hbm>> -> memref<2x128xi32, #tpu.memory_space<hbm>>
    %dma_wait3A_156 = arith.constant 0 : i32
    %dma_wait3A_157 = arith.constant 0 : i32
    %dma_wait3A_158 = tpu.memref_slice %arg4[%dma_wait3A_156, %dma_wait3A_157] : memref<2500x128xi32, #tpu.memory_space<hbm>> -> memref<2x128xi32, #tpu.memory_space<hbm>>
    tpu.wait_dma2 semaphore(%arg17 : memref<!tpu.dma_semaphore, #tpu.memory_space<semaphore_mem>>) src(%dma_wait3A_158 : memref<2x128xi32, #tpu.memory_space<hbm>>) dst(%arg7 : memref<2x128xi32, #tpu.memory_space<vmem>>)
    %dma_wait3A_159 = arith.constant 0 : i32
    %dma_wait3A_160 = arith.constant 0 : i32
    %dma_wait3A_161 = tpu.memref_slice %arg5[%dma_wait3A_159, %dma_wait3A_160] : memref<2500x128xi32, #tpu.memory_space<hbm>> -> memref<2x128xi32, #tpu.memory_space<hbm>>
    %dma_wait3A_162 = arith.constant 0 : i32
    %dma_wait3A_163 = arith.constant 0 : i32
    %dma_wait3A_164 = tpu.memref_slice %arg5[%dma_wait3A_162, %dma_wait3A_163] : memref<2500x128xi32, #tpu.memory_space<hbm>> -> memref<2x128xi32, #tpu.memory_space<hbm>>
    tpu.wait_dma2 semaphore(%arg17 : memref<!tpu.dma_semaphore, #tpu.memory_space<semaphore_mem>>) src(%dma_wait3A_164 : memref<2x128xi32, #tpu.memory_space<hbm>>) dst(%arg9 : memref<2x128xi32, #tpu.memory_space<vmem>>)
    %dma_start3A_165 = arith.constant 0 : i32
    %dma_start3A_166 = arith.constant 0 : i32
    %dma_start3A_167 = arith.constant 0 : i32
    %dma_start3A_168 = tpu.memref_slice %arg11[%dma_start3A_166, %dma_start3A_167] : memref<256x64xbf16, #tpu.memory_space<vmem>> -> memref<128x64xbf16, #tpu.memory_space<vmem>>
    %dma_start3A_169 = arith.constant 0 : i32
    %dma_start3A_170 = tpu.memref_slice %arg7[%dma_start3A_165, %dma_start3A_169] : memref<2x128xi32, #tpu.memory_space<vmem>> -> memref<1x128xi32, #tpu.memory_space<vmem>>
    %dma_start3A_171 = tpu.memref_squeeze %dma_start3A_170 : memref<1x128xi32, #tpu.memory_space<vmem>> -> memref<128xi32, #tpu.memory_space<vmem>>
    %dma_start3A_172 = arith.constant 0 : i32
    %dma_start3A_173 = arith.constant 0 : i32
    %dma_start3A_174 = tpu.memref_slice %arg2[%dma_start3A_172, %dma_start3A_173] : memref<10000x64xbf16, #tpu.memory_space<hbm>> -> memref<10000x64xbf16, #tpu.memory_space<hbm>>
    tpu.enqueue_indirect_dma source(%dma_start3A_174 : memref<10000x64xbf16, #tpu.memory_space<hbm>>) target(%dma_start3A_168 : memref<128x64xbf16, #tpu.memory_space<vmem>>) offsets(%dma_start3A_171 : memref<128xi32, #tpu.memory_space<vmem>>) semaphore(%arg19 : memref<!tpu.dma_semaphore, #tpu.memory_space<semaphore_mem>>)
    %dma_start3A_175 = arith.constant 0 : i32
    %dma_start3A_176 = arith.constant 0 : i32
    %dma_start3A_177 = arith.constant 0 : i32
    %dma_start3A_178 = tpu.memref_slice %arg13[%dma_start3A_176, %dma_start3A_177] : memref<256x64xbf16, #tpu.memory_space<vmem>> -> memref<128x64xbf16, #tpu.memory_space<vmem>>
    %dma_start3A_179 = arith.constant 0 : i32
    %dma_start3A_180 = tpu.memref_slice %arg9[%dma_start3A_175, %dma_start3A_179] : memref<2x128xi32, #tpu.memory_space<vmem>> -> memref<1x128xi32, #tpu.memory_space<vmem>>
    %dma_start3A_181 = tpu.memref_squeeze %dma_start3A_180 : memref<1x128xi32, #tpu.memory_space<vmem>> -> memref<128xi32, #tpu.memory_space<vmem>>
    %dma_start3A_182 = arith.constant 0 : i32
    %dma_start3A_183 = arith.constant 0 : i32
    %dma_start3A_184 = tpu.memref_slice %arg3[%dma_start3A_182, %dma_start3A_183] : memref<10000x64xbf16, #tpu.memory_space<hbm>> -> memref<10000x64xbf16, #tpu.memory_space<hbm>>
    tpu.enqueue_indirect_dma source(%dma_start3A_184 : memref<10000x64xbf16, #tpu.memory_space<hbm>>) target(%dma_start3A_178 : memref<128x64xbf16, #tpu.memory_space<vmem>>) offsets(%dma_start3A_181 : memref<128xi32, #tpu.memory_space<vmem>>) semaphore(%arg19 : memref<!tpu.dma_semaphore, #tpu.memory_space<semaphore_mem>>)
    %dma_start3A_185 = arith.constant 1 : i32
    %dma_start3A_186 = arith.constant 128 : i32
    %dma_start3A_187 = arith.constant 0 : i32
    %dma_start3A_188 = tpu.memref_slice %arg11[%dma_start3A_186, %dma_start3A_187] : memref<256x64xbf16, #tpu.memory_space<vmem>> -> memref<128x64xbf16, #tpu.memory_space<vmem>>
    %dma_start3A_189 = arith.constant 0 : i32
    %dma_start3A_190 = tpu.memref_slice %arg7[%dma_start3A_185, %dma_start3A_189] : memref<2x128xi32, #tpu.memory_space<vmem>> -> memref<1x128xi32, #tpu.memory_space<vmem>>
    %dma_start3A_191 = tpu.memref_squeeze %dma_start3A_190 : memref<1x128xi32, #tpu.memory_space<vmem>> -> memref<128xi32, #tpu.memory_space<vmem>>
    %dma_start3A_192 = arith.constant 0 : i32
    %dma_start3A_193 = arith.constant 0 : i32
    %dma_start3A_194 = tpu.memref_slice %arg2[%dma_start3A_192, %dma_start3A_193] : memref<10000x64xbf16, #tpu.memory_space<hbm>> -> memref<10000x64xbf16, #tpu.memory_space<hbm>>
    tpu.enqueue_indirect_dma source(%dma_start3A_194 : memref<10000x64xbf16, #tpu.memory_space<hbm>>) target(%dma_start3A_188 : memref<128x64xbf16, #tpu.memory_space<vmem>>) offsets(%dma_start3A_191 : memref<128xi32, #tpu.memory_space<vmem>>) semaphore(%arg19 : memref<!tpu.dma_semaphore, #tpu.memory_space<semaphore_mem>>)
    %dma_start3A_195 = arith.constant 1 : i32
    %dma_start3A_196 = arith.constant 128 : i32
    %dma_start3A_197 = arith.constant 0 : i32
    %dma_start3A_198 = tpu.memref_slice %arg13[%dma_start3A_196, %dma_start3A_197] : memref<256x64xbf16, #tpu.memory_space<vmem>> -> memref<128x64xbf16, #tpu.memory_space<vmem>>
    %dma_start3A_199 = arith.constant 0 : i32
    %dma_start3A_200 = tpu.memref_slice %arg9[%dma_start3A_195, %dma_start3A_199] : memref<2x128xi32, #tpu.memory_space<vmem>> -> memref<1x128xi32, #tpu.memory_space<vmem>>
    %dma_start3A_201 = tpu.memref_squeeze %dma_start3A_200 : memref<1x128xi32, #tpu.memory_space<vmem>> -> memref<128xi32, #tpu.memory_space<vmem>>
    %dma_start3A_202 = arith.constant 0 : i32
    %dma_start3A_203 = arith.constant 0 : i32
    %dma_start3A_204 = tpu.memref_slice %arg3[%dma_start3A_202, %dma_start3A_203] : memref<10000x64xbf16, #tpu.memory_space<hbm>> -> memref<10000x64xbf16, #tpu.memory_space<hbm>>
    tpu.enqueue_indirect_dma source(%dma_start3A_204 : memref<10000x64xbf16, #tpu.memory_space<hbm>>) target(%dma_start3A_198 : memref<128x64xbf16, #tpu.memory_space<vmem>>) offsets(%dma_start3A_201 : memref<128xi32, #tpu.memory_space<vmem>>) semaphore(%arg19 : memref<!tpu.dma_semaphore, #tpu.memory_space<semaphore_mem>>)
    %add3A_205 = arith.constant 1 : i32
    %add3A_206 = arith.addi %add3A_4, %add3A_205 : i32
    %jit3A_207 = arith.constant 2 : i32
    %div3A = arith.divsi %add3A_206, %jit3A_207 : i32
    %sign3A = arith.constant 0 : i32
    %sign3A_208 = arith.cmpi sgt, %add3A_206, %sign3A : i32
    %sign3A_209 = arith.extui %sign3A_208 : i1 to i32
    %sign3A_210 = arith.constant 0 : i32
    %sign3A_211 = arith.cmpi slt, %add3A_206, %sign3A_210 : i32
    %sign3A_212 = arith.extui %sign3A_211 : i1 to i32
    %sign3A_213 = arith.subi %sign3A_209, %sign3A_212 : i32
    %sign3A_214 = arith.constant 0 : i32
    %sign3A_215 = arith.cmpi sgt, %jit3A_207, %sign3A_214 : i32
    %sign3A_216 = arith.extui %sign3A_215 : i1 to i32
    %sign3A_217 = arith.constant 0 : i32
    %sign3A_218 = arith.cmpi slt, %jit3A_207, %sign3A_217 : i32
    %sign3A_219 = arith.extui %sign3A_218 : i1 to i32
    %sign3A_220 = arith.subi %sign3A_216, %sign3A_219 : i32
    %ne3A = arith.cmpi ne, %sign3A_213, %sign3A_220 : i32
    %rem3A = arith.remsi %add3A_206, %jit3A_207 : i32
    %ne3A_221 = arith.constant 0 : i32
    %ne3A_222 = arith.cmpi ne, %rem3A, %ne3A_221 : i32
    %and3A_223 = arith.andi %ne3A, %ne3A_222 : i1
    %sub3A = arith.constant 1 : i32
    %sub3A_224 = arith.subi %div3A, %sub3A : i32
    %select_n3A_225 = arith.select %and3A_223, %sub3A_224, %div3A : i32
    %while3A = arith.constant 0 : i32
    %while3A_226 = arith.constant 0 : i32
    %while3A_227 = arith.subi %select_n3A_225, %while3A_226 : i32
    %while3A_228 = arith.addi %while3A_226, %while3A_227 : i32
    %while3A_229 = arith.constant 1 : i32
    %while3A_230 = arith.divsi %while3A_227, %while3A_229 : i32
    %while3A_231 = arith.muli %while3A_230, %while3A_229 : i32
    %while3A_232 = arith.addi %while3A_226, %while3A_231 : i32
    %while3A_233 = arith.constant 1 : i32
    scf.for %while3A_475 = %while3A_226 to %while3A_232 step %while3A_233  : i32 {
      %mul3A_476 = arith.constant 2 : i32
      %mul3A_477 = arith.muli %while3A_475, %mul3A_476 : i32
      %add3A_478 = arith.constant 0 : i32
      %add3A_479 = arith.addi %mul3A_477, %add3A_478 : i32
      %lt3A_480 = arith.cmpi slt, %add3A_479, %add3A_4 : i32
      %convert_element_type3A = arith.extui %lt3A_480 : i1 to i32
      %cond3A = arith.constant 0 : i32
      %cond3A_481 = arith.cmpi ne, %convert_element_type3A, %cond3A : i32
      scf.if %cond3A_481 {
        %add3A_490 = arith.constant 1 : i32
        %add3A_491 = arith.addi %add3A_479, %add3A_490 : i32
        %lt3A_492 = arith.cmpi slt, %add3A_491, %add3A_4 : i32
        %convert_element_type3A_493 = arith.extui %lt3A_492 : i1 to i32
        %cond3A_494 = arith.constant 0 : i32
        %cond3A_495 = arith.cmpi ne, %convert_element_type3A_493, %cond3A_494 : i32
        scf.if %cond3A_495 {
          %dma_wait3A_648 = arith.constant 0 : i32
          %dma_wait3A_649 = arith.constant 0 : i32
          %dma_wait3A_650 = tpu.memref_slice %arg4[%dma_wait3A_648, %dma_wait3A_649] : memref<2500x128xi32, #tpu.memory_space<hbm>> -> memref<2x128xi32, #tpu.memory_space<hbm>>
          %dma_wait3A_651 = arith.constant 0 : i32
          %dma_wait3A_652 = arith.constant 0 : i32
          %dma_wait3A_653 = tpu.memref_slice %arg4[%dma_wait3A_651, %dma_wait3A_652] : memref<2500x128xi32, #tpu.memory_space<hbm>> -> memref<2x128xi32, #tpu.memory_space<hbm>>
          tpu.wait_dma2 semaphore(%arg18 : memref<!tpu.dma_semaphore, #tpu.memory_space<semaphore_mem>>) src(%dma_wait3A_653 : memref<2x128xi32, #tpu.memory_space<hbm>>) dst(%arg8 : memref<2x128xi32, #tpu.memory_space<vmem>>)
          %dma_wait3A_654 = arith.constant 0 : i32
          %dma_wait3A_655 = arith.constant 0 : i32
          %dma_wait3A_656 = tpu.memref_slice %arg5[%dma_wait3A_654, %dma_wait3A_655] : memref<2500x128xi32, #tpu.memory_space<hbm>> -> memref<2x128xi32, #tpu.memory_space<hbm>>
          %dma_wait3A_657 = arith.constant 0 : i32
          %dma_wait3A_658 = arith.constant 0 : i32
          %dma_wait3A_659 = tpu.memref_slice %arg5[%dma_wait3A_657, %dma_wait3A_658] : memref<2500x128xi32, #tpu.memory_space<hbm>> -> memref<2x128xi32, #tpu.memory_space<hbm>>
          tpu.wait_dma2 semaphore(%arg18 : memref<!tpu.dma_semaphore, #tpu.memory_space<semaphore_mem>>) src(%dma_wait3A_659 : memref<2x128xi32, #tpu.memory_space<hbm>>) dst(%arg10 : memref<2x128xi32, #tpu.memory_space<vmem>>)
          %dma_start3A_660 = arith.constant 0 : i32
          %dma_start3A_661 = arith.constant 0 : i32
          %dma_start3A_662 = arith.constant 0 : i32
          %dma_start3A_663 = tpu.memref_slice %arg12[%dma_start3A_661, %dma_start3A_662] : memref<256x64xbf16, #tpu.memory_space<vmem>> -> memref<128x64xbf16, #tpu.memory_space<vmem>>
          %dma_start3A_664 = arith.constant 0 : i32
          %dma_start3A_665 = tpu.memref_slice %arg8[%dma_start3A_660, %dma_start3A_664] : memref<2x128xi32, #tpu.memory_space<vmem>> -> memref<1x128xi32, #tpu.memory_space<vmem>>
          %dma_start3A_666 = tpu.memref_squeeze %dma_start3A_665 : memref<1x128xi32, #tpu.memory_space<vmem>> -> memref<128xi32, #tpu.memory_space<vmem>>
          %dma_start3A_667 = arith.constant 0 : i32
          %dma_start3A_668 = arith.constant 0 : i32
          %dma_start3A_669 = tpu.memref_slice %arg2[%dma_start3A_667, %dma_start3A_668] : memref<10000x64xbf16, #tpu.memory_space<hbm>> -> memref<10000x64xbf16, #tpu.memory_space<hbm>>
          tpu.enqueue_indirect_dma source(%dma_start3A_669 : memref<10000x64xbf16, #tpu.memory_space<hbm>>) target(%dma_start3A_663 : memref<128x64xbf16, #tpu.memory_space<vmem>>) offsets(%dma_start3A_666 : memref<128xi32, #tpu.memory_space<vmem>>) semaphore(%arg20 : memref<!tpu.dma_semaphore, #tpu.memory_space<semaphore_mem>>)
          %dma_start3A_670 = arith.constant 0 : i32
          %dma_start3A_671 = arith.constant 0 : i32
          %dma_start3A_672 = arith.constant 0 : i32
          %dma_start3A_673 = tpu.memref_slice %arg14[%dma_start3A_671, %dma_start3A_672] : memref<256x64xbf16, #tpu.memory_space<vmem>> -> memref<128x64xbf16, #tpu.memory_space<vmem>>
          %dma_start3A_674 = arith.constant 0 : i32
          %dma_start3A_675 = tpu.memref_slice %arg10[%dma_start3A_670, %dma_start3A_674] : memref<2x128xi32, #tpu.memory_space<vmem>> -> memref<1x128xi32, #tpu.memory_space<vmem>>
          %dma_start3A_676 = tpu.memref_squeeze %dma_start3A_675 : memref<1x128xi32, #tpu.memory_space<vmem>> -> memref<128xi32, #tpu.memory_space<vmem>>
          %dma_start3A_677 = arith.constant 0 : i32
          %dma_start3A_678 = arith.constant 0 : i32
          %dma_start3A_679 = tpu.memref_slice %arg3[%dma_start3A_677, %dma_start3A_678] : memref<10000x64xbf16, #tpu.memory_space<hbm>> -> memref<10000x64xbf16, #tpu.memory_space<hbm>>
          tpu.enqueue_indirect_dma source(%dma_start3A_679 : memref<10000x64xbf16, #tpu.memory_space<hbm>>) target(%dma_start3A_673 : memref<128x64xbf16, #tpu.memory_space<vmem>>) offsets(%dma_start3A_676 : memref<128xi32, #tpu.memory_space<vmem>>) semaphore(%arg20 : memref<!tpu.dma_semaphore, #tpu.memory_space<semaphore_mem>>)
          %dma_start3A_680 = arith.constant 1 : i32
          %dma_start3A_681 = arith.constant 128 : i32
          %dma_start3A_682 = arith.constant 0 : i32
          %dma_start3A_683 = tpu.memref_slice %arg12[%dma_start3A_681, %dma_start3A_682] : memref<256x64xbf16, #tpu.memory_space<vmem>> -> memref<128x64xbf16, #tpu.memory_space<vmem>>
          %dma_start3A_684 = arith.constant 0 : i32
          %dma_start3A_685 = tpu.memref_slice %arg8[%dma_start3A_680, %dma_start3A_684] : memref<2x128xi32, #tpu.memory_space<vmem>> -> memref<1x128xi32, #tpu.memory_space<vmem>>
          %dma_start3A_686 = tpu.memref_squeeze %dma_start3A_685 : memref<1x128xi32, #tpu.memory_space<vmem>> -> memref<128xi32, #tpu.memory_space<vmem>>
          %dma_start3A_687 = arith.constant 0 : i32
          %dma_start3A_688 = arith.constant 0 : i32
          %dma_start3A_689 = tpu.memref_slice %arg2[%dma_start3A_687, %dma_start3A_688] : memref<10000x64xbf16, #tpu.memory_space<hbm>> -> memref<10000x64xbf16, #tpu.memory_space<hbm>>
          tpu.enqueue_indirect_dma source(%dma_start3A_689 : memref<10000x64xbf16, #tpu.memory_space<hbm>>) target(%dma_start3A_683 : memref<128x64xbf16, #tpu.memory_space<vmem>>) offsets(%dma_start3A_686 : memref<128xi32, #tpu.memory_space<vmem>>) semaphore(%arg20 : memref<!tpu.dma_semaphore, #tpu.memory_space<semaphore_mem>>)
          %dma_start3A_690 = arith.constant 1 : i32
          %dma_start3A_691 = arith.constant 128 : i32
          %dma_start3A_692 = arith.constant 0 : i32
          %dma_start3A_693 = tpu.memref_slice %arg14[%dma_start3A_691, %dma_start3A_692] : memref<256x64xbf16, #tpu.memory_space<vmem>> -> memref<128x64xbf16, #tpu.memory_space<vmem>>
          %dma_start3A_694 = arith.constant 0 : i32
          %dma_start3A_695 = tpu.memref_slice %arg10[%dma_start3A_690, %dma_start3A_694] : memref<2x128xi32, #tpu.memory_space<vmem>> -> memref<1x128xi32, #tpu.memory_space<vmem>>
          %dma_start3A_696 = tpu.memref_squeeze %dma_start3A_695 : memref<1x128xi32, #tpu.memory_space<vmem>> -> memref<128xi32, #tpu.memory_space<vmem>>
          %dma_start3A_697 = arith.constant 0 : i32
          %dma_start3A_698 = arith.constant 0 : i32
          %dma_start3A_699 = tpu.memref_slice %arg3[%dma_start3A_697, %dma_start3A_698] : memref<10000x64xbf16, #tpu.memory_space<hbm>> -> memref<10000x64xbf16, #tpu.memory_space<hbm>>
          tpu.enqueue_indirect_dma source(%dma_start3A_699 : memref<10000x64xbf16, #tpu.memory_space<hbm>>) target(%dma_start3A_693 : memref<128x64xbf16, #tpu.memory_space<vmem>>) offsets(%dma_start3A_696 : memref<128xi32, #tpu.memory_space<vmem>>) semaphore(%arg20 : memref<!tpu.dma_semaphore, #tpu.memory_space<semaphore_mem>>)
        } else {
        }
        %dma_wait3A_496 = arith.constant 0 : i32
        %dma_wait3A_497 = arith.constant 0 : i32
        %dma_wait3A_498 = tpu.memref_slice %arg2[%dma_wait3A_496, %dma_wait3A_497] : memref<10000x64xbf16, #tpu.memory_space<hbm>> -> memref<256x64xbf16, #tpu.memory_space<hbm>>
        %dma_wait3A_499 = arith.constant 0 : i32
        %dma_wait3A_500 = arith.constant 0 : i32
        %dma_wait3A_501 = tpu.memref_slice %arg2[%dma_wait3A_499, %dma_wait3A_500] : memref<10000x64xbf16, #tpu.memory_space<hbm>> -> memref<256x64xbf16, #tpu.memory_space<hbm>>
        tpu.wait_dma2 semaphore(%arg19 : memref<!tpu.dma_semaphore, #tpu.memory_space<semaphore_mem>>) src(%dma_wait3A_501 : memref<256x64xbf16, #tpu.memory_space<hbm>>) dst(%arg11 : memref<256x64xbf16, #tpu.memory_space<vmem>>)
        %dma_wait3A_502 = arith.constant 0 : i32
        %dma_wait3A_503 = arith.constant 0 : i32
        %dma_wait3A_504 = tpu.memref_slice %arg3[%dma_wait3A_502, %dma_wait3A_503] : memref<10000x64xbf16, #tpu.memory_space<hbm>> -> memref<256x64xbf16, #tpu.memory_space<hbm>>
        %dma_wait3A_505 = arith.constant 0 : i32
        %dma_wait3A_506 = arith.constant 0 : i32
        %dma_wait3A_507 = tpu.memref_slice %arg3[%dma_wait3A_505, %dma_wait3A_506] : memref<10000x64xbf16, #tpu.memory_space<hbm>> -> memref<256x64xbf16, #tpu.memory_space<hbm>>
        tpu.wait_dma2 semaphore(%arg19 : memref<!tpu.dma_semaphore, #tpu.memory_space<semaphore_mem>>) src(%dma_wait3A_507 : memref<256x64xbf16, #tpu.memory_space<hbm>>) dst(%arg13 : memref<256x64xbf16, #tpu.memory_space<vmem>>)
        %add3A_508 = arith.constant 2 : i32
        %add3A_509 = arith.addi %add3A_479, %add3A_508 : i32
        %lt3A_510 = arith.cmpi slt, %add3A_509, %add3A_4 : i32
        %convert_element_type3A_511 = arith.extui %lt3A_510 : i1 to i32
        %cond3A_512 = arith.constant 0 : i32
        %cond3A_513 = arith.cmpi ne, %convert_element_type3A_511, %cond3A_512 : i32
        scf.if %cond3A_513 {
          %add3A_648 = arith.constant 2 : i32
          %add3A_649 = arith.addi %add3A_479, %add3A_648 : i32
          %mul3A_650 = arith.constant 32 : i32
          %mul3A_651 = arith.muli %add3A_649, %mul3A_650 : i32
          %add3A_652 = arith.addi %add3A, %mul3A_651 : i32
          %mul3A_653 = arith.constant 2 : i32
          %mul3A_654 = arith.muli %add3A_652, %mul3A_653 : i32
          %dma_start3A_655 = arith.constant 0 : i32
          %dma_start3A_656 = tpu.memref_slice %arg4[%mul3A_654, %dma_start3A_655] : memref<2500x128xi32, #tpu.memory_space<hbm>> -> memref<2x128xi32, #tpu.memory_space<hbm>>
          %dma_start3A_657 = arith.constant 0 : i32
          %dma_start3A_658 = tpu.memref_slice %arg4[%mul3A_654, %dma_start3A_657] : memref<2500x128xi32, #tpu.memory_space<hbm>> -> memref<2x128xi32, #tpu.memory_space<hbm>>
          tpu.enqueue_dma source(%dma_start3A_658 : memref<2x128xi32, #tpu.memory_space<hbm>>) target(%arg7 : memref<2x128xi32, #tpu.memory_space<vmem>>) target_semaphore(%arg17 : memref<!tpu.dma_semaphore, #tpu.memory_space<semaphore_mem>>)
          %dma_start3A_659 = arith.constant 0 : i32
          %dma_start3A_660 = tpu.memref_slice %arg5[%mul3A_654, %dma_start3A_659] : memref<2500x128xi32, #tpu.memory_space<hbm>> -> memref<2x128xi32, #tpu.memory_space<hbm>>
          %dma_start3A_661 = arith.constant 0 : i32
          %dma_start3A_662 = tpu.memref_slice %arg5[%mul3A_654, %dma_start3A_661] : memref<2500x128xi32, #tpu.memory_space<hbm>> -> memref<2x128xi32, #tpu.memory_space<hbm>>
          tpu.enqueue_dma source(%dma_start3A_662 : memref<2x128xi32, #tpu.memory_space<hbm>>) target(%arg9 : memref<2x128xi32, #tpu.memory_space<vmem>>) target_semaphore(%arg17 : memref<!tpu.dma_semaphore, #tpu.memory_space<semaphore_mem>>)
        } else {
        }
        %ge3A = arith.constant 2 : i32
        %ge3A_514 = arith.cmpi sge, %add3A_479, %ge3A : i32
        %convert_element_type3A_515 = arith.extui %ge3A_514 : i1 to i32
        %cond3A_516 = arith.constant 0 : i32
        %cond3A_517 = arith.cmpi ne, %convert_element_type3A_515, %cond3A_516 : i32
        scf.if %cond3A_517 {
          %dma_wait3A_648 = arith.constant 0 : i32
          %dma_wait3A_649 = arith.constant 0 : i32
          %dma_wait3A_650 = arith.constant 0 : i32
          %dma_wait3A_651 = tpu.memref_slice %arg15[%dma_wait3A_649, %dma_wait3A_650] : memref<192x133xf32, #tpu.memory_space<vmem>> -> memref<16x128xf32, #tpu.memory_space<vmem>>
          %dma_wait3A_652 = arith.constant 0 : i32
          %dma_wait3A_653 = arith.constant 0 : i32
          %dma_wait3A_654 = tpu.memref_slice %arg6[%dma_wait3A_648, %dma_wait3A_652, %dma_wait3A_653] : memref<8x20000x128xf32, #tpu.memory_space<hbm>> -> memref<1x16x128xf32, #tpu.memory_space<hbm>>
          %dma_wait3A_655 = tpu.memref_squeeze %dma_wait3A_654 : memref<1x16x128xf32, #tpu.memory_space<hbm>> -> memref<16x128xf32, #tpu.memory_space<hbm>>
          %dma_wait3A_656 = arith.constant 0 : i32
          %dma_wait3A_657 = arith.constant 0 : i32
          %dma_wait3A_658 = tpu.memref_slice %arg6[%dma_wait3A_648, %dma_wait3A_656, %dma_wait3A_657] : memref<8x20000x128xf32, #tpu.memory_space<hbm>> -> memref<1x16x128xf32, #tpu.memory_space<hbm>>
          %dma_wait3A_659 = tpu.memref_squeeze %dma_wait3A_658 : memref<1x16x128xf32, #tpu.memory_space<hbm>> -> memref<16x128xf32, #tpu.memory_space<hbm>>
          %dma_wait3A_660 = arith.constant 0 : i32
          %dma_wait3A_661 = arith.constant 0 : i32
          %dma_wait3A_662 = tpu.memref_slice %arg15[%dma_wait3A_660, %dma_wait3A_661] : memref<192x133xf32, #tpu.memory_space<vmem>> -> memref<16x128xf32, #tpu.memory_space<vmem>>
          tpu.wait_dma2 semaphore(%arg21 : memref<!tpu.dma_semaphore, #tpu.memory_space<semaphore_mem>>) src(%dma_wait3A_662 : memref<16x128xf32, #tpu.memory_space<vmem>>) dst(%dma_wait3A_659 : memref<16x128xf32, #tpu.memory_space<hbm>>)
          %dma_wait3A_663 = arith.constant 1 : i32
          %dma_wait3A_664 = arith.constant 24 : i32
          %dma_wait3A_665 = arith.constant 0 : i32
          %dma_wait3A_666 = tpu.memref_slice %arg15[%dma_wait3A_664, %dma_wait3A_665] : memref<192x133xf32, #tpu.memory_space<vmem>> -> memref<16x128xf32, #tpu.memory_space<vmem>>
          %dma_wait3A_667 = arith.constant 0 : i32
          %dma_wait3A_668 = arith.constant 0 : i32
          %dma_wait3A_669 = tpu.memref_slice %arg6[%dma_wait3A_663, %dma_wait3A_667, %dma_wait3A_668] : memref<8x20000x128xf32, #tpu.memory_space<hbm>> -> memref<1x16x128xf32, #tpu.memory_space<hbm>>
          %dma_wait3A_670 = tpu.memref_squeeze %dma_wait3A_669 : memref<1x16x128xf32, #tpu.memory_space<hbm>> -> memref<16x128xf32, #tpu.memory_space<hbm>>
          %dma_wait3A_671 = arith.constant 0 : i32
          %dma_wait3A_672 = arith.constant 0 : i32
          %dma_wait3A_673 = tpu.memref_slice %arg6[%dma_wait3A_663, %dma_wait3A_671, %dma_wait3A_672] : memref<8x20000x128xf32, #tpu.memory_space<hbm>> -> memref<1x16x128xf32, #tpu.memory_space<hbm>>
          %dma_wait3A_674 = tpu.memref_squeeze %dma_wait3A_673 : memref<1x16x128xf32, #tpu.memory_space<hbm>> -> memref<16x128xf32, #tpu.memory_space<hbm>>
          %dma_wait3A_675 = arith.constant 24 : i32
          %dma_wait3A_676 = arith.constant 0 : i32
          %dma_wait3A_677 = tpu.memref_slice %arg15[%dma_wait3A_675, %dma_wait3A_676] : memref<192x133xf32, #tpu.memory_space<vmem>> -> memref<16x128xf32, #tpu.memory_space<vmem>>
          tpu.wait_dma2 semaphore(%arg21 : memref<!tpu.dma_semaphore, #tpu.memory_space<semaphore_mem>>) src(%dma_wait3A_677 : memref<16x128xf32, #tpu.memory_space<vmem>>) dst(%dma_wait3A_674 : memref<16x128xf32, #tpu.memory_space<hbm>>)
          %dma_wait3A_678 = arith.constant 2 : i32
          %dma_wait3A_679 = arith.constant 48 : i32
          %dma_wait3A_680 = arith.constant 0 : i32
          %dma_wait3A_681 = tpu.memref_slice %arg15[%dma_wait3A_679, %dma_wait3A_680] : memref<192x133xf32, #tpu.memory_space<vmem>> -> memref<16x128xf32, #tpu.memory_space<vmem>>
          %dma_wait3A_682 = arith.constant 0 : i32
          %dma_wait3A_683 = arith.constant 0 : i32
          %dma_wait3A_684 = tpu.memref_slice %arg6[%dma_wait3A_678, %dma_wait3A_682, %dma_wait3A_683] : memref<8x20000x128xf32, #tpu.memory_space<hbm>> -> memref<1x16x128xf32, #tpu.memory_space<hbm>>
          %dma_wait3A_685 = tpu.memref_squeeze %dma_wait3A_684 : memref<1x16x128xf32, #tpu.memory_space<hbm>> -> memref<16x128xf32, #tpu.memory_space<hbm>>
          %dma_wait3A_686 = arith.constant 0 : i32
          %dma_wait3A_687 = arith.constant 0 : i32
          %dma_wait3A_688 = tpu.memref_slice %arg6[%dma_wait3A_678, %dma_wait3A_686, %dma_wait3A_687] : memref<8x20000x128xf32, #tpu.memory_space<hbm>> -> memref<1x16x128xf32, #tpu.memory_space<hbm>>
          %dma_wait3A_689 = tpu.memref_squeeze %dma_wait3A_688 : memref<1x16x128xf32, #tpu.memory_space<hbm>> -> memref<16x128xf32, #tpu.memory_space<hbm>>
          %dma_wait3A_690 = arith.constant 48 : i32
          %dma_wait3A_691 = arith.constant 0 : i32
          %dma_wait3A_692 = tpu.memref_slice %arg15[%dma_wait3A_690, %dma_wait3A_691] : memref<192x133xf32, #tpu.memory_space<vmem>> -> memref<16x128xf32, #tpu.memory_space<vmem>>
          tpu.wait_dma2 semaphore(%arg21 : memref<!tpu.dma_semaphore, #tpu.memory_space<semaphore_mem>>) src(%dma_wait3A_692 : memref<16x128xf32, #tpu.memory_space<vmem>>) dst(%dma_wait3A_689 : memref<16x128xf32, #tpu.memory_space<hbm>>)
          %dma_wait3A_693 = arith.constant 3 : i32
          %dma_wait3A_694 = arith.constant 72 : i32
          %dma_wait3A_695 = arith.constant 0 : i32
          %dma_wait3A_696 = tpu.memref_slice %arg15[%dma_wait3A_694, %dma_wait3A_695] : memref<192x133xf32, #tpu.memory_space<vmem>> -> memref<16x128xf32, #tpu.memory_space<vmem>>
          %dma_wait3A_697 = arith.constant 0 : i32
          %dma_wait3A_698 = arith.constant 0 : i32
          %dma_wait3A_699 = tpu.memref_slice %arg6[%dma_wait3A_693, %dma_wait3A_697, %dma_wait3A_698] : memref<8x20000x128xf32, #tpu.memory_space<hbm>> -> memref<1x16x128xf32, #tpu.memory_space<hbm>>
          %dma_wait3A_700 = tpu.memref_squeeze %dma_wait3A_699 : memref<1x16x128xf32, #tpu.memory_space<hbm>> -> memref<16x128xf32, #tpu.memory_space<hbm>>
          %dma_wait3A_701 = arith.constant 0 : i32
          %dma_wait3A_702 = arith.constant 0 : i32
          %dma_wait3A_703 = tpu.memref_slice %arg6[%dma_wait3A_693, %dma_wait3A_701, %dma_wait3A_702] : memref<8x20000x128xf32, #tpu.memory_space<hbm>> -> memref<1x16x128xf32, #tpu.memory_space<hbm>>
          %dma_wait3A_704 = tpu.memref_squeeze %dma_wait3A_703 : memref<1x16x128xf32, #tpu.memory_space<hbm>> -> memref<16x128xf32, #tpu.memory_space<hbm>>
          %dma_wait3A_705 = arith.constant 72 : i32
          %dma_wait3A_706 = arith.constant 0 : i32
          %dma_wait3A_707 = tpu.memref_slice %arg15[%dma_wait3A_705, %dma_wait3A_706] : memref<192x133xf32, #tpu.memory_space<vmem>> -> memref<16x128xf32, #tpu.memory_space<vmem>>
          tpu.wait_dma2 semaphore(%arg21 : memref<!tpu.dma_semaphore, #tpu.memory_space<semaphore_mem>>) src(%dma_wait3A_707 : memref<16x128xf32, #tpu.memory_space<vmem>>) dst(%dma_wait3A_704 : memref<16x128xf32, #tpu.memory_space<hbm>>)
          %dma_wait3A_708 = arith.constant 4 : i32
          %dma_wait3A_709 = arith.constant 96 : i32
          %dma_wait3A_710 = arith.constant 0 : i32
          %dma_wait3A_711 = tpu.memref_slice %arg15[%dma_wait3A_709, %dma_wait3A_710] : memref<192x133xf32, #tpu.memory_space<vmem>> -> memref<16x128xf32, #tpu.memory_space<vmem>>
          %dma_wait3A_712 = arith.constant 0 : i32
          %dma_wait3A_713 = arith.constant 0 : i32
          %dma_wait3A_714 = tpu.memref_slice %arg6[%dma_wait3A_708, %dma_wait3A_712, %dma_wait3A_713] : memref<8x20000x128xf32, #tpu.memory_space<hbm>> -> memref<1x16x128xf32, #tpu.memory_space<hbm>>
          %dma_wait3A_715 = tpu.memref_squeeze %dma_wait3A_714 : memref<1x16x128xf32, #tpu.memory_space<hbm>> -> memref<16x128xf32, #tpu.memory_space<hbm>>
          %dma_wait3A_716 = arith.constant 0 : i32
          %dma_wait3A_717 = arith.constant 0 : i32
          %dma_wait3A_718 = tpu.memref_slice %arg6[%dma_wait3A_708, %dma_wait3A_716, %dma_wait3A_717] : memref<8x20000x128xf32, #tpu.memory_space<hbm>> -> memref<1x16x128xf32, #tpu.memory_space<hbm>>
          %dma_wait3A_719 = tpu.memref_squeeze %dma_wait3A_718 : memref<1x16x128xf32, #tpu.memory_space<hbm>> -> memref<16x128xf32, #tpu.memory_space<hbm>>
          %dma_wait3A_720 = arith.constant 96 : i32
          %dma_wait3A_721 = arith.constant 0 : i32
          %dma_wait3A_722 = tpu.memref_slice %arg15[%dma_wait3A_720, %dma_wait3A_721] : memref<192x133xf32, #tpu.memory_space<vmem>> -> memref<16x128xf32, #tpu.memory_space<vmem>>
          tpu.wait_dma2 semaphore(%arg21 : memref<!tpu.dma_semaphore, #tpu.memory_space<semaphore_mem>>) src(%dma_wait3A_722 : memref<16x128xf32, #tpu.memory_space<vmem>>) dst(%dma_wait3A_719 : memref<16x128xf32, #tpu.memory_space<hbm>>)
          %dma_wait3A_723 = arith.constant 5 : i32
          %dma_wait3A_724 = arith.constant 120 : i32
          %dma_wait3A_725 = arith.constant 0 : i32
          %dma_wait3A_726 = tpu.memref_slice %arg15[%dma_wait3A_724, %dma_wait3A_725] : memref<192x133xf32, #tpu.memory_space<vmem>> -> memref<16x128xf32, #tpu.memory_space<vmem>>
          %dma_wait3A_727 = arith.constant 0 : i32
          %dma_wait3A_728 = arith.constant 0 : i32
          %dma_wait3A_729 = tpu.memref_slice %arg6[%dma_wait3A_723, %dma_wait3A_727, %dma_wait3A_728] : memref<8x20000x128xf32, #tpu.memory_space<hbm>> -> memref<1x16x128xf32, #tpu.memory_space<hbm>>
          %dma_wait3A_730 = tpu.memref_squeeze %dma_wait3A_729 : memref<1x16x128xf32, #tpu.memory_space<hbm>> -> memref<16x128xf32, #tpu.memory_space<hbm>>
          %dma_wait3A_731 = arith.constant 0 : i32
          %dma_wait3A_732 = arith.constant 0 : i32
          %dma_wait3A_733 = tpu.memref_slice %arg6[%dma_wait3A_723, %dma_wait3A_731, %dma_wait3A_732] : memref<8x20000x128xf32, #tpu.memory_space<hbm>> -> memref<1x16x128xf32, #tpu.memory_space<hbm>>
          %dma_wait3A_734 = tpu.memref_squeeze %dma_wait3A_733 : memref<1x16x128xf32, #tpu.memory_space<hbm>> -> memref<16x128xf32, #tpu.memory_space<hbm>>
          %dma_wait3A_735 = arith.constant 120 : i32
          %dma_wait3A_736 = arith.constant 0 : i32
          %dma_wait3A_737 = tpu.memref_slice %arg15[%dma_wait3A_735, %dma_wait3A_736] : memref<192x133xf32, #tpu.memory_space<vmem>> -> memref<16x128xf32, #tpu.memory_space<vmem>>
          tpu.wait_dma2 semaphore(%arg21 : memref<!tpu.dma_semaphore, #tpu.memory_space<semaphore_mem>>) src(%dma_wait3A_737 : memref<16x128xf32, #tpu.memory_space<vmem>>) dst(%dma_wait3A_734 : memref<16x128xf32, #tpu.memory_space<hbm>>)
          %dma_wait3A_738 = arith.constant 6 : i32
          %dma_wait3A_739 = arith.constant 144 : i32
          %dma_wait3A_740 = arith.constant 0 : i32
          %dma_wait3A_741 = tpu.memref_slice %arg15[%dma_wait3A_739, %dma_wait3A_740] : memref<192x133xf32, #tpu.memory_space<vmem>> -> memref<16x128xf32, #tpu.memory_space<vmem>>
          %dma_wait3A_742 = arith.constant 0 : i32
          %dma_wait3A_743 = arith.constant 0 : i32
          %dma_wait3A_744 = tpu.memref_slice %arg6[%dma_wait3A_738, %dma_wait3A_742, %dma_wait3A_743] : memref<8x20000x128xf32, #tpu.memory_space<hbm>> -> memref<1x16x128xf32, #tpu.memory_space<hbm>>
          %dma_wait3A_745 = tpu.memref_squeeze %dma_wait3A_744 : memref<1x16x128xf32, #tpu.memory_space<hbm>> -> memref<16x128xf32, #tpu.memory_space<hbm>>
          %dma_wait3A_746 = arith.constant 0 : i32
          %dma_wait3A_747 = arith.constant 0 : i32
          %dma_wait3A_748 = tpu.memref_slice %arg6[%dma_wait3A_738, %dma_wait3A_746, %dma_wait3A_747] : memref<8x20000x128xf32, #tpu.memory_space<hbm>> -> memref<1x16x128xf32, #tpu.memory_space<hbm>>
          %dma_wait3A_749 = tpu.memref_squeeze %dma_wait3A_748 : memref<1x16x128xf32, #tpu.memory_space<hbm>> -> memref<16x128xf32, #tpu.memory_space<hbm>>
          %dma_wait3A_750 = arith.constant 144 : i32
          %dma_wait3A_751 = arith.constant 0 : i32
          %dma_wait3A_752 = tpu.memref_slice %arg15[%dma_wait3A_750, %dma_wait3A_751] : memref<192x133xf32, #tpu.memory_space<vmem>> -> memref<16x128xf32, #tpu.memory_space<vmem>>
          tpu.wait_dma2 semaphore(%arg21 : memref<!tpu.dma_semaphore, #tpu.memory_space<semaphore_mem>>) src(%dma_wait3A_752 : memref<16x128xf32, #tpu.memory_space<vmem>>) dst(%dma_wait3A_749 : memref<16x128xf32, #tpu.memory_space<hbm>>)
          %dma_wait3A_753 = arith.constant 7 : i32
          %dma_wait3A_754 = arith.constant 168 : i32
          %dma_wait3A_755 = arith.constant 0 : i32
          %dma_wait3A_756 = tpu.memref_slice %arg15[%dma_wait3A_754, %dma_wait3A_755] : memref<192x133xf32, #tpu.memory_space<vmem>> -> memref<16x128xf32, #tpu.memory_space<vmem>>
          %dma_wait3A_757 = arith.constant 0 : i32
          %dma_wait3A_758 = arith.constant 0 : i32
          %dma_wait3A_759 = tpu.memref_slice %arg6[%dma_wait3A_753, %dma_wait3A_757, %dma_wait3A_758] : memref<8x20000x128xf32, #tpu.memory_space<hbm>> -> memref<1x16x128xf32, #tpu.memory_space<hbm>>
          %dma_wait3A_760 = tpu.memref_squeeze %dma_wait3A_759 : memref<1x16x128xf32, #tpu.memory_space<hbm>> -> memref<16x128xf32, #tpu.memory_space<hbm>>
          %dma_wait3A_761 = arith.constant 0 : i32
          %dma_wait3A_762 = arith.constant 0 : i32
          %dma_wait3A_763 = tpu.memref_slice %arg6[%dma_wait3A_753, %dma_wait3A_761, %dma_wait3A_762] : memref<8x20000x128xf32, #tpu.memory_space<hbm>> -> memref<1x16x128xf32, #tpu.memory_space<hbm>>
          %dma_wait3A_764 = tpu.memref_squeeze %dma_wait3A_763 : memref<1x16x128xf32, #tpu.memory_space<hbm>> -> memref<16x128xf32, #tpu.memory_space<hbm>>
          %dma_wait3A_765 = arith.constant 168 : i32
          %dma_wait3A_766 = arith.constant 0 : i32
          %dma_wait3A_767 = tpu.memref_slice %arg15[%dma_wait3A_765, %dma_wait3A_766] : memref<192x133xf32, #tpu.memory_space<vmem>> -> memref<16x128xf32, #tpu.memory_space<vmem>>
          tpu.wait_dma2 semaphore(%arg21 : memref<!tpu.dma_semaphore, #tpu.memory_space<semaphore_mem>>) src(%dma_wait3A_767 : memref<16x128xf32, #tpu.memory_space<vmem>>) dst(%dma_wait3A_764 : memref<16x128xf32, #tpu.memory_space<hbm>>)
        } else {
        }
        %parallel_loop3A = arith.constant 0 : i32
        %parallel_loop3A_518 = arith.constant 128 : i32
        %parallel_loop3A_519 = arith.constant 1 : i32
        scf.for %parallel_loop3A_648 = %parallel_loop3A to %parallel_loop3A_518 step %parallel_loop3A_519  : i32 {
          %parallel_loop3A_649 = arith.constant 0 : i32
          %parallel_loop3A_650 = arith.subi %parallel_loop3A_648, %parallel_loop3A_649 : i32
          %parallel_loop3A_651 = vector.broadcast %parallel_loop3A_650 : i32 to vector<16xi32>
          %parallel_loop3A_652 = arith.index_cast %parallel_loop3A_648 : i32 to index
          %parallel_loop3A_653 = arith.constant 0 : index
          %parallel_loop3A_654 = tpu.vector_load %arg11[%parallel_loop3A_652, %parallel_loop3A_653] {strides = array<i32>} : memref<256x64xbf16, #tpu.memory_space<vmem>>, vector<32xbf16>,
          %parallel_loop3A_655 = tpu.unpack_subelements %parallel_loop3A_654, 0 {pack_format = #tpu.pack_format<interleaved>} : vector<32xbf16> -> vector<16xf32>
          %parallel_loop3A_656 = tpu.unpack_subelements %parallel_loop3A_654, 1 {pack_format = #tpu.pack_format<interleaved>} : vector<32xbf16> -> vector<16xf32>
          %parallel_loop3A_657 = arith.index_cast %parallel_loop3A_648 : i32 to index
          %parallel_loop3A_658 = arith.constant 0 : index
          %parallel_loop3A_659 = tpu.vector_load %arg13[%parallel_loop3A_657, %parallel_loop3A_658] {strides = array<i32>} : memref<256x64xbf16, #tpu.memory_space<vmem>>, vector<32xbf16>,
          %parallel_loop3A_660 = tpu.unpack_subelements %parallel_loop3A_659, 0 {pack_format = #tpu.pack_format<interleaved>} : vector<32xbf16> -> vector<16xf32>
          %parallel_loop3A_661 = tpu.unpack_subelements %parallel_loop3A_659, 1 {pack_format = #tpu.pack_format<interleaved>} : vector<32xbf16> -> vector<16xf32>
          %parallel_loop3A_662 = arith.addf %parallel_loop3A_655, %parallel_loop3A_660 : vector<16xf32>
          %parallel_loop3A_663 = arith.addf %parallel_loop3A_656, %parallel_loop3A_661 : vector<16xf32>
          %parallel_loop3A_664 = arith.constant 2.000000e-01 : f32
          %parallel_loop3A_665 = vector.broadcast %parallel_loop3A_664 : f32 to vector<16xf32>
          %parallel_loop3A_666 = arith.mulf %parallel_loop3A_665, %parallel_loop3A_662 : vector<16xf32>
          %parallel_loop3A_667 = arith.maximumf %parallel_loop3A_662, %parallel_loop3A_666 : vector<16xf32>
          tpu.vector_store_idx %arg15[%add3A_18, %parallel_loop3A_651], %parallel_loop3A_667 : memref<192x133xf32, #tpu.memory_space<vmem>>[vector<16xi32>, vector<16xi32>], vector<16xf32>,
          %parallel_loop3A_668 = arith.constant 2.000000e-01 : f32
          %parallel_loop3A_669 = vector.broadcast %parallel_loop3A_668 : f32 to vector<16xf32>
          %parallel_loop3A_670 = arith.mulf %parallel_loop3A_669, %parallel_loop3A_663 : vector<16xf32>
          %parallel_loop3A_671 = arith.maximumf %parallel_loop3A_663, %parallel_loop3A_670 : vector<16xf32>
          tpu.vector_store_idx %arg15[%add3A_34, %parallel_loop3A_651], %parallel_loop3A_671 : memref<192x133xf32, #tpu.memory_space<vmem>>[vector<16xi32>, vector<16xi32>], vector<16xf32>,
          %parallel_loop3A_672 = arith.index_cast %parallel_loop3A_648 : i32 to index
          %parallel_loop3A_673 = arith.constant 32 : index
          %parallel_loop3A_674 = tpu.vector_load %arg11[%parallel_loop3A_672, %parallel_loop3A_673] {strides = array<i32>} : memref<256x64xbf16, #tpu.memory_space<vmem>>, vector<32xbf16>,
          %parallel_loop3A_675 = tpu.unpack_subelements %parallel_loop3A_674, 0 {pack_format = #tpu.pack_format<interleaved>} : vector<32xbf16> -> vector<16xf32>
          %parallel_loop3A_676 = tpu.unpack_subelements %parallel_loop3A_674, 1 {pack_format = #tpu.pack_format<interleaved>} : vector<32xbf16> -> vector<16xf32>
          %parallel_loop3A_677 = arith.index_cast %parallel_loop3A_648 : i32 to index
          %parallel_loop3A_678 = arith.constant 32 : index
          %parallel_loop3A_679 = tpu.vector_load %arg13[%parallel_loop3A_677, %parallel_loop3A_678] {strides = array<i32>} : memref<256x64xbf16, #tpu.memory_space<vmem>>, vector<32xbf16>,
          %parallel_loop3A_680 = tpu.unpack_subelements %parallel_loop3A_679, 0 {pack_format = #tpu.pack_format<interleaved>} : vector<32xbf16> -> vector<16xf32>
          %parallel_loop3A_681 = tpu.unpack_subelements %parallel_loop3A_679, 1 {pack_format = #tpu.pack_format<interleaved>} : vector<32xbf16> -> vector<16xf32>
          %parallel_loop3A_682 = arith.addf %parallel_loop3A_675, %parallel_loop3A_680 : vector<16xf32>
          %parallel_loop3A_683 = arith.addf %parallel_loop3A_676, %parallel_loop3A_681 : vector<16xf32>
          %parallel_loop3A_684 = arith.constant 2.000000e-01 : f32
          %parallel_loop3A_685 = vector.broadcast %parallel_loop3A_684 : f32 to vector<16xf32>
          %parallel_loop3A_686 = arith.mulf %parallel_loop3A_685, %parallel_loop3A_682 : vector<16xf32>
          %parallel_loop3A_687 = arith.maximumf %parallel_loop3A_682, %parallel_loop3A_686 : vector<16xf32>
          tpu.vector_store_idx %arg15[%add3A_50, %parallel_loop3A_651], %parallel_loop3A_687 : memref<192x133xf32, #tpu.memory_space<vmem>>[vector<16xi32>, vector<16xi32>], vector<16xf32>,
          %parallel_loop3A_688 = arith.constant 2.000000e-01 : f32
          %parallel_loop3A_689 = vector.broadcast %parallel_loop3A_688 : f32 to vector<16xf32>
          %parallel_loop3A_690 = arith.mulf %parallel_loop3A_689, %parallel_loop3A_683 : vector<16xf32>
          %parallel_loop3A_691 = arith.maximumf %parallel_loop3A_683, %parallel_loop3A_690 : vector<16xf32>
          tpu.vector_store_idx %arg15[%add3A_66, %parallel_loop3A_651], %parallel_loop3A_691 : memref<192x133xf32, #tpu.memory_space<vmem>>[vector<16xi32>, vector<16xi32>], vector<16xf32>,
        } {sc.loop_unroll_factor = 4 : i64, sc.parallel_access}
        %parallel_loop3A_520 = arith.constant 128 : i32
        %parallel_loop3A_521 = arith.constant 256 : i32
        %parallel_loop3A_522 = arith.constant 1 : i32
        scf.for %parallel_loop3A_648 = %parallel_loop3A_520 to %parallel_loop3A_521 step %parallel_loop3A_522  : i32 {
          %parallel_loop3A_649 = arith.constant 128 : i32
          %parallel_loop3A_650 = arith.subi %parallel_loop3A_648, %parallel_loop3A_649 : i32
          %parallel_loop3A_651 = vector.broadcast %parallel_loop3A_650 : i32 to vector<16xi32>
          %parallel_loop3A_652 = arith.index_cast %parallel_loop3A_648 : i32 to index
          %parallel_loop3A_653 = arith.constant 0 : index
          %parallel_loop3A_654 = tpu.vector_load %arg11[%parallel_loop3A_652, %parallel_loop3A_653] {strides = array<i32>} : memref<256x64xbf16, #tpu.memory_space<vmem>>, vector<32xbf16>,
          %parallel_loop3A_655 = tpu.unpack_subelements %parallel_loop3A_654, 0 {pack_format = #tpu.pack_format<interleaved>} : vector<32xbf16> -> vector<16xf32>
          %parallel_loop3A_656 = tpu.unpack_subelements %parallel_loop3A_654, 1 {pack_format = #tpu.pack_format<interleaved>} : vector<32xbf16> -> vector<16xf32>
          %parallel_loop3A_657 = arith.index_cast %parallel_loop3A_648 : i32 to index
          %parallel_loop3A_658 = arith.constant 0 : index
          %parallel_loop3A_659 = tpu.vector_load %arg13[%parallel_loop3A_657, %parallel_loop3A_658] {strides = array<i32>} : memref<256x64xbf16, #tpu.memory_space<vmem>>, vector<32xbf16>,
          %parallel_loop3A_660 = tpu.unpack_subelements %parallel_loop3A_659, 0 {pack_format = #tpu.pack_format<interleaved>} : vector<32xbf16> -> vector<16xf32>
          %parallel_loop3A_661 = tpu.unpack_subelements %parallel_loop3A_659, 1 {pack_format = #tpu.pack_format<interleaved>} : vector<32xbf16> -> vector<16xf32>
          %parallel_loop3A_662 = arith.addf %parallel_loop3A_655, %parallel_loop3A_660 : vector<16xf32>
          %parallel_loop3A_663 = arith.addf %parallel_loop3A_656, %parallel_loop3A_661 : vector<16xf32>
          %parallel_loop3A_664 = arith.constant 2.000000e-01 : f32
          %parallel_loop3A_665 = vector.broadcast %parallel_loop3A_664 : f32 to vector<16xf32>
          %parallel_loop3A_666 = arith.mulf %parallel_loop3A_665, %parallel_loop3A_662 : vector<16xf32>
          %parallel_loop3A_667 = arith.maximumf %parallel_loop3A_662, %parallel_loop3A_666 : vector<16xf32>
          tpu.vector_store_idx %arg15[%add3A_82, %parallel_loop3A_651], %parallel_loop3A_667 : memref<192x133xf32, #tpu.memory_space<vmem>>[vector<16xi32>, vector<16xi32>], vector<16xf32>,
          %parallel_loop3A_668 = arith.constant 2.000000e-01 : f32
          %parallel_loop3A_669 = vector.broadcast %parallel_loop3A_668 : f32 to vector<16xf32>
          %parallel_loop3A_670 = arith.mulf %parallel_loop3A_669, %parallel_loop3A_663 : vector<16xf32>
          %parallel_loop3A_671 = arith.maximumf %parallel_loop3A_663, %parallel_loop3A_670 : vector<16xf32>
          tpu.vector_store_idx %arg15[%add3A_98, %parallel_loop3A_651], %parallel_loop3A_671 : memref<192x133xf32, #tpu.memory_space<vmem>>[vector<16xi32>, vector<16xi32>], vector<16xf32>,
          %parallel_loop3A_672 = arith.index_cast %parallel_loop3A_648 : i32 to index
          %parallel_loop3A_673 = arith.constant 32 : index
          %parallel_loop3A_674 = tpu.vector_load %arg11[%parallel_loop3A_672, %parallel_loop3A_673] {strides = array<i32>} : memref<256x64xbf16, #tpu.memory_space<vmem>>, vector<32xbf16>,
          %parallel_loop3A_675 = tpu.unpack_subelements %parallel_loop3A_674, 0 {pack_format = #tpu.pack_format<interleaved>} : vector<32xbf16> -> vector<16xf32>
          %parallel_loop3A_676 = tpu.unpack_subelements %parallel_loop3A_674, 1 {pack_format = #tpu.pack_format<interleaved>} : vector<32xbf16> -> vector<16xf32>
          %parallel_loop3A_677 = arith.index_cast %parallel_loop3A_648 : i32 to index
          %parallel_loop3A_678 = arith.constant 32 : index
          %parallel_loop3A_679 = tpu.vector_load %arg13[%parallel_loop3A_677, %parallel_loop3A_678] {strides = array<i32>} : memref<256x64xbf16, #tpu.memory_space<vmem>>, vector<32xbf16>,
          %parallel_loop3A_680 = tpu.unpack_subelements %parallel_loop3A_679, 0 {pack_format = #tpu.pack_format<interleaved>} : vector<32xbf16> -> vector<16xf32>
          %parallel_loop3A_681 = tpu.unpack_subelements %parallel_loop3A_679, 1 {pack_format = #tpu.pack_format<interleaved>} : vector<32xbf16> -> vector<16xf32>
          %parallel_loop3A_682 = arith.addf %parallel_loop3A_675, %parallel_loop3A_680 : vector<16xf32>
          %parallel_loop3A_683 = arith.addf %parallel_loop3A_676, %parallel_loop3A_681 : vector<16xf32>
          %parallel_loop3A_684 = arith.constant 2.000000e-01 : f32
          %parallel_loop3A_685 = vector.broadcast %parallel_loop3A_684 : f32 to vector<16xf32>
          %parallel_loop3A_686 = arith.mulf %parallel_loop3A_685, %parallel_loop3A_682 : vector<16xf32>
          %parallel_loop3A_687 = arith.maximumf %parallel_loop3A_682, %parallel_loop3A_686 : vector<16xf32>
          tpu.vector_store_idx %arg15[%add3A_114, %parallel_loop3A_651], %parallel_loop3A_687 : memref<192x133xf32, #tpu.memory_space<vmem>>[vector<16xi32>, vector<16xi32>], vector<16xf32>,
          %parallel_loop3A_688 = arith.constant 2.000000e-01 : f32
          %parallel_loop3A_689 = vector.broadcast %parallel_loop3A_688 : f32 to vector<16xf32>
          %parallel_loop3A_690 = arith.mulf %parallel_loop3A_689, %parallel_loop3A_683 : vector<16xf32>
          %parallel_loop3A_691 = arith.maximumf %parallel_loop3A_683, %parallel_loop3A_690 : vector<16xf32>
          tpu.vector_store_idx %arg15[%add3A_130, %parallel_loop3A_651], %parallel_loop3A_691 : memref<192x133xf32, #tpu.memory_space<vmem>>[vector<16xi32>, vector<16xi32>], vector<16xf32>,
        } {sc.loop_unroll_factor = 4 : i64, sc.parallel_access}
        %mul3A_523 = arith.constant 32 : i32
        %mul3A_524 = arith.muli %add3A_479, %mul3A_523 : i32
        %add3A_525 = arith.addi %add3A, %mul3A_524 : i32
        %mul3A_526 = arith.constant 2 : i32
        %mul3A_527 = arith.muli %add3A_525, %mul3A_526 : i32
        %mul3A_528 = arith.constant 8 : i32
        %mul3A_529 = arith.muli %mul3A_527, %mul3A_528 : i32
        %dma_start3A_530 = arith.constant 0 : i32
        %dma_start3A_531 = arith.constant 0 : i32
        %dma_start3A_532 = arith.constant 0 : i32
        %dma_start3A_533 = tpu.memref_slice %arg15[%dma_start3A_531, %dma_start3A_532] : memref<192x133xf32, #tpu.memory_space<vmem>> -> memref<16x128xf32, #tpu.memory_space<vmem>>
        %dma_start3A_534 = arith.constant 0 : i32
        %dma_start3A_535 = tpu.memref_slice %arg6[%dma_start3A_530, %mul3A_529, %dma_start3A_534] : memref<8x20000x128xf32, #tpu.memory_space<hbm>> -> memref<1x16x128xf32, #tpu.memory_space<hbm>>
        %dma_start3A_536 = tpu.memref_squeeze %dma_start3A_535 : memref<1x16x128xf32, #tpu.memory_space<hbm>> -> memref<16x128xf32, #tpu.memory_space<hbm>>
        %dma_start3A_537 = arith.constant 0 : i32
        %dma_start3A_538 = tpu.memref_slice %arg6[%dma_start3A_530, %mul3A_529, %dma_start3A_537] : memref<8x20000x128xf32, #tpu.memory_space<hbm>> -> memref<1x16x128xf32, #tpu.memory_space<hbm>>
        %dma_start3A_539 = tpu.memref_squeeze %dma_start3A_538 : memref<1x16x128xf32, #tpu.memory_space<hbm>> -> memref<16x128xf32, #tpu.memory_space<hbm>>
        %dma_start3A_540 = arith.constant 0 : i32
        %dma_start3A_541 = arith.constant 0 : i32
        %dma_start3A_542 = tpu.memref_slice %arg15[%dma_start3A_540, %dma_start3A_541] : memref<192x133xf32, #tpu.memory_space<vmem>> -> memref<16x128xf32, #tpu.memory_space<vmem>>
        tpu.enqueue_dma source(%dma_start3A_542 : memref<16x128xf32, #tpu.memory_space<vmem>>) target(%dma_start3A_539 : memref<16x128xf32, #tpu.memory_space<hbm>>) target_semaphore(%arg21 : memref<!tpu.dma_semaphore, #tpu.memory_space<semaphore_mem>>)
        %mul3A_543 = arith.constant 8 : i32
        %mul3A_544 = arith.muli %mul3A_527, %mul3A_543 : i32
        %dma_start3A_545 = arith.constant 1 : i32
        %dma_start3A_546 = arith.constant 24 : i32
        %dma_start3A_547 = arith.constant 0 : i32
        %dma_start3A_548 = tpu.memref_slice %arg15[%dma_start3A_546, %dma_start3A_547] : memref<192x133xf32, #tpu.memory_space<vmem>> -> memref<16x128xf32, #tpu.memory_space<vmem>>
        %dma_start3A_549 = arith.constant 0 : i32
        %dma_start3A_550 = tpu.memref_slice %arg6[%dma_start3A_545, %mul3A_544, %dma_start3A_549] : memref<8x20000x128xf32, #tpu.memory_space<hbm>> -> memref<1x16x128xf32, #tpu.memory_space<hbm>>
        %dma_start3A_551 = tpu.memref_squeeze %dma_start3A_550 : memref<1x16x128xf32, #tpu.memory_space<hbm>> -> memref<16x128xf32, #tpu.memory_space<hbm>>
        %dma_start3A_552 = arith.constant 0 : i32
        %dma_start3A_553 = tpu.memref_slice %arg6[%dma_start3A_545, %mul3A_544, %dma_start3A_552] : memref<8x20000x128xf32, #tpu.memory_space<hbm>> -> memref<1x16x128xf32, #tpu.memory_space<hbm>>
        %dma_start3A_554 = tpu.memref_squeeze %dma_start3A_553 : memref<1x16x128xf32, #tpu.memory_space<hbm>> -> memref<16x128xf32, #tpu.memory_space<hbm>>
        %dma_start3A_555 = arith.constant 24 : i32
        %dma_start3A_556 = arith.constant 0 : i32
        %dma_start3A_557 = tpu.memref_slice %arg15[%dma_start3A_555, %dma_start3A_556] : memref<192x133xf32, #tpu.memory_space<vmem>> -> memref<16x128xf32, #tpu.memory_space<vmem>>
        tpu.enqueue_dma source(%dma_start3A_557 : memref<16x128xf32, #tpu.memory_space<vmem>>) target(%dma_start3A_554 : memref<16x128xf32, #tpu.memory_space<hbm>>) target_semaphore(%arg21 : memref<!tpu.dma_semaphore, #tpu.memory_space<semaphore_mem>>)
        %mul3A_558 = arith.constant 8 : i32
        %mul3A_559 = arith.muli %mul3A_527, %mul3A_558 : i32
        %dma_start3A_560 = arith.constant 2 : i32
        %dma_start3A_561 = arith.constant 48 : i32
        %dma_start3A_562 = arith.constant 0 : i32
        %dma_start3A_563 = tpu.memref_slice %arg15[%dma_start3A_561, %dma_start3A_562] : memref<192x133xf32, #tpu.memory_space<vmem>> -> memref<16x128xf32, #tpu.memory_space<vmem>>
        %dma_start3A_564 = arith.constant 0 : i32
        %dma_start3A_565 = tpu.memref_slice %arg6[%dma_start3A_560, %mul3A_559, %dma_start3A_564] : memref<8x20000x128xf32, #tpu.memory_space<hbm>> -> memref<1x16x128xf32, #tpu.memory_space<hbm>>
        %dma_start3A_566 = tpu.memref_squeeze %dma_start3A_565 : memref<1x16x128xf32, #tpu.memory_space<hbm>> -> memref<16x128xf32, #tpu.memory_space<hbm>>
        %dma_start3A_567 = arith.constant 0 : i32
        %dma_start3A_568 = tpu.memref_slice %arg6[%dma_start3A_560, %mul3A_559, %dma_start3A_567] : memref<8x20000x128xf32, #tpu.memory_space<hbm>> -> memref<1x16x128xf32, #tpu.memory_space<hbm>>
        %dma_start3A_569 = tpu.memref_squeeze %dma_start3A_568 : memref<1x16x128xf32, #tpu.memory_space<hbm>> -> memref<16x128xf32, #tpu.memory_space<hbm>>
        %dma_start3A_570 = arith.constant 48 : i32
        %dma_start3A_571 = arith.constant 0 : i32
        %dma_start3A_572 = tpu.memref_slice %arg15[%dma_start3A_570, %dma_start3A_571] : memref<192x133xf32, #tpu.memory_space<vmem>> -> memref<16x128xf32, #tpu.memory_space<vmem>>
        tpu.enqueue_dma source(%dma_start3A_572 : memref<16x128xf32, #tpu.memory_space<vmem>>) target(%dma_start3A_569 : memref<16x128xf32, #tpu.memory_space<hbm>>) target_semaphore(%arg21 : memref<!tpu.dma_semaphore, #tpu.memory_space<semaphore_mem>>)
        %mul3A_573 = arith.constant 8 : i32
        %mul3A_574 = arith.muli %mul3A_527, %mul3A_573 : i32
        %dma_start3A_575 = arith.constant 3 : i32
        %dma_start3A_576 = arith.constant 72 : i32
        %dma_start3A_577 = arith.constant 0 : i32
        %dma_start3A_578 = tpu.memref_slice %arg15[%dma_start3A_576, %dma_start3A_577] : memref<192x133xf32, #tpu.memory_space<vmem>> -> memref<16x128xf32, #tpu.memory_space<vmem>>
        %dma_start3A_579 = arith.constant 0 : i32
        %dma_start3A_580 = tpu.memref_slice %arg6[%dma_start3A_575, %mul3A_574, %dma_start3A_579] : memref<8x20000x128xf32, #tpu.memory_space<hbm>> -> memref<1x16x128xf32, #tpu.memory_space<hbm>>
        %dma_start3A_581 = tpu.memref_squeeze %dma_start3A_580 : memref<1x16x128xf32, #tpu.memory_space<hbm>> -> memref<16x128xf32, #tpu.memory_space<hbm>>
        %dma_start3A_582 = arith.constant 0 : i32
        %dma_start3A_583 = tpu.memref_slice %arg6[%dma_start3A_575, %mul3A_574, %dma_start3A_582] : memref<8x20000x128xf32, #tpu.memory_space<hbm>> -> memref<1x16x128xf32, #tpu.memory_space<hbm>>
        %dma_start3A_584 = tpu.memref_squeeze %dma_start3A_583 : memref<1x16x128xf32, #tpu.memory_space<hbm>> -> memref<16x128xf32, #tpu.memory_space<hbm>>
        %dma_start3A_585 = arith.constant 72 : i32
        %dma_start3A_586 = arith.constant 0 : i32
        %dma_start3A_587 = tpu.memref_slice %arg15[%dma_start3A_585, %dma_start3A_586] : memref<192x133xf32, #tpu.memory_space<vmem>> -> memref<16x128xf32, #tpu.memory_space<vmem>>
        tpu.enqueue_dma source(%dma_start3A_587 : memref<16x128xf32, #tpu.memory_space<vmem>>) target(%dma_start3A_584 : memref<16x128xf32, #tpu.memory_space<hbm>>) target_semaphore(%arg21 : memref<!tpu.dma_semaphore, #tpu.memory_space<semaphore_mem>>)
        %mul3A_588 = arith.constant 8 : i32
        %mul3A_589 = arith.muli %mul3A_527, %mul3A_588 : i32
        %dma_start3A_590 = arith.constant 4 : i32
        %dma_start3A_591 = arith.constant 96 : i32
        %dma_start3A_592 = arith.constant 0 : i32
        %dma_start3A_593 = tpu.memref_slice %arg15[%dma_start3A_591, %dma_start3A_592] : memref<192x133xf32, #tpu.memory_space<vmem>> -> memref<16x128xf32, #tpu.memory_space<vmem>>
        %dma_start3A_594 = arith.constant 0 : i32
        %dma_start3A_595 = tpu.memref_slice %arg6[%dma_start3A_590, %mul3A_589, %dma_start3A_594] : memref<8x20000x128xf32, #tpu.memory_space<hbm>> -> memref<1x16x128xf32, #tpu.memory_space<hbm>>
        %dma_start3A_596 = tpu.memref_squeeze %dma_start3A_595 : memref<1x16x128xf32, #tpu.memory_space<hbm>> -> memref<16x128xf32, #tpu.memory_space<hbm>>
        %dma_start3A_597 = arith.constant 0 : i32
        %dma_start3A_598 = tpu.memref_slice %arg6[%dma_start3A_590, %mul3A_589, %dma_start3A_597] : memref<8x20000x128xf32, #tpu.memory_space<hbm>> -> memref<1x16x128xf32, #tpu.memory_space<hbm>>
        %dma_start3A_599 = tpu.memref_squeeze %dma_start3A_598 : memref<1x16x128xf32, #tpu.memory_space<hbm>> -> memref<16x128xf32, #tpu.memory_space<hbm>>
        %dma_start3A_600 = arith.constant 96 : i32
        %dma_start3A_601 = arith.constant 0 : i32
        %dma_start3A_602 = tpu.memref_slice %arg15[%dma_start3A_600, %dma_start3A_601] : memref<192x133xf32, #tpu.memory_space<vmem>> -> memref<16x128xf32, #tpu.memory_space<vmem>>
        tpu.enqueue_dma source(%dma_start3A_602 : memref<16x128xf32, #tpu.memory_space<vmem>>) target(%dma_start3A_599 : memref<16x128xf32, #tpu.memory_space<hbm>>) target_semaphore(%arg21 : memref<!tpu.dma_semaphore, #tpu.memory_space<semaphore_mem>>)
        %mul3A_603 = arith.constant 8 : i32
        %mul3A_604 = arith.muli %mul3A_527, %mul3A_603 : i32
        %dma_start3A_605 = arith.constant 5 : i32
        %dma_start3A_606 = arith.constant 120 : i32
        %dma_start3A_607 = arith.constant 0 : i32
        %dma_start3A_608 = tpu.memref_slice %arg15[%dma_start3A_606, %dma_start3A_607] : memref<192x133xf32, #tpu.memory_space<vmem>> -> memref<16x128xf32, #tpu.memory_space<vmem>>
        %dma_start3A_609 = arith.constant 0 : i32
        %dma_start3A_610 = tpu.memref_slice %arg6[%dma_start3A_605, %mul3A_604, %dma_start3A_609] : memref<8x20000x128xf32, #tpu.memory_space<hbm>> -> memref<1x16x128xf32, #tpu.memory_space<hbm>>
        %dma_start3A_611 = tpu.memref_squeeze %dma_start3A_610 : memref<1x16x128xf32, #tpu.memory_space<hbm>> -> memref<16x128xf32, #tpu.memory_space<hbm>>
        %dma_start3A_612 = arith.constant 0 : i32
        %dma_start3A_613 = tpu.memref_slice %arg6[%dma_start3A_605, %mul3A_604, %dma_start3A_612] : memref<8x20000x128xf32, #tpu.memory_space<hbm>> -> memref<1x16x128xf32, #tpu.memory_space<hbm>>
        %dma_start3A_614 = tpu.memref_squeeze %dma_start3A_613 : memref<1x16x128xf32, #tpu.memory_space<hbm>> -> memref<16x128xf32, #tpu.memory_space<hbm>>
        %dma_start3A_615 = arith.constant 120 : i32
        %dma_start3A_616 = arith.constant 0 : i32
        %dma_start3A_617 = tpu.memref_slice %arg15[%dma_start3A_615, %dma_start3A_616] : memref<192x133xf32, #tpu.memory_space<vmem>> -> memref<16x128xf32, #tpu.memory_space<vmem>>
        tpu.enqueue_dma source(%dma_start3A_617 : memref<16x128xf32, #tpu.memory_space<vmem>>) target(%dma_start3A_614 : memref<16x128xf32, #tpu.memory_space<hbm>>) target_semaphore(%arg21 : memref<!tpu.dma_semaphore, #tpu.memory_space<semaphore_mem>>)
        %mul3A_618 = arith.constant 8 : i32
        %mul3A_619 = arith.muli %mul3A_527, %mul3A_618 : i32
        %dma_start3A_620 = arith.constant 6 : i32
        %dma_start3A_621 = arith.constant 144 : i32
        %dma_start3A_622 = arith.constant 0 : i32
        %dma_start3A_623 = tpu.memref_slice %arg15[%dma_start3A_621, %dma_start3A_622] : memref<192x133xf32, #tpu.memory_space<vmem>> -> memref<16x128xf32, #tpu.memory_space<vmem>>
        %dma_start3A_624 = arith.constant 0 : i32
        %dma_start3A_625 = tpu.memref_slice %arg6[%dma_start3A_620, %mul3A_619, %dma_start3A_624] : memref<8x20000x128xf32, #tpu.memory_space<hbm>> -> memref<1x16x128xf32, #tpu.memory_space<hbm>>
        %dma_start3A_626 = tpu.memref_squeeze %dma_start3A_625 : memref<1x16x128xf32, #tpu.memory_space<hbm>> -> memref<16x128xf32, #tpu.memory_space<hbm>>
        %dma_start3A_627 = arith.constant 0 : i32
        %dma_start3A_628 = tpu.memref_slice %arg6[%dma_start3A_620, %mul3A_619, %dma_start3A_627] : memref<8x20000x128xf32, #tpu.memory_space<hbm>> -> memref<1x16x128xf32, #tpu.memory_space<hbm>>
        %dma_start3A_629 = tpu.memref_squeeze %dma_start3A_628 : memref<1x16x128xf32, #tpu.memory_space<hbm>> -> memref<16x128xf32, #tpu.memory_space<hbm>>
        %dma_start3A_630 = arith.constant 144 : i32
        %dma_start3A_631 = arith.constant 0 : i32
        %dma_start3A_632 = tpu.memref_slice %arg15[%dma_start3A_630, %dma_start3A_631] : memref<192x133xf32, #tpu.memory_space<vmem>> -> memref<16x128xf32, #tpu.memory_space<vmem>>
        tpu.enqueue_dma source(%dma_start3A_632 : memref<16x128xf32, #tpu.memory_space<vmem>>) target(%dma_start3A_629 : memref<16x128xf32, #tpu.memory_space<hbm>>) target_semaphore(%arg21 : memref<!tpu.dma_semaphore, #tpu.memory_space<semaphore_mem>>)
        %mul3A_633 = arith.constant 8 : i32
        %mul3A_634 = arith.muli %mul3A_527, %mul3A_633 : i32
        %dma_start3A_635 = arith.constant 7 : i32
        %dma_start3A_636 = arith.constant 168 : i32
        %dma_start3A_637 = arith.constant 0 : i32
        %dma_start3A_638 = tpu.memref_slice %arg15[%dma_start3A_636, %dma_start3A_637] : memref<192x133xf32, #tpu.memory_space<vmem>> -> memref<16x128xf32, #tpu.memory_space<vmem>>
        %dma_start3A_639 = arith.constant 0 : i32
        %dma_start3A_640 = tpu.memref_slice %arg6[%dma_start3A_635, %mul3A_634, %dma_start3A_639] : memref<8x20000x128xf32, #tpu.memory_space<hbm>> -> memref<1x16x128xf32, #tpu.memory_space<hbm>>
        %dma_start3A_641 = tpu.memref_squeeze %dma_start3A_640 : memref<1x16x128xf32, #tpu.memory_space<hbm>> -> memref<16x128xf32, #tpu.memory_space<hbm>>
        %dma_start3A_642 = arith.constant 0 : i32
        %dma_start3A_643 = tpu.memref_slice %arg6[%dma_start3A_635, %mul3A_634, %dma_start3A_642] : memref<8x20000x128xf32, #tpu.memory_space<hbm>> -> memref<1x16x128xf32, #tpu.memory_space<hbm>>
        %dma_start3A_644 = tpu.memref_squeeze %dma_start3A_643 : memref<1x16x128xf32, #tpu.memory_space<hbm>> -> memref<16x128xf32, #tpu.memory_space<hbm>>
        %dma_start3A_645 = arith.constant 168 : i32
        %dma_start3A_646 = arith.constant 0 : i32
        %dma_start3A_647 = tpu.memref_slice %arg15[%dma_start3A_645, %dma_start3A_646] : memref<192x133xf32, #tpu.memory_space<vmem>> -> memref<16x128xf32, #tpu.memory_space<vmem>>
        tpu.enqueue_dma source(%dma_start3A_647 : memref<16x128xf32, #tpu.memory_space<vmem>>) target(%dma_start3A_644 : memref<16x128xf32, #tpu.memory_space<hbm>>) target_semaphore(%arg21 : memref<!tpu.dma_semaphore, #tpu.memory_space<semaphore_mem>>)
      } else {
      }
      %mul3A_482 = arith.constant 2 : i32
      %mul3A_483 = arith.muli %while3A_475, %mul3A_482 : i32
      %add3A_484 = arith.constant 1 : i32
      %add3A_485 = arith.addi %mul3A_483, %add3A_484 : i32
      %lt3A_486 = arith.cmpi slt, %add3A_485, %add3A_4 : i32
      %convert_element_type3A_487 = arith.extui %lt3A_486 : i1 to i32
      %cond3A_488 = arith.constant 0 : i32
      %cond3A_489 = arith.cmpi ne, %convert_element_type3A_487, %cond3A_488 : i32
      scf.if %cond3A_489 {
        %add3A_490 = arith.constant 1 : i32
        %add3A_491 = arith.addi %add3A_485, %add3A_490 : i32
        %lt3A_492 = arith.cmpi slt, %add3A_491, %add3A_4 : i32
        %convert_element_type3A_493 = arith.extui %lt3A_492 : i1 to i32
        %cond3A_494 = arith.constant 0 : i32
        %cond3A_495 = arith.cmpi ne, %convert_element_type3A_493, %cond3A_494 : i32
        scf.if %cond3A_495 {
          %dma_wait3A_648 = arith.constant 0 : i32
          %dma_wait3A_649 = arith.constant 0 : i32
          %dma_wait3A_650 = tpu.memref_slice %arg4[%dma_wait3A_648, %dma_wait3A_649] : memref<2500x128xi32, #tpu.memory_space<hbm>> -> memref<2x128xi32, #tpu.memory_space<hbm>>
          %dma_wait3A_651 = arith.constant 0 : i32
          %dma_wait3A_652 = arith.constant 0 : i32
          %dma_wait3A_653 = tpu.memref_slice %arg4[%dma_wait3A_651, %dma_wait3A_652] : memref<2500x128xi32, #tpu.memory_space<hbm>> -> memref<2x128xi32, #tpu.memory_space<hbm>>
          tpu.wait_dma2 semaphore(%arg17 : memref<!tpu.dma_semaphore, #tpu.memory_space<semaphore_mem>>) src(%dma_wait3A_653 : memref<2x128xi32, #tpu.memory_space<hbm>>) dst(%arg7 : memref<2x128xi32, #tpu.memory_space<vmem>>)
          %dma_wait3A_654 = arith.constant 0 : i32
          %dma_wait3A_655 = arith.constant 0 : i32
          %dma_wait3A_656 = tpu.memref_slice %arg5[%dma_wait3A_654, %dma_wait3A_655] : memref<2500x128xi32, #tpu.memory_space<hbm>> -> memref<2x128xi32, #tpu.memory_space<hbm>>
          %dma_wait3A_657 = arith.constant 0 : i32
          %dma_wait3A_658 = arith.constant 0 : i32
          %dma_wait3A_659 = tpu.memref_slice %arg5[%dma_wait3A_657, %dma_wait3A_658] : memref<2500x128xi32, #tpu.memory_space<hbm>> -> memref<2x128xi32, #tpu.memory_space<hbm>>
          tpu.wait_dma2 semaphore(%arg17 : memref<!tpu.dma_semaphore, #tpu.memory_space<semaphore_mem>>) src(%dma_wait3A_659 : memref<2x128xi32, #tpu.memory_space<hbm>>) dst(%arg9 : memref<2x128xi32, #tpu.memory_space<vmem>>)
          %dma_start3A_660 = arith.constant 0 : i32
          %dma_start3A_661 = arith.constant 0 : i32
          %dma_start3A_662 = arith.constant 0 : i32
          %dma_start3A_663 = tpu.memref_slice %arg11[%dma_start3A_661, %dma_start3A_662] : memref<256x64xbf16, #tpu.memory_space<vmem>> -> memref<128x64xbf16, #tpu.memory_space<vmem>>
          %dma_start3A_664 = arith.constant 0 : i32
          %dma_start3A_665 = tpu.memref_slice %arg7[%dma_start3A_660, %dma_start3A_664] : memref<2x128xi32, #tpu.memory_space<vmem>> -> memref<1x128xi32, #tpu.memory_space<vmem>>
          %dma_start3A_666 = tpu.memref_squeeze %dma_start3A_665 : memref<1x128xi32, #tpu.memory_space<vmem>> -> memref<128xi32, #tpu.memory_space<vmem>>
          %dma_start3A_667 = arith.constant 0 : i32
          %dma_start3A_668 = arith.constant 0 : i32
          %dma_start3A_669 = tpu.memref_slice %arg2[%dma_start3A_667, %dma_start3A_668] : memref<10000x64xbf16, #tpu.memory_space<hbm>> -> memref<10000x64xbf16, #tpu.memory_space<hbm>>
          tpu.enqueue_indirect_dma source(%dma_start3A_669 : memref<10000x64xbf16, #tpu.memory_space<hbm>>) target(%dma_start3A_663 : memref<128x64xbf16, #tpu.memory_space<vmem>>) offsets(%dma_start3A_666 : memref<128xi32, #tpu.memory_space<vmem>>) semaphore(%arg19 : memref<!tpu.dma_semaphore, #tpu.memory_space<semaphore_mem>>)
          %dma_start3A_670 = arith.constant 0 : i32
          %dma_start3A_671 = arith.constant 0 : i32
          %dma_start3A_672 = arith.constant 0 : i32
          %dma_start3A_673 = tpu.memref_slice %arg13[%dma_start3A_671, %dma_start3A_672] : memref<256x64xbf16, #tpu.memory_space<vmem>> -> memref<128x64xbf16, #tpu.memory_space<vmem>>
          %dma_start3A_674 = arith.constant 0 : i32
          %dma_start3A_675 = tpu.memref_slice %arg9[%dma_start3A_670, %dma_start3A_674] : memref<2x128xi32, #tpu.memory_space<vmem>> -> memref<1x128xi32, #tpu.memory_space<vmem>>
          %dma_start3A_676 = tpu.memref_squeeze %dma_start3A_675 : memref<1x128xi32, #tpu.memory_space<vmem>> -> memref<128xi32, #tpu.memory_space<vmem>>
          %dma_start3A_677 = arith.constant 0 : i32
          %dma_start3A_678 = arith.constant 0 : i32
          %dma_start3A_679 = tpu.memref_slice %arg3[%dma_start3A_677, %dma_start3A_678] : memref<10000x64xbf16, #tpu.memory_space<hbm>> -> memref<10000x64xbf16, #tpu.memory_space<hbm>>
          tpu.enqueue_indirect_dma source(%dma_start3A_679 : memref<10000x64xbf16, #tpu.memory_space<hbm>>) target(%dma_start3A_673 : memref<128x64xbf16, #tpu.memory_space<vmem>>) offsets(%dma_start3A_676 : memref<128xi32, #tpu.memory_space<vmem>>) semaphore(%arg19 : memref<!tpu.dma_semaphore, #tpu.memory_space<semaphore_mem>>)
          %dma_start3A_680 = arith.constant 1 : i32
          %dma_start3A_681 = arith.constant 128 : i32
          %dma_start3A_682 = arith.constant 0 : i32
          %dma_start3A_683 = tpu.memref_slice %arg11[%dma_start3A_681, %dma_start3A_682] : memref<256x64xbf16, #tpu.memory_space<vmem>> -> memref<128x64xbf16, #tpu.memory_space<vmem>>
          %dma_start3A_684 = arith.constant 0 : i32
          %dma_start3A_685 = tpu.memref_slice %arg7[%dma_start3A_680, %dma_start3A_684] : memref<2x128xi32, #tpu.memory_space<vmem>> -> memref<1x128xi32, #tpu.memory_space<vmem>>
          %dma_start3A_686 = tpu.memref_squeeze %dma_start3A_685 : memref<1x128xi32, #tpu.memory_space<vmem>> -> memref<128xi32, #tpu.memory_space<vmem>>
          %dma_start3A_687 = arith.constant 0 : i32
          %dma_start3A_688 = arith.constant 0 : i32
          %dma_start3A_689 = tpu.memref_slice %arg2[%dma_start3A_687, %dma_start3A_688] : memref<10000x64xbf16, #tpu.memory_space<hbm>> -> memref<10000x64xbf16, #tpu.memory_space<hbm>>
          tpu.enqueue_indirect_dma source(%dma_start3A_689 : memref<10000x64xbf16, #tpu.memory_space<hbm>>) target(%dma_start3A_683 : memref<128x64xbf16, #tpu.memory_space<vmem>>) offsets(%dma_start3A_686 : memref<128xi32, #tpu.memory_space<vmem>>) semaphore(%arg19 : memref<!tpu.dma_semaphore, #tpu.memory_space<semaphore_mem>>)
          %dma_start3A_690 = arith.constant 1 : i32
          %dma_start3A_691 = arith.constant 128 : i32
          %dma_start3A_692 = arith.constant 0 : i32
          %dma_start3A_693 = tpu.memref_slice %arg13[%dma_start3A_691, %dma_start3A_692] : memref<256x64xbf16, #tpu.memory_space<vmem>> -> memref<128x64xbf16, #tpu.memory_space<vmem>>
          %dma_start3A_694 = arith.constant 0 : i32
          %dma_start3A_695 = tpu.memref_slice %arg9[%dma_start3A_690, %dma_start3A_694] : memref<2x128xi32, #tpu.memory_space<vmem>> -> memref<1x128xi32, #tpu.memory_space<vmem>>
          %dma_start3A_696 = tpu.memref_squeeze %dma_start3A_695 : memref<1x128xi32, #tpu.memory_space<vmem>> -> memref<128xi32, #tpu.memory_space<vmem>>
          %dma_start3A_697 = arith.constant 0 : i32
          %dma_start3A_698 = arith.constant 0 : i32
          %dma_start3A_699 = tpu.memref_slice %arg3[%dma_start3A_697, %dma_start3A_698] : memref<10000x64xbf16, #tpu.memory_space<hbm>> -> memref<10000x64xbf16, #tpu.memory_space<hbm>>
          tpu.enqueue_indirect_dma source(%dma_start3A_699 : memref<10000x64xbf16, #tpu.memory_space<hbm>>) target(%dma_start3A_693 : memref<128x64xbf16, #tpu.memory_space<vmem>>) offsets(%dma_start3A_696 : memref<128xi32, #tpu.memory_space<vmem>>) semaphore(%arg19 : memref<!tpu.dma_semaphore, #tpu.memory_space<semaphore_mem>>)
        } else {
        }
        %dma_wait3A_496 = arith.constant 0 : i32
        %dma_wait3A_497 = arith.constant 0 : i32
        %dma_wait3A_498 = tpu.memref_slice %arg2[%dma_wait3A_496, %dma_wait3A_497] : memref<10000x64xbf16, #tpu.memory_space<hbm>> -> memref<256x64xbf16, #tpu.memory_space<hbm>>
        %dma_wait3A_499 = arith.constant 0 : i32
        %dma_wait3A_500 = arith.constant 0 : i32
        %dma_wait3A_501 = tpu.memref_slice %arg2[%dma_wait3A_499, %dma_wait3A_500] : memref<10000x64xbf16, #tpu.memory_space<hbm>> -> memref<256x64xbf16, #tpu.memory_space<hbm>>
        tpu.wait_dma2 semaphore(%arg20 : memref<!tpu.dma_semaphore, #tpu.memory_space<semaphore_mem>>) src(%dma_wait3A_501 : memref<256x64xbf16, #tpu.memory_space<hbm>>) dst(%arg12 : memref<256x64xbf16, #tpu.memory_space<vmem>>)
        %dma_wait3A_502 = arith.constant 0 : i32
        %dma_wait3A_503 = arith.constant 0 : i32
        %dma_wait3A_504 = tpu.memref_slice %arg3[%dma_wait3A_502, %dma_wait3A_503] : memref<10000x64xbf16, #tpu.memory_space<hbm>> -> memref<256x64xbf16, #tpu.memory_space<hbm>>
        %dma_wait3A_505 = arith.constant 0 : i32
        %dma_wait3A_506 = arith.constant 0 : i32
        %dma_wait3A_507 = tpu.memref_slice %arg3[%dma_wait3A_505, %dma_wait3A_506] : memref<10000x64xbf16, #tpu.memory_space<hbm>> -> memref<256x64xbf16, #tpu.memory_space<hbm>>
        tpu.wait_dma2 semaphore(%arg20 : memref<!tpu.dma_semaphore, #tpu.memory_space<semaphore_mem>>) src(%dma_wait3A_507 : memref<256x64xbf16, #tpu.memory_space<hbm>>) dst(%arg14 : memref<256x64xbf16, #tpu.memory_space<vmem>>)
        %add3A_508 = arith.constant 2 : i32
        %add3A_509 = arith.addi %add3A_485, %add3A_508 : i32
        %lt3A_510 = arith.cmpi slt, %add3A_509, %add3A_4 : i32
        %convert_element_type3A_511 = arith.extui %lt3A_510 : i1 to i32
        %cond3A_512 = arith.constant 0 : i32
        %cond3A_513 = arith.cmpi ne, %convert_element_type3A_511, %cond3A_512 : i32
        scf.if %cond3A_513 {
          %add3A_648 = arith.constant 2 : i32
          %add3A_649 = arith.addi %add3A_485, %add3A_648 : i32
          %mul3A_650 = arith.constant 32 : i32
          %mul3A_651 = arith.muli %add3A_649, %mul3A_650 : i32
          %add3A_652 = arith.addi %add3A, %mul3A_651 : i32
          %mul3A_653 = arith.constant 2 : i32
          %mul3A_654 = arith.muli %add3A_652, %mul3A_653 : i32
          %dma_start3A_655 = arith.constant 0 : i32
          %dma_start3A_656 = tpu.memref_slice %arg4[%mul3A_654, %dma_start3A_655] : memref<2500x128xi32, #tpu.memory_space<hbm>> -> memref<2x128xi32, #tpu.memory_space<hbm>>
          %dma_start3A_657 = arith.constant 0 : i32
          %dma_start3A_658 = tpu.memref_slice %arg4[%mul3A_654, %dma_start3A_657] : memref<2500x128xi32, #tpu.memory_space<hbm>> -> memref<2x128xi32, #tpu.memory_space<hbm>>
          tpu.enqueue_dma source(%dma_start3A_658 : memref<2x128xi32, #tpu.memory_space<hbm>>) target(%arg8 : memref<2x128xi32, #tpu.memory_space<vmem>>) target_semaphore(%arg18 : memref<!tpu.dma_semaphore, #tpu.memory_space<semaphore_mem>>)
          %dma_start3A_659 = arith.constant 0 : i32
          %dma_start3A_660 = tpu.memref_slice %arg5[%mul3A_654, %dma_start3A_659] : memref<2500x128xi32, #tpu.memory_space<hbm>> -> memref<2x128xi32, #tpu.memory_space<hbm>>
          %dma_start3A_661 = arith.constant 0 : i32
          %dma_start3A_662 = tpu.memref_slice %arg5[%mul3A_654, %dma_start3A_661] : memref<2500x128xi32, #tpu.memory_space<hbm>> -> memref<2x128xi32, #tpu.memory_space<hbm>>
          tpu.enqueue_dma source(%dma_start3A_662 : memref<2x128xi32, #tpu.memory_space<hbm>>) target(%arg10 : memref<2x128xi32, #tpu.memory_space<vmem>>) target_semaphore(%arg18 : memref<!tpu.dma_semaphore, #tpu.memory_space<semaphore_mem>>)
        } else {
        }
        %ge3A = arith.constant 2 : i32
        %ge3A_514 = arith.cmpi sge, %add3A_485, %ge3A : i32
        %convert_element_type3A_515 = arith.extui %ge3A_514 : i1 to i32
        %cond3A_516 = arith.constant 0 : i32
        %cond3A_517 = arith.cmpi ne, %convert_element_type3A_515, %cond3A_516 : i32
        scf.if %cond3A_517 {
          %dma_wait3A_648 = arith.constant 0 : i32
          %dma_wait3A_649 = arith.constant 0 : i32
          %dma_wait3A_650 = arith.constant 0 : i32
          %dma_wait3A_651 = tpu.memref_slice %arg16[%dma_wait3A_649, %dma_wait3A_650] : memref<192x133xf32, #tpu.memory_space<vmem>> -> memref<16x128xf32, #tpu.memory_space<vmem>>
          %dma_wait3A_652 = arith.constant 0 : i32
          %dma_wait3A_653 = arith.constant 0 : i32
          %dma_wait3A_654 = tpu.memref_slice %arg6[%dma_wait3A_648, %dma_wait3A_652, %dma_wait3A_653] : memref<8x20000x128xf32, #tpu.memory_space<hbm>> -> memref<1x16x128xf32, #tpu.memory_space<hbm>>
          %dma_wait3A_655 = tpu.memref_squeeze %dma_wait3A_654 : memref<1x16x128xf32, #tpu.memory_space<hbm>> -> memref<16x128xf32, #tpu.memory_space<hbm>>
          %dma_wait3A_656 = arith.constant 0 : i32
          %dma_wait3A_657 = arith.constant 0 : i32
          %dma_wait3A_658 = tpu.memref_slice %arg6[%dma_wait3A_648, %dma_wait3A_656, %dma_wait3A_657] : memref<8x20000x128xf32, #tpu.memory_space<hbm>> -> memref<1x16x128xf32, #tpu.memory_space<hbm>>
          %dma_wait3A_659 = tpu.memref_squeeze %dma_wait3A_658 : memref<1x16x128xf32, #tpu.memory_space<hbm>> -> memref<16x128xf32, #tpu.memory_space<hbm>>
          %dma_wait3A_660 = arith.constant 0 : i32
          %dma_wait3A_661 = arith.constant 0 : i32
          %dma_wait3A_662 = tpu.memref_slice %arg16[%dma_wait3A_660, %dma_wait3A_661] : memref<192x133xf32, #tpu.memory_space<vmem>> -> memref<16x128xf32, #tpu.memory_space<vmem>>
          tpu.wait_dma2 semaphore(%arg22 : memref<!tpu.dma_semaphore, #tpu.memory_space<semaphore_mem>>) src(%dma_wait3A_662 : memref<16x128xf32, #tpu.memory_space<vmem>>) dst(%dma_wait3A_659 : memref<16x128xf32, #tpu.memory_space<hbm>>)
          %dma_wait3A_663 = arith.constant 1 : i32
          %dma_wait3A_664 = arith.constant 24 : i32
          %dma_wait3A_665 = arith.constant 0 : i32
          %dma_wait3A_666 = tpu.memref_slice %arg16[%dma_wait3A_664, %dma_wait3A_665] : memref<192x133xf32, #tpu.memory_space<vmem>> -> memref<16x128xf32, #tpu.memory_space<vmem>>
          %dma_wait3A_667 = arith.constant 0 : i32
          %dma_wait3A_668 = arith.constant 0 : i32
          %dma_wait3A_669 = tpu.memref_slice %arg6[%dma_wait3A_663, %dma_wait3A_667, %dma_wait3A_668] : memref<8x20000x128xf32, #tpu.memory_space<hbm>> -> memref<1x16x128xf32, #tpu.memory_space<hbm>>
          %dma_wait3A_670 = tpu.memref_squeeze %dma_wait3A_669 : memref<1x16x128xf32, #tpu.memory_space<hbm>> -> memref<16x128xf32, #tpu.memory_space<hbm>>
          %dma_wait3A_671 = arith.constant 0 : i32
          %dma_wait3A_672 = arith.constant 0 : i32
          %dma_wait3A_673 = tpu.memref_slice %arg6[%dma_wait3A_663, %dma_wait3A_671, %dma_wait3A_672] : memref<8x20000x128xf32, #tpu.memory_space<hbm>> -> memref<1x16x128xf32, #tpu.memory_space<hbm>>
          %dma_wait3A_674 = tpu.memref_squeeze %dma_wait3A_673 : memref<1x16x128xf32, #tpu.memory_space<hbm>> -> memref<16x128xf32, #tpu.memory_space<hbm>>
          %dma_wait3A_675 = arith.constant 24 : i32
          %dma_wait3A_676 = arith.constant 0 : i32
          %dma_wait3A_677 = tpu.memref_slice %arg16[%dma_wait3A_675, %dma_wait3A_676] : memref<192x133xf32, #tpu.memory_space<vmem>> -> memref<16x128xf32, #tpu.memory_space<vmem>>
          tpu.wait_dma2 semaphore(%arg22 : memref<!tpu.dma_semaphore, #tpu.memory_space<semaphore_mem>>) src(%dma_wait3A_677 : memref<16x128xf32, #tpu.memory_space<vmem>>) dst(%dma_wait3A_674 : memref<16x128xf32, #tpu.memory_space<hbm>>)
          %dma_wait3A_678 = arith.constant 2 : i32
          %dma_wait3A_679 = arith.constant 48 : i32
          %dma_wait3A_680 = arith.constant 0 : i32
          %dma_wait3A_681 = tpu.memref_slice %arg16[%dma_wait3A_679, %dma_wait3A_680] : memref<192x133xf32, #tpu.memory_space<vmem>> -> memref<16x128xf32, #tpu.memory_space<vmem>>
          %dma_wait3A_682 = arith.constant 0 : i32
          %dma_wait3A_683 = arith.constant 0 : i32
          %dma_wait3A_684 = tpu.memref_slice %arg6[%dma_wait3A_678, %dma_wait3A_682, %dma_wait3A_683] : memref<8x20000x128xf32, #tpu.memory_space<hbm>> -> memref<1x16x128xf32, #tpu.memory_space<hbm>>
          %dma_wait3A_685 = tpu.memref_squeeze %dma_wait3A_684 : memref<1x16x128xf32, #tpu.memory_space<hbm>> -> memref<16x128xf32, #tpu.memory_space<hbm>>
          %dma_wait3A_686 = arith.constant 0 : i32
          %dma_wait3A_687 = arith.constant 0 : i32
          %dma_wait3A_688 = tpu.memref_slice %arg6[%dma_wait3A_678, %dma_wait3A_686, %dma_wait3A_687] : memref<8x20000x128xf32, #tpu.memory_space<hbm>> -> memref<1x16x128xf32, #tpu.memory_space<hbm>>
          %dma_wait3A_689 = tpu.memref_squeeze %dma_wait3A_688 : memref<1x16x128xf32, #tpu.memory_space<hbm>> -> memref<16x128xf32, #tpu.memory_space<hbm>>
          %dma_wait3A_690 = arith.constant 48 : i32
          %dma_wait3A_691 = arith.constant 0 : i32
          %dma_wait3A_692 = tpu.memref_slice %arg16[%dma_wait3A_690, %dma_wait3A_691] : memref<192x133xf32, #tpu.memory_space<vmem>> -> memref<16x128xf32, #tpu.memory_space<vmem>>
          tpu.wait_dma2 semaphore(%arg22 : memref<!tpu.dma_semaphore, #tpu.memory_space<semaphore_mem>>) src(%dma_wait3A_692 : memref<16x128xf32, #tpu.memory_space<vmem>>) dst(%dma_wait3A_689 : memref<16x128xf32, #tpu.memory_space<hbm>>)
          %dma_wait3A_693 = arith.constant 3 : i32
          %dma_wait3A_694 = arith.constant 72 : i32
          %dma_wait3A_695 = arith.constant 0 : i32
          %dma_wait3A_696 = tpu.memref_slice %arg16[%dma_wait3A_694, %dma_wait3A_695] : memref<192x133xf32, #tpu.memory_space<vmem>> -> memref<16x128xf32, #tpu.memory_space<vmem>>
          %dma_wait3A_697 = arith.constant 0 : i32
          %dma_wait3A_698 = arith.constant 0 : i32
          %dma_wait3A_699 = tpu.memref_slice %arg6[%dma_wait3A_693, %dma_wait3A_697, %dma_wait3A_698] : memref<8x20000x128xf32, #tpu.memory_space<hbm>> -> memref<1x16x128xf32, #tpu.memory_space<hbm>>
          %dma_wait3A_700 = tpu.memref_squeeze %dma_wait3A_699 : memref<1x16x128xf32, #tpu.memory_space<hbm>> -> memref<16x128xf32, #tpu.memory_space<hbm>>
          %dma_wait3A_701 = arith.constant 0 : i32
          %dma_wait3A_702 = arith.constant 0 : i32
          %dma_wait3A_703 = tpu.memref_slice %arg6[%dma_wait3A_693, %dma_wait3A_701, %dma_wait3A_702] : memref<8x20000x128xf32, #tpu.memory_space<hbm>> -> memref<1x16x128xf32, #tpu.memory_space<hbm>>
          %dma_wait3A_704 = tpu.memref_squeeze %dma_wait3A_703 : memref<1x16x128xf32, #tpu.memory_space<hbm>> -> memref<16x128xf32, #tpu.memory_space<hbm>>
          %dma_wait3A_705 = arith.constant 72 : i32
          %dma_wait3A_706 = arith.constant 0 : i32
          %dma_wait3A_707 = tpu.memref_slice %arg16[%dma_wait3A_705, %dma_wait3A_706] : memref<192x133xf32, #tpu.memory_space<vmem>> -> memref<16x128xf32, #tpu.memory_space<vmem>>
          tpu.wait_dma2 semaphore(%arg22 : memref<!tpu.dma_semaphore, #tpu.memory_space<semaphore_mem>>) src(%dma_wait3A_707 : memref<16x128xf32, #tpu.memory_space<vmem>>) dst(%dma_wait3A_704 : memref<16x128xf32, #tpu.memory_space<hbm>>)
          %dma_wait3A_708 = arith.constant 4 : i32
          %dma_wait3A_709 = arith.constant 96 : i32
          %dma_wait3A_710 = arith.constant 0 : i32
          %dma_wait3A_711 = tpu.memref_slice %arg16[%dma_wait3A_709, %dma_wait3A_710] : memref<192x133xf32, #tpu.memory_space<vmem>> -> memref<16x128xf32, #tpu.memory_space<vmem>>
          %dma_wait3A_712 = arith.constant 0 : i32
          %dma_wait3A_713 = arith.constant 0 : i32
          %dma_wait3A_714 = tpu.memref_slice %arg6[%dma_wait3A_708, %dma_wait3A_712, %dma_wait3A_713] : memref<8x20000x128xf32, #tpu.memory_space<hbm>> -> memref<1x16x128xf32, #tpu.memory_space<hbm>>
          %dma_wait3A_715 = tpu.memref_squeeze %dma_wait3A_714 : memref<1x16x128xf32, #tpu.memory_space<hbm>> -> memref<16x128xf32, #tpu.memory_space<hbm>>
          %dma_wait3A_716 = arith.constant 0 : i32
          %dma_wait3A_717 = arith.constant 0 : i32
          %dma_wait3A_718 = tpu.memref_slice %arg6[%dma_wait3A_708, %dma_wait3A_716, %dma_wait3A_717] : memref<8x20000x128xf32, #tpu.memory_space<hbm>> -> memref<1x16x128xf32, #tpu.memory_space<hbm>>
          %dma_wait3A_719 = tpu.memref_squeeze %dma_wait3A_718 : memref<1x16x128xf32, #tpu.memory_space<hbm>> -> memref<16x128xf32, #tpu.memory_space<hbm>>
          %dma_wait3A_720 = arith.constant 96 : i32
          %dma_wait3A_721 = arith.constant 0 : i32
          %dma_wait3A_722 = tpu.memref_slice %arg16[%dma_wait3A_720, %dma_wait3A_721] : memref<192x133xf32, #tpu.memory_space<vmem>> -> memref<16x128xf32, #tpu.memory_space<vmem>>
          tpu.wait_dma2 semaphore(%arg22 : memref<!tpu.dma_semaphore, #tpu.memory_space<semaphore_mem>>) src(%dma_wait3A_722 : memref<16x128xf32, #tpu.memory_space<vmem>>) dst(%dma_wait3A_719 : memref<16x128xf32, #tpu.memory_space<hbm>>)
          %dma_wait3A_723 = arith.constant 5 : i32
          %dma_wait3A_724 = arith.constant 120 : i32
          %dma_wait3A_725 = arith.constant 0 : i32
          %dma_wait3A_726 = tpu.memref_slice %arg16[%dma_wait3A_724, %dma_wait3A_725] : memref<192x133xf32, #tpu.memory_space<vmem>> -> memref<16x128xf32, #tpu.memory_space<vmem>>
          %dma_wait3A_727 = arith.constant 0 : i32
          %dma_wait3A_728 = arith.constant 0 : i32
          %dma_wait3A_729 = tpu.memref_slice %arg6[%dma_wait3A_723, %dma_wait3A_727, %dma_wait3A_728] : memref<8x20000x128xf32, #tpu.memory_space<hbm>> -> memref<1x16x128xf32, #tpu.memory_space<hbm>>
          %dma_wait3A_730 = tpu.memref_squeeze %dma_wait3A_729 : memref<1x16x128xf32, #tpu.memory_space<hbm>> -> memref<16x128xf32, #tpu.memory_space<hbm>>
          %dma_wait3A_731 = arith.constant 0 : i32
          %dma_wait3A_732 = arith.constant 0 : i32
          %dma_wait3A_733 = tpu.memref_slice %arg6[%dma_wait3A_723, %dma_wait3A_731, %dma_wait3A_732] : memref<8x20000x128xf32, #tpu.memory_space<hbm>> -> memref<1x16x128xf32, #tpu.memory_space<hbm>>
          %dma_wait3A_734 = tpu.memref_squeeze %dma_wait3A_733 : memref<1x16x128xf32, #tpu.memory_space<hbm>> -> memref<16x128xf32, #tpu.memory_space<hbm>>
          %dma_wait3A_735 = arith.constant 120 : i32
          %dma_wait3A_736 = arith.constant 0 : i32
          %dma_wait3A_737 = tpu.memref_slice %arg16[%dma_wait3A_735, %dma_wait3A_736] : memref<192x133xf32, #tpu.memory_space<vmem>> -> memref<16x128xf32, #tpu.memory_space<vmem>>
          tpu.wait_dma2 semaphore(%arg22 : memref<!tpu.dma_semaphore, #tpu.memory_space<semaphore_mem>>) src(%dma_wait3A_737 : memref<16x128xf32, #tpu.memory_space<vmem>>) dst(%dma_wait3A_734 : memref<16x128xf32, #tpu.memory_space<hbm>>)
          %dma_wait3A_738 = arith.constant 6 : i32
          %dma_wait3A_739 = arith.constant 144 : i32
          %dma_wait3A_740 = arith.constant 0 : i32
          %dma_wait3A_741 = tpu.memref_slice %arg16[%dma_wait3A_739, %dma_wait3A_740] : memref<192x133xf32, #tpu.memory_space<vmem>> -> memref<16x128xf32, #tpu.memory_space<vmem>>
          %dma_wait3A_742 = arith.constant 0 : i32
          %dma_wait3A_743 = arith.constant 0 : i32
          %dma_wait3A_744 = tpu.memref_slice %arg6[%dma_wait3A_738, %dma_wait3A_742, %dma_wait3A_743] : memref<8x20000x128xf32, #tpu.memory_space<hbm>> -> memref<1x16x128xf32, #tpu.memory_space<hbm>>
          %dma_wait3A_745 = tpu.memref_squeeze %dma_wait3A_744 : memref<1x16x128xf32, #tpu.memory_space<hbm>> -> memref<16x128xf32, #tpu.memory_space<hbm>>
          %dma_wait3A_746 = arith.constant 0 : i32
          %dma_wait3A_747 = arith.constant 0 : i32
          %dma_wait3A_748 = tpu.memref_slice %arg6[%dma_wait3A_738, %dma_wait3A_746, %dma_wait3A_747] : memref<8x20000x128xf32, #tpu.memory_space<hbm>> -> memref<1x16x128xf32, #tpu.memory_space<hbm>>
          %dma_wait3A_749 = tpu.memref_squeeze %dma_wait3A_748 : memref<1x16x128xf32, #tpu.memory_space<hbm>> -> memref<16x128xf32, #tpu.memory_space<hbm>>
          %dma_wait3A_750 = arith.constant 144 : i32
          %dma_wait3A_751 = arith.constant 0 : i32
          %dma_wait3A_752 = tpu.memref_slice %arg16[%dma_wait3A_750, %dma_wait3A_751] : memref<192x133xf32, #tpu.memory_space<vmem>> -> memref<16x128xf32, #tpu.memory_space<vmem>>
          tpu.wait_dma2 semaphore(%arg22 : memref<!tpu.dma_semaphore, #tpu.memory_space<semaphore_mem>>) src(%dma_wait3A_752 : memref<16x128xf32, #tpu.memory_space<vmem>>) dst(%dma_wait3A_749 : memref<16x128xf32, #tpu.memory_space<hbm>>)
          %dma_wait3A_753 = arith.constant 7 : i32
          %dma_wait3A_754 = arith.constant 168 : i32
          %dma_wait3A_755 = arith.constant 0 : i32
          %dma_wait3A_756 = tpu.memref_slice %arg16[%dma_wait3A_754, %dma_wait3A_755] : memref<192x133xf32, #tpu.memory_space<vmem>> -> memref<16x128xf32, #tpu.memory_space<vmem>>
          %dma_wait3A_757 = arith.constant 0 : i32
          %dma_wait3A_758 = arith.constant 0 : i32
          %dma_wait3A_759 = tpu.memref_slice %arg6[%dma_wait3A_753, %dma_wait3A_757, %dma_wait3A_758] : memref<8x20000x128xf32, #tpu.memory_space<hbm>> -> memref<1x16x128xf32, #tpu.memory_space<hbm>>
          %dma_wait3A_760 = tpu.memref_squeeze %dma_wait3A_759 : memref<1x16x128xf32, #tpu.memory_space<hbm>> -> memref<16x128xf32, #tpu.memory_space<hbm>>
          %dma_wait3A_761 = arith.constant 0 : i32
          %dma_wait3A_762 = arith.constant 0 : i32
          %dma_wait3A_763 = tpu.memref_slice %arg6[%dma_wait3A_753, %dma_wait3A_761, %dma_wait3A_762] : memref<8x20000x128xf32, #tpu.memory_space<hbm>> -> memref<1x16x128xf32, #tpu.memory_space<hbm>>
          %dma_wait3A_764 = tpu.memref_squeeze %dma_wait3A_763 : memref<1x16x128xf32, #tpu.memory_space<hbm>> -> memref<16x128xf32, #tpu.memory_space<hbm>>
          %dma_wait3A_765 = arith.constant 168 : i32
          %dma_wait3A_766 = arith.constant 0 : i32
          %dma_wait3A_767 = tpu.memref_slice %arg16[%dma_wait3A_765, %dma_wait3A_766] : memref<192x133xf32, #tpu.memory_space<vmem>> -> memref<16x128xf32, #tpu.memory_space<vmem>>
          tpu.wait_dma2 semaphore(%arg22 : memref<!tpu.dma_semaphore, #tpu.memory_space<semaphore_mem>>) src(%dma_wait3A_767 : memref<16x128xf32, #tpu.memory_space<vmem>>) dst(%dma_wait3A_764 : memref<16x128xf32, #tpu.memory_space<hbm>>)
        } else {
        }
        %parallel_loop3A = arith.constant 0 : i32
        %parallel_loop3A_518 = arith.constant 128 : i32
        %parallel_loop3A_519 = arith.constant 1 : i32
        scf.for %parallel_loop3A_648 = %parallel_loop3A to %parallel_loop3A_518 step %parallel_loop3A_519  : i32 {
          %parallel_loop3A_649 = arith.constant 0 : i32
          %parallel_loop3A_650 = arith.subi %parallel_loop3A_648, %parallel_loop3A_649 : i32
          %parallel_loop3A_651 = vector.broadcast %parallel_loop3A_650 : i32 to vector<16xi32>
          %parallel_loop3A_652 = arith.index_cast %parallel_loop3A_648 : i32 to index
          %parallel_loop3A_653 = arith.constant 0 : index
          %parallel_loop3A_654 = tpu.vector_load %arg12[%parallel_loop3A_652, %parallel_loop3A_653] {strides = array<i32>} : memref<256x64xbf16, #tpu.memory_space<vmem>>, vector<32xbf16>,
          %parallel_loop3A_655 = tpu.unpack_subelements %parallel_loop3A_654, 0 {pack_format = #tpu.pack_format<interleaved>} : vector<32xbf16> -> vector<16xf32>
          %parallel_loop3A_656 = tpu.unpack_subelements %parallel_loop3A_654, 1 {pack_format = #tpu.pack_format<interleaved>} : vector<32xbf16> -> vector<16xf32>
          %parallel_loop3A_657 = arith.index_cast %parallel_loop3A_648 : i32 to index
          %parallel_loop3A_658 = arith.constant 0 : index
          %parallel_loop3A_659 = tpu.vector_load %arg14[%parallel_loop3A_657, %parallel_loop3A_658] {strides = array<i32>} : memref<256x64xbf16, #tpu.memory_space<vmem>>, vector<32xbf16>,
          %parallel_loop3A_660 = tpu.unpack_subelements %parallel_loop3A_659, 0 {pack_format = #tpu.pack_format<interleaved>} : vector<32xbf16> -> vector<16xf32>
          %parallel_loop3A_661 = tpu.unpack_subelements %parallel_loop3A_659, 1 {pack_format = #tpu.pack_format<interleaved>} : vector<32xbf16> -> vector<16xf32>
          %parallel_loop3A_662 = arith.addf %parallel_loop3A_655, %parallel_loop3A_660 : vector<16xf32>
          %parallel_loop3A_663 = arith.addf %parallel_loop3A_656, %parallel_loop3A_661 : vector<16xf32>
          %parallel_loop3A_664 = arith.constant 2.000000e-01 : f32
          %parallel_loop3A_665 = vector.broadcast %parallel_loop3A_664 : f32 to vector<16xf32>
          %parallel_loop3A_666 = arith.mulf %parallel_loop3A_665, %parallel_loop3A_662 : vector<16xf32>
          %parallel_loop3A_667 = arith.maximumf %parallel_loop3A_662, %parallel_loop3A_666 : vector<16xf32>
          tpu.vector_store_idx %arg16[%add3A_18, %parallel_loop3A_651], %parallel_loop3A_667 : memref<192x133xf32, #tpu.memory_space<vmem>>[vector<16xi32>, vector<16xi32>], vector<16xf32>,
          %parallel_loop3A_668 = arith.constant 2.000000e-01 : f32
          %parallel_loop3A_669 = vector.broadcast %parallel_loop3A_668 : f32 to vector<16xf32>
          %parallel_loop3A_670 = arith.mulf %parallel_loop3A_669, %parallel_loop3A_663 : vector<16xf32>
          %parallel_loop3A_671 = arith.maximumf %parallel_loop3A_663, %parallel_loop3A_670 : vector<16xf32>
          tpu.vector_store_idx %arg16[%add3A_34, %parallel_loop3A_651], %parallel_loop3A_671 : memref<192x133xf32, #tpu.memory_space<vmem>>[vector<16xi32>, vector<16xi32>], vector<16xf32>,
          %parallel_loop3A_672 = arith.index_cast %parallel_loop3A_648 : i32 to index
          %parallel_loop3A_673 = arith.constant 32 : index
          %parallel_loop3A_674 = tpu.vector_load %arg12[%parallel_loop3A_672, %parallel_loop3A_673] {strides = array<i32>} : memref<256x64xbf16, #tpu.memory_space<vmem>>, vector<32xbf16>,
          %parallel_loop3A_675 = tpu.unpack_subelements %parallel_loop3A_674, 0 {pack_format = #tpu.pack_format<interleaved>} : vector<32xbf16> -> vector<16xf32>
          %parallel_loop3A_676 = tpu.unpack_subelements %parallel_loop3A_674, 1 {pack_format = #tpu.pack_format<interleaved>} : vector<32xbf16> -> vector<16xf32>
          %parallel_loop3A_677 = arith.index_cast %parallel_loop3A_648 : i32 to index
          %parallel_loop3A_678 = arith.constant 32 : index
          %parallel_loop3A_679 = tpu.vector_load %arg14[%parallel_loop3A_677, %parallel_loop3A_678] {strides = array<i32>} : memref<256x64xbf16, #tpu.memory_space<vmem>>, vector<32xbf16>,
          %parallel_loop3A_680 = tpu.unpack_subelements %parallel_loop3A_679, 0 {pack_format = #tpu.pack_format<interleaved>} : vector<32xbf16> -> vector<16xf32>
          %parallel_loop3A_681 = tpu.unpack_subelements %parallel_loop3A_679, 1 {pack_format = #tpu.pack_format<interleaved>} : vector<32xbf16> -> vector<16xf32>
          %parallel_loop3A_682 = arith.addf %parallel_loop3A_675, %parallel_loop3A_680 : vector<16xf32>
          %parallel_loop3A_683 = arith.addf %parallel_loop3A_676, %parallel_loop3A_681 : vector<16xf32>
          %parallel_loop3A_684 = arith.constant 2.000000e-01 : f32
          %parallel_loop3A_685 = vector.broadcast %parallel_loop3A_684 : f32 to vector<16xf32>
          %parallel_loop3A_686 = arith.mulf %parallel_loop3A_685, %parallel_loop3A_682 : vector<16xf32>
          %parallel_loop3A_687 = arith.maximumf %parallel_loop3A_682, %parallel_loop3A_686 : vector<16xf32>
          tpu.vector_store_idx %arg16[%add3A_50, %parallel_loop3A_651], %parallel_loop3A_687 : memref<192x133xf32, #tpu.memory_space<vmem>>[vector<16xi32>, vector<16xi32>], vector<16xf32>,
          %parallel_loop3A_688 = arith.constant 2.000000e-01 : f32
          %parallel_loop3A_689 = vector.broadcast %parallel_loop3A_688 : f32 to vector<16xf32>
          %parallel_loop3A_690 = arith.mulf %parallel_loop3A_689, %parallel_loop3A_683 : vector<16xf32>
          %parallel_loop3A_691 = arith.maximumf %parallel_loop3A_683, %parallel_loop3A_690 : vector<16xf32>
          tpu.vector_store_idx %arg16[%add3A_66, %parallel_loop3A_651], %parallel_loop3A_691 : memref<192x133xf32, #tpu.memory_space<vmem>>[vector<16xi32>, vector<16xi32>], vector<16xf32>,
        } {sc.loop_unroll_factor = 4 : i64, sc.parallel_access}
        %parallel_loop3A_520 = arith.constant 128 : i32
        %parallel_loop3A_521 = arith.constant 256 : i32
        %parallel_loop3A_522 = arith.constant 1 : i32
        scf.for %parallel_loop3A_648 = %parallel_loop3A_520 to %parallel_loop3A_521 step %parallel_loop3A_522  : i32 {
          %parallel_loop3A_649 = arith.constant 128 : i32
          %parallel_loop3A_650 = arith.subi %parallel_loop3A_648, %parallel_loop3A_649 : i32
          %parallel_loop3A_651 = vector.broadcast %parallel_loop3A_650 : i32 to vector<16xi32>
          %parallel_loop3A_652 = arith.index_cast %parallel_loop3A_648 : i32 to index
          %parallel_loop3A_653 = arith.constant 0 : index
          %parallel_loop3A_654 = tpu.vector_load %arg12[%parallel_loop3A_652, %parallel_loop3A_653] {strides = array<i32>} : memref<256x64xbf16, #tpu.memory_space<vmem>>, vector<32xbf16>,
          %parallel_loop3A_655 = tpu.unpack_subelements %parallel_loop3A_654, 0 {pack_format = #tpu.pack_format<interleaved>} : vector<32xbf16> -> vector<16xf32>
          %parallel_loop3A_656 = tpu.unpack_subelements %parallel_loop3A_654, 1 {pack_format = #tpu.pack_format<interleaved>} : vector<32xbf16> -> vector<16xf32>
          %parallel_loop3A_657 = arith.index_cast %parallel_loop3A_648 : i32 to index
          %parallel_loop3A_658 = arith.constant 0 : index
          %parallel_loop3A_659 = tpu.vector_load %arg14[%parallel_loop3A_657, %parallel_loop3A_658] {strides = array<i32>} : memref<256x64xbf16, #tpu.memory_space<vmem>>, vector<32xbf16>,
          %parallel_loop3A_660 = tpu.unpack_subelements %parallel_loop3A_659, 0 {pack_format = #tpu.pack_format<interleaved>} : vector<32xbf16> -> vector<16xf32>
          %parallel_loop3A_661 = tpu.unpack_subelements %parallel_loop3A_659, 1 {pack_format = #tpu.pack_format<interleaved>} : vector<32xbf16> -> vector<16xf32>
          %parallel_loop3A_662 = arith.addf %parallel_loop3A_655, %parallel_loop3A_660 : vector<16xf32>
          %parallel_loop3A_663 = arith.addf %parallel_loop3A_656, %parallel_loop3A_661 : vector<16xf32>
          %parallel_loop3A_664 = arith.constant 2.000000e-01 : f32
          %parallel_loop3A_665 = vector.broadcast %parallel_loop3A_664 : f32 to vector<16xf32>
          %parallel_loop3A_666 = arith.mulf %parallel_loop3A_665, %parallel_loop3A_662 : vector<16xf32>
          %parallel_loop3A_667 = arith.maximumf %parallel_loop3A_662, %parallel_loop3A_666 : vector<16xf32>
          tpu.vector_store_idx %arg16[%add3A_82, %parallel_loop3A_651], %parallel_loop3A_667 : memref<192x133xf32, #tpu.memory_space<vmem>>[vector<16xi32>, vector<16xi32>], vector<16xf32>,
          %parallel_loop3A_668 = arith.constant 2.000000e-01 : f32
          %parallel_loop3A_669 = vector.broadcast %parallel_loop3A_668 : f32 to vector<16xf32>
          %parallel_loop3A_670 = arith.mulf %parallel_loop3A_669, %parallel_loop3A_663 : vector<16xf32>
          %parallel_loop3A_671 = arith.maximumf %parallel_loop3A_663, %parallel_loop3A_670 : vector<16xf32>
          tpu.vector_store_idx %arg16[%add3A_98, %parallel_loop3A_651], %parallel_loop3A_671 : memref<192x133xf32, #tpu.memory_space<vmem>>[vector<16xi32>, vector<16xi32>], vector<16xf32>,
          %parallel_loop3A_672 = arith.index_cast %parallel_loop3A_648 : i32 to index
          %parallel_loop3A_673 = arith.constant 32 : index
          %parallel_loop3A_674 = tpu.vector_load %arg12[%parallel_loop3A_672, %parallel_loop3A_673] {strides = array<i32>} : memref<256x64xbf16, #tpu.memory_space<vmem>>, vector<32xbf16>,
          %parallel_loop3A_675 = tpu.unpack_subelements %parallel_loop3A_674, 0 {pack_format = #tpu.pack_format<interleaved>} : vector<32xbf16> -> vector<16xf32>
          %parallel_loop3A_676 = tpu.unpack_subelements %parallel_loop3A_674, 1 {pack_format = #tpu.pack_format<interleaved>} : vector<32xbf16> -> vector<16xf32>
          %parallel_loop3A_677 = arith.index_cast %parallel_loop3A_648 : i32 to index
          %parallel_loop3A_678 = arith.constant 32 : index
          %parallel_loop3A_679 = tpu.vector_load %arg14[%parallel_loop3A_677, %parallel_loop3A_678] {strides = array<i32>} : memref<256x64xbf16, #tpu.memory_space<vmem>>, vector<32xbf16>,
          %parallel_loop3A_680 = tpu.unpack_subelements %parallel_loop3A_679, 0 {pack_format = #tpu.pack_format<interleaved>} : vector<32xbf16> -> vector<16xf32>
          %parallel_loop3A_681 = tpu.unpack_subelements %parallel_loop3A_679, 1 {pack_format = #tpu.pack_format<interleaved>} : vector<32xbf16> -> vector<16xf32>
          %parallel_loop3A_682 = arith.addf %parallel_loop3A_675, %parallel_loop3A_680 : vector<16xf32>
          %parallel_loop3A_683 = arith.addf %parallel_loop3A_676, %parallel_loop3A_681 : vector<16xf32>
          %parallel_loop3A_684 = arith.constant 2.000000e-01 : f32
          %parallel_loop3A_685 = vector.broadcast %parallel_loop3A_684 : f32 to vector<16xf32>
          %parallel_loop3A_686 = arith.mulf %parallel_loop3A_685, %parallel_loop3A_682 : vector<16xf32>
          %parallel_loop3A_687 = arith.maximumf %parallel_loop3A_682, %parallel_loop3A_686 : vector<16xf32>
          tpu.vector_store_idx %arg16[%add3A_114, %parallel_loop3A_651], %parallel_loop3A_687 : memref<192x133xf32, #tpu.memory_space<vmem>>[vector<16xi32>, vector<16xi32>], vector<16xf32>,
          %parallel_loop3A_688 = arith.constant 2.000000e-01 : f32
          %parallel_loop3A_689 = vector.broadcast %parallel_loop3A_688 : f32 to vector<16xf32>
          %parallel_loop3A_690 = arith.mulf %parallel_loop3A_689, %parallel_loop3A_683 : vector<16xf32>
          %parallel_loop3A_691 = arith.maximumf %parallel_loop3A_683, %parallel_loop3A_690 : vector<16xf32>
          tpu.vector_store_idx %arg16[%add3A_130, %parallel_loop3A_651], %parallel_loop3A_691 : memref<192x133xf32, #tpu.memory_space<vmem>>[vector<16xi32>, vector<16xi32>], vector<16xf32>,
        } {sc.loop_unroll_factor = 4 : i64, sc.parallel_access}
        %mul3A_523 = arith.constant 32 : i32
        %mul3A_524 = arith.muli %add3A_485, %mul3A_523 : i32
        %add3A_525 = arith.addi %add3A, %mul3A_524 : i32
        %mul3A_526 = arith.constant 2 : i32
        %mul3A_527 = arith.muli %add3A_525, %mul3A_526 : i32
        %mul3A_528 = arith.constant 8 : i32
        %mul3A_529 = arith.muli %mul3A_527, %mul3A_528 : i32
        %dma_start3A_530 = arith.constant 0 : i32
        %dma_start3A_531 = arith.constant 0 : i32
        %dma_start3A_532 = arith.constant 0 : i32
        %dma_start3A_533 = tpu.memref_slice %arg16[%dma_start3A_531, %dma_start3A_532] : memref<192x133xf32, #tpu.memory_space<vmem>> -> memref<16x128xf32, #tpu.memory_space<vmem>>
        %dma_start3A_534 = arith.constant 0 : i32
        %dma_start3A_535 = tpu.memref_slice %arg6[%dma_start3A_530, %mul3A_529, %dma_start3A_534] : memref<8x20000x128xf32, #tpu.memory_space<hbm>> -> memref<1x16x128xf32, #tpu.memory_space<hbm>>
        %dma_start3A_536 = tpu.memref_squeeze %dma_start3A_535 : memref<1x16x128xf32, #tpu.memory_space<hbm>> -> memref<16x128xf32, #tpu.memory_space<hbm>>
        %dma_start3A_537 = arith.constant 0 : i32
        %dma_start3A_538 = tpu.memref_slice %arg6[%dma_start3A_530, %mul3A_529, %dma_start3A_537] : memref<8x20000x128xf32, #tpu.memory_space<hbm>> -> memref<1x16x128xf32, #tpu.memory_space<hbm>>
        %dma_start3A_539 = tpu.memref_squeeze %dma_start3A_538 : memref<1x16x128xf32, #tpu.memory_space<hbm>> -> memref<16x128xf32, #tpu.memory_space<hbm>>
        %dma_start3A_540 = arith.constant 0 : i32
        %dma_start3A_541 = arith.constant 0 : i32
        %dma_start3A_542 = tpu.memref_slice %arg16[%dma_start3A_540, %dma_start3A_541] : memref<192x133xf32, #tpu.memory_space<vmem>> -> memref<16x128xf32, #tpu.memory_space<vmem>>
        tpu.enqueue_dma source(%dma_start3A_542 : memref<16x128xf32, #tpu.memory_space<vmem>>) target(%dma_start3A_539 : memref<16x128xf32, #tpu.memory_space<hbm>>) target_semaphore(%arg22 : memref<!tpu.dma_semaphore, #tpu.memory_space<semaphore_mem>>)
        %mul3A_543 = arith.constant 8 : i32
        %mul3A_544 = arith.muli %mul3A_527, %mul3A_543 : i32
        %dma_start3A_545 = arith.constant 1 : i32
        %dma_start3A_546 = arith.constant 24 : i32
        %dma_start3A_547 = arith.constant 0 : i32
        %dma_start3A_548 = tpu.memref_slice %arg16[%dma_start3A_546, %dma_start3A_547] : memref<192x133xf32, #tpu.memory_space<vmem>> -> memref<16x128xf32, #tpu.memory_space<vmem>>
        %dma_start3A_549 = arith.constant 0 : i32
        %dma_start3A_550 = tpu.memref_slice %arg6[%dma_start3A_545, %mul3A_544, %dma_start3A_549] : memref<8x20000x128xf32, #tpu.memory_space<hbm>> -> memref<1x16x128xf32, #tpu.memory_space<hbm>>
        %dma_start3A_551 = tpu.memref_squeeze %dma_start3A_550 : memref<1x16x128xf32, #tpu.memory_space<hbm>> -> memref<16x128xf32, #tpu.memory_space<hbm>>
        %dma_start3A_552 = arith.constant 0 : i32
        %dma_start3A_553 = tpu.memref_slice %arg6[%dma_start3A_545, %mul3A_544, %dma_start3A_552] : memref<8x20000x128xf32, #tpu.memory_space<hbm>> -> memref<1x16x128xf32, #tpu.memory_space<hbm>>
        %dma_start3A_554 = tpu.memref_squeeze %dma_start3A_553 : memref<1x16x128xf32, #tpu.memory_space<hbm>> -> memref<16x128xf32, #tpu.memory_space<hbm>>
        %dma_start3A_555 = arith.constant 24 : i32
        %dma_start3A_556 = arith.constant 0 : i32
        %dma_start3A_557 = tpu.memref_slice %arg16[%dma_start3A_555, %dma_start3A_556] : memref<192x133xf32, #tpu.memory_space<vmem>> -> memref<16x128xf32, #tpu.memory_space<vmem>>
        tpu.enqueue_dma source(%dma_start3A_557 : memref<16x128xf32, #tpu.memory_space<vmem>>) target(%dma_start3A_554 : memref<16x128xf32, #tpu.memory_space<hbm>>) target_semaphore(%arg22 : memref<!tpu.dma_semaphore, #tpu.memory_space<semaphore_mem>>)
        %mul3A_558 = arith.constant 8 : i32
        %mul3A_559 = arith.muli %mul3A_527, %mul3A_558 : i32
        %dma_start3A_560 = arith.constant 2 : i32
        %dma_start3A_561 = arith.constant 48 : i32
        %dma_start3A_562 = arith.constant 0 : i32
        %dma_start3A_563 = tpu.memref_slice %arg16[%dma_start3A_561, %dma_start3A_562] : memref<192x133xf32, #tpu.memory_space<vmem>> -> memref<16x128xf32, #tpu.memory_space<vmem>>
        %dma_start3A_564 = arith.constant 0 : i32
        %dma_start3A_565 = tpu.memref_slice %arg6[%dma_start3A_560, %mul3A_559, %dma_start3A_564] : memref<8x20000x128xf32, #tpu.memory_space<hbm>> -> memref<1x16x128xf32, #tpu.memory_space<hbm>>
        %dma_start3A_566 = tpu.memref_squeeze %dma_start3A_565 : memref<1x16x128xf32, #tpu.memory_space<hbm>> -> memref<16x128xf32, #tpu.memory_space<hbm>>
        %dma_start3A_567 = arith.constant 0 : i32
        %dma_start3A_568 = tpu.memref_slice %arg6[%dma_start3A_560, %mul3A_559, %dma_start3A_567] : memref<8x20000x128xf32, #tpu.memory_space<hbm>> -> memref<1x16x128xf32, #tpu.memory_space<hbm>>
        %dma_start3A_569 = tpu.memref_squeeze %dma_start3A_568 : memref<1x16x128xf32, #tpu.memory_space<hbm>> -> memref<16x128xf32, #tpu.memory_space<hbm>>
        %dma_start3A_570 = arith.constant 48 : i32
        %dma_start3A_571 = arith.constant 0 : i32
        %dma_start3A_572 = tpu.memref_slice %arg16[%dma_start3A_570, %dma_start3A_571] : memref<192x133xf32, #tpu.memory_space<vmem>> -> memref<16x128xf32, #tpu.memory_space<vmem>>
        tpu.enqueue_dma source(%dma_start3A_572 : memref<16x128xf32, #tpu.memory_space<vmem>>) target(%dma_start3A_569 : memref<16x128xf32, #tpu.memory_space<hbm>>) target_semaphore(%arg22 : memref<!tpu.dma_semaphore, #tpu.memory_space<semaphore_mem>>)
        %mul3A_573 = arith.constant 8 : i32
        %mul3A_574 = arith.muli %mul3A_527, %mul3A_573 : i32
        %dma_start3A_575 = arith.constant 3 : i32
        %dma_start3A_576 = arith.constant 72 : i32
        %dma_start3A_577 = arith.constant 0 : i32
        %dma_start3A_578 = tpu.memref_slice %arg16[%dma_start3A_576, %dma_start3A_577] : memref<192x133xf32, #tpu.memory_space<vmem>> -> memref<16x128xf32, #tpu.memory_space<vmem>>
        %dma_start3A_579 = arith.constant 0 : i32
        %dma_start3A_580 = tpu.memref_slice %arg6[%dma_start3A_575, %mul3A_574, %dma_start3A_579] : memref<8x20000x128xf32, #tpu.memory_space<hbm>> -> memref<1x16x128xf32, #tpu.memory_space<hbm>>
        %dma_start3A_581 = tpu.memref_squeeze %dma_start3A_580 : memref<1x16x128xf32, #tpu.memory_space<hbm>> -> memref<16x128xf32, #tpu.memory_space<hbm>>
        %dma_start3A_582 = arith.constant 0 : i32
        %dma_start3A_583 = tpu.memref_slice %arg6[%dma_start3A_575, %mul3A_574, %dma_start3A_582] : memref<8x20000x128xf32, #tpu.memory_space<hbm>> -> memref<1x16x128xf32, #tpu.memory_space<hbm>>
        %dma_start3A_584 = tpu.memref_squeeze %dma_start3A_583 : memref<1x16x128xf32, #tpu.memory_space<hbm>> -> memref<16x128xf32, #tpu.memory_space<hbm>>
        %dma_start3A_585 = arith.constant 72 : i32
        %dma_start3A_586 = arith.constant 0 : i32
        %dma_start3A_587 = tpu.memref_slice %arg16[%dma_start3A_585, %dma_start3A_586] : memref<192x133xf32, #tpu.memory_space<vmem>> -> memref<16x128xf32, #tpu.memory_space<vmem>>
        tpu.enqueue_dma source(%dma_start3A_587 : memref<16x128xf32, #tpu.memory_space<vmem>>) target(%dma_start3A_584 : memref<16x128xf32, #tpu.memory_space<hbm>>) target_semaphore(%arg22 : memref<!tpu.dma_semaphore, #tpu.memory_space<semaphore_mem>>)
        %mul3A_588 = arith.constant 8 : i32
        %mul3A_589 = arith.muli %mul3A_527, %mul3A_588 : i32
        %dma_start3A_590 = arith.constant 4 : i32
        %dma_start3A_591 = arith.constant 96 : i32
        %dma_start3A_592 = arith.constant 0 : i32
        %dma_start3A_593 = tpu.memref_slice %arg16[%dma_start3A_591, %dma_start3A_592] : memref<192x133xf32, #tpu.memory_space<vmem>> -> memref<16x128xf32, #tpu.memory_space<vmem>>
        %dma_start3A_594 = arith.constant 0 : i32
        %dma_start3A_595 = tpu.memref_slice %arg6[%dma_start3A_590, %mul3A_589, %dma_start3A_594] : memref<8x20000x128xf32, #tpu.memory_space<hbm>> -> memref<1x16x128xf32, #tpu.memory_space<hbm>>
        %dma_start3A_596 = tpu.memref_squeeze %dma_start3A_595 : memref<1x16x128xf32, #tpu.memory_space<hbm>> -> memref<16x128xf32, #tpu.memory_space<hbm>>
        %dma_start3A_597 = arith.constant 0 : i32
        %dma_start3A_598 = tpu.memref_slice %arg6[%dma_start3A_590, %mul3A_589, %dma_start3A_597] : memref<8x20000x128xf32, #tpu.memory_space<hbm>> -> memref<1x16x128xf32, #tpu.memory_space<hbm>>
        %dma_start3A_599 = tpu.memref_squeeze %dma_start3A_598 : memref<1x16x128xf32, #tpu.memory_space<hbm>> -> memref<16x128xf32, #tpu.memory_space<hbm>>
        %dma_start3A_600 = arith.constant 96 : i32
        %dma_start3A_601 = arith.constant 0 : i32
        %dma_start3A_602 = tpu.memref_slice %arg16[%dma_start3A_600, %dma_start3A_601] : memref<192x133xf32, #tpu.memory_space<vmem>> -> memref<16x128xf32, #tpu.memory_space<vmem>>
        tpu.enqueue_dma source(%dma_start3A_602 : memref<16x128xf32, #tpu.memory_space<vmem>>) target(%dma_start3A_599 : memref<16x128xf32, #tpu.memory_space<hbm>>) target_semaphore(%arg22 : memref<!tpu.dma_semaphore, #tpu.memory_space<semaphore_mem>>)
        %mul3A_603 = arith.constant 8 : i32
        %mul3A_604 = arith.muli %mul3A_527, %mul3A_603 : i32
        %dma_start3A_605 = arith.constant 5 : i32
        %dma_start3A_606 = arith.constant 120 : i32
        %dma_start3A_607 = arith.constant 0 : i32
        %dma_start3A_608 = tpu.memref_slice %arg16[%dma_start3A_606, %dma_start3A_607] : memref<192x133xf32, #tpu.memory_space<vmem>> -> memref<16x128xf32, #tpu.memory_space<vmem>>
        %dma_start3A_609 = arith.constant 0 : i32
        %dma_start3A_610 = tpu.memref_slice %arg6[%dma_start3A_605, %mul3A_604, %dma_start3A_609] : memref<8x20000x128xf32, #tpu.memory_space<hbm>> -> memref<1x16x128xf32, #tpu.memory_space<hbm>>
        %dma_start3A_611 = tpu.memref_squeeze %dma_start3A_610 : memref<1x16x128xf32, #tpu.memory_space<hbm>> -> memref<16x128xf32, #tpu.memory_space<hbm>>
        %dma_start3A_612 = arith.constant 0 : i32
        %dma_start3A_613 = tpu.memref_slice %arg6[%dma_start3A_605, %mul3A_604, %dma_start3A_612] : memref<8x20000x128xf32, #tpu.memory_space<hbm>> -> memref<1x16x128xf32, #tpu.memory_space<hbm>>
        %dma_start3A_614 = tpu.memref_squeeze %dma_start3A_613 : memref<1x16x128xf32, #tpu.memory_space<hbm>> -> memref<16x128xf32, #tpu.memory_space<hbm>>
        %dma_start3A_615 = arith.constant 120 : i32
        %dma_start3A_616 = arith.constant 0 : i32
        %dma_start3A_617 = tpu.memref_slice %arg16[%dma_start3A_615, %dma_start3A_616] : memref<192x133xf32, #tpu.memory_space<vmem>> -> memref<16x128xf32, #tpu.memory_space<vmem>>
        tpu.enqueue_dma source(%dma_start3A_617 : memref<16x128xf32, #tpu.memory_space<vmem>>) target(%dma_start3A_614 : memref<16x128xf32, #tpu.memory_space<hbm>>) target_semaphore(%arg22 : memref<!tpu.dma_semaphore, #tpu.memory_space<semaphore_mem>>)
        %mul3A_618 = arith.constant 8 : i32
        %mul3A_619 = arith.muli %mul3A_527, %mul3A_618 : i32
        %dma_start3A_620 = arith.constant 6 : i32
        %dma_start3A_621 = arith.constant 144 : i32
        %dma_start3A_622 = arith.constant 0 : i32
        %dma_start3A_623 = tpu.memref_slice %arg16[%dma_start3A_621, %dma_start3A_622] : memref<192x133xf32, #tpu.memory_space<vmem>> -> memref<16x128xf32, #tpu.memory_space<vmem>>
        %dma_start3A_624 = arith.constant 0 : i32
        %dma_start3A_625 = tpu.memref_slice %arg6[%dma_start3A_620, %mul3A_619, %dma_start3A_624] : memref<8x20000x128xf32, #tpu.memory_space<hbm>> -> memref<1x16x128xf32, #tpu.memory_space<hbm>>
        %dma_start3A_626 = tpu.memref_squeeze %dma_start3A_625 : memref<1x16x128xf32, #tpu.memory_space<hbm>> -> memref<16x128xf32, #tpu.memory_space<hbm>>
        %dma_start3A_627 = arith.constant 0 : i32
        %dma_start3A_628 = tpu.memref_slice %arg6[%dma_start3A_620, %mul3A_619, %dma_start3A_627] : memref<8x20000x128xf32, #tpu.memory_space<hbm>> -> memref<1x16x128xf32, #tpu.memory_space<hbm>>
        %dma_start3A_629 = tpu.memref_squeeze %dma_start3A_628 : memref<1x16x128xf32, #tpu.memory_space<hbm>> -> memref<16x128xf32, #tpu.memory_space<hbm>>
        %dma_start3A_630 = arith.constant 144 : i32
        %dma_start3A_631 = arith.constant 0 : i32
        %dma_start3A_632 = tpu.memref_slice %arg16[%dma_start3A_630, %dma_start3A_631] : memref<192x133xf32, #tpu.memory_space<vmem>> -> memref<16x128xf32, #tpu.memory_space<vmem>>
        tpu.enqueue_dma source(%dma_start3A_632 : memref<16x128xf32, #tpu.memory_space<vmem>>) target(%dma_start3A_629 : memref<16x128xf32, #tpu.memory_space<hbm>>) target_semaphore(%arg22 : memref<!tpu.dma_semaphore, #tpu.memory_space<semaphore_mem>>)
        %mul3A_633 = arith.constant 8 : i32
        %mul3A_634 = arith.muli %mul3A_527, %mul3A_633 : i32
        %dma_start3A_635 = arith.constant 7 : i32
        %dma_start3A_636 = arith.constant 168 : i32
        %dma_start3A_637 = arith.constant 0 : i32
        %dma_start3A_638 = tpu.memref_slice %arg16[%dma_start3A_636, %dma_start3A_637] : memref<192x133xf32, #tpu.memory_space<vmem>> -> memref<16x128xf32, #tpu.memory_space<vmem>>
        %dma_start3A_639 = arith.constant 0 : i32
        %dma_start3A_640 = tpu.memref_slice %arg6[%dma_start3A_635, %mul3A_634, %dma_start3A_639] : memref<8x20000x128xf32, #tpu.memory_space<hbm>> -> memref<1x16x128xf32, #tpu.memory_space<hbm>>
        %dma_start3A_641 = tpu.memref_squeeze %dma_start3A_640 : memref<1x16x128xf32, #tpu.memory_space<hbm>> -> memref<16x128xf32, #tpu.memory_space<hbm>>
        %dma_start3A_642 = arith.constant 0 : i32
        %dma_start3A_643 = tpu.memref_slice %arg6[%dma_start3A_635, %mul3A_634, %dma_start3A_642] : memref<8x20000x128xf32, #tpu.memory_space<hbm>> -> memref<1x16x128xf32, #tpu.memory_space<hbm>>
        %dma_start3A_644 = tpu.memref_squeeze %dma_start3A_643 : memref<1x16x128xf32, #tpu.memory_space<hbm>> -> memref<16x128xf32, #tpu.memory_space<hbm>>
        %dma_start3A_645 = arith.constant 168 : i32
        %dma_start3A_646 = arith.constant 0 : i32
        %dma_start3A_647 = tpu.memref_slice %arg16[%dma_start3A_645, %dma_start3A_646] : memref<192x133xf32, #tpu.memory_space<vmem>> -> memref<16x128xf32, #tpu.memory_space<vmem>>
        tpu.enqueue_dma source(%dma_start3A_647 : memref<16x128xf32, #tpu.memory_space<vmem>>) target(%dma_start3A_644 : memref<16x128xf32, #tpu.memory_space<hbm>>) target_semaphore(%arg22 : memref<!tpu.dma_semaphore, #tpu.memory_space<semaphore_mem>>)
      } else {
      }
    }
    %while3A_234 = arith.constant 1 : i32
    scf.for %while3A_475 = %while3A_232 to %while3A_228 step %while3A_234  : i32 {
      %mul3A_476 = arith.constant 2 : i32
      %mul3A_477 = arith.muli %while3A_475, %mul3A_476 : i32
      %add3A_478 = arith.constant 0 : i32
      %add3A_479 = arith.addi %mul3A_477, %add3A_478 : i32
      %lt3A_480 = arith.cmpi slt, %add3A_479, %add3A_4 : i32
      %convert_element_type3A = arith.extui %lt3A_480 : i1 to i32
      %cond3A = arith.constant 0 : i32
      %cond3A_481 = arith.cmpi ne, %convert_element_type3A, %cond3A : i32
      scf.if %cond3A_481 {
        %add3A_490 = arith.constant 1 : i32
        %add3A_491 = arith.addi %add3A_479, %add3A_490 : i32
        %lt3A_492 = arith.cmpi slt, %add3A_491, %add3A_4 : i32
        %convert_element_type3A_493 = arith.extui %lt3A_492 : i1 to i32
        %cond3A_494 = arith.constant 0 : i32
        %cond3A_495 = arith.cmpi ne, %convert_element_type3A_493, %cond3A_494 : i32
        scf.if %cond3A_495 {
          %dma_wait3A_648 = arith.constant 0 : i32
          %dma_wait3A_649 = arith.constant 0 : i32
          %dma_wait3A_650 = tpu.memref_slice %arg4[%dma_wait3A_648, %dma_wait3A_649] : memref<2500x128xi32, #tpu.memory_space<hbm>> -> memref<2x128xi32, #tpu.memory_space<hbm>>
          %dma_wait3A_651 = arith.constant 0 : i32
          %dma_wait3A_652 = arith.constant 0 : i32
          %dma_wait3A_653 = tpu.memref_slice %arg4[%dma_wait3A_651, %dma_wait3A_652] : memref<2500x128xi32, #tpu.memory_space<hbm>> -> memref<2x128xi32, #tpu.memory_space<hbm>>
          tpu.wait_dma2 semaphore(%arg18 : memref<!tpu.dma_semaphore, #tpu.memory_space<semaphore_mem>>) src(%dma_wait3A_653 : memref<2x128xi32, #tpu.memory_space<hbm>>) dst(%arg8 : memref<2x128xi32, #tpu.memory_space<vmem>>)
          %dma_wait3A_654 = arith.constant 0 : i32
          %dma_wait3A_655 = arith.constant 0 : i32
          %dma_wait3A_656 = tpu.memref_slice %arg5[%dma_wait3A_654, %dma_wait3A_655] : memref<2500x128xi32, #tpu.memory_space<hbm>> -> memref<2x128xi32, #tpu.memory_space<hbm>>
          %dma_wait3A_657 = arith.constant 0 : i32
          %dma_wait3A_658 = arith.constant 0 : i32
          %dma_wait3A_659 = tpu.memref_slice %arg5[%dma_wait3A_657, %dma_wait3A_658] : memref<2500x128xi32, #tpu.memory_space<hbm>> -> memref<2x128xi32, #tpu.memory_space<hbm>>
          tpu.wait_dma2 semaphore(%arg18 : memref<!tpu.dma_semaphore, #tpu.memory_space<semaphore_mem>>) src(%dma_wait3A_659 : memref<2x128xi32, #tpu.memory_space<hbm>>) dst(%arg10 : memref<2x128xi32, #tpu.memory_space<vmem>>)
          %dma_start3A_660 = arith.constant 0 : i32
          %dma_start3A_661 = arith.constant 0 : i32
          %dma_start3A_662 = arith.constant 0 : i32
          %dma_start3A_663 = tpu.memref_slice %arg12[%dma_start3A_661, %dma_start3A_662] : memref<256x64xbf16, #tpu.memory_space<vmem>> -> memref<128x64xbf16, #tpu.memory_space<vmem>>
          %dma_start3A_664 = arith.constant 0 : i32
          %dma_start3A_665 = tpu.memref_slice %arg8[%dma_start3A_660, %dma_start3A_664] : memref<2x128xi32, #tpu.memory_space<vmem>> -> memref<1x128xi32, #tpu.memory_space<vmem>>
          %dma_start3A_666 = tpu.memref_squeeze %dma_start3A_665 : memref<1x128xi32, #tpu.memory_space<vmem>> -> memref<128xi32, #tpu.memory_space<vmem>>
          %dma_start3A_667 = arith.constant 0 : i32
          %dma_start3A_668 = arith.constant 0 : i32
          %dma_start3A_669 = tpu.memref_slice %arg2[%dma_start3A_667, %dma_start3A_668] : memref<10000x64xbf16, #tpu.memory_space<hbm>> -> memref<10000x64xbf16, #tpu.memory_space<hbm>>
          tpu.enqueue_indirect_dma source(%dma_start3A_669 : memref<10000x64xbf16, #tpu.memory_space<hbm>>) target(%dma_start3A_663 : memref<128x64xbf16, #tpu.memory_space<vmem>>) offsets(%dma_start3A_666 : memref<128xi32, #tpu.memory_space<vmem>>) semaphore(%arg20 : memref<!tpu.dma_semaphore, #tpu.memory_space<semaphore_mem>>)
          %dma_start3A_670 = arith.constant 0 : i32
          %dma_start3A_671 = arith.constant 0 : i32
          %dma_start3A_672 = arith.constant 0 : i32
          %dma_start3A_673 = tpu.memref_slice %arg14[%dma_start3A_671, %dma_start3A_672] : memref<256x64xbf16, #tpu.memory_space<vmem>> -> memref<128x64xbf16, #tpu.memory_space<vmem>>
          %dma_start3A_674 = arith.constant 0 : i32
          %dma_start3A_675 = tpu.memref_slice %arg10[%dma_start3A_670, %dma_start3A_674] : memref<2x128xi32, #tpu.memory_space<vmem>> -> memref<1x128xi32, #tpu.memory_space<vmem>>
          %dma_start3A_676 = tpu.memref_squeeze %dma_start3A_675 : memref<1x128xi32, #tpu.memory_space<vmem>> -> memref<128xi32, #tpu.memory_space<vmem>>
          %dma_start3A_677 = arith.constant 0 : i32
          %dma_start3A_678 = arith.constant 0 : i32
          %dma_start3A_679 = tpu.memref_slice %arg3[%dma_start3A_677, %dma_start3A_678] : memref<10000x64xbf16, #tpu.memory_space<hbm>> -> memref<10000x64xbf16, #tpu.memory_space<hbm>>
          tpu.enqueue_indirect_dma source(%dma_start3A_679 : memref<10000x64xbf16, #tpu.memory_space<hbm>>) target(%dma_start3A_673 : memref<128x64xbf16, #tpu.memory_space<vmem>>) offsets(%dma_start3A_676 : memref<128xi32, #tpu.memory_space<vmem>>) semaphore(%arg20 : memref<!tpu.dma_semaphore, #tpu.memory_space<semaphore_mem>>)
          %dma_start3A_680 = arith.constant 1 : i32
          %dma_start3A_681 = arith.constant 128 : i32
          %dma_start3A_682 = arith.constant 0 : i32
          %dma_start3A_683 = tpu.memref_slice %arg12[%dma_start3A_681, %dma_start3A_682] : memref<256x64xbf16, #tpu.memory_space<vmem>> -> memref<128x64xbf16, #tpu.memory_space<vmem>>
          %dma_start3A_684 = arith.constant 0 : i32
          %dma_start3A_685 = tpu.memref_slice %arg8[%dma_start3A_680, %dma_start3A_684] : memref<2x128xi32, #tpu.memory_space<vmem>> -> memref<1x128xi32, #tpu.memory_space<vmem>>
          %dma_start3A_686 = tpu.memref_squeeze %dma_start3A_685 : memref<1x128xi32, #tpu.memory_space<vmem>> -> memref<128xi32, #tpu.memory_space<vmem>>
          %dma_start3A_687 = arith.constant 0 : i32
          %dma_start3A_688 = arith.constant 0 : i32
          %dma_start3A_689 = tpu.memref_slice %arg2[%dma_start3A_687, %dma_start3A_688] : memref<10000x64xbf16, #tpu.memory_space<hbm>> -> memref<10000x64xbf16, #tpu.memory_space<hbm>>
          tpu.enqueue_indirect_dma source(%dma_start3A_689 : memref<10000x64xbf16, #tpu.memory_space<hbm>>) target(%dma_start3A_683 : memref<128x64xbf16, #tpu.memory_space<vmem>>) offsets(%dma_start3A_686 : memref<128xi32, #tpu.memory_space<vmem>>) semaphore(%arg20 : memref<!tpu.dma_semaphore, #tpu.memory_space<semaphore_mem>>)
          %dma_start3A_690 = arith.constant 1 : i32
          %dma_start3A_691 = arith.constant 128 : i32
          %dma_start3A_692 = arith.constant 0 : i32
          %dma_start3A_693 = tpu.memref_slice %arg14[%dma_start3A_691, %dma_start3A_692] : memref<256x64xbf16, #tpu.memory_space<vmem>> -> memref<128x64xbf16, #tpu.memory_space<vmem>>
          %dma_start3A_694 = arith.constant 0 : i32
          %dma_start3A_695 = tpu.memref_slice %arg10[%dma_start3A_690, %dma_start3A_694] : memref<2x128xi32, #tpu.memory_space<vmem>> -> memref<1x128xi32, #tpu.memory_space<vmem>>
          %dma_start3A_696 = tpu.memref_squeeze %dma_start3A_695 : memref<1x128xi32, #tpu.memory_space<vmem>> -> memref<128xi32, #tpu.memory_space<vmem>>
          %dma_start3A_697 = arith.constant 0 : i32
          %dma_start3A_698 = arith.constant 0 : i32
          %dma_start3A_699 = tpu.memref_slice %arg3[%dma_start3A_697, %dma_start3A_698] : memref<10000x64xbf16, #tpu.memory_space<hbm>> -> memref<10000x64xbf16, #tpu.memory_space<hbm>>
          tpu.enqueue_indirect_dma source(%dma_start3A_699 : memref<10000x64xbf16, #tpu.memory_space<hbm>>) target(%dma_start3A_693 : memref<128x64xbf16, #tpu.memory_space<vmem>>) offsets(%dma_start3A_696 : memref<128xi32, #tpu.memory_space<vmem>>) semaphore(%arg20 : memref<!tpu.dma_semaphore, #tpu.memory_space<semaphore_mem>>)
        } else {
        }
        %dma_wait3A_496 = arith.constant 0 : i32
        %dma_wait3A_497 = arith.constant 0 : i32
        %dma_wait3A_498 = tpu.memref_slice %arg2[%dma_wait3A_496, %dma_wait3A_497] : memref<10000x64xbf16, #tpu.memory_space<hbm>> -> memref<256x64xbf16, #tpu.memory_space<hbm>>
        %dma_wait3A_499 = arith.constant 0 : i32
        %dma_wait3A_500 = arith.constant 0 : i32
        %dma_wait3A_501 = tpu.memref_slice %arg2[%dma_wait3A_499, %dma_wait3A_500] : memref<10000x64xbf16, #tpu.memory_space<hbm>> -> memref<256x64xbf16, #tpu.memory_space<hbm>>
        tpu.wait_dma2 semaphore(%arg19 : memref<!tpu.dma_semaphore, #tpu.memory_space<semaphore_mem>>) src(%dma_wait3A_501 : memref<256x64xbf16, #tpu.memory_space<hbm>>) dst(%arg11 : memref<256x64xbf16, #tpu.memory_space<vmem>>)
        %dma_wait3A_502 = arith.constant 0 : i32
        %dma_wait3A_503 = arith.constant 0 : i32
        %dma_wait3A_504 = tpu.memref_slice %arg3[%dma_wait3A_502, %dma_wait3A_503] : memref<10000x64xbf16, #tpu.memory_space<hbm>> -> memref<256x64xbf16, #tpu.memory_space<hbm>>
        %dma_wait3A_505 = arith.constant 0 : i32
        %dma_wait3A_506 = arith.constant 0 : i32
        %dma_wait3A_507 = tpu.memref_slice %arg3[%dma_wait3A_505, %dma_wait3A_506] : memref<10000x64xbf16, #tpu.memory_space<hbm>> -> memref<256x64xbf16, #tpu.memory_space<hbm>>
        tpu.wait_dma2 semaphore(%arg19 : memref<!tpu.dma_semaphore, #tpu.memory_space<semaphore_mem>>) src(%dma_wait3A_507 : memref<256x64xbf16, #tpu.memory_space<hbm>>) dst(%arg13 : memref<256x64xbf16, #tpu.memory_space<vmem>>)
        %add3A_508 = arith.constant 2 : i32
        %add3A_509 = arith.addi %add3A_479, %add3A_508 : i32
        %lt3A_510 = arith.cmpi slt, %add3A_509, %add3A_4 : i32
        %convert_element_type3A_511 = arith.extui %lt3A_510 : i1 to i32
        %cond3A_512 = arith.constant 0 : i32
        %cond3A_513 = arith.cmpi ne, %convert_element_type3A_511, %cond3A_512 : i32
        scf.if %cond3A_513 {
          %add3A_648 = arith.constant 2 : i32
          %add3A_649 = arith.addi %add3A_479, %add3A_648 : i32
          %mul3A_650 = arith.constant 32 : i32
          %mul3A_651 = arith.muli %add3A_649, %mul3A_650 : i32
          %add3A_652 = arith.addi %add3A, %mul3A_651 : i32
          %mul3A_653 = arith.constant 2 : i32
          %mul3A_654 = arith.muli %add3A_652, %mul3A_653 : i32
          %dma_start3A_655 = arith.constant 0 : i32
          %dma_start3A_656 = tpu.memref_slice %arg4[%mul3A_654, %dma_start3A_655] : memref<2500x128xi32, #tpu.memory_space<hbm>> -> memref<2x128xi32, #tpu.memory_space<hbm>>
          %dma_start3A_657 = arith.constant 0 : i32
          %dma_start3A_658 = tpu.memref_slice %arg4[%mul3A_654, %dma_start3A_657] : memref<2500x128xi32, #tpu.memory_space<hbm>> -> memref<2x128xi32, #tpu.memory_space<hbm>>
          tpu.enqueue_dma source(%dma_start3A_658 : memref<2x128xi32, #tpu.memory_space<hbm>>) target(%arg7 : memref<2x128xi32, #tpu.memory_space<vmem>>) target_semaphore(%arg17 : memref<!tpu.dma_semaphore, #tpu.memory_space<semaphore_mem>>)
          %dma_start3A_659 = arith.constant 0 : i32
          %dma_start3A_660 = tpu.memref_slice %arg5[%mul3A_654, %dma_start3A_659] : memref<2500x128xi32, #tpu.memory_space<hbm>> -> memref<2x128xi32, #tpu.memory_space<hbm>>
          %dma_start3A_661 = arith.constant 0 : i32
          %dma_start3A_662 = tpu.memref_slice %arg5[%mul3A_654, %dma_start3A_661] : memref<2500x128xi32, #tpu.memory_space<hbm>> -> memref<2x128xi32, #tpu.memory_space<hbm>>
          tpu.enqueue_dma source(%dma_start3A_662 : memref<2x128xi32, #tpu.memory_space<hbm>>) target(%arg9 : memref<2x128xi32, #tpu.memory_space<vmem>>) target_semaphore(%arg17 : memref<!tpu.dma_semaphore, #tpu.memory_space<semaphore_mem>>)
        } else {
        }
        %ge3A = arith.constant 2 : i32
        %ge3A_514 = arith.cmpi sge, %add3A_479, %ge3A : i32
        %convert_element_type3A_515 = arith.extui %ge3A_514 : i1 to i32
        %cond3A_516 = arith.constant 0 : i32
        %cond3A_517 = arith.cmpi ne, %convert_element_type3A_515, %cond3A_516 : i32
        scf.if %cond3A_517 {
          %dma_wait3A_648 = arith.constant 0 : i32
          %dma_wait3A_649 = arith.constant 0 : i32
          %dma_wait3A_650 = arith.constant 0 : i32
          %dma_wait3A_651 = tpu.memref_slice %arg15[%dma_wait3A_649, %dma_wait3A_650] : memref<192x133xf32, #tpu.memory_space<vmem>> -> memref<16x128xf32, #tpu.memory_space<vmem>>
          %dma_wait3A_652 = arith.constant 0 : i32
          %dma_wait3A_653 = arith.constant 0 : i32
          %dma_wait3A_654 = tpu.memref_slice %arg6[%dma_wait3A_648, %dma_wait3A_652, %dma_wait3A_653] : memref<8x20000x128xf32, #tpu.memory_space<hbm>> -> memref<1x16x128xf32, #tpu.memory_space<hbm>>
          %dma_wait3A_655 = tpu.memref_squeeze %dma_wait3A_654 : memref<1x16x128xf32, #tpu.memory_space<hbm>> -> memref<16x128xf32, #tpu.memory_space<hbm>>
          %dma_wait3A_656 = arith.constant 0 : i32
          %dma_wait3A_657 = arith.constant 0 : i32
          %dma_wait3A_658 = tpu.memref_slice %arg6[%dma_wait3A_648, %dma_wait3A_656, %dma_wait3A_657] : memref<8x20000x128xf32, #tpu.memory_space<hbm>> -> memref<1x16x128xf32, #tpu.memory_space<hbm>>
          %dma_wait3A_659 = tpu.memref_squeeze %dma_wait3A_658 : memref<1x16x128xf32, #tpu.memory_space<hbm>> -> memref<16x128xf32, #tpu.memory_space<hbm>>
          %dma_wait3A_660 = arith.constant 0 : i32
          %dma_wait3A_661 = arith.constant 0 : i32
          %dma_wait3A_662 = tpu.memref_slice %arg15[%dma_wait3A_660, %dma_wait3A_661] : memref<192x133xf32, #tpu.memory_space<vmem>> -> memref<16x128xf32, #tpu.memory_space<vmem>>
          tpu.wait_dma2 semaphore(%arg21 : memref<!tpu.dma_semaphore, #tpu.memory_space<semaphore_mem>>) src(%dma_wait3A_662 : memref<16x128xf32, #tpu.memory_space<vmem>>) dst(%dma_wait3A_659 : memref<16x128xf32, #tpu.memory_space<hbm>>)
          %dma_wait3A_663 = arith.constant 1 : i32
          %dma_wait3A_664 = arith.constant 24 : i32
          %dma_wait3A_665 = arith.constant 0 : i32
          %dma_wait3A_666 = tpu.memref_slice %arg15[%dma_wait3A_664, %dma_wait3A_665] : memref<192x133xf32, #tpu.memory_space<vmem>> -> memref<16x128xf32, #tpu.memory_space<vmem>>
          %dma_wait3A_667 = arith.constant 0 : i32
          %dma_wait3A_668 = arith.constant 0 : i32
          %dma_wait3A_669 = tpu.memref_slice %arg6[%dma_wait3A_663, %dma_wait3A_667, %dma_wait3A_668] : memref<8x20000x128xf32, #tpu.memory_space<hbm>> -> memref<1x16x128xf32, #tpu.memory_space<hbm>>
          %dma_wait3A_670 = tpu.memref_squeeze %dma_wait3A_669 : memref<1x16x128xf32, #tpu.memory_space<hbm>> -> memref<16x128xf32, #tpu.memory_space<hbm>>
          %dma_wait3A_671 = arith.constant 0 : i32
          %dma_wait3A_672 = arith.constant 0 : i32
          %dma_wait3A_673 = tpu.memref_slice %arg6[%dma_wait3A_663, %dma_wait3A_671, %dma_wait3A_672] : memref<8x20000x128xf32, #tpu.memory_space<hbm>> -> memref<1x16x128xf32, #tpu.memory_space<hbm>>
          %dma_wait3A_674 = tpu.memref_squeeze %dma_wait3A_673 : memref<1x16x128xf32, #tpu.memory_space<hbm>> -> memref<16x128xf32, #tpu.memory_space<hbm>>
          %dma_wait3A_675 = arith.constant 24 : i32
          %dma_wait3A_676 = arith.constant 0 : i32
          %dma_wait3A_677 = tpu.memref_slice %arg15[%dma_wait3A_675, %dma_wait3A_676] : memref<192x133xf32, #tpu.memory_space<vmem>> -> memref<16x128xf32, #tpu.memory_space<vmem>>
          tpu.wait_dma2 semaphore(%arg21 : memref<!tpu.dma_semaphore, #tpu.memory_space<semaphore_mem>>) src(%dma_wait3A_677 : memref<16x128xf32, #tpu.memory_space<vmem>>) dst(%dma_wait3A_674 : memref<16x128xf32, #tpu.memory_space<hbm>>)
          %dma_wait3A_678 = arith.constant 2 : i32
          %dma_wait3A_679 = arith.constant 48 : i32
          %dma_wait3A_680 = arith.constant 0 : i32
          %dma_wait3A_681 = tpu.memref_slice %arg15[%dma_wait3A_679, %dma_wait3A_680] : memref<192x133xf32, #tpu.memory_space<vmem>> -> memref<16x128xf32, #tpu.memory_space<vmem>>
          %dma_wait3A_682 = arith.constant 0 : i32
          %dma_wait3A_683 = arith.constant 0 : i32
          %dma_wait3A_684 = tpu.memref_slice %arg6[%dma_wait3A_678, %dma_wait3A_682, %dma_wait3A_683] : memref<8x20000x128xf32, #tpu.memory_space<hbm>> -> memref<1x16x128xf32, #tpu.memory_space<hbm>>
          %dma_wait3A_685 = tpu.memref_squeeze %dma_wait3A_684 : memref<1x16x128xf32, #tpu.memory_space<hbm>> -> memref<16x128xf32, #tpu.memory_space<hbm>>
          %dma_wait3A_686 = arith.constant 0 : i32
          %dma_wait3A_687 = arith.constant 0 : i32
          %dma_wait3A_688 = tpu.memref_slice %arg6[%dma_wait3A_678, %dma_wait3A_686, %dma_wait3A_687] : memref<8x20000x128xf32, #tpu.memory_space<hbm>> -> memref<1x16x128xf32, #tpu.memory_space<hbm>>
          %dma_wait3A_689 = tpu.memref_squeeze %dma_wait3A_688 : memref<1x16x128xf32, #tpu.memory_space<hbm>> -> memref<16x128xf32, #tpu.memory_space<hbm>>
          %dma_wait3A_690 = arith.constant 48 : i32
          %dma_wait3A_691 = arith.constant 0 : i32
          %dma_wait3A_692 = tpu.memref_slice %arg15[%dma_wait3A_690, %dma_wait3A_691] : memref<192x133xf32, #tpu.memory_space<vmem>> -> memref<16x128xf32, #tpu.memory_space<vmem>>
          tpu.wait_dma2 semaphore(%arg21 : memref<!tpu.dma_semaphore, #tpu.memory_space<semaphore_mem>>) src(%dma_wait3A_692 : memref<16x128xf32, #tpu.memory_space<vmem>>) dst(%dma_wait3A_689 : memref<16x128xf32, #tpu.memory_space<hbm>>)
          %dma_wait3A_693 = arith.constant 3 : i32
          %dma_wait3A_694 = arith.constant 72 : i32
          %dma_wait3A_695 = arith.constant 0 : i32
          %dma_wait3A_696 = tpu.memref_slice %arg15[%dma_wait3A_694, %dma_wait3A_695] : memref<192x133xf32, #tpu.memory_space<vmem>> -> memref<16x128xf32, #tpu.memory_space<vmem>>
          %dma_wait3A_697 = arith.constant 0 : i32
          %dma_wait3A_698 = arith.constant 0 : i32
          %dma_wait3A_699 = tpu.memref_slice %arg6[%dma_wait3A_693, %dma_wait3A_697, %dma_wait3A_698] : memref<8x20000x128xf32, #tpu.memory_space<hbm>> -> memref<1x16x128xf32, #tpu.memory_space<hbm>>
          %dma_wait3A_700 = tpu.memref_squeeze %dma_wait3A_699 : memref<1x16x128xf32, #tpu.memory_space<hbm>> -> memref<16x128xf32, #tpu.memory_space<hbm>>
          %dma_wait3A_701 = arith.constant 0 : i32
          %dma_wait3A_702 = arith.constant 0 : i32
          %dma_wait3A_703 = tpu.memref_slice %arg6[%dma_wait3A_693, %dma_wait3A_701, %dma_wait3A_702] : memref<8x20000x128xf32, #tpu.memory_space<hbm>> -> memref<1x16x128xf32, #tpu.memory_space<hbm>>
          %dma_wait3A_704 = tpu.memref_squeeze %dma_wait3A_703 : memref<1x16x128xf32, #tpu.memory_space<hbm>> -> memref<16x128xf32, #tpu.memory_space<hbm>>
          %dma_wait3A_705 = arith.constant 72 : i32
          %dma_wait3A_706 = arith.constant 0 : i32
          %dma_wait3A_707 = tpu.memref_slice %arg15[%dma_wait3A_705, %dma_wait3A_706] : memref<192x133xf32, #tpu.memory_space<vmem>> -> memref<16x128xf32, #tpu.memory_space<vmem>>
          tpu.wait_dma2 semaphore(%arg21 : memref<!tpu.dma_semaphore, #tpu.memory_space<semaphore_mem>>) src(%dma_wait3A_707 : memref<16x128xf32, #tpu.memory_space<vmem>>) dst(%dma_wait3A_704 : memref<16x128xf32, #tpu.memory_space<hbm>>)
          %dma_wait3A_708 = arith.constant 4 : i32
          %dma_wait3A_709 = arith.constant 96 : i32
          %dma_wait3A_710 = arith.constant 0 : i32
          %dma_wait3A_711 = tpu.memref_slice %arg15[%dma_wait3A_709, %dma_wait3A_710] : memref<192x133xf32, #tpu.memory_space<vmem>> -> memref<16x128xf32, #tpu.memory_space<vmem>>
          %dma_wait3A_712 = arith.constant 0 : i32
          %dma_wait3A_713 = arith.constant 0 : i32
          %dma_wait3A_714 = tpu.memref_slice %arg6[%dma_wait3A_708, %dma_wait3A_712, %dma_wait3A_713] : memref<8x20000x128xf32, #tpu.memory_space<hbm>> -> memref<1x16x128xf32, #tpu.memory_space<hbm>>
          %dma_wait3A_715 = tpu.memref_squeeze %dma_wait3A_714 : memref<1x16x128xf32, #tpu.memory_space<hbm>> -> memref<16x128xf32, #tpu.memory_space<hbm>>
          %dma_wait3A_716 = arith.constant 0 : i32
          %dma_wait3A_717 = arith.constant 0 : i32
          %dma_wait3A_718 = tpu.memref_slice %arg6[%dma_wait3A_708, %dma_wait3A_716, %dma_wait3A_717] : memref<8x20000x128xf32, #tpu.memory_space<hbm>> -> memref<1x16x128xf32, #tpu.memory_space<hbm>>
          %dma_wait3A_719 = tpu.memref_squeeze %dma_wait3A_718 : memref<1x16x128xf32, #tpu.memory_space<hbm>> -> memref<16x128xf32, #tpu.memory_space<hbm>>
          %dma_wait3A_720 = arith.constant 96 : i32
          %dma_wait3A_721 = arith.constant 0 : i32
          %dma_wait3A_722 = tpu.memref_slice %arg15[%dma_wait3A_720, %dma_wait3A_721] : memref<192x133xf32, #tpu.memory_space<vmem>> -> memref<16x128xf32, #tpu.memory_space<vmem>>
          tpu.wait_dma2 semaphore(%arg21 : memref<!tpu.dma_semaphore, #tpu.memory_space<semaphore_mem>>) src(%dma_wait3A_722 : memref<16x128xf32, #tpu.memory_space<vmem>>) dst(%dma_wait3A_719 : memref<16x128xf32, #tpu.memory_space<hbm>>)
          %dma_wait3A_723 = arith.constant 5 : i32
          %dma_wait3A_724 = arith.constant 120 : i32
          %dma_wait3A_725 = arith.constant 0 : i32
          %dma_wait3A_726 = tpu.memref_slice %arg15[%dma_wait3A_724, %dma_wait3A_725] : memref<192x133xf32, #tpu.memory_space<vmem>> -> memref<16x128xf32, #tpu.memory_space<vmem>>
          %dma_wait3A_727 = arith.constant 0 : i32
          %dma_wait3A_728 = arith.constant 0 : i32
          %dma_wait3A_729 = tpu.memref_slice %arg6[%dma_wait3A_723, %dma_wait3A_727, %dma_wait3A_728] : memref<8x20000x128xf32, #tpu.memory_space<hbm>> -> memref<1x16x128xf32, #tpu.memory_space<hbm>>
          %dma_wait3A_730 = tpu.memref_squeeze %dma_wait3A_729 : memref<1x16x128xf32, #tpu.memory_space<hbm>> -> memref<16x128xf32, #tpu.memory_space<hbm>>
          %dma_wait3A_731 = arith.constant 0 : i32
          %dma_wait3A_732 = arith.constant 0 : i32
          %dma_wait3A_733 = tpu.memref_slice %arg6[%dma_wait3A_723, %dma_wait3A_731, %dma_wait3A_732] : memref<8x20000x128xf32, #tpu.memory_space<hbm>> -> memref<1x16x128xf32, #tpu.memory_space<hbm>>
          %dma_wait3A_734 = tpu.memref_squeeze %dma_wait3A_733 : memref<1x16x128xf32, #tpu.memory_space<hbm>> -> memref<16x128xf32, #tpu.memory_space<hbm>>
          %dma_wait3A_735 = arith.constant 120 : i32
          %dma_wait3A_736 = arith.constant 0 : i32
          %dma_wait3A_737 = tpu.memref_slice %arg15[%dma_wait3A_735, %dma_wait3A_736] : memref<192x133xf32, #tpu.memory_space<vmem>> -> memref<16x128xf32, #tpu.memory_space<vmem>>
          tpu.wait_dma2 semaphore(%arg21 : memref<!tpu.dma_semaphore, #tpu.memory_space<semaphore_mem>>) src(%dma_wait3A_737 : memref<16x128xf32, #tpu.memory_space<vmem>>) dst(%dma_wait3A_734 : memref<16x128xf32, #tpu.memory_space<hbm>>)
          %dma_wait3A_738 = arith.constant 6 : i32
          %dma_wait3A_739 = arith.constant 144 : i32
          %dma_wait3A_740 = arith.constant 0 : i32
          %dma_wait3A_741 = tpu.memref_slice %arg15[%dma_wait3A_739, %dma_wait3A_740] : memref<192x133xf32, #tpu.memory_space<vmem>> -> memref<16x128xf32, #tpu.memory_space<vmem>>
          %dma_wait3A_742 = arith.constant 0 : i32
          %dma_wait3A_743 = arith.constant 0 : i32
          %dma_wait3A_744 = tpu.memref_slice %arg6[%dma_wait3A_738, %dma_wait3A_742, %dma_wait3A_743] : memref<8x20000x128xf32, #tpu.memory_space<hbm>> -> memref<1x16x128xf32, #tpu.memory_space<hbm>>
          %dma_wait3A_745 = tpu.memref_squeeze %dma_wait3A_744 : memref<1x16x128xf32, #tpu.memory_space<hbm>> -> memref<16x128xf32, #tpu.memory_space<hbm>>
          %dma_wait3A_746 = arith.constant 0 : i32
          %dma_wait3A_747 = arith.constant 0 : i32
          %dma_wait3A_748 = tpu.memref_slice %arg6[%dma_wait3A_738, %dma_wait3A_746, %dma_wait3A_747] : memref<8x20000x128xf32, #tpu.memory_space<hbm>> -> memref<1x16x128xf32, #tpu.memory_space<hbm>>
          %dma_wait3A_749 = tpu.memref_squeeze %dma_wait3A_748 : memref<1x16x128xf32, #tpu.memory_space<hbm>> -> memref<16x128xf32, #tpu.memory_space<hbm>>
          %dma_wait3A_750 = arith.constant 144 : i32
          %dma_wait3A_751 = arith.constant 0 : i32
          %dma_wait3A_752 = tpu.memref_slice %arg15[%dma_wait3A_750, %dma_wait3A_751] : memref<192x133xf32, #tpu.memory_space<vmem>> -> memref<16x128xf32, #tpu.memory_space<vmem>>
          tpu.wait_dma2 semaphore(%arg21 : memref<!tpu.dma_semaphore, #tpu.memory_space<semaphore_mem>>) src(%dma_wait3A_752 : memref<16x128xf32, #tpu.memory_space<vmem>>) dst(%dma_wait3A_749 : memref<16x128xf32, #tpu.memory_space<hbm>>)
          %dma_wait3A_753 = arith.constant 7 : i32
          %dma_wait3A_754 = arith.constant 168 : i32
          %dma_wait3A_755 = arith.constant 0 : i32
          %dma_wait3A_756 = tpu.memref_slice %arg15[%dma_wait3A_754, %dma_wait3A_755] : memref<192x133xf32, #tpu.memory_space<vmem>> -> memref<16x128xf32, #tpu.memory_space<vmem>>
          %dma_wait3A_757 = arith.constant 0 : i32
          %dma_wait3A_758 = arith.constant 0 : i32
          %dma_wait3A_759 = tpu.memref_slice %arg6[%dma_wait3A_753, %dma_wait3A_757, %dma_wait3A_758] : memref<8x20000x128xf32, #tpu.memory_space<hbm>> -> memref<1x16x128xf32, #tpu.memory_space<hbm>>
          %dma_wait3A_760 = tpu.memref_squeeze %dma_wait3A_759 : memref<1x16x128xf32, #tpu.memory_space<hbm>> -> memref<16x128xf32, #tpu.memory_space<hbm>>
          %dma_wait3A_761 = arith.constant 0 : i32
          %dma_wait3A_762 = arith.constant 0 : i32
          %dma_wait3A_763 = tpu.memref_slice %arg6[%dma_wait3A_753, %dma_wait3A_761, %dma_wait3A_762] : memref<8x20000x128xf32, #tpu.memory_space<hbm>> -> memref<1x16x128xf32, #tpu.memory_space<hbm>>
          %dma_wait3A_764 = tpu.memref_squeeze %dma_wait3A_763 : memref<1x16x128xf32, #tpu.memory_space<hbm>> -> memref<16x128xf32, #tpu.memory_space<hbm>>
          %dma_wait3A_765 = arith.constant 168 : i32
          %dma_wait3A_766 = arith.constant 0 : i32
          %dma_wait3A_767 = tpu.memref_slice %arg15[%dma_wait3A_765, %dma_wait3A_766] : memref<192x133xf32, #tpu.memory_space<vmem>> -> memref<16x128xf32, #tpu.memory_space<vmem>>
          tpu.wait_dma2 semaphore(%arg21 : memref<!tpu.dma_semaphore, #tpu.memory_space<semaphore_mem>>) src(%dma_wait3A_767 : memref<16x128xf32, #tpu.memory_space<vmem>>) dst(%dma_wait3A_764 : memref<16x128xf32, #tpu.memory_space<hbm>>)
        } else {
        }
        %parallel_loop3A = arith.constant 0 : i32
        %parallel_loop3A_518 = arith.constant 128 : i32
        %parallel_loop3A_519 = arith.constant 1 : i32
        scf.for %parallel_loop3A_648 = %parallel_loop3A to %parallel_loop3A_518 step %parallel_loop3A_519  : i32 {
          %parallel_loop3A_649 = arith.constant 0 : i32
          %parallel_loop3A_650 = arith.subi %parallel_loop3A_648, %parallel_loop3A_649 : i32
          %parallel_loop3A_651 = vector.broadcast %parallel_loop3A_650 : i32 to vector<16xi32>
          %parallel_loop3A_652 = arith.index_cast %parallel_loop3A_648 : i32 to index
          %parallel_loop3A_653 = arith.constant 0 : index
          %parallel_loop3A_654 = tpu.vector_load %arg11[%parallel_loop3A_652, %parallel_loop3A_653] {strides = array<i32>} : memref<256x64xbf16, #tpu.memory_space<vmem>>, vector<32xbf16>,
          %parallel_loop3A_655 = tpu.unpack_subelements %parallel_loop3A_654, 0 {pack_format = #tpu.pack_format<interleaved>} : vector<32xbf16> -> vector<16xf32>
          %parallel_loop3A_656 = tpu.unpack_subelements %parallel_loop3A_654, 1 {pack_format = #tpu.pack_format<interleaved>} : vector<32xbf16> -> vector<16xf32>
          %parallel_loop3A_657 = arith.index_cast %parallel_loop3A_648 : i32 to index
          %parallel_loop3A_658 = arith.constant 0 : index
          %parallel_loop3A_659 = tpu.vector_load %arg13[%parallel_loop3A_657, %parallel_loop3A_658] {strides = array<i32>} : memref<256x64xbf16, #tpu.memory_space<vmem>>, vector<32xbf16>,
          %parallel_loop3A_660 = tpu.unpack_subelements %parallel_loop3A_659, 0 {pack_format = #tpu.pack_format<interleaved>} : vector<32xbf16> -> vector<16xf32>
          %parallel_loop3A_661 = tpu.unpack_subelements %parallel_loop3A_659, 1 {pack_format = #tpu.pack_format<interleaved>} : vector<32xbf16> -> vector<16xf32>
          %parallel_loop3A_662 = arith.addf %parallel_loop3A_655, %parallel_loop3A_660 : vector<16xf32>
          %parallel_loop3A_663 = arith.addf %parallel_loop3A_656, %parallel_loop3A_661 : vector<16xf32>
          %parallel_loop3A_664 = arith.constant 2.000000e-01 : f32
          %parallel_loop3A_665 = vector.broadcast %parallel_loop3A_664 : f32 to vector<16xf32>
          %parallel_loop3A_666 = arith.mulf %parallel_loop3A_665, %parallel_loop3A_662 : vector<16xf32>
          %parallel_loop3A_667 = arith.maximumf %parallel_loop3A_662, %parallel_loop3A_666 : vector<16xf32>
          tpu.vector_store_idx %arg15[%add3A_18, %parallel_loop3A_651], %parallel_loop3A_667 : memref<192x133xf32, #tpu.memory_space<vmem>>[vector<16xi32>, vector<16xi32>], vector<16xf32>,
          %parallel_loop3A_668 = arith.constant 2.000000e-01 : f32
          %parallel_loop3A_669 = vector.broadcast %parallel_loop3A_668 : f32 to vector<16xf32>
          %parallel_loop3A_670 = arith.mulf %parallel_loop3A_669, %parallel_loop3A_663 : vector<16xf32>
          %parallel_loop3A_671 = arith.maximumf %parallel_loop3A_663, %parallel_loop3A_670 : vector<16xf32>
          tpu.vector_store_idx %arg15[%add3A_34, %parallel_loop3A_651], %parallel_loop3A_671 : memref<192x133xf32, #tpu.memory_space<vmem>>[vector<16xi32>, vector<16xi32>], vector<16xf32>,
          %parallel_loop3A_672 = arith.index_cast %parallel_loop3A_648 : i32 to index
          %parallel_loop3A_673 = arith.constant 32 : index
          %parallel_loop3A_674 = tpu.vector_load %arg11[%parallel_loop3A_672, %parallel_loop3A_673] {strides = array<i32>} : memref<256x64xbf16, #tpu.memory_space<vmem>>, vector<32xbf16>,
          %parallel_loop3A_675 = tpu.unpack_subelements %parallel_loop3A_674, 0 {pack_format = #tpu.pack_format<interleaved>} : vector<32xbf16> -> vector<16xf32>
          %parallel_loop3A_676 = tpu.unpack_subelements %parallel_loop3A_674, 1 {pack_format = #tpu.pack_format<interleaved>} : vector<32xbf16> -> vector<16xf32>
          %parallel_loop3A_677 = arith.index_cast %parallel_loop3A_648 : i32 to index
          %parallel_loop3A_678 = arith.constant 32 : index
          %parallel_loop3A_679 = tpu.vector_load %arg13[%parallel_loop3A_677, %parallel_loop3A_678] {strides = array<i32>} : memref<256x64xbf16, #tpu.memory_space<vmem>>, vector<32xbf16>,
          %parallel_loop3A_680 = tpu.unpack_subelements %parallel_loop3A_679, 0 {pack_format = #tpu.pack_format<interleaved>} : vector<32xbf16> -> vector<16xf32>
          %parallel_loop3A_681 = tpu.unpack_subelements %parallel_loop3A_679, 1 {pack_format = #tpu.pack_format<interleaved>} : vector<32xbf16> -> vector<16xf32>
          %parallel_loop3A_682 = arith.addf %parallel_loop3A_675, %parallel_loop3A_680 : vector<16xf32>
          %parallel_loop3A_683 = arith.addf %parallel_loop3A_676, %parallel_loop3A_681 : vector<16xf32>
          %parallel_loop3A_684 = arith.constant 2.000000e-01 : f32
          %parallel_loop3A_685 = vector.broadcast %parallel_loop3A_684 : f32 to vector<16xf32>
          %parallel_loop3A_686 = arith.mulf %parallel_loop3A_685, %parallel_loop3A_682 : vector<16xf32>
          %parallel_loop3A_687 = arith.maximumf %parallel_loop3A_682, %parallel_loop3A_686 : vector<16xf32>
          tpu.vector_store_idx %arg15[%add3A_50, %parallel_loop3A_651], %parallel_loop3A_687 : memref<192x133xf32, #tpu.memory_space<vmem>>[vector<16xi32>, vector<16xi32>], vector<16xf32>,
          %parallel_loop3A_688 = arith.constant 2.000000e-01 : f32
          %parallel_loop3A_689 = vector.broadcast %parallel_loop3A_688 : f32 to vector<16xf32>
          %parallel_loop3A_690 = arith.mulf %parallel_loop3A_689, %parallel_loop3A_683 : vector<16xf32>
          %parallel_loop3A_691 = arith.maximumf %parallel_loop3A_683, %parallel_loop3A_690 : vector<16xf32>
          tpu.vector_store_idx %arg15[%add3A_66, %parallel_loop3A_651], %parallel_loop3A_691 : memref<192x133xf32, #tpu.memory_space<vmem>>[vector<16xi32>, vector<16xi32>], vector<16xf32>,
        } {sc.loop_unroll_factor = 4 : i64, sc.parallel_access}
        %parallel_loop3A_520 = arith.constant 128 : i32
        %parallel_loop3A_521 = arith.constant 256 : i32
        %parallel_loop3A_522 = arith.constant 1 : i32
        scf.for %parallel_loop3A_648 = %parallel_loop3A_520 to %parallel_loop3A_521 step %parallel_loop3A_522  : i32 {
          %parallel_loop3A_649 = arith.constant 128 : i32
          %parallel_loop3A_650 = arith.subi %parallel_loop3A_648, %parallel_loop3A_649 : i32
          %parallel_loop3A_651 = vector.broadcast %parallel_loop3A_650 : i32 to vector<16xi32>
          %parallel_loop3A_652 = arith.index_cast %parallel_loop3A_648 : i32 to index
          %parallel_loop3A_653 = arith.constant 0 : index
          %parallel_loop3A_654 = tpu.vector_load %arg11[%parallel_loop3A_652, %parallel_loop3A_653] {strides = array<i32>} : memref<256x64xbf16, #tpu.memory_space<vmem>>, vector<32xbf16>,
          %parallel_loop3A_655 = tpu.unpack_subelements %parallel_loop3A_654, 0 {pack_format = #tpu.pack_format<interleaved>} : vector<32xbf16> -> vector<16xf32>
          %parallel_loop3A_656 = tpu.unpack_subelements %parallel_loop3A_654, 1 {pack_format = #tpu.pack_format<interleaved>} : vector<32xbf16> -> vector<16xf32>
          %parallel_loop3A_657 = arith.index_cast %parallel_loop3A_648 : i32 to index
          %parallel_loop3A_658 = arith.constant 0 : index
          %parallel_loop3A_659 = tpu.vector_load %arg13[%parallel_loop3A_657, %parallel_loop3A_658] {strides = array<i32>} : memref<256x64xbf16, #tpu.memory_space<vmem>>, vector<32xbf16>,
          %parallel_loop3A_660 = tpu.unpack_subelements %parallel_loop3A_659, 0 {pack_format = #tpu.pack_format<interleaved>} : vector<32xbf16> -> vector<16xf32>
          %parallel_loop3A_661 = tpu.unpack_subelements %parallel_loop3A_659, 1 {pack_format = #tpu.pack_format<interleaved>} : vector<32xbf16> -> vector<16xf32>
          %parallel_loop3A_662 = arith.addf %parallel_loop3A_655, %parallel_loop3A_660 : vector<16xf32>
          %parallel_loop3A_663 = arith.addf %parallel_loop3A_656, %parallel_loop3A_661 : vector<16xf32>
          %parallel_loop3A_664 = arith.constant 2.000000e-01 : f32
          %parallel_loop3A_665 = vector.broadcast %parallel_loop3A_664 : f32 to vector<16xf32>
          %parallel_loop3A_666 = arith.mulf %parallel_loop3A_665, %parallel_loop3A_662 : vector<16xf32>
          %parallel_loop3A_667 = arith.maximumf %parallel_loop3A_662, %parallel_loop3A_666 : vector<16xf32>
          tpu.vector_store_idx %arg15[%add3A_82, %parallel_loop3A_651], %parallel_loop3A_667 : memref<192x133xf32, #tpu.memory_space<vmem>>[vector<16xi32>, vector<16xi32>], vector<16xf32>,
          %parallel_loop3A_668 = arith.constant 2.000000e-01 : f32
          %parallel_loop3A_669 = vector.broadcast %parallel_loop3A_668 : f32 to vector<16xf32>
          %parallel_loop3A_670 = arith.mulf %parallel_loop3A_669, %parallel_loop3A_663 : vector<16xf32>
          %parallel_loop3A_671 = arith.maximumf %parallel_loop3A_663, %parallel_loop3A_670 : vector<16xf32>
          tpu.vector_store_idx %arg15[%add3A_98, %parallel_loop3A_651], %parallel_loop3A_671 : memref<192x133xf32, #tpu.memory_space<vmem>>[vector<16xi32>, vector<16xi32>], vector<16xf32>,
          %parallel_loop3A_672 = arith.index_cast %parallel_loop3A_648 : i32 to index
          %parallel_loop3A_673 = arith.constant 32 : index
          %parallel_loop3A_674 = tpu.vector_load %arg11[%parallel_loop3A_672, %parallel_loop3A_673] {strides = array<i32>} : memref<256x64xbf16, #tpu.memory_space<vmem>>, vector<32xbf16>,
          %parallel_loop3A_675 = tpu.unpack_subelements %parallel_loop3A_674, 0 {pack_format = #tpu.pack_format<interleaved>} : vector<32xbf16> -> vector<16xf32>
          %parallel_loop3A_676 = tpu.unpack_subelements %parallel_loop3A_674, 1 {pack_format = #tpu.pack_format<interleaved>} : vector<32xbf16> -> vector<16xf32>
          %parallel_loop3A_677 = arith.index_cast %parallel_loop3A_648 : i32 to index
          %parallel_loop3A_678 = arith.constant 32 : index
          %parallel_loop3A_679 = tpu.vector_load %arg13[%parallel_loop3A_677, %parallel_loop3A_678] {strides = array<i32>} : memref<256x64xbf16, #tpu.memory_space<vmem>>, vector<32xbf16>,
          %parallel_loop3A_680 = tpu.unpack_subelements %parallel_loop3A_679, 0 {pack_format = #tpu.pack_format<interleaved>} : vector<32xbf16> -> vector<16xf32>
          %parallel_loop3A_681 = tpu.unpack_subelements %parallel_loop3A_679, 1 {pack_format = #tpu.pack_format<interleaved>} : vector<32xbf16> -> vector<16xf32>
          %parallel_loop3A_682 = arith.addf %parallel_loop3A_675, %parallel_loop3A_680 : vector<16xf32>
          %parallel_loop3A_683 = arith.addf %parallel_loop3A_676, %parallel_loop3A_681 : vector<16xf32>
          %parallel_loop3A_684 = arith.constant 2.000000e-01 : f32
          %parallel_loop3A_685 = vector.broadcast %parallel_loop3A_684 : f32 to vector<16xf32>
          %parallel_loop3A_686 = arith.mulf %parallel_loop3A_685, %parallel_loop3A_682 : vector<16xf32>
          %parallel_loop3A_687 = arith.maximumf %parallel_loop3A_682, %parallel_loop3A_686 : vector<16xf32>
          tpu.vector_store_idx %arg15[%add3A_114, %parallel_loop3A_651], %parallel_loop3A_687 : memref<192x133xf32, #tpu.memory_space<vmem>>[vector<16xi32>, vector<16xi32>], vector<16xf32>,
          %parallel_loop3A_688 = arith.constant 2.000000e-01 : f32
          %parallel_loop3A_689 = vector.broadcast %parallel_loop3A_688 : f32 to vector<16xf32>
          %parallel_loop3A_690 = arith.mulf %parallel_loop3A_689, %parallel_loop3A_683 : vector<16xf32>
          %parallel_loop3A_691 = arith.maximumf %parallel_loop3A_683, %parallel_loop3A_690 : vector<16xf32>
          tpu.vector_store_idx %arg15[%add3A_130, %parallel_loop3A_651], %parallel_loop3A_691 : memref<192x133xf32, #tpu.memory_space<vmem>>[vector<16xi32>, vector<16xi32>], vector<16xf32>,
        } {sc.loop_unroll_factor = 4 : i64, sc.parallel_access}
        %mul3A_523 = arith.constant 32 : i32
        %mul3A_524 = arith.muli %add3A_479, %mul3A_523 : i32
        %add3A_525 = arith.addi %add3A, %mul3A_524 : i32
        %mul3A_526 = arith.constant 2 : i32
        %mul3A_527 = arith.muli %add3A_525, %mul3A_526 : i32
        %mul3A_528 = arith.constant 8 : i32
        %mul3A_529 = arith.muli %mul3A_527, %mul3A_528 : i32
        %dma_start3A_530 = arith.constant 0 : i32
        %dma_start3A_531 = arith.constant 0 : i32
        %dma_start3A_532 = arith.constant 0 : i32
        %dma_start3A_533 = tpu.memref_slice %arg15[%dma_start3A_531, %dma_start3A_532] : memref<192x133xf32, #tpu.memory_space<vmem>> -> memref<16x128xf32, #tpu.memory_space<vmem>>
        %dma_start3A_534 = arith.constant 0 : i32
        %dma_start3A_535 = tpu.memref_slice %arg6[%dma_start3A_530, %mul3A_529, %dma_start3A_534] : memref<8x20000x128xf32, #tpu.memory_space<hbm>> -> memref<1x16x128xf32, #tpu.memory_space<hbm>>
        %dma_start3A_536 = tpu.memref_squeeze %dma_start3A_535 : memref<1x16x128xf32, #tpu.memory_space<hbm>> -> memref<16x128xf32, #tpu.memory_space<hbm>>
        %dma_start3A_537 = arith.constant 0 : i32
        %dma_start3A_538 = tpu.memref_slice %arg6[%dma_start3A_530, %mul3A_529, %dma_start3A_537] : memref<8x20000x128xf32, #tpu.memory_space<hbm>> -> memref<1x16x128xf32, #tpu.memory_space<hbm>>
        %dma_start3A_539 = tpu.memref_squeeze %dma_start3A_538 : memref<1x16x128xf32, #tpu.memory_space<hbm>> -> memref<16x128xf32, #tpu.memory_space<hbm>>
        %dma_start3A_540 = arith.constant 0 : i32
        %dma_start3A_541 = arith.constant 0 : i32
        %dma_start3A_542 = tpu.memref_slice %arg15[%dma_start3A_540, %dma_start3A_541] : memref<192x133xf32, #tpu.memory_space<vmem>> -> memref<16x128xf32, #tpu.memory_space<vmem>>
        tpu.enqueue_dma source(%dma_start3A_542 : memref<16x128xf32, #tpu.memory_space<vmem>>) target(%dma_start3A_539 : memref<16x128xf32, #tpu.memory_space<hbm>>) target_semaphore(%arg21 : memref<!tpu.dma_semaphore, #tpu.memory_space<semaphore_mem>>)
        %mul3A_543 = arith.constant 8 : i32
        %mul3A_544 = arith.muli %mul3A_527, %mul3A_543 : i32
        %dma_start3A_545 = arith.constant 1 : i32
        %dma_start3A_546 = arith.constant 24 : i32
        %dma_start3A_547 = arith.constant 0 : i32
        %dma_start3A_548 = tpu.memref_slice %arg15[%dma_start3A_546, %dma_start3A_547] : memref<192x133xf32, #tpu.memory_space<vmem>> -> memref<16x128xf32, #tpu.memory_space<vmem>>
        %dma_start3A_549 = arith.constant 0 : i32
        %dma_start3A_550 = tpu.memref_slice %arg6[%dma_start3A_545, %mul3A_544, %dma_start3A_549] : memref<8x20000x128xf32, #tpu.memory_space<hbm>> -> memref<1x16x128xf32, #tpu.memory_space<hbm>>
        %dma_start3A_551 = tpu.memref_squeeze %dma_start3A_550 : memref<1x16x128xf32, #tpu.memory_space<hbm>> -> memref<16x128xf32, #tpu.memory_space<hbm>>
        %dma_start3A_552 = arith.constant 0 : i32
        %dma_start3A_553 = tpu.memref_slice %arg6[%dma_start3A_545, %mul3A_544, %dma_start3A_552] : memref<8x20000x128xf32, #tpu.memory_space<hbm>> -> memref<1x16x128xf32, #tpu.memory_space<hbm>>
        %dma_start3A_554 = tpu.memref_squeeze %dma_start3A_553 : memref<1x16x128xf32, #tpu.memory_space<hbm>> -> memref<16x128xf32, #tpu.memory_space<hbm>>
        %dma_start3A_555 = arith.constant 24 : i32
        %dma_start3A_556 = arith.constant 0 : i32
        %dma_start3A_557 = tpu.memref_slice %arg15[%dma_start3A_555, %dma_start3A_556] : memref<192x133xf32, #tpu.memory_space<vmem>> -> memref<16x128xf32, #tpu.memory_space<vmem>>
        tpu.enqueue_dma source(%dma_start3A_557 : memref<16x128xf32, #tpu.memory_space<vmem>>) target(%dma_start3A_554 : memref<16x128xf32, #tpu.memory_space<hbm>>) target_semaphore(%arg21 : memref<!tpu.dma_semaphore, #tpu.memory_space<semaphore_mem>>)
        %mul3A_558 = arith.constant 8 : i32
        %mul3A_559 = arith.muli %mul3A_527, %mul3A_558 : i32
        %dma_start3A_560 = arith.constant 2 : i32
        %dma_start3A_561 = arith.constant 48 : i32
        %dma_start3A_562 = arith.constant 0 : i32
        %dma_start3A_563 = tpu.memref_slice %arg15[%dma_start3A_561, %dma_start3A_562] : memref<192x133xf32, #tpu.memory_space<vmem>> -> memref<16x128xf32, #tpu.memory_space<vmem>>
        %dma_start3A_564 = arith.constant 0 : i32
        %dma_start3A_565 = tpu.memref_slice %arg6[%dma_start3A_560, %mul3A_559, %dma_start3A_564] : memref<8x20000x128xf32, #tpu.memory_space<hbm>> -> memref<1x16x128xf32, #tpu.memory_space<hbm>>
        %dma_start3A_566 = tpu.memref_squeeze %dma_start3A_565 : memref<1x16x128xf32, #tpu.memory_space<hbm>> -> memref<16x128xf32, #tpu.memory_space<hbm>>
        %dma_start3A_567 = arith.constant 0 : i32
        %dma_start3A_568 = tpu.memref_slice %arg6[%dma_start3A_560, %mul3A_559, %dma_start3A_567] : memref<8x20000x128xf32, #tpu.memory_space<hbm>> -> memref<1x16x128xf32, #tpu.memory_space<hbm>>
        %dma_start3A_569 = tpu.memref_squeeze %dma_start3A_568 : memref<1x16x128xf32, #tpu.memory_space<hbm>> -> memref<16x128xf32, #tpu.memory_space<hbm>>
        %dma_start3A_570 = arith.constant 48 : i32
        %dma_start3A_571 = arith.constant 0 : i32
        %dma_start3A_572 = tpu.memref_slice %arg15[%dma_start3A_570, %dma_start3A_571] : memref<192x133xf32, #tpu.memory_space<vmem>> -> memref<16x128xf32, #tpu.memory_space<vmem>>
        tpu.enqueue_dma source(%dma_start3A_572 : memref<16x128xf32, #tpu.memory_space<vmem>>) target(%dma_start3A_569 : memref<16x128xf32, #tpu.memory_space<hbm>>) target_semaphore(%arg21 : memref<!tpu.dma_semaphore, #tpu.memory_space<semaphore_mem>>)
        %mul3A_573 = arith.constant 8 : i32
        %mul3A_574 = arith.muli %mul3A_527, %mul3A_573 : i32
        %dma_start3A_575 = arith.constant 3 : i32
        %dma_start3A_576 = arith.constant 72 : i32
        %dma_start3A_577 = arith.constant 0 : i32
        %dma_start3A_578 = tpu.memref_slice %arg15[%dma_start3A_576, %dma_start3A_577] : memref<192x133xf32, #tpu.memory_space<vmem>> -> memref<16x128xf32, #tpu.memory_space<vmem>>
        %dma_start3A_579 = arith.constant 0 : i32
        %dma_start3A_580 = tpu.memref_slice %arg6[%dma_start3A_575, %mul3A_574, %dma_start3A_579] : memref<8x20000x128xf32, #tpu.memory_space<hbm>> -> memref<1x16x128xf32, #tpu.memory_space<hbm>>
        %dma_start3A_581 = tpu.memref_squeeze %dma_start3A_580 : memref<1x16x128xf32, #tpu.memory_space<hbm>> -> memref<16x128xf32, #tpu.memory_space<hbm>>
        %dma_start3A_582 = arith.constant 0 : i32
        %dma_start3A_583 = tpu.memref_slice %arg6[%dma_start3A_575, %mul3A_574, %dma_start3A_582] : memref<8x20000x128xf32, #tpu.memory_space<hbm>> -> memref<1x16x128xf32, #tpu.memory_space<hbm>>
        %dma_start3A_584 = tpu.memref_squeeze %dma_start3A_583 : memref<1x16x128xf32, #tpu.memory_space<hbm>> -> memref<16x128xf32, #tpu.memory_space<hbm>>
        %dma_start3A_585 = arith.constant 72 : i32
        %dma_start3A_586 = arith.constant 0 : i32
        %dma_start3A_587 = tpu.memref_slice %arg15[%dma_start3A_585, %dma_start3A_586] : memref<192x133xf32, #tpu.memory_space<vmem>> -> memref<16x128xf32, #tpu.memory_space<vmem>>
        tpu.enqueue_dma source(%dma_start3A_587 : memref<16x128xf32, #tpu.memory_space<vmem>>) target(%dma_start3A_584 : memref<16x128xf32, #tpu.memory_space<hbm>>) target_semaphore(%arg21 : memref<!tpu.dma_semaphore, #tpu.memory_space<semaphore_mem>>)
        %mul3A_588 = arith.constant 8 : i32
        %mul3A_589 = arith.muli %mul3A_527, %mul3A_588 : i32
        %dma_start3A_590 = arith.constant 4 : i32
        %dma_start3A_591 = arith.constant 96 : i32
        %dma_start3A_592 = arith.constant 0 : i32
        %dma_start3A_593 = tpu.memref_slice %arg15[%dma_start3A_591, %dma_start3A_592] : memref<192x133xf32, #tpu.memory_space<vmem>> -> memref<16x128xf32, #tpu.memory_space<vmem>>
        %dma_start3A_594 = arith.constant 0 : i32
        %dma_start3A_595 = tpu.memref_slice %arg6[%dma_start3A_590, %mul3A_589, %dma_start3A_594] : memref<8x20000x128xf32, #tpu.memory_space<hbm>> -> memref<1x16x128xf32, #tpu.memory_space<hbm>>
        %dma_start3A_596 = tpu.memref_squeeze %dma_start3A_595 : memref<1x16x128xf32, #tpu.memory_space<hbm>> -> memref<16x128xf32, #tpu.memory_space<hbm>>
        %dma_start3A_597 = arith.constant 0 : i32
        %dma_start3A_598 = tpu.memref_slice %arg6[%dma_start3A_590, %mul3A_589, %dma_start3A_597] : memref<8x20000x128xf32, #tpu.memory_space<hbm>> -> memref<1x16x128xf32, #tpu.memory_space<hbm>>
        %dma_start3A_599 = tpu.memref_squeeze %dma_start3A_598 : memref<1x16x128xf32, #tpu.memory_space<hbm>> -> memref<16x128xf32, #tpu.memory_space<hbm>>
        %dma_start3A_600 = arith.constant 96 : i32
        %dma_start3A_601 = arith.constant 0 : i32
        %dma_start3A_602 = tpu.memref_slice %arg15[%dma_start3A_600, %dma_start3A_601] : memref<192x133xf32, #tpu.memory_space<vmem>> -> memref<16x128xf32, #tpu.memory_space<vmem>>
        tpu.enqueue_dma source(%dma_start3A_602 : memref<16x128xf32, #tpu.memory_space<vmem>>) target(%dma_start3A_599 : memref<16x128xf32, #tpu.memory_space<hbm>>) target_semaphore(%arg21 : memref<!tpu.dma_semaphore, #tpu.memory_space<semaphore_mem>>)
        %mul3A_603 = arith.constant 8 : i32
        %mul3A_604 = arith.muli %mul3A_527, %mul3A_603 : i32
        %dma_start3A_605 = arith.constant 5 : i32
        %dma_start3A_606 = arith.constant 120 : i32
        %dma_start3A_607 = arith.constant 0 : i32
        %dma_start3A_608 = tpu.memref_slice %arg15[%dma_start3A_606, %dma_start3A_607] : memref<192x133xf32, #tpu.memory_space<vmem>> -> memref<16x128xf32, #tpu.memory_space<vmem>>
        %dma_start3A_609 = arith.constant 0 : i32
        %dma_start3A_610 = tpu.memref_slice %arg6[%dma_start3A_605, %mul3A_604, %dma_start3A_609] : memref<8x20000x128xf32, #tpu.memory_space<hbm>> -> memref<1x16x128xf32, #tpu.memory_space<hbm>>
        %dma_start3A_611 = tpu.memref_squeeze %dma_start3A_610 : memref<1x16x128xf32, #tpu.memory_space<hbm>> -> memref<16x128xf32, #tpu.memory_space<hbm>>
        %dma_start3A_612 = arith.constant 0 : i32
        %dma_start3A_613 = tpu.memref_slice %arg6[%dma_start3A_605, %mul3A_604, %dma_start3A_612] : memref<8x20000x128xf32, #tpu.memory_space<hbm>> -> memref<1x16x128xf32, #tpu.memory_space<hbm>>
        %dma_start3A_614 = tpu.memref_squeeze %dma_start3A_613 : memref<1x16x128xf32, #tpu.memory_space<hbm>> -> memref<16x128xf32, #tpu.memory_space<hbm>>
        %dma_start3A_615 = arith.constant 120 : i32
        %dma_start3A_616 = arith.constant 0 : i32
        %dma_start3A_617 = tpu.memref_slice %arg15[%dma_start3A_615, %dma_start3A_616] : memref<192x133xf32, #tpu.memory_space<vmem>> -> memref<16x128xf32, #tpu.memory_space<vmem>>
        tpu.enqueue_dma source(%dma_start3A_617 : memref<16x128xf32, #tpu.memory_space<vmem>>) target(%dma_start3A_614 : memref<16x128xf32, #tpu.memory_space<hbm>>) target_semaphore(%arg21 : memref<!tpu.dma_semaphore, #tpu.memory_space<semaphore_mem>>)
        %mul3A_618 = arith.constant 8 : i32
        %mul3A_619 = arith.muli %mul3A_527, %mul3A_618 : i32
        %dma_start3A_620 = arith.constant 6 : i32
        %dma_start3A_621 = arith.constant 144 : i32
        %dma_start3A_622 = arith.constant 0 : i32
        %dma_start3A_623 = tpu.memref_slice %arg15[%dma_start3A_621, %dma_start3A_622] : memref<192x133xf32, #tpu.memory_space<vmem>> -> memref<16x128xf32, #tpu.memory_space<vmem>>
        %dma_start3A_624 = arith.constant 0 : i32
        %dma_start3A_625 = tpu.memref_slice %arg6[%dma_start3A_620, %mul3A_619, %dma_start3A_624] : memref<8x20000x128xf32, #tpu.memory_space<hbm>> -> memref<1x16x128xf32, #tpu.memory_space<hbm>>
        %dma_start3A_626 = tpu.memref_squeeze %dma_start3A_625 : memref<1x16x128xf32, #tpu.memory_space<hbm>> -> memref<16x128xf32, #tpu.memory_space<hbm>>
        %dma_start3A_627 = arith.constant 0 : i32
        %dma_start3A_628 = tpu.memref_slice %arg6[%dma_start3A_620, %mul3A_619, %dma_start3A_627] : memref<8x20000x128xf32, #tpu.memory_space<hbm>> -> memref<1x16x128xf32, #tpu.memory_space<hbm>>
        %dma_start3A_629 = tpu.memref_squeeze %dma_start3A_628 : memref<1x16x128xf32, #tpu.memory_space<hbm>> -> memref<16x128xf32, #tpu.memory_space<hbm>>
        %dma_start3A_630 = arith.constant 144 : i32
        %dma_start3A_631 = arith.constant 0 : i32
        %dma_start3A_632 = tpu.memref_slice %arg15[%dma_start3A_630, %dma_start3A_631] : memref<192x133xf32, #tpu.memory_space<vmem>> -> memref<16x128xf32, #tpu.memory_space<vmem>>
        tpu.enqueue_dma source(%dma_start3A_632 : memref<16x128xf32, #tpu.memory_space<vmem>>) target(%dma_start3A_629 : memref<16x128xf32, #tpu.memory_space<hbm>>) target_semaphore(%arg21 : memref<!tpu.dma_semaphore, #tpu.memory_space<semaphore_mem>>)
        %mul3A_633 = arith.constant 8 : i32
        %mul3A_634 = arith.muli %mul3A_527, %mul3A_633 : i32
        %dma_start3A_635 = arith.constant 7 : i32
        %dma_start3A_636 = arith.constant 168 : i32
        %dma_start3A_637 = arith.constant 0 : i32
        %dma_start3A_638 = tpu.memref_slice %arg15[%dma_start3A_636, %dma_start3A_637] : memref<192x133xf32, #tpu.memory_space<vmem>> -> memref<16x128xf32, #tpu.memory_space<vmem>>
        %dma_start3A_639 = arith.constant 0 : i32
        %dma_start3A_640 = tpu.memref_slice %arg6[%dma_start3A_635, %mul3A_634, %dma_start3A_639] : memref<8x20000x128xf32, #tpu.memory_space<hbm>> -> memref<1x16x128xf32, #tpu.memory_space<hbm>>
        %dma_start3A_641 = tpu.memref_squeeze %dma_start3A_640 : memref<1x16x128xf32, #tpu.memory_space<hbm>> -> memref<16x128xf32, #tpu.memory_space<hbm>>
        %dma_start3A_642 = arith.constant 0 : i32
        %dma_start3A_643 = tpu.memref_slice %arg6[%dma_start3A_635, %mul3A_634, %dma_start3A_642] : memref<8x20000x128xf32, #tpu.memory_space<hbm>> -> memref<1x16x128xf32, #tpu.memory_space<hbm>>
        %dma_start3A_644 = tpu.memref_squeeze %dma_start3A_643 : memref<1x16x128xf32, #tpu.memory_space<hbm>> -> memref<16x128xf32, #tpu.memory_space<hbm>>
        %dma_start3A_645 = arith.constant 168 : i32
        %dma_start3A_646 = arith.constant 0 : i32
        %dma_start3A_647 = tpu.memref_slice %arg15[%dma_start3A_645, %dma_start3A_646] : memref<192x133xf32, #tpu.memory_space<vmem>> -> memref<16x128xf32, #tpu.memory_space<vmem>>
        tpu.enqueue_dma source(%dma_start3A_647 : memref<16x128xf32, #tpu.memory_space<vmem>>) target(%dma_start3A_644 : memref<16x128xf32, #tpu.memory_space<hbm>>) target_semaphore(%arg21 : memref<!tpu.dma_semaphore, #tpu.memory_space<semaphore_mem>>)
      } else {
      }
      %mul3A_482 = arith.constant 2 : i32
      %mul3A_483 = arith.muli %while3A_475, %mul3A_482 : i32
      %add3A_484 = arith.constant 1 : i32
      %add3A_485 = arith.addi %mul3A_483, %add3A_484 : i32
      %lt3A_486 = arith.cmpi slt, %add3A_485, %add3A_4 : i32
      %convert_element_type3A_487 = arith.extui %lt3A_486 : i1 to i32
      %cond3A_488 = arith.constant 0 : i32
      %cond3A_489 = arith.cmpi ne, %convert_element_type3A_487, %cond3A_488 : i32
      scf.if %cond3A_489 {
        %add3A_490 = arith.constant 1 : i32
        %add3A_491 = arith.addi %add3A_485, %add3A_490 : i32
        %lt3A_492 = arith.cmpi slt, %add3A_491, %add3A_4 : i32
        %convert_element_type3A_493 = arith.extui %lt3A_492 : i1 to i32
        %cond3A_494 = arith.constant 0 : i32
        %cond3A_495 = arith.cmpi ne, %convert_element_type3A_493, %cond3A_494 : i32
        scf.if %cond3A_495 {
          %dma_wait3A_648 = arith.constant 0 : i32
          %dma_wait3A_649 = arith.constant 0 : i32
          %dma_wait3A_650 = tpu.memref_slice %arg4[%dma_wait3A_648, %dma_wait3A_649] : memref<2500x128xi32, #tpu.memory_space<hbm>> -> memref<2x128xi32, #tpu.memory_space<hbm>>
          %dma_wait3A_651 = arith.constant 0 : i32
          %dma_wait3A_652 = arith.constant 0 : i32
          %dma_wait3A_653 = tpu.memref_slice %arg4[%dma_wait3A_651, %dma_wait3A_652] : memref<2500x128xi32, #tpu.memory_space<hbm>> -> memref<2x128xi32, #tpu.memory_space<hbm>>
          tpu.wait_dma2 semaphore(%arg17 : memref<!tpu.dma_semaphore, #tpu.memory_space<semaphore_mem>>) src(%dma_wait3A_653 : memref<2x128xi32, #tpu.memory_space<hbm>>) dst(%arg7 : memref<2x128xi32, #tpu.memory_space<vmem>>)
          %dma_wait3A_654 = arith.constant 0 : i32
          %dma_wait3A_655 = arith.constant 0 : i32
          %dma_wait3A_656 = tpu.memref_slice %arg5[%dma_wait3A_654, %dma_wait3A_655] : memref<2500x128xi32, #tpu.memory_space<hbm>> -> memref<2x128xi32, #tpu.memory_space<hbm>>
          %dma_wait3A_657 = arith.constant 0 : i32
          %dma_wait3A_658 = arith.constant 0 : i32
          %dma_wait3A_659 = tpu.memref_slice %arg5[%dma_wait3A_657, %dma_wait3A_658] : memref<2500x128xi32, #tpu.memory_space<hbm>> -> memref<2x128xi32, #tpu.memory_space<hbm>>
          tpu.wait_dma2 semaphore(%arg17 : memref<!tpu.dma_semaphore, #tpu.memory_space<semaphore_mem>>) src(%dma_wait3A_659 : memref<2x128xi32, #tpu.memory_space<hbm>>) dst(%arg9 : memref<2x128xi32, #tpu.memory_space<vmem>>)
          %dma_start3A_660 = arith.constant 0 : i32
          %dma_start3A_661 = arith.constant 0 : i32
          %dma_start3A_662 = arith.constant 0 : i32
          %dma_start3A_663 = tpu.memref_slice %arg11[%dma_start3A_661, %dma_start3A_662] : memref<256x64xbf16, #tpu.memory_space<vmem>> -> memref<128x64xbf16, #tpu.memory_space<vmem>>
          %dma_start3A_664 = arith.constant 0 : i32
          %dma_start3A_665 = tpu.memref_slice %arg7[%dma_start3A_660, %dma_start3A_664] : memref<2x128xi32, #tpu.memory_space<vmem>> -> memref<1x128xi32, #tpu.memory_space<vmem>>
          %dma_start3A_666 = tpu.memref_squeeze %dma_start3A_665 : memref<1x128xi32, #tpu.memory_space<vmem>> -> memref<128xi32, #tpu.memory_space<vmem>>
          %dma_start3A_667 = arith.constant 0 : i32
          %dma_start3A_668 = arith.constant 0 : i32
          %dma_start3A_669 = tpu.memref_slice %arg2[%dma_start3A_667, %dma_start3A_668] : memref<10000x64xbf16, #tpu.memory_space<hbm>> -> memref<10000x64xbf16, #tpu.memory_space<hbm>>
          tpu.enqueue_indirect_dma source(%dma_start3A_669 : memref<10000x64xbf16, #tpu.memory_space<hbm>>) target(%dma_start3A_663 : memref<128x64xbf16, #tpu.memory_space<vmem>>) offsets(%dma_start3A_666 : memref<128xi32, #tpu.memory_space<vmem>>) semaphore(%arg19 : memref<!tpu.dma_semaphore, #tpu.memory_space<semaphore_mem>>)
          %dma_start3A_670 = arith.constant 0 : i32
          %dma_start3A_671 = arith.constant 0 : i32
          %dma_start3A_672 = arith.constant 0 : i32
          %dma_start3A_673 = tpu.memref_slice %arg13[%dma_start3A_671, %dma_start3A_672] : memref<256x64xbf16, #tpu.memory_space<vmem>> -> memref<128x64xbf16, #tpu.memory_space<vmem>>
          %dma_start3A_674 = arith.constant 0 : i32
          %dma_start3A_675 = tpu.memref_slice %arg9[%dma_start3A_670, %dma_start3A_674] : memref<2x128xi32, #tpu.memory_space<vmem>> -> memref<1x128xi32, #tpu.memory_space<vmem>>
          %dma_start3A_676 = tpu.memref_squeeze %dma_start3A_675 : memref<1x128xi32, #tpu.memory_space<vmem>> -> memref<128xi32, #tpu.memory_space<vmem>>
          %dma_start3A_677 = arith.constant 0 : i32
          %dma_start3A_678 = arith.constant 0 : i32
          %dma_start3A_679 = tpu.memref_slice %arg3[%dma_start3A_677, %dma_start3A_678] : memref<10000x64xbf16, #tpu.memory_space<hbm>> -> memref<10000x64xbf16, #tpu.memory_space<hbm>>
          tpu.enqueue_indirect_dma source(%dma_start3A_679 : memref<10000x64xbf16, #tpu.memory_space<hbm>>) target(%dma_start3A_673 : memref<128x64xbf16, #tpu.memory_space<vmem>>) offsets(%dma_start3A_676 : memref<128xi32, #tpu.memory_space<vmem>>) semaphore(%arg19 : memref<!tpu.dma_semaphore, #tpu.memory_space<semaphore_mem>>)
          %dma_start3A_680 = arith.constant 1 : i32
          %dma_start3A_681 = arith.constant 128 : i32
          %dma_start3A_682 = arith.constant 0 : i32
          %dma_start3A_683 = tpu.memref_slice %arg11[%dma_start3A_681, %dma_start3A_682] : memref<256x64xbf16, #tpu.memory_space<vmem>> -> memref<128x64xbf16, #tpu.memory_space<vmem>>
          %dma_start3A_684 = arith.constant 0 : i32
          %dma_start3A_685 = tpu.memref_slice %arg7[%dma_start3A_680, %dma_start3A_684] : memref<2x128xi32, #tpu.memory_space<vmem>> -> memref<1x128xi32, #tpu.memory_space<vmem>>
          %dma_start3A_686 = tpu.memref_squeeze %dma_start3A_685 : memref<1x128xi32, #tpu.memory_space<vmem>> -> memref<128xi32, #tpu.memory_space<vmem>>
          %dma_start3A_687 = arith.constant 0 : i32
          %dma_start3A_688 = arith.constant 0 : i32
          %dma_start3A_689 = tpu.memref_slice %arg2[%dma_start3A_687, %dma_start3A_688] : memref<10000x64xbf16, #tpu.memory_space<hbm>> -> memref<10000x64xbf16, #tpu.memory_space<hbm>>
          tpu.enqueue_indirect_dma source(%dma_start3A_689 : memref<10000x64xbf16, #tpu.memory_space<hbm>>) target(%dma_start3A_683 : memref<128x64xbf16, #tpu.memory_space<vmem>>) offsets(%dma_start3A_686 : memref<128xi32, #tpu.memory_space<vmem>>) semaphore(%arg19 : memref<!tpu.dma_semaphore, #tpu.memory_space<semaphore_mem>>)
          %dma_start3A_690 = arith.constant 1 : i32
          %dma_start3A_691 = arith.constant 128 : i32
          %dma_start3A_692 = arith.constant 0 : i32
          %dma_start3A_693 = tpu.memref_slice %arg13[%dma_start3A_691, %dma_start3A_692] : memref<256x64xbf16, #tpu.memory_space<vmem>> -> memref<128x64xbf16, #tpu.memory_space<vmem>>
          %dma_start3A_694 = arith.constant 0 : i32
          %dma_start3A_695 = tpu.memref_slice %arg9[%dma_start3A_690, %dma_start3A_694] : memref<2x128xi32, #tpu.memory_space<vmem>> -> memref<1x128xi32, #tpu.memory_space<vmem>>
          %dma_start3A_696 = tpu.memref_squeeze %dma_start3A_695 : memref<1x128xi32, #tpu.memory_space<vmem>> -> memref<128xi32, #tpu.memory_space<vmem>>
          %dma_start3A_697 = arith.constant 0 : i32
          %dma_start3A_698 = arith.constant 0 : i32
          %dma_start3A_699 = tpu.memref_slice %arg3[%dma_start3A_697, %dma_start3A_698] : memref<10000x64xbf16, #tpu.memory_space<hbm>> -> memref<10000x64xbf16, #tpu.memory_space<hbm>>
          tpu.enqueue_indirect_dma source(%dma_start3A_699 : memref<10000x64xbf16, #tpu.memory_space<hbm>>) target(%dma_start3A_693 : memref<128x64xbf16, #tpu.memory_space<vmem>>) offsets(%dma_start3A_696 : memref<128xi32, #tpu.memory_space<vmem>>) semaphore(%arg19 : memref<!tpu.dma_semaphore, #tpu.memory_space<semaphore_mem>>)
        } else {
        }
        %dma_wait3A_496 = arith.constant 0 : i32
        %dma_wait3A_497 = arith.constant 0 : i32
        %dma_wait3A_498 = tpu.memref_slice %arg2[%dma_wait3A_496, %dma_wait3A_497] : memref<10000x64xbf16, #tpu.memory_space<hbm>> -> memref<256x64xbf16, #tpu.memory_space<hbm>>
        %dma_wait3A_499 = arith.constant 0 : i32
        %dma_wait3A_500 = arith.constant 0 : i32
        %dma_wait3A_501 = tpu.memref_slice %arg2[%dma_wait3A_499, %dma_wait3A_500] : memref<10000x64xbf16, #tpu.memory_space<hbm>> -> memref<256x64xbf16, #tpu.memory_space<hbm>>
        tpu.wait_dma2 semaphore(%arg20 : memref<!tpu.dma_semaphore, #tpu.memory_space<semaphore_mem>>) src(%dma_wait3A_501 : memref<256x64xbf16, #tpu.memory_space<hbm>>) dst(%arg12 : memref<256x64xbf16, #tpu.memory_space<vmem>>)
        %dma_wait3A_502 = arith.constant 0 : i32
        %dma_wait3A_503 = arith.constant 0 : i32
        %dma_wait3A_504 = tpu.memref_slice %arg3[%dma_wait3A_502, %dma_wait3A_503] : memref<10000x64xbf16, #tpu.memory_space<hbm>> -> memref<256x64xbf16, #tpu.memory_space<hbm>>
        %dma_wait3A_505 = arith.constant 0 : i32
        %dma_wait3A_506 = arith.constant 0 : i32
        %dma_wait3A_507 = tpu.memref_slice %arg3[%dma_wait3A_505, %dma_wait3A_506] : memref<10000x64xbf16, #tpu.memory_space<hbm>> -> memref<256x64xbf16, #tpu.memory_space<hbm>>
        tpu.wait_dma2 semaphore(%arg20 : memref<!tpu.dma_semaphore, #tpu.memory_space<semaphore_mem>>) src(%dma_wait3A_507 : memref<256x64xbf16, #tpu.memory_space<hbm>>) dst(%arg14 : memref<256x64xbf16, #tpu.memory_space<vmem>>)
        %add3A_508 = arith.constant 2 : i32
        %add3A_509 = arith.addi %add3A_485, %add3A_508 : i32
        %lt3A_510 = arith.cmpi slt, %add3A_509, %add3A_4 : i32
        %convert_element_type3A_511 = arith.extui %lt3A_510 : i1 to i32
        %cond3A_512 = arith.constant 0 : i32
        %cond3A_513 = arith.cmpi ne, %convert_element_type3A_511, %cond3A_512 : i32
        scf.if %cond3A_513 {
          %add3A_648 = arith.constant 2 : i32
          %add3A_649 = arith.addi %add3A_485, %add3A_648 : i32
          %mul3A_650 = arith.constant 32 : i32
          %mul3A_651 = arith.muli %add3A_649, %mul3A_650 : i32
          %add3A_652 = arith.addi %add3A, %mul3A_651 : i32
          %mul3A_653 = arith.constant 2 : i32
          %mul3A_654 = arith.muli %add3A_652, %mul3A_653 : i32
          %dma_start3A_655 = arith.constant 0 : i32
          %dma_start3A_656 = tpu.memref_slice %arg4[%mul3A_654, %dma_start3A_655] : memref<2500x128xi32, #tpu.memory_space<hbm>> -> memref<2x128xi32, #tpu.memory_space<hbm>>
          %dma_start3A_657 = arith.constant 0 : i32
          %dma_start3A_658 = tpu.memref_slice %arg4[%mul3A_654, %dma_start3A_657] : memref<2500x128xi32, #tpu.memory_space<hbm>> -> memref<2x128xi32, #tpu.memory_space<hbm>>
          tpu.enqueue_dma source(%dma_start3A_658 : memref<2x128xi32, #tpu.memory_space<hbm>>) target(%arg8 : memref<2x128xi32, #tpu.memory_space<vmem>>) target_semaphore(%arg18 : memref<!tpu.dma_semaphore, #tpu.memory_space<semaphore_mem>>)
          %dma_start3A_659 = arith.constant 0 : i32
          %dma_start3A_660 = tpu.memref_slice %arg5[%mul3A_654, %dma_start3A_659] : memref<2500x128xi32, #tpu.memory_space<hbm>> -> memref<2x128xi32, #tpu.memory_space<hbm>>
          %dma_start3A_661 = arith.constant 0 : i32
          %dma_start3A_662 = tpu.memref_slice %arg5[%mul3A_654, %dma_start3A_661] : memref<2500x128xi32, #tpu.memory_space<hbm>> -> memref<2x128xi32, #tpu.memory_space<hbm>>
          tpu.enqueue_dma source(%dma_start3A_662 : memref<2x128xi32, #tpu.memory_space<hbm>>) target(%arg10 : memref<2x128xi32, #tpu.memory_space<vmem>>) target_semaphore(%arg18 : memref<!tpu.dma_semaphore, #tpu.memory_space<semaphore_mem>>)
        } else {
        }
        %ge3A = arith.constant 2 : i32
        %ge3A_514 = arith.cmpi sge, %add3A_485, %ge3A : i32
        %convert_element_type3A_515 = arith.extui %ge3A_514 : i1 to i32
        %cond3A_516 = arith.constant 0 : i32
        %cond3A_517 = arith.cmpi ne, %convert_element_type3A_515, %cond3A_516 : i32
        scf.if %cond3A_517 {
          %dma_wait3A_648 = arith.constant 0 : i32
          %dma_wait3A_649 = arith.constant 0 : i32
          %dma_wait3A_650 = arith.constant 0 : i32
          %dma_wait3A_651 = tpu.memref_slice %arg16[%dma_wait3A_649, %dma_wait3A_650] : memref<192x133xf32, #tpu.memory_space<vmem>> -> memref<16x128xf32, #tpu.memory_space<vmem>>
          %dma_wait3A_652 = arith.constant 0 : i32
          %dma_wait3A_653 = arith.constant 0 : i32
          %dma_wait3A_654 = tpu.memref_slice %arg6[%dma_wait3A_648, %dma_wait3A_652, %dma_wait3A_653] : memref<8x20000x128xf32, #tpu.memory_space<hbm>> -> memref<1x16x128xf32, #tpu.memory_space<hbm>>
          %dma_wait3A_655 = tpu.memref_squeeze %dma_wait3A_654 : memref<1x16x128xf32, #tpu.memory_space<hbm>> -> memref<16x128xf32, #tpu.memory_space<hbm>>
          %dma_wait3A_656 = arith.constant 0 : i32
          %dma_wait3A_657 = arith.constant 0 : i32
          %dma_wait3A_658 = tpu.memref_slice %arg6[%dma_wait3A_648, %dma_wait3A_656, %dma_wait3A_657] : memref<8x20000x128xf32, #tpu.memory_space<hbm>> -> memref<1x16x128xf32, #tpu.memory_space<hbm>>
          %dma_wait3A_659 = tpu.memref_squeeze %dma_wait3A_658 : memref<1x16x128xf32, #tpu.memory_space<hbm>> -> memref<16x128xf32, #tpu.memory_space<hbm>>
          %dma_wait3A_660 = arith.constant 0 : i32
          %dma_wait3A_661 = arith.constant 0 : i32
          %dma_wait3A_662 = tpu.memref_slice %arg16[%dma_wait3A_660, %dma_wait3A_661] : memref<192x133xf32, #tpu.memory_space<vmem>> -> memref<16x128xf32, #tpu.memory_space<vmem>>
          tpu.wait_dma2 semaphore(%arg22 : memref<!tpu.dma_semaphore, #tpu.memory_space<semaphore_mem>>) src(%dma_wait3A_662 : memref<16x128xf32, #tpu.memory_space<vmem>>) dst(%dma_wait3A_659 : memref<16x128xf32, #tpu.memory_space<hbm>>)
          %dma_wait3A_663 = arith.constant 1 : i32
          %dma_wait3A_664 = arith.constant 24 : i32
          %dma_wait3A_665 = arith.constant 0 : i32
          %dma_wait3A_666 = tpu.memref_slice %arg16[%dma_wait3A_664, %dma_wait3A_665] : memref<192x133xf32, #tpu.memory_space<vmem>> -> memref<16x128xf32, #tpu.memory_space<vmem>>
          %dma_wait3A_667 = arith.constant 0 : i32
          %dma_wait3A_668 = arith.constant 0 : i32
          %dma_wait3A_669 = tpu.memref_slice %arg6[%dma_wait3A_663, %dma_wait3A_667, %dma_wait3A_668] : memref<8x20000x128xf32, #tpu.memory_space<hbm>> -> memref<1x16x128xf32, #tpu.memory_space<hbm>>
          %dma_wait3A_670 = tpu.memref_squeeze %dma_wait3A_669 : memref<1x16x128xf32, #tpu.memory_space<hbm>> -> memref<16x128xf32, #tpu.memory_space<hbm>>
          %dma_wait3A_671 = arith.constant 0 : i32
          %dma_wait3A_672 = arith.constant 0 : i32
          %dma_wait3A_673 = tpu.memref_slice %arg6[%dma_wait3A_663, %dma_wait3A_671, %dma_wait3A_672] : memref<8x20000x128xf32, #tpu.memory_space<hbm>> -> memref<1x16x128xf32, #tpu.memory_space<hbm>>
          %dma_wait3A_674 = tpu.memref_squeeze %dma_wait3A_673 : memref<1x16x128xf32, #tpu.memory_space<hbm>> -> memref<16x128xf32, #tpu.memory_space<hbm>>
          %dma_wait3A_675 = arith.constant 24 : i32
          %dma_wait3A_676 = arith.constant 0 : i32
          %dma_wait3A_677 = tpu.memref_slice %arg16[%dma_wait3A_675, %dma_wait3A_676] : memref<192x133xf32, #tpu.memory_space<vmem>> -> memref<16x128xf32, #tpu.memory_space<vmem>>
          tpu.wait_dma2 semaphore(%arg22 : memref<!tpu.dma_semaphore, #tpu.memory_space<semaphore_mem>>) src(%dma_wait3A_677 : memref<16x128xf32, #tpu.memory_space<vmem>>) dst(%dma_wait3A_674 : memref<16x128xf32, #tpu.memory_space<hbm>>)
          %dma_wait3A_678 = arith.constant 2 : i32
          %dma_wait3A_679 = arith.constant 48 : i32
          %dma_wait3A_680 = arith.constant 0 : i32
          %dma_wait3A_681 = tpu.memref_slice %arg16[%dma_wait3A_679, %dma_wait3A_680] : memref<192x133xf32, #tpu.memory_space<vmem>> -> memref<16x128xf32, #tpu.memory_space<vmem>>
          %dma_wait3A_682 = arith.constant 0 : i32
          %dma_wait3A_683 = arith.constant 0 : i32
          %dma_wait3A_684 = tpu.memref_slice %arg6[%dma_wait3A_678, %dma_wait3A_682, %dma_wait3A_683] : memref<8x20000x128xf32, #tpu.memory_space<hbm>> -> memref<1x16x128xf32, #tpu.memory_space<hbm>>
          %dma_wait3A_685 = tpu.memref_squeeze %dma_wait3A_684 : memref<1x16x128xf32, #tpu.memory_space<hbm>> -> memref<16x128xf32, #tpu.memory_space<hbm>>
          %dma_wait3A_686 = arith.constant 0 : i32
          %dma_wait3A_687 = arith.constant 0 : i32
          %dma_wait3A_688 = tpu.memref_slice %arg6[%dma_wait3A_678, %dma_wait3A_686, %dma_wait3A_687] : memref<8x20000x128xf32, #tpu.memory_space<hbm>> -> memref<1x16x128xf32, #tpu.memory_space<hbm>>
          %dma_wait3A_689 = tpu.memref_squeeze %dma_wait3A_688 : memref<1x16x128xf32, #tpu.memory_space<hbm>> -> memref<16x128xf32, #tpu.memory_space<hbm>>
          %dma_wait3A_690 = arith.constant 48 : i32
          %dma_wait3A_691 = arith.constant 0 : i32
          %dma_wait3A_692 = tpu.memref_slice %arg16[%dma_wait3A_690, %dma_wait3A_691] : memref<192x133xf32, #tpu.memory_space<vmem>> -> memref<16x128xf32, #tpu.memory_space<vmem>>
          tpu.wait_dma2 semaphore(%arg22 : memref<!tpu.dma_semaphore, #tpu.memory_space<semaphore_mem>>) src(%dma_wait3A_692 : memref<16x128xf32, #tpu.memory_space<vmem>>) dst(%dma_wait3A_689 : memref<16x128xf32, #tpu.memory_space<hbm>>)
          %dma_wait3A_693 = arith.constant 3 : i32
          %dma_wait3A_694 = arith.constant 72 : i32
          %dma_wait3A_695 = arith.constant 0 : i32
          %dma_wait3A_696 = tpu.memref_slice %arg16[%dma_wait3A_694, %dma_wait3A_695] : memref<192x133xf32, #tpu.memory_space<vmem>> -> memref<16x128xf32, #tpu.memory_space<vmem>>
          %dma_wait3A_697 = arith.constant 0 : i32
          %dma_wait3A_698 = arith.constant 0 : i32
          %dma_wait3A_699 = tpu.memref_slice %arg6[%dma_wait3A_693, %dma_wait3A_697, %dma_wait3A_698] : memref<8x20000x128xf32, #tpu.memory_space<hbm>> -> memref<1x16x128xf32, #tpu.memory_space<hbm>>
          %dma_wait3A_700 = tpu.memref_squeeze %dma_wait3A_699 : memref<1x16x128xf32, #tpu.memory_space<hbm>> -> memref<16x128xf32, #tpu.memory_space<hbm>>
          %dma_wait3A_701 = arith.constant 0 : i32
          %dma_wait3A_702 = arith.constant 0 : i32
          %dma_wait3A_703 = tpu.memref_slice %arg6[%dma_wait3A_693, %dma_wait3A_701, %dma_wait3A_702] : memref<8x20000x128xf32, #tpu.memory_space<hbm>> -> memref<1x16x128xf32, #tpu.memory_space<hbm>>
          %dma_wait3A_704 = tpu.memref_squeeze %dma_wait3A_703 : memref<1x16x128xf32, #tpu.memory_space<hbm>> -> memref<16x128xf32, #tpu.memory_space<hbm>>
          %dma_wait3A_705 = arith.constant 72 : i32
          %dma_wait3A_706 = arith.constant 0 : i32
          %dma_wait3A_707 = tpu.memref_slice %arg16[%dma_wait3A_705, %dma_wait3A_706] : memref<192x133xf32, #tpu.memory_space<vmem>> -> memref<16x128xf32, #tpu.memory_space<vmem>>
          tpu.wait_dma2 semaphore(%arg22 : memref<!tpu.dma_semaphore, #tpu.memory_space<semaphore_mem>>) src(%dma_wait3A_707 : memref<16x128xf32, #tpu.memory_space<vmem>>) dst(%dma_wait3A_704 : memref<16x128xf32, #tpu.memory_space<hbm>>)
          %dma_wait3A_708 = arith.constant 4 : i32
          %dma_wait3A_709 = arith.constant 96 : i32
          %dma_wait3A_710 = arith.constant 0 : i32
          %dma_wait3A_711 = tpu.memref_slice %arg16[%dma_wait3A_709, %dma_wait3A_710] : memref<192x133xf32, #tpu.memory_space<vmem>> -> memref<16x128xf32, #tpu.memory_space<vmem>>
          %dma_wait3A_712 = arith.constant 0 : i32
          %dma_wait3A_713 = arith.constant 0 : i32
          %dma_wait3A_714 = tpu.memref_slice %arg6[%dma_wait3A_708, %dma_wait3A_712, %dma_wait3A_713] : memref<8x20000x128xf32, #tpu.memory_space<hbm>> -> memref<1x16x128xf32, #tpu.memory_space<hbm>>
          %dma_wait3A_715 = tpu.memref_squeeze %dma_wait3A_714 : memref<1x16x128xf32, #tpu.memory_space<hbm>> -> memref<16x128xf32, #tpu.memory_space<hbm>>
          %dma_wait3A_716 = arith.constant 0 : i32
          %dma_wait3A_717 = arith.constant 0 : i32
          %dma_wait3A_718 = tpu.memref_slice %arg6[%dma_wait3A_708, %dma_wait3A_716, %dma_wait3A_717] : memref<8x20000x128xf32, #tpu.memory_space<hbm>> -> memref<1x16x128xf32, #tpu.memory_space<hbm>>
          %dma_wait3A_719 = tpu.memref_squeeze %dma_wait3A_718 : memref<1x16x128xf32, #tpu.memory_space<hbm>> -> memref<16x128xf32, #tpu.memory_space<hbm>>
          %dma_wait3A_720 = arith.constant 96 : i32
          %dma_wait3A_721 = arith.constant 0 : i32
          %dma_wait3A_722 = tpu.memref_slice %arg16[%dma_wait3A_720, %dma_wait3A_721] : memref<192x133xf32, #tpu.memory_space<vmem>> -> memref<16x128xf32, #tpu.memory_space<vmem>>
          tpu.wait_dma2 semaphore(%arg22 : memref<!tpu.dma_semaphore, #tpu.memory_space<semaphore_mem>>) src(%dma_wait3A_722 : memref<16x128xf32, #tpu.memory_space<vmem>>) dst(%dma_wait3A_719 : memref<16x128xf32, #tpu.memory_space<hbm>>)
          %dma_wait3A_723 = arith.constant 5 : i32
          %dma_wait3A_724 = arith.constant 120 : i32
          %dma_wait3A_725 = arith.constant 0 : i32
          %dma_wait3A_726 = tpu.memref_slice %arg16[%dma_wait3A_724, %dma_wait3A_725] : memref<192x133xf32, #tpu.memory_space<vmem>> -> memref<16x128xf32, #tpu.memory_space<vmem>>
          %dma_wait3A_727 = arith.constant 0 : i32
          %dma_wait3A_728 = arith.constant 0 : i32
          %dma_wait3A_729 = tpu.memref_slice %arg6[%dma_wait3A_723, %dma_wait3A_727, %dma_wait3A_728] : memref<8x20000x128xf32, #tpu.memory_space<hbm>> -> memref<1x16x128xf32, #tpu.memory_space<hbm>>
          %dma_wait3A_730 = tpu.memref_squeeze %dma_wait3A_729 : memref<1x16x128xf32, #tpu.memory_space<hbm>> -> memref<16x128xf32, #tpu.memory_space<hbm>>
          %dma_wait3A_731 = arith.constant 0 : i32
          %dma_wait3A_732 = arith.constant 0 : i32
          %dma_wait3A_733 = tpu.memref_slice %arg6[%dma_wait3A_723, %dma_wait3A_731, %dma_wait3A_732] : memref<8x20000x128xf32, #tpu.memory_space<hbm>> -> memref<1x16x128xf32, #tpu.memory_space<hbm>>
          %dma_wait3A_734 = tpu.memref_squeeze %dma_wait3A_733 : memref<1x16x128xf32, #tpu.memory_space<hbm>> -> memref<16x128xf32, #tpu.memory_space<hbm>>
          %dma_wait3A_735 = arith.constant 120 : i32
          %dma_wait3A_736 = arith.constant 0 : i32
          %dma_wait3A_737 = tpu.memref_slice %arg16[%dma_wait3A_735, %dma_wait3A_736] : memref<192x133xf32, #tpu.memory_space<vmem>> -> memref<16x128xf32, #tpu.memory_space<vmem>>
          tpu.wait_dma2 semaphore(%arg22 : memref<!tpu.dma_semaphore, #tpu.memory_space<semaphore_mem>>) src(%dma_wait3A_737 : memref<16x128xf32, #tpu.memory_space<vmem>>) dst(%dma_wait3A_734 : memref<16x128xf32, #tpu.memory_space<hbm>>)
          %dma_wait3A_738 = arith.constant 6 : i32
          %dma_wait3A_739 = arith.constant 144 : i32
          %dma_wait3A_740 = arith.constant 0 : i32
          %dma_wait3A_741 = tpu.memref_slice %arg16[%dma_wait3A_739, %dma_wait3A_740] : memref<192x133xf32, #tpu.memory_space<vmem>> -> memref<16x128xf32, #tpu.memory_space<vmem>>
          %dma_wait3A_742 = arith.constant 0 : i32
          %dma_wait3A_743 = arith.constant 0 : i32
          %dma_wait3A_744 = tpu.memref_slice %arg6[%dma_wait3A_738, %dma_wait3A_742, %dma_wait3A_743] : memref<8x20000x128xf32, #tpu.memory_space<hbm>> -> memref<1x16x128xf32, #tpu.memory_space<hbm>>
          %dma_wait3A_745 = tpu.memref_squeeze %dma_wait3A_744 : memref<1x16x128xf32, #tpu.memory_space<hbm>> -> memref<16x128xf32, #tpu.memory_space<hbm>>
          %dma_wait3A_746 = arith.constant 0 : i32
          %dma_wait3A_747 = arith.constant 0 : i32
          %dma_wait3A_748 = tpu.memref_slice %arg6[%dma_wait3A_738, %dma_wait3A_746, %dma_wait3A_747] : memref<8x20000x128xf32, #tpu.memory_space<hbm>> -> memref<1x16x128xf32, #tpu.memory_space<hbm>>
          %dma_wait3A_749 = tpu.memref_squeeze %dma_wait3A_748 : memref<1x16x128xf32, #tpu.memory_space<hbm>> -> memref<16x128xf32, #tpu.memory_space<hbm>>
          %dma_wait3A_750 = arith.constant 144 : i32
          %dma_wait3A_751 = arith.constant 0 : i32
          %dma_wait3A_752 = tpu.memref_slice %arg16[%dma_wait3A_750, %dma_wait3A_751] : memref<192x133xf32, #tpu.memory_space<vmem>> -> memref<16x128xf32, #tpu.memory_space<vmem>>
          tpu.wait_dma2 semaphore(%arg22 : memref<!tpu.dma_semaphore, #tpu.memory_space<semaphore_mem>>) src(%dma_wait3A_752 : memref<16x128xf32, #tpu.memory_space<vmem>>) dst(%dma_wait3A_749 : memref<16x128xf32, #tpu.memory_space<hbm>>)
          %dma_wait3A_753 = arith.constant 7 : i32
          %dma_wait3A_754 = arith.constant 168 : i32
          %dma_wait3A_755 = arith.constant 0 : i32
          %dma_wait3A_756 = tpu.memref_slice %arg16[%dma_wait3A_754, %dma_wait3A_755] : memref<192x133xf32, #tpu.memory_space<vmem>> -> memref<16x128xf32, #tpu.memory_space<vmem>>
          %dma_wait3A_757 = arith.constant 0 : i32
          %dma_wait3A_758 = arith.constant 0 : i32
          %dma_wait3A_759 = tpu.memref_slice %arg6[%dma_wait3A_753, %dma_wait3A_757, %dma_wait3A_758] : memref<8x20000x128xf32, #tpu.memory_space<hbm>> -> memref<1x16x128xf32, #tpu.memory_space<hbm>>
          %dma_wait3A_760 = tpu.memref_squeeze %dma_wait3A_759 : memref<1x16x128xf32, #tpu.memory_space<hbm>> -> memref<16x128xf32, #tpu.memory_space<hbm>>
          %dma_wait3A_761 = arith.constant 0 : i32
          %dma_wait3A_762 = arith.constant 0 : i32
          %dma_wait3A_763 = tpu.memref_slice %arg6[%dma_wait3A_753, %dma_wait3A_761, %dma_wait3A_762] : memref<8x20000x128xf32, #tpu.memory_space<hbm>> -> memref<1x16x128xf32, #tpu.memory_space<hbm>>
          %dma_wait3A_764 = tpu.memref_squeeze %dma_wait3A_763 : memref<1x16x128xf32, #tpu.memory_space<hbm>> -> memref<16x128xf32, #tpu.memory_space<hbm>>
          %dma_wait3A_765 = arith.constant 168 : i32
          %dma_wait3A_766 = arith.constant 0 : i32
          %dma_wait3A_767 = tpu.memref_slice %arg16[%dma_wait3A_765, %dma_wait3A_766] : memref<192x133xf32, #tpu.memory_space<vmem>> -> memref<16x128xf32, #tpu.memory_space<vmem>>
          tpu.wait_dma2 semaphore(%arg22 : memref<!tpu.dma_semaphore, #tpu.memory_space<semaphore_mem>>) src(%dma_wait3A_767 : memref<16x128xf32, #tpu.memory_space<vmem>>) dst(%dma_wait3A_764 : memref<16x128xf32, #tpu.memory_space<hbm>>)
        } else {
        }
        %parallel_loop3A = arith.constant 0 : i32
        %parallel_loop3A_518 = arith.constant 128 : i32
        %parallel_loop3A_519 = arith.constant 1 : i32
        scf.for %parallel_loop3A_648 = %parallel_loop3A to %parallel_loop3A_518 step %parallel_loop3A_519  : i32 {
          %parallel_loop3A_649 = arith.constant 0 : i32
          %parallel_loop3A_650 = arith.subi %parallel_loop3A_648, %parallel_loop3A_649 : i32
          %parallel_loop3A_651 = vector.broadcast %parallel_loop3A_650 : i32 to vector<16xi32>
          %parallel_loop3A_652 = arith.index_cast %parallel_loop3A_648 : i32 to index
          %parallel_loop3A_653 = arith.constant 0 : index
          %parallel_loop3A_654 = tpu.vector_load %arg12[%parallel_loop3A_652, %parallel_loop3A_653] {strides = array<i32>} : memref<256x64xbf16, #tpu.memory_space<vmem>>, vector<32xbf16>,
          %parallel_loop3A_655 = tpu.unpack_subelements %parallel_loop3A_654, 0 {pack_format = #tpu.pack_format<interleaved>} : vector<32xbf16> -> vector<16xf32>
          %parallel_loop3A_656 = tpu.unpack_subelements %parallel_loop3A_654, 1 {pack_format = #tpu.pack_format<interleaved>} : vector<32xbf16> -> vector<16xf32>
          %parallel_loop3A_657 = arith.index_cast %parallel_loop3A_648 : i32 to index
          %parallel_loop3A_658 = arith.constant 0 : index
          %parallel_loop3A_659 = tpu.vector_load %arg14[%parallel_loop3A_657, %parallel_loop3A_658] {strides = array<i32>} : memref<256x64xbf16, #tpu.memory_space<vmem>>, vector<32xbf16>,
          %parallel_loop3A_660 = tpu.unpack_subelements %parallel_loop3A_659, 0 {pack_format = #tpu.pack_format<interleaved>} : vector<32xbf16> -> vector<16xf32>
          %parallel_loop3A_661 = tpu.unpack_subelements %parallel_loop3A_659, 1 {pack_format = #tpu.pack_format<interleaved>} : vector<32xbf16> -> vector<16xf32>
          %parallel_loop3A_662 = arith.addf %parallel_loop3A_655, %parallel_loop3A_660 : vector<16xf32>
          %parallel_loop3A_663 = arith.addf %parallel_loop3A_656, %parallel_loop3A_661 : vector<16xf32>
          %parallel_loop3A_664 = arith.constant 2.000000e-01 : f32
          %parallel_loop3A_665 = vector.broadcast %parallel_loop3A_664 : f32 to vector<16xf32>
          %parallel_loop3A_666 = arith.mulf %parallel_loop3A_665, %parallel_loop3A_662 : vector<16xf32>
          %parallel_loop3A_667 = arith.maximumf %parallel_loop3A_662, %parallel_loop3A_666 : vector<16xf32>
          tpu.vector_store_idx %arg16[%add3A_18, %parallel_loop3A_651], %parallel_loop3A_667 : memref<192x133xf32, #tpu.memory_space<vmem>>[vector<16xi32>, vector<16xi32>], vector<16xf32>,
          %parallel_loop3A_668 = arith.constant 2.000000e-01 : f32
          %parallel_loop3A_669 = vector.broadcast %parallel_loop3A_668 : f32 to vector<16xf32>
          %parallel_loop3A_670 = arith.mulf %parallel_loop3A_669, %parallel_loop3A_663 : vector<16xf32>
          %parallel_loop3A_671 = arith.maximumf %parallel_loop3A_663, %parallel_loop3A_670 : vector<16xf32>
          tpu.vector_store_idx %arg16[%add3A_34, %parallel_loop3A_651], %parallel_loop3A_671 : memref<192x133xf32, #tpu.memory_space<vmem>>[vector<16xi32>, vector<16xi32>], vector<16xf32>,
          %parallel_loop3A_672 = arith.index_cast %parallel_loop3A_648 : i32 to index
          %parallel_loop3A_673 = arith.constant 32 : index
          %parallel_loop3A_674 = tpu.vector_load %arg12[%parallel_loop3A_672, %parallel_loop3A_673] {strides = array<i32>} : memref<256x64xbf16, #tpu.memory_space<vmem>>, vector<32xbf16>,
          %parallel_loop3A_675 = tpu.unpack_subelements %parallel_loop3A_674, 0 {pack_format = #tpu.pack_format<interleaved>} : vector<32xbf16> -> vector<16xf32>
          %parallel_loop3A_676 = tpu.unpack_subelements %parallel_loop3A_674, 1 {pack_format = #tpu.pack_format<interleaved>} : vector<32xbf16> -> vector<16xf32>
          %parallel_loop3A_677 = arith.index_cast %parallel_loop3A_648 : i32 to index
          %parallel_loop3A_678 = arith.constant 32 : index
          %parallel_loop3A_679 = tpu.vector_load %arg14[%parallel_loop3A_677, %parallel_loop3A_678] {strides = array<i32>} : memref<256x64xbf16, #tpu.memory_space<vmem>>, vector<32xbf16>,
          %parallel_loop3A_680 = tpu.unpack_subelements %parallel_loop3A_679, 0 {pack_format = #tpu.pack_format<interleaved>} : vector<32xbf16> -> vector<16xf32>
          %parallel_loop3A_681 = tpu.unpack_subelements %parallel_loop3A_679, 1 {pack_format = #tpu.pack_format<interleaved>} : vector<32xbf16> -> vector<16xf32>
          %parallel_loop3A_682 = arith.addf %parallel_loop3A_675, %parallel_loop3A_680 : vector<16xf32>
          %parallel_loop3A_683 = arith.addf %parallel_loop3A_676, %parallel_loop3A_681 : vector<16xf32>
          %parallel_loop3A_684 = arith.constant 2.000000e-01 : f32
          %parallel_loop3A_685 = vector.broadcast %parallel_loop3A_684 : f32 to vector<16xf32>
          %parallel_loop3A_686 = arith.mulf %parallel_loop3A_685, %parallel_loop3A_682 : vector<16xf32>
          %parallel_loop3A_687 = arith.maximumf %parallel_loop3A_682, %parallel_loop3A_686 : vector<16xf32>
          tpu.vector_store_idx %arg16[%add3A_50, %parallel_loop3A_651], %parallel_loop3A_687 : memref<192x133xf32, #tpu.memory_space<vmem>>[vector<16xi32>, vector<16xi32>], vector<16xf32>,
          %parallel_loop3A_688 = arith.constant 2.000000e-01 : f32
          %parallel_loop3A_689 = vector.broadcast %parallel_loop3A_688 : f32 to vector<16xf32>
          %parallel_loop3A_690 = arith.mulf %parallel_loop3A_689, %parallel_loop3A_683 : vector<16xf32>
          %parallel_loop3A_691 = arith.maximumf %parallel_loop3A_683, %parallel_loop3A_690 : vector<16xf32>
          tpu.vector_store_idx %arg16[%add3A_66, %parallel_loop3A_651], %parallel_loop3A_691 : memref<192x133xf32, #tpu.memory_space<vmem>>[vector<16xi32>, vector<16xi32>], vector<16xf32>,
        } {sc.loop_unroll_factor = 4 : i64, sc.parallel_access}
        %parallel_loop3A_520 = arith.constant 128 : i32
        %parallel_loop3A_521 = arith.constant 256 : i32
        %parallel_loop3A_522 = arith.constant 1 : i32
        scf.for %parallel_loop3A_648 = %parallel_loop3A_520 to %parallel_loop3A_521 step %parallel_loop3A_522  : i32 {
          %parallel_loop3A_649 = arith.constant 128 : i32
          %parallel_loop3A_650 = arith.subi %parallel_loop3A_648, %parallel_loop3A_649 : i32
          %parallel_loop3A_651 = vector.broadcast %parallel_loop3A_650 : i32 to vector<16xi32>
          %parallel_loop3A_652 = arith.index_cast %parallel_loop3A_648 : i32 to index
          %parallel_loop3A_653 = arith.constant 0 : index
          %parallel_loop3A_654 = tpu.vector_load %arg12[%parallel_loop3A_652, %parallel_loop3A_653] {strides = array<i32>} : memref<256x64xbf16, #tpu.memory_space<vmem>>, vector<32xbf16>,
          %parallel_loop3A_655 = tpu.unpack_subelements %parallel_loop3A_654, 0 {pack_format = #tpu.pack_format<interleaved>} : vector<32xbf16> -> vector<16xf32>
          %parallel_loop3A_656 = tpu.unpack_subelements %parallel_loop3A_654, 1 {pack_format = #tpu.pack_format<interleaved>} : vector<32xbf16> -> vector<16xf32>
          %parallel_loop3A_657 = arith.index_cast %parallel_loop3A_648 : i32 to index
          %parallel_loop3A_658 = arith.constant 0 : index
          %parallel_loop3A_659 = tpu.vector_load %arg14[%parallel_loop3A_657, %parallel_loop3A_658] {strides = array<i32>} : memref<256x64xbf16, #tpu.memory_space<vmem>>, vector<32xbf16>,
          %parallel_loop3A_660 = tpu.unpack_subelements %parallel_loop3A_659, 0 {pack_format = #tpu.pack_format<interleaved>} : vector<32xbf16> -> vector<16xf32>
          %parallel_loop3A_661 = tpu.unpack_subelements %parallel_loop3A_659, 1 {pack_format = #tpu.pack_format<interleaved>} : vector<32xbf16> -> vector<16xf32>
          %parallel_loop3A_662 = arith.addf %parallel_loop3A_655, %parallel_loop3A_660 : vector<16xf32>
          %parallel_loop3A_663 = arith.addf %parallel_loop3A_656, %parallel_loop3A_661 : vector<16xf32>
          %parallel_loop3A_664 = arith.constant 2.000000e-01 : f32
          %parallel_loop3A_665 = vector.broadcast %parallel_loop3A_664 : f32 to vector<16xf32>
          %parallel_loop3A_666 = arith.mulf %parallel_loop3A_665, %parallel_loop3A_662 : vector<16xf32>
          %parallel_loop3A_667 = arith.maximumf %parallel_loop3A_662, %parallel_loop3A_666 : vector<16xf32>
          tpu.vector_store_idx %arg16[%add3A_82, %parallel_loop3A_651], %parallel_loop3A_667 : memref<192x133xf32, #tpu.memory_space<vmem>>[vector<16xi32>, vector<16xi32>], vector<16xf32>,
          %parallel_loop3A_668 = arith.constant 2.000000e-01 : f32
          %parallel_loop3A_669 = vector.broadcast %parallel_loop3A_668 : f32 to vector<16xf32>
          %parallel_loop3A_670 = arith.mulf %parallel_loop3A_669, %parallel_loop3A_663 : vector<16xf32>
          %parallel_loop3A_671 = arith.maximumf %parallel_loop3A_663, %parallel_loop3A_670 : vector<16xf32>
          tpu.vector_store_idx %arg16[%add3A_98, %parallel_loop3A_651], %parallel_loop3A_671 : memref<192x133xf32, #tpu.memory_space<vmem>>[vector<16xi32>, vector<16xi32>], vector<16xf32>,
          %parallel_loop3A_672 = arith.index_cast %parallel_loop3A_648 : i32 to index
          %parallel_loop3A_673 = arith.constant 32 : index
          %parallel_loop3A_674 = tpu.vector_load %arg12[%parallel_loop3A_672, %parallel_loop3A_673] {strides = array<i32>} : memref<256x64xbf16, #tpu.memory_space<vmem>>, vector<32xbf16>,
          %parallel_loop3A_675 = tpu.unpack_subelements %parallel_loop3A_674, 0 {pack_format = #tpu.pack_format<interleaved>} : vector<32xbf16> -> vector<16xf32>
          %parallel_loop3A_676 = tpu.unpack_subelements %parallel_loop3A_674, 1 {pack_format = #tpu.pack_format<interleaved>} : vector<32xbf16> -> vector<16xf32>
          %parallel_loop3A_677 = arith.index_cast %parallel_loop3A_648 : i32 to index
          %parallel_loop3A_678 = arith.constant 32 : index
          %parallel_loop3A_679 = tpu.vector_load %arg14[%parallel_loop3A_677, %parallel_loop3A_678] {strides = array<i32>} : memref<256x64xbf16, #tpu.memory_space<vmem>>, vector<32xbf16>,
          %parallel_loop3A_680 = tpu.unpack_subelements %parallel_loop3A_679, 0 {pack_format = #tpu.pack_format<interleaved>} : vector<32xbf16> -> vector<16xf32>
          %parallel_loop3A_681 = tpu.unpack_subelements %parallel_loop3A_679, 1 {pack_format = #tpu.pack_format<interleaved>} : vector<32xbf16> -> vector<16xf32>
          %parallel_loop3A_682 = arith.addf %parallel_loop3A_675, %parallel_loop3A_680 : vector<16xf32>
          %parallel_loop3A_683 = arith.addf %parallel_loop3A_676, %parallel_loop3A_681 : vector<16xf32>
          %parallel_loop3A_684 = arith.constant 2.000000e-01 : f32
          %parallel_loop3A_685 = vector.broadcast %parallel_loop3A_684 : f32 to vector<16xf32>
          %parallel_loop3A_686 = arith.mulf %parallel_loop3A_685, %parallel_loop3A_682 : vector<16xf32>
          %parallel_loop3A_687 = arith.maximumf %parallel_loop3A_682, %parallel_loop3A_686 : vector<16xf32>
          tpu.vector_store_idx %arg16[%add3A_114, %parallel_loop3A_651], %parallel_loop3A_687 : memref<192x133xf32, #tpu.memory_space<vmem>>[vector<16xi32>, vector<16xi32>], vector<16xf32>,
          %parallel_loop3A_688 = arith.constant 2.000000e-01 : f32
          %parallel_loop3A_689 = vector.broadcast %parallel_loop3A_688 : f32 to vector<16xf32>
          %parallel_loop3A_690 = arith.mulf %parallel_loop3A_689, %parallel_loop3A_683 : vector<16xf32>
          %parallel_loop3A_691 = arith.maximumf %parallel_loop3A_683, %parallel_loop3A_690 : vector<16xf32>
          tpu.vector_store_idx %arg16[%add3A_130, %parallel_loop3A_651], %parallel_loop3A_691 : memref<192x133xf32, #tpu.memory_space<vmem>>[vector<16xi32>, vector<16xi32>], vector<16xf32>,
        } {sc.loop_unroll_factor = 4 : i64, sc.parallel_access}
        %mul3A_523 = arith.constant 32 : i32
        %mul3A_524 = arith.muli %add3A_485, %mul3A_523 : i32
        %add3A_525 = arith.addi %add3A, %mul3A_524 : i32
        %mul3A_526 = arith.constant 2 : i32
        %mul3A_527 = arith.muli %add3A_525, %mul3A_526 : i32
        %mul3A_528 = arith.constant 8 : i32
        %mul3A_529 = arith.muli %mul3A_527, %mul3A_528 : i32
        %dma_start3A_530 = arith.constant 0 : i32
        %dma_start3A_531 = arith.constant 0 : i32
        %dma_start3A_532 = arith.constant 0 : i32
        %dma_start3A_533 = tpu.memref_slice %arg16[%dma_start3A_531, %dma_start3A_532] : memref<192x133xf32, #tpu.memory_space<vmem>> -> memref<16x128xf32, #tpu.memory_space<vmem>>
        %dma_start3A_534 = arith.constant 0 : i32
        %dma_start3A_535 = tpu.memref_slice %arg6[%dma_start3A_530, %mul3A_529, %dma_start3A_534] : memref<8x20000x128xf32, #tpu.memory_space<hbm>> -> memref<1x16x128xf32, #tpu.memory_space<hbm>>
        %dma_start3A_536 = tpu.memref_squeeze %dma_start3A_535 : memref<1x16x128xf32, #tpu.memory_space<hbm>> -> memref<16x128xf32, #tpu.memory_space<hbm>>
        %dma_start3A_537 = arith.constant 0 : i32
        %dma_start3A_538 = tpu.memref_slice %arg6[%dma_start3A_530, %mul3A_529, %dma_start3A_537] : memref<8x20000x128xf32, #tpu.memory_space<hbm>> -> memref<1x16x128xf32, #tpu.memory_space<hbm>>
        %dma_start3A_539 = tpu.memref_squeeze %dma_start3A_538 : memref<1x16x128xf32, #tpu.memory_space<hbm>> -> memref<16x128xf32, #tpu.memory_space<hbm>>
        %dma_start3A_540 = arith.constant 0 : i32
        %dma_start3A_541 = arith.constant 0 : i32
        %dma_start3A_542 = tpu.memref_slice %arg16[%dma_start3A_540, %dma_start3A_541] : memref<192x133xf32, #tpu.memory_space<vmem>> -> memref<16x128xf32, #tpu.memory_space<vmem>>
        tpu.enqueue_dma source(%dma_start3A_542 : memref<16x128xf32, #tpu.memory_space<vmem>>) target(%dma_start3A_539 : memref<16x128xf32, #tpu.memory_space<hbm>>) target_semaphore(%arg22 : memref<!tpu.dma_semaphore, #tpu.memory_space<semaphore_mem>>)
        %mul3A_543 = arith.constant 8 : i32
        %mul3A_544 = arith.muli %mul3A_527, %mul3A_543 : i32
        %dma_start3A_545 = arith.constant 1 : i32
        %dma_start3A_546 = arith.constant 24 : i32
        %dma_start3A_547 = arith.constant 0 : i32
        %dma_start3A_548 = tpu.memref_slice %arg16[%dma_start3A_546, %dma_start3A_547] : memref<192x133xf32, #tpu.memory_space<vmem>> -> memref<16x128xf32, #tpu.memory_space<vmem>>
        %dma_start3A_549 = arith.constant 0 : i32
        %dma_start3A_550 = tpu.memref_slice %arg6[%dma_start3A_545, %mul3A_544, %dma_start3A_549] : memref<8x20000x128xf32, #tpu.memory_space<hbm>> -> memref<1x16x128xf32, #tpu.memory_space<hbm>>
        %dma_start3A_551 = tpu.memref_squeeze %dma_start3A_550 : memref<1x16x128xf32, #tpu.memory_space<hbm>> -> memref<16x128xf32, #tpu.memory_space<hbm>>
        %dma_start3A_552 = arith.constant 0 : i32
        %dma_start3A_553 = tpu.memref_slice %arg6[%dma_start3A_545, %mul3A_544, %dma_start3A_552] : memref<8x20000x128xf32, #tpu.memory_space<hbm>> -> memref<1x16x128xf32, #tpu.memory_space<hbm>>
        %dma_start3A_554 = tpu.memref_squeeze %dma_start3A_553 : memref<1x16x128xf32, #tpu.memory_space<hbm>> -> memref<16x128xf32, #tpu.memory_space<hbm>>
        %dma_start3A_555 = arith.constant 24 : i32
        %dma_start3A_556 = arith.constant 0 : i32
        %dma_start3A_557 = tpu.memref_slice %arg16[%dma_start3A_555, %dma_start3A_556] : memref<192x133xf32, #tpu.memory_space<vmem>> -> memref<16x128xf32, #tpu.memory_space<vmem>>
        tpu.enqueue_dma source(%dma_start3A_557 : memref<16x128xf32, #tpu.memory_space<vmem>>) target(%dma_start3A_554 : memref<16x128xf32, #tpu.memory_space<hbm>>) target_semaphore(%arg22 : memref<!tpu.dma_semaphore, #tpu.memory_space<semaphore_mem>>)
        %mul3A_558 = arith.constant 8 : i32
        %mul3A_559 = arith.muli %mul3A_527, %mul3A_558 : i32
        %dma_start3A_560 = arith.constant 2 : i32
        %dma_start3A_561 = arith.constant 48 : i32
        %dma_start3A_562 = arith.constant 0 : i32
        %dma_start3A_563 = tpu.memref_slice %arg16[%dma_start3A_561, %dma_start3A_562] : memref<192x133xf32, #tpu.memory_space<vmem>> -> memref<16x128xf32, #tpu.memory_space<vmem>>
        %dma_start3A_564 = arith.constant 0 : i32
        %dma_start3A_565 = tpu.memref_slice %arg6[%dma_start3A_560, %mul3A_559, %dma_start3A_564] : memref<8x20000x128xf32, #tpu.memory_space<hbm>> -> memref<1x16x128xf32, #tpu.memory_space<hbm>>
        %dma_start3A_566 = tpu.memref_squeeze %dma_start3A_565 : memref<1x16x128xf32, #tpu.memory_space<hbm>> -> memref<16x128xf32, #tpu.memory_space<hbm>>
        %dma_start3A_567 = arith.constant 0 : i32
        %dma_start3A_568 = tpu.memref_slice %arg6[%dma_start3A_560, %mul3A_559, %dma_start3A_567] : memref<8x20000x128xf32, #tpu.memory_space<hbm>> -> memref<1x16x128xf32, #tpu.memory_space<hbm>>
        %dma_start3A_569 = tpu.memref_squeeze %dma_start3A_568 : memref<1x16x128xf32, #tpu.memory_space<hbm>> -> memref<16x128xf32, #tpu.memory_space<hbm>>
        %dma_start3A_570 = arith.constant 48 : i32
        %dma_start3A_571 = arith.constant 0 : i32
        %dma_start3A_572 = tpu.memref_slice %arg16[%dma_start3A_570, %dma_start3A_571] : memref<192x133xf32, #tpu.memory_space<vmem>> -> memref<16x128xf32, #tpu.memory_space<vmem>>
        tpu.enqueue_dma source(%dma_start3A_572 : memref<16x128xf32, #tpu.memory_space<vmem>>) target(%dma_start3A_569 : memref<16x128xf32, #tpu.memory_space<hbm>>) target_semaphore(%arg22 : memref<!tpu.dma_semaphore, #tpu.memory_space<semaphore_mem>>)
        %mul3A_573 = arith.constant 8 : i32
        %mul3A_574 = arith.muli %mul3A_527, %mul3A_573 : i32
        %dma_start3A_575 = arith.constant 3 : i32
        %dma_start3A_576 = arith.constant 72 : i32
        %dma_start3A_577 = arith.constant 0 : i32
        %dma_start3A_578 = tpu.memref_slice %arg16[%dma_start3A_576, %dma_start3A_577] : memref<192x133xf32, #tpu.memory_space<vmem>> -> memref<16x128xf32, #tpu.memory_space<vmem>>
        %dma_start3A_579 = arith.constant 0 : i32
        %dma_start3A_580 = tpu.memref_slice %arg6[%dma_start3A_575, %mul3A_574, %dma_start3A_579] : memref<8x20000x128xf32, #tpu.memory_space<hbm>> -> memref<1x16x128xf32, #tpu.memory_space<hbm>>
        %dma_start3A_581 = tpu.memref_squeeze %dma_start3A_580 : memref<1x16x128xf32, #tpu.memory_space<hbm>> -> memref<16x128xf32, #tpu.memory_space<hbm>>
        %dma_start3A_582 = arith.constant 0 : i32
        %dma_start3A_583 = tpu.memref_slice %arg6[%dma_start3A_575, %mul3A_574, %dma_start3A_582] : memref<8x20000x128xf32, #tpu.memory_space<hbm>> -> memref<1x16x128xf32, #tpu.memory_space<hbm>>
        %dma_start3A_584 = tpu.memref_squeeze %dma_start3A_583 : memref<1x16x128xf32, #tpu.memory_space<hbm>> -> memref<16x128xf32, #tpu.memory_space<hbm>>
        %dma_start3A_585 = arith.constant 72 : i32
        %dma_start3A_586 = arith.constant 0 : i32
        %dma_start3A_587 = tpu.memref_slice %arg16[%dma_start3A_585, %dma_start3A_586] : memref<192x133xf32, #tpu.memory_space<vmem>> -> memref<16x128xf32, #tpu.memory_space<vmem>>
        tpu.enqueue_dma source(%dma_start3A_587 : memref<16x128xf32, #tpu.memory_space<vmem>>) target(%dma_start3A_584 : memref<16x128xf32, #tpu.memory_space<hbm>>) target_semaphore(%arg22 : memref<!tpu.dma_semaphore, #tpu.memory_space<semaphore_mem>>)
        %mul3A_588 = arith.constant 8 : i32
        %mul3A_589 = arith.muli %mul3A_527, %mul3A_588 : i32
        %dma_start3A_590 = arith.constant 4 : i32
        %dma_start3A_591 = arith.constant 96 : i32
        %dma_start3A_592 = arith.constant 0 : i32
        %dma_start3A_593 = tpu.memref_slice %arg16[%dma_start3A_591, %dma_start3A_592] : memref<192x133xf32, #tpu.memory_space<vmem>> -> memref<16x128xf32, #tpu.memory_space<vmem>>
        %dma_start3A_594 = arith.constant 0 : i32
        %dma_start3A_595 = tpu.memref_slice %arg6[%dma_start3A_590, %mul3A_589, %dma_start3A_594] : memref<8x20000x128xf32, #tpu.memory_space<hbm>> -> memref<1x16x128xf32, #tpu.memory_space<hbm>>
        %dma_start3A_596 = tpu.memref_squeeze %dma_start3A_595 : memref<1x16x128xf32, #tpu.memory_space<hbm>> -> memref<16x128xf32, #tpu.memory_space<hbm>>
        %dma_start3A_597 = arith.constant 0 : i32
        %dma_start3A_598 = tpu.memref_slice %arg6[%dma_start3A_590, %mul3A_589, %dma_start3A_597] : memref<8x20000x128xf32, #tpu.memory_space<hbm>> -> memref<1x16x128xf32, #tpu.memory_space<hbm>>
        %dma_start3A_599 = tpu.memref_squeeze %dma_start3A_598 : memref<1x16x128xf32, #tpu.memory_space<hbm>> -> memref<16x128xf32, #tpu.memory_space<hbm>>
        %dma_start3A_600 = arith.constant 96 : i32
        %dma_start3A_601 = arith.constant 0 : i32
        %dma_start3A_602 = tpu.memref_slice %arg16[%dma_start3A_600, %dma_start3A_601] : memref<192x133xf32, #tpu.memory_space<vmem>> -> memref<16x128xf32, #tpu.memory_space<vmem>>
        tpu.enqueue_dma source(%dma_start3A_602 : memref<16x128xf32, #tpu.memory_space<vmem>>) target(%dma_start3A_599 : memref<16x128xf32, #tpu.memory_space<hbm>>) target_semaphore(%arg22 : memref<!tpu.dma_semaphore, #tpu.memory_space<semaphore_mem>>)
        %mul3A_603 = arith.constant 8 : i32
        %mul3A_604 = arith.muli %mul3A_527, %mul3A_603 : i32
        %dma_start3A_605 = arith.constant 5 : i32
        %dma_start3A_606 = arith.constant 120 : i32
        %dma_start3A_607 = arith.constant 0 : i32
        %dma_start3A_608 = tpu.memref_slice %arg16[%dma_start3A_606, %dma_start3A_607] : memref<192x133xf32, #tpu.memory_space<vmem>> -> memref<16x128xf32, #tpu.memory_space<vmem>>
        %dma_start3A_609 = arith.constant 0 : i32
        %dma_start3A_610 = tpu.memref_slice %arg6[%dma_start3A_605, %mul3A_604, %dma_start3A_609] : memref<8x20000x128xf32, #tpu.memory_space<hbm>> -> memref<1x16x128xf32, #tpu.memory_space<hbm>>
        %dma_start3A_611 = tpu.memref_squeeze %dma_start3A_610 : memref<1x16x128xf32, #tpu.memory_space<hbm>> -> memref<16x128xf32, #tpu.memory_space<hbm>>
        %dma_start3A_612 = arith.constant 0 : i32
        %dma_start3A_613 = tpu.memref_slice %arg6[%dma_start3A_605, %mul3A_604, %dma_start3A_612] : memref<8x20000x128xf32, #tpu.memory_space<hbm>> -> memref<1x16x128xf32, #tpu.memory_space<hbm>>
        %dma_start3A_614 = tpu.memref_squeeze %dma_start3A_613 : memref<1x16x128xf32, #tpu.memory_space<hbm>> -> memref<16x128xf32, #tpu.memory_space<hbm>>
        %dma_start3A_615 = arith.constant 120 : i32
        %dma_start3A_616 = arith.constant 0 : i32
        %dma_start3A_617 = tpu.memref_slice %arg16[%dma_start3A_615, %dma_start3A_616] : memref<192x133xf32, #tpu.memory_space<vmem>> -> memref<16x128xf32, #tpu.memory_space<vmem>>
        tpu.enqueue_dma source(%dma_start3A_617 : memref<16x128xf32, #tpu.memory_space<vmem>>) target(%dma_start3A_614 : memref<16x128xf32, #tpu.memory_space<hbm>>) target_semaphore(%arg22 : memref<!tpu.dma_semaphore, #tpu.memory_space<semaphore_mem>>)
        %mul3A_618 = arith.constant 8 : i32
        %mul3A_619 = arith.muli %mul3A_527, %mul3A_618 : i32
        %dma_start3A_620 = arith.constant 6 : i32
        %dma_start3A_621 = arith.constant 144 : i32
        %dma_start3A_622 = arith.constant 0 : i32
        %dma_start3A_623 = tpu.memref_slice %arg16[%dma_start3A_621, %dma_start3A_622] : memref<192x133xf32, #tpu.memory_space<vmem>> -> memref<16x128xf32, #tpu.memory_space<vmem>>
        %dma_start3A_624 = arith.constant 0 : i32
        %dma_start3A_625 = tpu.memref_slice %arg6[%dma_start3A_620, %mul3A_619, %dma_start3A_624] : memref<8x20000x128xf32, #tpu.memory_space<hbm>> -> memref<1x16x128xf32, #tpu.memory_space<hbm>>
        %dma_start3A_626 = tpu.memref_squeeze %dma_start3A_625 : memref<1x16x128xf32, #tpu.memory_space<hbm>> -> memref<16x128xf32, #tpu.memory_space<hbm>>
        %dma_start3A_627 = arith.constant 0 : i32
        %dma_start3A_628 = tpu.memref_slice %arg6[%dma_start3A_620, %mul3A_619, %dma_start3A_627] : memref<8x20000x128xf32, #tpu.memory_space<hbm>> -> memref<1x16x128xf32, #tpu.memory_space<hbm>>
        %dma_start3A_629 = tpu.memref_squeeze %dma_start3A_628 : memref<1x16x128xf32, #tpu.memory_space<hbm>> -> memref<16x128xf32, #tpu.memory_space<hbm>>
        %dma_start3A_630 = arith.constant 144 : i32
        %dma_start3A_631 = arith.constant 0 : i32
        %dma_start3A_632 = tpu.memref_slice %arg16[%dma_start3A_630, %dma_start3A_631] : memref<192x133xf32, #tpu.memory_space<vmem>> -> memref<16x128xf32, #tpu.memory_space<vmem>>
        tpu.enqueue_dma source(%dma_start3A_632 : memref<16x128xf32, #tpu.memory_space<vmem>>) target(%dma_start3A_629 : memref<16x128xf32, #tpu.memory_space<hbm>>) target_semaphore(%arg22 : memref<!tpu.dma_semaphore, #tpu.memory_space<semaphore_mem>>)
        %mul3A_633 = arith.constant 8 : i32
        %mul3A_634 = arith.muli %mul3A_527, %mul3A_633 : i32
        %dma_start3A_635 = arith.constant 7 : i32
        %dma_start3A_636 = arith.constant 168 : i32
        %dma_start3A_637 = arith.constant 0 : i32
        %dma_start3A_638 = tpu.memref_slice %arg16[%dma_start3A_636, %dma_start3A_637] : memref<192x133xf32, #tpu.memory_space<vmem>> -> memref<16x128xf32, #tpu.memory_space<vmem>>
        %dma_start3A_639 = arith.constant 0 : i32
        %dma_start3A_640 = tpu.memref_slice %arg6[%dma_start3A_635, %mul3A_634, %dma_start3A_639] : memref<8x20000x128xf32, #tpu.memory_space<hbm>> -> memref<1x16x128xf32, #tpu.memory_space<hbm>>
        %dma_start3A_641 = tpu.memref_squeeze %dma_start3A_640 : memref<1x16x128xf32, #tpu.memory_space<hbm>> -> memref<16x128xf32, #tpu.memory_space<hbm>>
        %dma_start3A_642 = arith.constant 0 : i32
        %dma_start3A_643 = tpu.memref_slice %arg6[%dma_start3A_635, %mul3A_634, %dma_start3A_642] : memref<8x20000x128xf32, #tpu.memory_space<hbm>> -> memref<1x16x128xf32, #tpu.memory_space<hbm>>
        %dma_start3A_644 = tpu.memref_squeeze %dma_start3A_643 : memref<1x16x128xf32, #tpu.memory_space<hbm>> -> memref<16x128xf32, #tpu.memory_space<hbm>>
        %dma_start3A_645 = arith.constant 168 : i32
        %dma_start3A_646 = arith.constant 0 : i32
        %dma_start3A_647 = tpu.memref_slice %arg16[%dma_start3A_645, %dma_start3A_646] : memref<192x133xf32, #tpu.memory_space<vmem>> -> memref<16x128xf32, #tpu.memory_space<vmem>>
        tpu.enqueue_dma source(%dma_start3A_647 : memref<16x128xf32, #tpu.memory_space<vmem>>) target(%dma_start3A_644 : memref<16x128xf32, #tpu.memory_space<hbm>>) target_semaphore(%arg22 : memref<!tpu.dma_semaphore, #tpu.memory_space<semaphore_mem>>)
      } else {
      }
    }
    %dma_wait3A_235 = arith.constant 0 : i32
    %dma_wait3A_236 = arith.constant 0 : i32
    %dma_wait3A_237 = arith.constant 0 : i32
    %dma_wait3A_238 = tpu.memref_slice %arg15[%dma_wait3A_236, %dma_wait3A_237] : memref<192x133xf32, #tpu.memory_space<vmem>> -> memref<16x128xf32, #tpu.memory_space<vmem>>
    %dma_wait3A_239 = arith.constant 0 : i32
    %dma_wait3A_240 = arith.constant 0 : i32
    %dma_wait3A_241 = tpu.memref_slice %arg6[%dma_wait3A_235, %dma_wait3A_239, %dma_wait3A_240] : memref<8x20000x128xf32, #tpu.memory_space<hbm>> -> memref<1x16x128xf32, #tpu.memory_space<hbm>>
    %dma_wait3A_242 = tpu.memref_squeeze %dma_wait3A_241 : memref<1x16x128xf32, #tpu.memory_space<hbm>> -> memref<16x128xf32, #tpu.memory_space<hbm>>
    %dma_wait3A_243 = arith.constant 0 : i32
    %dma_wait3A_244 = arith.constant 0 : i32
    %dma_wait3A_245 = tpu.memref_slice %arg6[%dma_wait3A_235, %dma_wait3A_243, %dma_wait3A_244] : memref<8x20000x128xf32, #tpu.memory_space<hbm>> -> memref<1x16x128xf32, #tpu.memory_space<hbm>>
    %dma_wait3A_246 = tpu.memref_squeeze %dma_wait3A_245 : memref<1x16x128xf32, #tpu.memory_space<hbm>> -> memref<16x128xf32, #tpu.memory_space<hbm>>
    %dma_wait3A_247 = arith.constant 0 : i32
    %dma_wait3A_248 = arith.constant 0 : i32
    %dma_wait3A_249 = tpu.memref_slice %arg15[%dma_wait3A_247, %dma_wait3A_248] : memref<192x133xf32, #tpu.memory_space<vmem>> -> memref<16x128xf32, #tpu.memory_space<vmem>>
    tpu.wait_dma2 semaphore(%arg21 : memref<!tpu.dma_semaphore, #tpu.memory_space<semaphore_mem>>) src(%dma_wait3A_249 : memref<16x128xf32, #tpu.memory_space<vmem>>) dst(%dma_wait3A_246 : memref<16x128xf32, #tpu.memory_space<hbm>>)
    %dma_wait3A_250 = arith.constant 1 : i32
    %dma_wait3A_251 = arith.constant 24 : i32
    %dma_wait3A_252 = arith.constant 0 : i32
    %dma_wait3A_253 = tpu.memref_slice %arg15[%dma_wait3A_251, %dma_wait3A_252] : memref<192x133xf32, #tpu.memory_space<vmem>> -> memref<16x128xf32, #tpu.memory_space<vmem>>
    %dma_wait3A_254 = arith.constant 0 : i32
    %dma_wait3A_255 = arith.constant 0 : i32
    %dma_wait3A_256 = tpu.memref_slice %arg6[%dma_wait3A_250, %dma_wait3A_254, %dma_wait3A_255] : memref<8x20000x128xf32, #tpu.memory_space<hbm>> -> memref<1x16x128xf32, #tpu.memory_space<hbm>>
    %dma_wait3A_257 = tpu.memref_squeeze %dma_wait3A_256 : memref<1x16x128xf32, #tpu.memory_space<hbm>> -> memref<16x128xf32, #tpu.memory_space<hbm>>
    %dma_wait3A_258 = arith.constant 0 : i32
    %dma_wait3A_259 = arith.constant 0 : i32
    %dma_wait3A_260 = tpu.memref_slice %arg6[%dma_wait3A_250, %dma_wait3A_258, %dma_wait3A_259] : memref<8x20000x128xf32, #tpu.memory_space<hbm>> -> memref<1x16x128xf32, #tpu.memory_space<hbm>>
    %dma_wait3A_261 = tpu.memref_squeeze %dma_wait3A_260 : memref<1x16x128xf32, #tpu.memory_space<hbm>> -> memref<16x128xf32, #tpu.memory_space<hbm>>
    %dma_wait3A_262 = arith.constant 24 : i32
    %dma_wait3A_263 = arith.constant 0 : i32
    %dma_wait3A_264 = tpu.memref_slice %arg15[%dma_wait3A_262, %dma_wait3A_263] : memref<192x133xf32, #tpu.memory_space<vmem>> -> memref<16x128xf32, #tpu.memory_space<vmem>>
    tpu.wait_dma2 semaphore(%arg21 : memref<!tpu.dma_semaphore, #tpu.memory_space<semaphore_mem>>) src(%dma_wait3A_264 : memref<16x128xf32, #tpu.memory_space<vmem>>) dst(%dma_wait3A_261 : memref<16x128xf32, #tpu.memory_space<hbm>>)
    %dma_wait3A_265 = arith.constant 2 : i32
    %dma_wait3A_266 = arith.constant 48 : i32
    %dma_wait3A_267 = arith.constant 0 : i32
    %dma_wait3A_268 = tpu.memref_slice %arg15[%dma_wait3A_266, %dma_wait3A_267] : memref<192x133xf32, #tpu.memory_space<vmem>> -> memref<16x128xf32, #tpu.memory_space<vmem>>
    %dma_wait3A_269 = arith.constant 0 : i32
    %dma_wait3A_270 = arith.constant 0 : i32
    %dma_wait3A_271 = tpu.memref_slice %arg6[%dma_wait3A_265, %dma_wait3A_269, %dma_wait3A_270] : memref<8x20000x128xf32, #tpu.memory_space<hbm>> -> memref<1x16x128xf32, #tpu.memory_space<hbm>>
    %dma_wait3A_272 = tpu.memref_squeeze %dma_wait3A_271 : memref<1x16x128xf32, #tpu.memory_space<hbm>> -> memref<16x128xf32, #tpu.memory_space<hbm>>
    %dma_wait3A_273 = arith.constant 0 : i32
    %dma_wait3A_274 = arith.constant 0 : i32
    %dma_wait3A_275 = tpu.memref_slice %arg6[%dma_wait3A_265, %dma_wait3A_273, %dma_wait3A_274] : memref<8x20000x128xf32, #tpu.memory_space<hbm>> -> memref<1x16x128xf32, #tpu.memory_space<hbm>>
    %dma_wait3A_276 = tpu.memref_squeeze %dma_wait3A_275 : memref<1x16x128xf32, #tpu.memory_space<hbm>> -> memref<16x128xf32, #tpu.memory_space<hbm>>
    %dma_wait3A_277 = arith.constant 48 : i32
    %dma_wait3A_278 = arith.constant 0 : i32
    %dma_wait3A_279 = tpu.memref_slice %arg15[%dma_wait3A_277, %dma_wait3A_278] : memref<192x133xf32, #tpu.memory_space<vmem>> -> memref<16x128xf32, #tpu.memory_space<vmem>>
    tpu.wait_dma2 semaphore(%arg21 : memref<!tpu.dma_semaphore, #tpu.memory_space<semaphore_mem>>) src(%dma_wait3A_279 : memref<16x128xf32, #tpu.memory_space<vmem>>) dst(%dma_wait3A_276 : memref<16x128xf32, #tpu.memory_space<hbm>>)
    %dma_wait3A_280 = arith.constant 3 : i32
    %dma_wait3A_281 = arith.constant 72 : i32
    %dma_wait3A_282 = arith.constant 0 : i32
    %dma_wait3A_283 = tpu.memref_slice %arg15[%dma_wait3A_281, %dma_wait3A_282] : memref<192x133xf32, #tpu.memory_space<vmem>> -> memref<16x128xf32, #tpu.memory_space<vmem>>
    %dma_wait3A_284 = arith.constant 0 : i32
    %dma_wait3A_285 = arith.constant 0 : i32
    %dma_wait3A_286 = tpu.memref_slice %arg6[%dma_wait3A_280, %dma_wait3A_284, %dma_wait3A_285] : memref<8x20000x128xf32, #tpu.memory_space<hbm>> -> memref<1x16x128xf32, #tpu.memory_space<hbm>>
    %dma_wait3A_287 = tpu.memref_squeeze %dma_wait3A_286 : memref<1x16x128xf32, #tpu.memory_space<hbm>> -> memref<16x128xf32, #tpu.memory_space<hbm>>
    %dma_wait3A_288 = arith.constant 0 : i32
    %dma_wait3A_289 = arith.constant 0 : i32
    %dma_wait3A_290 = tpu.memref_slice %arg6[%dma_wait3A_280, %dma_wait3A_288, %dma_wait3A_289] : memref<8x20000x128xf32, #tpu.memory_space<hbm>> -> memref<1x16x128xf32, #tpu.memory_space<hbm>>
    %dma_wait3A_291 = tpu.memref_squeeze %dma_wait3A_290 : memref<1x16x128xf32, #tpu.memory_space<hbm>> -> memref<16x128xf32, #tpu.memory_space<hbm>>
    %dma_wait3A_292 = arith.constant 72 : i32
    %dma_wait3A_293 = arith.constant 0 : i32
    %dma_wait3A_294 = tpu.memref_slice %arg15[%dma_wait3A_292, %dma_wait3A_293] : memref<192x133xf32, #tpu.memory_space<vmem>> -> memref<16x128xf32, #tpu.memory_space<vmem>>
    tpu.wait_dma2 semaphore(%arg21 : memref<!tpu.dma_semaphore, #tpu.memory_space<semaphore_mem>>) src(%dma_wait3A_294 : memref<16x128xf32, #tpu.memory_space<vmem>>) dst(%dma_wait3A_291 : memref<16x128xf32, #tpu.memory_space<hbm>>)
    %dma_wait3A_295 = arith.constant 4 : i32
    %dma_wait3A_296 = arith.constant 96 : i32
    %dma_wait3A_297 = arith.constant 0 : i32
    %dma_wait3A_298 = tpu.memref_slice %arg15[%dma_wait3A_296, %dma_wait3A_297] : memref<192x133xf32, #tpu.memory_space<vmem>> -> memref<16x128xf32, #tpu.memory_space<vmem>>
    %dma_wait3A_299 = arith.constant 0 : i32
    %dma_wait3A_300 = arith.constant 0 : i32
    %dma_wait3A_301 = tpu.memref_slice %arg6[%dma_wait3A_295, %dma_wait3A_299, %dma_wait3A_300] : memref<8x20000x128xf32, #tpu.memory_space<hbm>> -> memref<1x16x128xf32, #tpu.memory_space<hbm>>
    %dma_wait3A_302 = tpu.memref_squeeze %dma_wait3A_301 : memref<1x16x128xf32, #tpu.memory_space<hbm>> -> memref<16x128xf32, #tpu.memory_space<hbm>>
    %dma_wait3A_303 = arith.constant 0 : i32
    %dma_wait3A_304 = arith.constant 0 : i32
    %dma_wait3A_305 = tpu.memref_slice %arg6[%dma_wait3A_295, %dma_wait3A_303, %dma_wait3A_304] : memref<8x20000x128xf32, #tpu.memory_space<hbm>> -> memref<1x16x128xf32, #tpu.memory_space<hbm>>
    %dma_wait3A_306 = tpu.memref_squeeze %dma_wait3A_305 : memref<1x16x128xf32, #tpu.memory_space<hbm>> -> memref<16x128xf32, #tpu.memory_space<hbm>>
    %dma_wait3A_307 = arith.constant 96 : i32
    %dma_wait3A_308 = arith.constant 0 : i32
    %dma_wait3A_309 = tpu.memref_slice %arg15[%dma_wait3A_307, %dma_wait3A_308] : memref<192x133xf32, #tpu.memory_space<vmem>> -> memref<16x128xf32, #tpu.memory_space<vmem>>
    tpu.wait_dma2 semaphore(%arg21 : memref<!tpu.dma_semaphore, #tpu.memory_space<semaphore_mem>>) src(%dma_wait3A_309 : memref<16x128xf32, #tpu.memory_space<vmem>>) dst(%dma_wait3A_306 : memref<16x128xf32, #tpu.memory_space<hbm>>)
    %dma_wait3A_310 = arith.constant 5 : i32
    %dma_wait3A_311 = arith.constant 120 : i32
    %dma_wait3A_312 = arith.constant 0 : i32
    %dma_wait3A_313 = tpu.memref_slice %arg15[%dma_wait3A_311, %dma_wait3A_312] : memref<192x133xf32, #tpu.memory_space<vmem>> -> memref<16x128xf32, #tpu.memory_space<vmem>>
    %dma_wait3A_314 = arith.constant 0 : i32
    %dma_wait3A_315 = arith.constant 0 : i32
    %dma_wait3A_316 = tpu.memref_slice %arg6[%dma_wait3A_310, %dma_wait3A_314, %dma_wait3A_315] : memref<8x20000x128xf32, #tpu.memory_space<hbm>> -> memref<1x16x128xf32, #tpu.memory_space<hbm>>
    %dma_wait3A_317 = tpu.memref_squeeze %dma_wait3A_316 : memref<1x16x128xf32, #tpu.memory_space<hbm>> -> memref<16x128xf32, #tpu.memory_space<hbm>>
    %dma_wait3A_318 = arith.constant 0 : i32
    %dma_wait3A_319 = arith.constant 0 : i32
    %dma_wait3A_320 = tpu.memref_slice %arg6[%dma_wait3A_310, %dma_wait3A_318, %dma_wait3A_319] : memref<8x20000x128xf32, #tpu.memory_space<hbm>> -> memref<1x16x128xf32, #tpu.memory_space<hbm>>
    %dma_wait3A_321 = tpu.memref_squeeze %dma_wait3A_320 : memref<1x16x128xf32, #tpu.memory_space<hbm>> -> memref<16x128xf32, #tpu.memory_space<hbm>>
    %dma_wait3A_322 = arith.constant 120 : i32
    %dma_wait3A_323 = arith.constant 0 : i32
    %dma_wait3A_324 = tpu.memref_slice %arg15[%dma_wait3A_322, %dma_wait3A_323] : memref<192x133xf32, #tpu.memory_space<vmem>> -> memref<16x128xf32, #tpu.memory_space<vmem>>
    tpu.wait_dma2 semaphore(%arg21 : memref<!tpu.dma_semaphore, #tpu.memory_space<semaphore_mem>>) src(%dma_wait3A_324 : memref<16x128xf32, #tpu.memory_space<vmem>>) dst(%dma_wait3A_321 : memref<16x128xf32, #tpu.memory_space<hbm>>)
    %dma_wait3A_325 = arith.constant 6 : i32
    %dma_wait3A_326 = arith.constant 144 : i32
    %dma_wait3A_327 = arith.constant 0 : i32
    %dma_wait3A_328 = tpu.memref_slice %arg15[%dma_wait3A_326, %dma_wait3A_327] : memref<192x133xf32, #tpu.memory_space<vmem>> -> memref<16x128xf32, #tpu.memory_space<vmem>>
    %dma_wait3A_329 = arith.constant 0 : i32
    %dma_wait3A_330 = arith.constant 0 : i32
    %dma_wait3A_331 = tpu.memref_slice %arg6[%dma_wait3A_325, %dma_wait3A_329, %dma_wait3A_330] : memref<8x20000x128xf32, #tpu.memory_space<hbm>> -> memref<1x16x128xf32, #tpu.memory_space<hbm>>
    %dma_wait3A_332 = tpu.memref_squeeze %dma_wait3A_331 : memref<1x16x128xf32, #tpu.memory_space<hbm>> -> memref<16x128xf32, #tpu.memory_space<hbm>>
    %dma_wait3A_333 = arith.constant 0 : i32
    %dma_wait3A_334 = arith.constant 0 : i32
    %dma_wait3A_335 = tpu.memref_slice %arg6[%dma_wait3A_325, %dma_wait3A_333, %dma_wait3A_334] : memref<8x20000x128xf32, #tpu.memory_space<hbm>> -> memref<1x16x128xf32, #tpu.memory_space<hbm>>
    %dma_wait3A_336 = tpu.memref_squeeze %dma_wait3A_335 : memref<1x16x128xf32, #tpu.memory_space<hbm>> -> memref<16x128xf32, #tpu.memory_space<hbm>>
    %dma_wait3A_337 = arith.constant 144 : i32
    %dma_wait3A_338 = arith.constant 0 : i32
    %dma_wait3A_339 = tpu.memref_slice %arg15[%dma_wait3A_337, %dma_wait3A_338] : memref<192x133xf32, #tpu.memory_space<vmem>> -> memref<16x128xf32, #tpu.memory_space<vmem>>
    tpu.wait_dma2 semaphore(%arg21 : memref<!tpu.dma_semaphore, #tpu.memory_space<semaphore_mem>>) src(%dma_wait3A_339 : memref<16x128xf32, #tpu.memory_space<vmem>>) dst(%dma_wait3A_336 : memref<16x128xf32, #tpu.memory_space<hbm>>)
    %dma_wait3A_340 = arith.constant 7 : i32
    %dma_wait3A_341 = arith.constant 168 : i32
    %dma_wait3A_342 = arith.constant 0 : i32
    %dma_wait3A_343 = tpu.memref_slice %arg15[%dma_wait3A_341, %dma_wait3A_342] : memref<192x133xf32, #tpu.memory_space<vmem>> -> memref<16x128xf32, #tpu.memory_space<vmem>>
    %dma_wait3A_344 = arith.constant 0 : i32
    %dma_wait3A_345 = arith.constant 0 : i32
    %dma_wait3A_346 = tpu.memref_slice %arg6[%dma_wait3A_340, %dma_wait3A_344, %dma_wait3A_345] : memref<8x20000x128xf32, #tpu.memory_space<hbm>> -> memref<1x16x128xf32, #tpu.memory_space<hbm>>
    %dma_wait3A_347 = tpu.memref_squeeze %dma_wait3A_346 : memref<1x16x128xf32, #tpu.memory_space<hbm>> -> memref<16x128xf32, #tpu.memory_space<hbm>>
    %dma_wait3A_348 = arith.constant 0 : i32
    %dma_wait3A_349 = arith.constant 0 : i32
    %dma_wait3A_350 = tpu.memref_slice %arg6[%dma_wait3A_340, %dma_wait3A_348, %dma_wait3A_349] : memref<8x20000x128xf32, #tpu.memory_space<hbm>> -> memref<1x16x128xf32, #tpu.memory_space<hbm>>
    %dma_wait3A_351 = tpu.memref_squeeze %dma_wait3A_350 : memref<1x16x128xf32, #tpu.memory_space<hbm>> -> memref<16x128xf32, #tpu.memory_space<hbm>>
    %dma_wait3A_352 = arith.constant 168 : i32
    %dma_wait3A_353 = arith.constant 0 : i32
    %dma_wait3A_354 = tpu.memref_slice %arg15[%dma_wait3A_352, %dma_wait3A_353] : memref<192x133xf32, #tpu.memory_space<vmem>> -> memref<16x128xf32, #tpu.memory_space<vmem>>
    tpu.wait_dma2 semaphore(%arg21 : memref<!tpu.dma_semaphore, #tpu.memory_space<semaphore_mem>>) src(%dma_wait3A_354 : memref<16x128xf32, #tpu.memory_space<vmem>>) dst(%dma_wait3A_351 : memref<16x128xf32, #tpu.memory_space<hbm>>)
    %dma_wait3A_355 = arith.constant 0 : i32
    %dma_wait3A_356 = arith.constant 0 : i32
    %dma_wait3A_357 = arith.constant 0 : i32
    %dma_wait3A_358 = tpu.memref_slice %arg16[%dma_wait3A_356, %dma_wait3A_357] : memref<192x133xf32, #tpu.memory_space<vmem>> -> memref<16x128xf32, #tpu.memory_space<vmem>>
    %dma_wait3A_359 = arith.constant 0 : i32
    %dma_wait3A_360 = arith.constant 0 : i32
    %dma_wait3A_361 = tpu.memref_slice %arg6[%dma_wait3A_355, %dma_wait3A_359, %dma_wait3A_360] : memref<8x20000x128xf32, #tpu.memory_space<hbm>> -> memref<1x16x128xf32, #tpu.memory_space<hbm>>
    %dma_wait3A_362 = tpu.memref_squeeze %dma_wait3A_361 : memref<1x16x128xf32, #tpu.memory_space<hbm>> -> memref<16x128xf32, #tpu.memory_space<hbm>>
    %dma_wait3A_363 = arith.constant 0 : i32
    %dma_wait3A_364 = arith.constant 0 : i32
    %dma_wait3A_365 = tpu.memref_slice %arg6[%dma_wait3A_355, %dma_wait3A_363, %dma_wait3A_364] : memref<8x20000x128xf32, #tpu.memory_space<hbm>> -> memref<1x16x128xf32, #tpu.memory_space<hbm>>
    %dma_wait3A_366 = tpu.memref_squeeze %dma_wait3A_365 : memref<1x16x128xf32, #tpu.memory_space<hbm>> -> memref<16x128xf32, #tpu.memory_space<hbm>>
    %dma_wait3A_367 = arith.constant 0 : i32
    %dma_wait3A_368 = arith.constant 0 : i32
    %dma_wait3A_369 = tpu.memref_slice %arg16[%dma_wait3A_367, %dma_wait3A_368] : memref<192x133xf32, #tpu.memory_space<vmem>> -> memref<16x128xf32, #tpu.memory_space<vmem>>
    tpu.wait_dma2 semaphore(%arg22 : memref<!tpu.dma_semaphore, #tpu.memory_space<semaphore_mem>>) src(%dma_wait3A_369 : memref<16x128xf32, #tpu.memory_space<vmem>>) dst(%dma_wait3A_366 : memref<16x128xf32, #tpu.memory_space<hbm>>)
    %dma_wait3A_370 = arith.constant 1 : i32
    %dma_wait3A_371 = arith.constant 24 : i32
    %dma_wait3A_372 = arith.constant 0 : i32
    %dma_wait3A_373 = tpu.memref_slice %arg16[%dma_wait3A_371, %dma_wait3A_372] : memref<192x133xf32, #tpu.memory_space<vmem>> -> memref<16x128xf32, #tpu.memory_space<vmem>>
    %dma_wait3A_374 = arith.constant 0 : i32
    %dma_wait3A_375 = arith.constant 0 : i32
    %dma_wait3A_376 = tpu.memref_slice %arg6[%dma_wait3A_370, %dma_wait3A_374, %dma_wait3A_375] : memref<8x20000x128xf32, #tpu.memory_space<hbm>> -> memref<1x16x128xf32, #tpu.memory_space<hbm>>
    %dma_wait3A_377 = tpu.memref_squeeze %dma_wait3A_376 : memref<1x16x128xf32, #tpu.memory_space<hbm>> -> memref<16x128xf32, #tpu.memory_space<hbm>>
    %dma_wait3A_378 = arith.constant 0 : i32
    %dma_wait3A_379 = arith.constant 0 : i32
    %dma_wait3A_380 = tpu.memref_slice %arg6[%dma_wait3A_370, %dma_wait3A_378, %dma_wait3A_379] : memref<8x20000x128xf32, #tpu.memory_space<hbm>> -> memref<1x16x128xf32, #tpu.memory_space<hbm>>
    %dma_wait3A_381 = tpu.memref_squeeze %dma_wait3A_380 : memref<1x16x128xf32, #tpu.memory_space<hbm>> -> memref<16x128xf32, #tpu.memory_space<hbm>>
    %dma_wait3A_382 = arith.constant 24 : i32
    %dma_wait3A_383 = arith.constant 0 : i32
    %dma_wait3A_384 = tpu.memref_slice %arg16[%dma_wait3A_382, %dma_wait3A_383] : memref<192x133xf32, #tpu.memory_space<vmem>> -> memref<16x128xf32, #tpu.memory_space<vmem>>
    tpu.wait_dma2 semaphore(%arg22 : memref<!tpu.dma_semaphore, #tpu.memory_space<semaphore_mem>>) src(%dma_wait3A_384 : memref<16x128xf32, #tpu.memory_space<vmem>>) dst(%dma_wait3A_381 : memref<16x128xf32, #tpu.memory_space<hbm>>)
    %dma_wait3A_385 = arith.constant 2 : i32
    %dma_wait3A_386 = arith.constant 48 : i32
    %dma_wait3A_387 = arith.constant 0 : i32
    %dma_wait3A_388 = tpu.memref_slice %arg16[%dma_wait3A_386, %dma_wait3A_387] : memref<192x133xf32, #tpu.memory_space<vmem>> -> memref<16x128xf32, #tpu.memory_space<vmem>>
    %dma_wait3A_389 = arith.constant 0 : i32
    %dma_wait3A_390 = arith.constant 0 : i32
    %dma_wait3A_391 = tpu.memref_slice %arg6[%dma_wait3A_385, %dma_wait3A_389, %dma_wait3A_390] : memref<8x20000x128xf32, #tpu.memory_space<hbm>> -> memref<1x16x128xf32, #tpu.memory_space<hbm>>
    %dma_wait3A_392 = tpu.memref_squeeze %dma_wait3A_391 : memref<1x16x128xf32, #tpu.memory_space<hbm>> -> memref<16x128xf32, #tpu.memory_space<hbm>>
    %dma_wait3A_393 = arith.constant 0 : i32
    %dma_wait3A_394 = arith.constant 0 : i32
    %dma_wait3A_395 = tpu.memref_slice %arg6[%dma_wait3A_385, %dma_wait3A_393, %dma_wait3A_394] : memref<8x20000x128xf32, #tpu.memory_space<hbm>> -> memref<1x16x128xf32, #tpu.memory_space<hbm>>
    %dma_wait3A_396 = tpu.memref_squeeze %dma_wait3A_395 : memref<1x16x128xf32, #tpu.memory_space<hbm>> -> memref<16x128xf32, #tpu.memory_space<hbm>>
    %dma_wait3A_397 = arith.constant 48 : i32
    %dma_wait3A_398 = arith.constant 0 : i32
    %dma_wait3A_399 = tpu.memref_slice %arg16[%dma_wait3A_397, %dma_wait3A_398] : memref<192x133xf32, #tpu.memory_space<vmem>> -> memref<16x128xf32, #tpu.memory_space<vmem>>
    tpu.wait_dma2 semaphore(%arg22 : memref<!tpu.dma_semaphore, #tpu.memory_space<semaphore_mem>>) src(%dma_wait3A_399 : memref<16x128xf32, #tpu.memory_space<vmem>>) dst(%dma_wait3A_396 : memref<16x128xf32, #tpu.memory_space<hbm>>)
    %dma_wait3A_400 = arith.constant 3 : i32
    %dma_wait3A_401 = arith.constant 72 : i32
    %dma_wait3A_402 = arith.constant 0 : i32
    %dma_wait3A_403 = tpu.memref_slice %arg16[%dma_wait3A_401, %dma_wait3A_402] : memref<192x133xf32, #tpu.memory_space<vmem>> -> memref<16x128xf32, #tpu.memory_space<vmem>>
    %dma_wait3A_404 = arith.constant 0 : i32
    %dma_wait3A_405 = arith.constant 0 : i32
    %dma_wait3A_406 = tpu.memref_slice %arg6[%dma_wait3A_400, %dma_wait3A_404, %dma_wait3A_405] : memref<8x20000x128xf32, #tpu.memory_space<hbm>> -> memref<1x16x128xf32, #tpu.memory_space<hbm>>
    %dma_wait3A_407 = tpu.memref_squeeze %dma_wait3A_406 : memref<1x16x128xf32, #tpu.memory_space<hbm>> -> memref<16x128xf32, #tpu.memory_space<hbm>>
    %dma_wait3A_408 = arith.constant 0 : i32
    %dma_wait3A_409 = arith.constant 0 : i32
    %dma_wait3A_410 = tpu.memref_slice %arg6[%dma_wait3A_400, %dma_wait3A_408, %dma_wait3A_409] : memref<8x20000x128xf32, #tpu.memory_space<hbm>> -> memref<1x16x128xf32, #tpu.memory_space<hbm>>
    %dma_wait3A_411 = tpu.memref_squeeze %dma_wait3A_410 : memref<1x16x128xf32, #tpu.memory_space<hbm>> -> memref<16x128xf32, #tpu.memory_space<hbm>>
    %dma_wait3A_412 = arith.constant 72 : i32
    %dma_wait3A_413 = arith.constant 0 : i32
    %dma_wait3A_414 = tpu.memref_slice %arg16[%dma_wait3A_412, %dma_wait3A_413] : memref<192x133xf32, #tpu.memory_space<vmem>> -> memref<16x128xf32, #tpu.memory_space<vmem>>
    tpu.wait_dma2 semaphore(%arg22 : memref<!tpu.dma_semaphore, #tpu.memory_space<semaphore_mem>>) src(%dma_wait3A_414 : memref<16x128xf32, #tpu.memory_space<vmem>>) dst(%dma_wait3A_411 : memref<16x128xf32, #tpu.memory_space<hbm>>)
    %dma_wait3A_415 = arith.constant 4 : i32
    %dma_wait3A_416 = arith.constant 96 : i32
    %dma_wait3A_417 = arith.constant 0 : i32
    %dma_wait3A_418 = tpu.memref_slice %arg16[%dma_wait3A_416, %dma_wait3A_417] : memref<192x133xf32, #tpu.memory_space<vmem>> -> memref<16x128xf32, #tpu.memory_space<vmem>>
    %dma_wait3A_419 = arith.constant 0 : i32
    %dma_wait3A_420 = arith.constant 0 : i32
    %dma_wait3A_421 = tpu.memref_slice %arg6[%dma_wait3A_415, %dma_wait3A_419, %dma_wait3A_420] : memref<8x20000x128xf32, #tpu.memory_space<hbm>> -> memref<1x16x128xf32, #tpu.memory_space<hbm>>
    %dma_wait3A_422 = tpu.memref_squeeze %dma_wait3A_421 : memref<1x16x128xf32, #tpu.memory_space<hbm>> -> memref<16x128xf32, #tpu.memory_space<hbm>>
    %dma_wait3A_423 = arith.constant 0 : i32
    %dma_wait3A_424 = arith.constant 0 : i32
    %dma_wait3A_425 = tpu.memref_slice %arg6[%dma_wait3A_415, %dma_wait3A_423, %dma_wait3A_424] : memref<8x20000x128xf32, #tpu.memory_space<hbm>> -> memref<1x16x128xf32, #tpu.memory_space<hbm>>
    %dma_wait3A_426 = tpu.memref_squeeze %dma_wait3A_425 : memref<1x16x128xf32, #tpu.memory_space<hbm>> -> memref<16x128xf32, #tpu.memory_space<hbm>>
    %dma_wait3A_427 = arith.constant 96 : i32
    %dma_wait3A_428 = arith.constant 0 : i32
    %dma_wait3A_429 = tpu.memref_slice %arg16[%dma_wait3A_427, %dma_wait3A_428] : memref<192x133xf32, #tpu.memory_space<vmem>> -> memref<16x128xf32, #tpu.memory_space<vmem>>
    tpu.wait_dma2 semaphore(%arg22 : memref<!tpu.dma_semaphore, #tpu.memory_space<semaphore_mem>>) src(%dma_wait3A_429 : memref<16x128xf32, #tpu.memory_space<vmem>>) dst(%dma_wait3A_426 : memref<16x128xf32, #tpu.memory_space<hbm>>)
    %dma_wait3A_430 = arith.constant 5 : i32
    %dma_wait3A_431 = arith.constant 120 : i32
    %dma_wait3A_432 = arith.constant 0 : i32
    %dma_wait3A_433 = tpu.memref_slice %arg16[%dma_wait3A_431, %dma_wait3A_432] : memref<192x133xf32, #tpu.memory_space<vmem>> -> memref<16x128xf32, #tpu.memory_space<vmem>>
    %dma_wait3A_434 = arith.constant 0 : i32
    %dma_wait3A_435 = arith.constant 0 : i32
    %dma_wait3A_436 = tpu.memref_slice %arg6[%dma_wait3A_430, %dma_wait3A_434, %dma_wait3A_435] : memref<8x20000x128xf32, #tpu.memory_space<hbm>> -> memref<1x16x128xf32, #tpu.memory_space<hbm>>
    %dma_wait3A_437 = tpu.memref_squeeze %dma_wait3A_436 : memref<1x16x128xf32, #tpu.memory_space<hbm>> -> memref<16x128xf32, #tpu.memory_space<hbm>>
    %dma_wait3A_438 = arith.constant 0 : i32
    %dma_wait3A_439 = arith.constant 0 : i32
    %dma_wait3A_440 = tpu.memref_slice %arg6[%dma_wait3A_430, %dma_wait3A_438, %dma_wait3A_439] : memref<8x20000x128xf32, #tpu.memory_space<hbm>> -> memref<1x16x128xf32, #tpu.memory_space<hbm>>
    %dma_wait3A_441 = tpu.memref_squeeze %dma_wait3A_440 : memref<1x16x128xf32, #tpu.memory_space<hbm>> -> memref<16x128xf32, #tpu.memory_space<hbm>>
    %dma_wait3A_442 = arith.constant 120 : i32
    %dma_wait3A_443 = arith.constant 0 : i32
    %dma_wait3A_444 = tpu.memref_slice %arg16[%dma_wait3A_442, %dma_wait3A_443] : memref<192x133xf32, #tpu.memory_space<vmem>> -> memref<16x128xf32, #tpu.memory_space<vmem>>
    tpu.wait_dma2 semaphore(%arg22 : memref<!tpu.dma_semaphore, #tpu.memory_space<semaphore_mem>>) src(%dma_wait3A_444 : memref<16x128xf32, #tpu.memory_space<vmem>>) dst(%dma_wait3A_441 : memref<16x128xf32, #tpu.memory_space<hbm>>)
    %dma_wait3A_445 = arith.constant 6 : i32
    %dma_wait3A_446 = arith.constant 144 : i32
    %dma_wait3A_447 = arith.constant 0 : i32
    %dma_wait3A_448 = tpu.memref_slice %arg16[%dma_wait3A_446, %dma_wait3A_447] : memref<192x133xf32, #tpu.memory_space<vmem>> -> memref<16x128xf32, #tpu.memory_space<vmem>>
    %dma_wait3A_449 = arith.constant 0 : i32
    %dma_wait3A_450 = arith.constant 0 : i32
    %dma_wait3A_451 = tpu.memref_slice %arg6[%dma_wait3A_445, %dma_wait3A_449, %dma_wait3A_450] : memref<8x20000x128xf32, #tpu.memory_space<hbm>> -> memref<1x16x128xf32, #tpu.memory_space<hbm>>
    %dma_wait3A_452 = tpu.memref_squeeze %dma_wait3A_451 : memref<1x16x128xf32, #tpu.memory_space<hbm>> -> memref<16x128xf32, #tpu.memory_space<hbm>>
    %dma_wait3A_453 = arith.constant 0 : i32
    %dma_wait3A_454 = arith.constant 0 : i32
    %dma_wait3A_455 = tpu.memref_slice %arg6[%dma_wait3A_445, %dma_wait3A_453, %dma_wait3A_454] : memref<8x20000x128xf32, #tpu.memory_space<hbm>> -> memref<1x16x128xf32, #tpu.memory_space<hbm>>
    %dma_wait3A_456 = tpu.memref_squeeze %dma_wait3A_455 : memref<1x16x128xf32, #tpu.memory_space<hbm>> -> memref<16x128xf32, #tpu.memory_space<hbm>>
    %dma_wait3A_457 = arith.constant 144 : i32
    %dma_wait3A_458 = arith.constant 0 : i32
    %dma_wait3A_459 = tpu.memref_slice %arg16[%dma_wait3A_457, %dma_wait3A_458] : memref<192x133xf32, #tpu.memory_space<vmem>> -> memref<16x128xf32, #tpu.memory_space<vmem>>
    tpu.wait_dma2 semaphore(%arg22 : memref<!tpu.dma_semaphore, #tpu.memory_space<semaphore_mem>>) src(%dma_wait3A_459 : memref<16x128xf32, #tpu.memory_space<vmem>>) dst(%dma_wait3A_456 : memref<16x128xf32, #tpu.memory_space<hbm>>)
    %dma_wait3A_460 = arith.constant 7 : i32
    %dma_wait3A_461 = arith.constant 168 : i32
    %dma_wait3A_462 = arith.constant 0 : i32
    %dma_wait3A_463 = tpu.memref_slice %arg16[%dma_wait3A_461, %dma_wait3A_462] : memref<192x133xf32, #tpu.memory_space<vmem>> -> memref<16x128xf32, #tpu.memory_space<vmem>>
    %dma_wait3A_464 = arith.constant 0 : i32
    %dma_wait3A_465 = arith.constant 0 : i32
    %dma_wait3A_466 = tpu.memref_slice %arg6[%dma_wait3A_460, %dma_wait3A_464, %dma_wait3A_465] : memref<8x20000x128xf32, #tpu.memory_space<hbm>> -> memref<1x16x128xf32, #tpu.memory_space<hbm>>
    %dma_wait3A_467 = tpu.memref_squeeze %dma_wait3A_466 : memref<1x16x128xf32, #tpu.memory_space<hbm>> -> memref<16x128xf32, #tpu.memory_space<hbm>>
    %dma_wait3A_468 = arith.constant 0 : i32
    %dma_wait3A_469 = arith.constant 0 : i32
    %dma_wait3A_470 = tpu.memref_slice %arg6[%dma_wait3A_460, %dma_wait3A_468, %dma_wait3A_469] : memref<8x20000x128xf32, #tpu.memory_space<hbm>> -> memref<1x16x128xf32, #tpu.memory_space<hbm>>
    %dma_wait3A_471 = tpu.memref_squeeze %dma_wait3A_470 : memref<1x16x128xf32, #tpu.memory_space<hbm>> -> memref<16x128xf32, #tpu.memory_space<hbm>>
    %dma_wait3A_472 = arith.constant 168 : i32
    %dma_wait3A_473 = arith.constant 0 : i32
    %dma_wait3A_474 = tpu.memref_slice %arg16[%dma_wait3A_472, %dma_wait3A_473] : memref<192x133xf32, #tpu.memory_space<vmem>> -> memref<16x128xf32, #tpu.memory_space<vmem>>
    tpu.wait_dma2 semaphore(%arg22 : memref<!tpu.dma_semaphore, #tpu.memory_space<semaphore_mem>>) src(%dma_wait3A_474 : memref<16x128xf32, #tpu.memory_space<vmem>>) dst(%dma_wait3A_471 : memref<16x128xf32, #tpu.memory_space<hbm>>)
    return
  }
}

module attributes {stable_mosaic.version = 14 : i64} {
  func.func @_tc_tables(%arg0: memref<10000x128xf32, #tpu.memory_space<vmem>>, %arg1: memref<128x64xf32, #tpu.memory_space<vmem>>, %arg2: memref<128x64xf32, #tpu.memory_space<vmem>>, %arg3: memref<3x320000xi32, #tpu.memory_space<vmem>>, %arg4: memref<10000x64xbf16, #tpu.memory_space<vmem>>, %arg5: memref<10000x64xbf16, #tpu.memory_space<vmem>>, %arg6: memref<320000xi32, #tpu.memory_space<vmem>>, %arg7: memref<320000xi32, #tpu.memory_space<vmem>>) attributes {dimension_semantics = [], scalar_prefetch = 0 : i64, scratch_operands = 0 : i64, tpu.core_type = #tpu.core_type<tc>} {
    %get3A = arith.constant 0 : index
    %get3A_0 = arith.constant 0 : index
    %get3A_1 = vector.load %arg0[%get3A, %get3A_0] : memref<10000x128xf32, #tpu.memory_space<vmem>>, vector<10000x128xf32>
    %get3A_2 = arith.constant 0 : index
    %get3A_3 = arith.constant 0 : index
    %get3A_4 = vector.load %arg1[%get3A_2, %get3A_3] : memref<128x64xf32, #tpu.memory_space<vmem>>, vector<128x64xf32>
    %dot_general3A = arith.constant dense<0.000000e+00> : vector<10000x64xf32>
    %dot_general3A_5 = tpu.matmul %get3A_1, %get3A_4, %dot_general3A {dimension_numbers = #tpu.dot_dimension_numbers<[1], [0], [0], [1], [0, 0, 1, 1], [], []>, transpose_lhs_hint = false} : vector<10000x128xf32>, vector<128x64xf32>, vector<10000x64xf32> -> vector<10000x64xf32>
    %get3A_6 = arith.constant 0 : index
    %get3A_7 = arith.constant 0 : index
    %get3A_8 = vector.load %arg2[%get3A_6, %get3A_7] : memref<128x64xf32, #tpu.memory_space<vmem>>, vector<64x64xf32>
    %dot_general3A_9 = arith.constant dense<0.000000e+00> : vector<10000x64xf32>
    %dot_general3A_10 = tpu.matmul %dot_general3A_5, %get3A_8, %dot_general3A_9 {dimension_numbers = #tpu.dot_dimension_numbers<[1], [0], [0], [1], [0, 0, 1, 1], [], []>, transpose_lhs_hint = false} : vector<10000x64xf32>, vector<64x64xf32>, vector<10000x64xf32> -> vector<10000x64xf32>
    %get3A_11 = arith.constant 64 : index
    %get3A_12 = arith.constant 0 : index
    %get3A_13 = vector.load %arg2[%get3A_11, %get3A_12] : memref<128x64xf32, #tpu.memory_space<vmem>>, vector<64x64xf32>
    %dot_general3A_14 = arith.constant dense<0.000000e+00> : vector<10000x64xf32>
    %dot_general3A_15 = tpu.matmul %dot_general3A_5, %get3A_13, %dot_general3A_14 {dimension_numbers = #tpu.dot_dimension_numbers<[1], [0], [0], [1], [0, 0, 1, 1], [], []>, transpose_lhs_hint = false} : vector<10000x64xf32>, vector<64x64xf32>, vector<10000x64xf32> -> vector<10000x64xf32>
    %convert_element_type3A = arith.truncf %dot_general3A_10 : vector<10000x64xf32> to vector<10000x64xbf16>
    %swap3A = arith.constant 0 : index
    %swap3A_16 = arith.constant 0 : index
    %swap3A_17 = vector.load %arg4[%swap3A, %swap3A_16] : memref<10000x64xbf16, #tpu.memory_space<vmem>>, vector<10000x64xbf16>
    tpu.vector_store %arg4[%swap3A, %swap3A_16], %convert_element_type3A {strides = array<i32>} : memref<10000x64xbf16, #tpu.memory_space<vmem>>, vector<10000x64xbf16>,
    %convert_element_type3A_18 = arith.truncf %dot_general3A_15 : vector<10000x64xf32> to vector<10000x64xbf16>
    %swap3A_19 = arith.constant 0 : index
    %swap3A_20 = arith.constant 0 : index
    %swap3A_21 = vector.load %arg5[%swap3A_19, %swap3A_20] : memref<10000x64xbf16, #tpu.memory_space<vmem>>, vector<10000x64xbf16>
    tpu.vector_store %arg5[%swap3A_19, %swap3A_20], %convert_element_type3A_18 {strides = array<i32>} : memref<10000x64xbf16, #tpu.memory_space<vmem>>, vector<10000x64xbf16>,
    %get3A_22 = arith.constant 0 : index
    %get3A_23 = arith.constant 0 : index
    %get3A_24 = vector.load %arg3[%get3A_22, %get3A_23] : memref<3x320000xi32, #tpu.memory_space<vmem>>, vector<1x320000xi32>
    %get3A_25 = vector.shape_cast %get3A_24 : vector<1x320000xi32> to vector<320000xi32>
    %swap3A_26 = arith.constant 0 : index
    %swap3A_27 = vector.load %arg6[%swap3A_26] : memref<320000xi32, #tpu.memory_space<vmem>>, vector<320000xi32>
    tpu.vector_store %arg6[%swap3A_26], %get3A_25 {strides = array<i32>} : memref<320000xi32, #tpu.memory_space<vmem>>, vector<320000xi32>,
    %get3A_28 = arith.constant 1 : index
    %get3A_29 = arith.constant 0 : index
    %get3A_30 = vector.load %arg3[%get3A_28, %get3A_29] : memref<3x320000xi32, #tpu.memory_space<vmem>>, vector<1x320000xi32>
    %get3A_31 = vector.shape_cast %get3A_30 : vector<1x320000xi32> to vector<320000xi32>
    %swap3A_32 = arith.constant 0 : index
    %swap3A_33 = vector.load %arg7[%swap3A_32] : memref<320000xi32, #tpu.memory_space<vmem>>, vector<320000xi32>
    tpu.vector_store %arg7[%swap3A_32], %get3A_31 {strides = array<i32>} : memref<320000xi32, #tpu.memory_space<vmem>>, vector<320000xi32>,
    return
  }
}

</mosaic_0001>

<sc_bundles>
// kernel: kernel.4.cloned.1.call-start
scs
__scs_entry_jumppad:
0x0: {  	(pc) =	sbr.rel $0x88, $3  }
0x1: {  	(tag) =	ssettag $0x0;
	lr =	simm.s32 $0x1  }
0x2: {  	[smem:$0x3F9D] =	sst lr;
	_ =	strace $0xD0000000  }
0x3: {  	_ = 	snop  }
0x4: {  	_ = 	snop  }
0x5: {  	_ = 	snop  }
0x6: {  	_ = 	snop  }
0x7: {  	_ = 	snop  }
__scs_overlays_trampoline_lowered:
0x8: {  	[smem:$0x3FAC] =	sst s0  }
0x9: {  	[smem:$0x3FAD] =	sst s1  }
0xa: {  	[smem:$0x3FAE] =	sst s2  }
0xb: {  	[smem:$0x3FAF] =	sst s3  }
0xc: {  	[smem:$0x3FB0] =	sst s4  }
0xd: {  	[smem:$0x3FB1] =	sst s5  }
0xe: {  	[smem:$0x3FB2] =	sst s6  }
0xf: {  	[smem:$0x3FB3] =	sst s7  }
0x10: {  	[smem:$0x3FB4] =	sst s8  }
0x11: {  	[smem:$0x3FB5] =	sst s9;
	s0 =	simm.s32 @!p0 $0x0  }
0x12: {  	s1 =	sld [smem:$0x3F9B];
	s0 =	simm.s32 @p0 $0x1  }
0x13: {  	[smem:$0x3FB6] =	sst s0;
	s0 =	simm.s32 @!p1 $0x0  }
0x14: {  	s2 =	sld [smem:$0x3F9A];
	s0 =	simm.s32 @p1 $0x1  }
0x15: {  	[smem:$0x3FB7] =	sst s0;
	s0 =	simm.s32 @!p2 $0x0  }
0x16: {  	s3 =	sld [smem:$0x3FDB];
	s0 =	simm.s32 @p2 $0x1  }
0x17: {  	s4 =	simm.s32 $0x1BF5;
	[smem:$0x3FB9] =	sst s0  }
0x18: {  	s0 =	sld [smem:$0x3F9C];
	_ =	swait.ge [sflag:s4], $0x0  }
0x19: {  	s7 =	sld [smem:$0x3F9D]  }
0x1a: {  	s8 =	sadd.s32 $0xFFFFE003, lr  }
0x1b: {  	s9 =	sadd.s32 $0xFFFFFEF7, lr;
	s5 =	simm.s32 $0xFFFFFFFF;
	p2 =	slt.u32 s8, $0xFFFFF086  }
0x1c: {  	p1 =	slt.u32 s9, $0xF7A;
	s5 =	simm.s32 @!p2 $0x0  }
0x1d: {  	s5 =	simm.s32 @p1 $0x1;
	p0 =	seq.s32 s7, s2  }
0x1e: {  	s7 =	smul.u32 @!p0 $0xF7A, s2;
	p2 =	seq.s32 @!p0 s5, $0x0  }
0x1f: {  	s9 =	smul.u32 $0xF7A, s1;
	s8 =	simm.s32 @!p0 $0x1BF5;
	p2 =	por !p2, p0  }
0x20: {  	[sflag:s8] =	ssyncset.s32 @!p0 $0xFFFFF086;
	s6 =	sadd.s32 @!p0 s3, s7;
	s7 =	simm.s32 @!p0 $0x108  }
0x21: {  	s3 =	sadd.s32 s3, s9;
	s6 =	sadd.s32 @!p0 $0x88, s6;
	s7 =	simm.s32 @p2 $0x1082  }
0x22: {  	[simem:s7], [sflag:s8] =	dma.local @!p0 [hbm:s6], $0xF7A  }
0x23: {  	s9 =	sor.u32 $0xD0000000, s2;
	s6 =	simm.s32 $0x108;
	_ =	swait.ge @!p0 [sflag:s8], $0x0  }
0x24: {  	s3 =	sadd.s32 $0x88, s3;
	s6 =	simm.s32 @!p1 $0x1082;
	[sflag:s4] =	ssyncset.s32 $0xFFFFF086  }
0x25: {  	[simem:s6], [sflag:s4] =	dma.local [hbm:s3], $0xF7A  }
0x26: {  	[smem:$0x3F9D] =	sst s1;
	(tag) =	ssettag s2;
	_ =	strace s9  }
0x27: {  	s1 =	sld [smem:$0x3FAD]  }
0x28: {  	s2 =	sld [smem:$0x3FAE]  }
0x29: {  	s4 =	sld [smem:$0x3FB0]  }
0x2a: {  	p0 =	seq.s32 s5, $0x0;
	s5 =	sld [smem:$0x3FB1]  }
0x2b: {  	s6 =	sld [smem:$0x3FB2]  }
0x2c: {  	s7 =	sld [smem:$0x3FB3]  }
0x2d: {  	s3 =	simm.s32 $0x108;
	s8 =	sld [smem:$0x3FB4]  }
0x2e: {  	s3 =	simm.s32 @!p0 $0x1082;
	s9 =	sld [smem:$0x3FB5]  }
0x2f: {  	lr =	sadd.s32 s0, s3;
	s0 =	sld [smem:$0x3FAC]  }
0x30: {  	s3 =	sld [smem:$0x3FAF]  }
0x31: {  	[smem:$0x3FB8] =	sst s10  }
0x32: {  	s10 =	sld [smem:$0x3FB6];
	_ =	sdelay $0x3  }
0x33: {  	p0 =	seq.s32 s10, $0x1;
	s10 =	sld [smem:$0x3FB8];
	_ =	sdelay $0x3  }
0x34: {  	[smem:$0x3FB8] =	sst s10  }
0x35: {  	s10 =	sld [smem:$0x3FB7];
	_ =	sdelay $0x3  }
0x36: {  	p1 =	seq.s32 s10, $0x1;
	s10 =	sld [smem:$0x3FB8];
	_ =	sdelay $0x3  }
0x37: {  	[smem:$0x3FB8] =	sst s10  }
0x38: {  	s10 =	sld [smem:$0x3FB9]  }
0x39: {  	_ = 	snop;
	(pc) =	sbr.ind lr, $3  }
0x3a: {  	_ = 	snop  }
0x3b: {  	_ = 	snop  }
0x3c: {  	p2 =	seq.s32 s10, $0x1;
	s10 =	sld [smem:$0x3FB8]  }
0x3d: {  	_ =	shalt  }
0x3e: {  	_ =	shalt  }
0x3f: {  	_ =	shalt  }
0x40: {  	_ =	shalt  }
0x41: {  	_ =	shalt  }
0x42: {  	_ =	shalt  }
0x43: {  	_ =	shalt  }
0x44: {  	_ =	shalt  }
0x45: {  	_ =	shalt  }
0x46: {  	_ =	shalt  }
0x47: {  	_ =	shalt  }
0x48: {  	_ =	shalt  }
0x49: {  	_ =	shalt  }
0x4a: {  	_ =	shalt  }
0x4b: {  	_ =	shalt  }
0x4c: {  	_ =	shalt  }
0x4d: {  	_ =	shalt  }
0x4e: {  	_ =	shalt  }
0x4f: {  	_ =	shalt  }
0x50: {  	_ =	shalt  }
0x51: {  	_ =	shalt  }
0x52: {  	_ =	shalt  }
0x53: {  	_ =	shalt  }
0x54: {  	_ =	shalt  }
0x55: {  	_ =	shalt  }
0x56: {  	_ =	shalt  }
0x57: {  	_ =	shalt  }
0x58: {  	_ =	shalt  }
0x59: {  	_ =	shalt  }
0x5a: {  	_ =	shalt  }
0x5b: {  	_ =	shalt  }
0x5c: {  	_ =	shalt  }
0x5d: {  	_ =	shalt  }
0x5e: {  	_ =	shalt  }
0x5f: {  	_ =	shalt  }
0x60: {  	_ =	shalt  }
0x61: {  	_ =	shalt  }
0x62: {  	_ =	shalt  }
0x63: {  	_ =	shalt  }
0x64: {  	_ =	shalt  }
0x65: {  	_ =	shalt  }
0x66: {  	_ =	shalt  }
0x67: {  	_ =	shalt  }
0x68: {  	_ =	shalt  }
0x69: {  	_ =	shalt  }
0x6a: {  	_ =	shalt  }
0x6b: {  	_ =	shalt  }
0x6c: {  	_ =	shalt  }
0x6d: {  	_ =	shalt  }
0x6e: {  	_ =	shalt  }
0x6f: {  	_ =	shalt  }
0x70: {  	_ =	shalt  }
0x71: {  	_ =	shalt  }
0x72: {  	_ =	shalt  }
0x73: {  	_ =	shalt  }
0x74: {  	_ =	shalt  }
0x75: {  	_ =	shalt  }
0x76: {  	_ =	shalt  }
0x77: {  	_ =	shalt  }
0x78: {  	_ =	shalt  }
0x79: {  	_ =	shalt  }
0x7a: {  	_ =	shalt  }
0x7b: {  	_ =	shalt  }
0x7c: {  	_ =	shalt  }
0x7d: {  	_ =	shalt  }
0x7e: {  	_ =	shalt  }
0x7f: {  	_ =	shalt  }
0x80: {  	_ =	shalt  }
0x81: {  	_ =	shalt  }
0x82: {  	_ =	shalt  }
0x83: {  	_ =	shalt  }
0x84: {  	_ =	shalt  }
0x85: {  	_ =	shalt  }
0x86: {  	_ =	shalt  }
0x87: {  	_ =	shalt  }
.Lfunc_end0:
.L_simem_size_0:
called_computation_lowered:
.L_overlay_start_0:
0x88: {  	s2 =	sld [smem:$0x3FD9]  }
0x89: {  	s3 =	sld [smem:$0x3FFE];
	_ =	sdelay $0x1  }
0x8a: {  	s1 =	srdreg.scid  }
0x8b: {  	s0 =	sand.u32 $0x1, s1  }
0x8c: {  	s17 =	sshll.u32 s0, $0xA;
	s2 =	sadd.s32 s3, s2  }
0x8d: {  	s2 =	sadd.s32 s2, s17  }
0x8e: {  	[smem:$0x3FC4] =	sst s2  }
0x8f: {  	_ = 	snop  }
0x90: {  	s2 =	sld [smem:$0x3FD0];
	(tm) =	ssettm $0x1  }
0x91: {  	s18 =	sld [smem:$0x3FFB];
	_ =	sdelay $0x3  }
0x92: {  	_ =	strace s18  }
0x93: {  	s3 =	sld [smem:$0x3FFC];
	_ =	sdelay $0x3  }
0x94: {  	_ =	strace s3  }
0x95: {  	s3 =	sld [smem:$0x3FFD];
	_ =	sdelay $0x3  }
0x96: {  	_ =	strace s3  }
0x97: {  	_ =	strace $0x8FFFFFFF  }
0x98: {  	s19 =	sld [smem:$0x3FDB];
	_ =	sdelay $0x1  }
0x99: {  	s4 =	simm.s32 $_scs_section_size  }
0x9a: {  	s5 =	simm.s32 $_size__tile_overlayer_lowered;
	s6 =	simm.s32 $_tile_overlayer_lowered  }
0x9b: {  	s22 =	simm.s32 $0x1BFF;
	s21 =	sshll.u32 s6, $0x1;
	s3 =	sadd.s32 s4, s19  }
0x9c: {  	s7 =	simm.s32 $0x0;
	s20 =	sshll.u32 s5, $0x1;
	s5 =	sadd.s32 s21, s3  }
0x9d: {  	[timem:s7], [sflag:s22] =	dma.local [hbm:s5], s20  }
0x9e: {  	_ =	swait.ge [sflag:s22], s20  }
0x9f: {  	s4 =	ssub.s32 $0x0, s20;
	[sflag:s22] =	ssyncset.done $0x0  }
0xa0: {  	[sflag:s22] =	ssyncadd.s32 s4;
	_ =	sdelay $0x1  }
0xa1: {  	s23 =	simm.s32 $0x1B8B  }
0xa2: {  	_ =	swait.ge [sflag:s23], $0x1  }
0xa3: {  	[sflag:s23] =	ssyncset.done $0x0  }
0xa4: {  	s25 =	simm.s32 $0x1B8E;
	s24 =	sld [smem:$0x3FFE];
	[sflag:s23] =	ssyncadd.s32 $0xFFFFFFFF  }
0xa5: {  	s26 =	simm.s32 $execute0_lowered;
	[smem:$0x3FD2] =	sst s25  }
0xa6: {  	s5 =	sshll.u32 s26, $0x1;
	_ =	strace $0x80000046;
	[dreg:$0x1] =	wrdreg $0xFFFFFFFF  }
0xa7: {  	s28 =	simm.s32 $_size_execute0_lowered;
	s3 =	sadd.s32 s3, s5;
	[dreg:$0x0] =	wrdreg $0x0  }
0xa8: {  	s5 =	sshll.u32 s28, $0x1;
	[dreg:$0x2] =	wrdreg s3  }
0xa9: {  	[dreg:$0x3] =	wrdreg s5  }
0xaa: {  	[dreg:$0x4] =	wrdreg $0xC0  }
0xab: {  	_ =	task [dreg:s7], $0x5FFFF  }
0xac: {  	[dreg:$0x1] =	wrdreg $0xFFFFFFFF  }
0xad: {  	[dreg:$0x0] =	wrdreg $0x60  }
0xae: {  	[dreg:$0x2] =	wrdreg s24  }
0xaf: {  	[dreg:$0x3] =	wrdreg s2  }
0xb0: {  	[dreg:$0x4] =	wrdreg $0x9  }
0xb1: {  	_ =	task.clear_ibuf [dreg:s7], $0x5FFFF;
	_ =	strace $0x90000046  }
0xb2: {  	s29 =	simm.s32 $0x9;
	_ =	strace $0x80000048  }
0xb3: {  	_ =	swait.ge [sflag:s29], $0x1  }
0xb4: {  	[sflag:s29] =	ssyncadd.s32 $0xFFFFFFFF  }
0xb5: {  	_ =	strace $0x90000048  }
0xb6: {  	_ =	sfence  }
0xb7: {  	s30 =	sld [smem:$0x0];
	_ =	sdelay $0x2  }
0xb8: {  	s31 =	sshll.u32 s1, $0xD;
	s1 =	sshrl.u32 s1, $0x2  }
0xb9: {  	s3 =	sand.u32 $0x4000, s31;
	s1 =	sadd.s32 s1, s30  }
0xba: {  	s0 =	sor.u32 s3, s0;
	s1 =	sshll.u32 s1, $0x11  }
0xbb: {  	s0 =	sor.u32 s1, s0  }
0xbc: {  	s0 =	sadd.s32 $0x8F2B, s0  }
0xbd: {  	[sflag:s0] =	ssyncadd.remote.s32 $0x1  }
0xbe: {  	_ =	sfence.sel $0xFFFF  }
0xbf: {  	[dreg:$0x0] =	wrdreg $0xFFFFFFFF;
	(pc) =	sbr.abs _section_cstart, $3  }
0xc0: {  	[dreg:$0x1] =	wrdreg $0xFFFFFFFF  }
0xc1: {  	_ =	task.clear_ibuf [dreg:s7], $0x2FFFF;
	_ =	strace $0x9FFFFFFF  }
0xc2: {  	(tm) =	ssettm $0x7FFFFFFF  }
0xc3: {  	_ =	shalt  }
tec
execute0_lowered:
.L_overlay_start_1:
0x0: {  	(tag) =	ssettag $0x1  }
0x1: {  	v0 =	vimm.s32 $0x1078;
	vm0 =	vcmask $0x300  }
0x2: {  	v1 =	vimm.s32 $0x29F8;
	vm1 =	vcmask $0x704;
	vm2 =	vcmask $0xB08  }
0x3: {  	vm3 =	vcmask $0xF0C;
	vm4 =	vcmask $0x1310;
	vm5 =	vcmask $0x1714  }
0x4: {  	vm6 =	vcmask $0x1B18;
	vm7 =	vcmask $0x1F1C;
	vm8 =	vcmask $0x2320  }
0x5: {  	vm9 =	vcmask $0x2724;
	vm10 =	vcmask $0x2B28;
	vm11 =	vcmask $0x2F2C  }
0x6: {  	vm12 =	vcmask $0x3330;
	vm13 =	vcmask $0x3734;
	vm14 =	vcmask $0x3B38  }
0x7: {  	v2 =	vimm.s32 $0x4378;
	v3 =	vimm.s32 $0x5CF8;
	v4 =	vimm.s32 $0x14B8  }
0x8: {  	v5 =	vimm.s32 $0x2E38;
	v6 =	vimm.s32 $0x47B8;
	v7 =	vimm.s32 $0x6138  }
0x9: {  	v0 =	vsel vm0, $0x0, v0;
	v1 =	vsel vm0, $0x1980, v1;
	v2 =	vsel vm0, $0x3300, v2  }
0xa: {  	v3 =	vsel vm0, $0x4C80, v3;
	v4 =	vsel vm0, $0x440, v4;
	v5 =	vsel vm0, $0x1DC0, v5  }
0xb: {  	v6 =	vsel vm0, $0x3740, v6;
	v7 =	vsel vm0, $0x50C0, v7;
	v0 =	vsel vm1, $0x88, v0  }
0xc: {  	v1 =	vsel vm1, $0x1A08, v1;
	v2 =	vsel vm1, $0x3388, v2;
	v3 =	vsel vm1, $0x4D08, v3  }
0xd: {  	v4 =	vsel vm1, $0x4C8, v4;
	v5 =	vsel vm1, $0x1E48, v5;
	v6 =	vsel vm1, $0x37C8, v6  }
0xe: {  	v7 =	vsel vm1, $0x5148, v7;
	v0 =	vsel vm2, $0x110, v0;
	v1 =	vsel vm2, $0x1A90, v1  }
0xf: {  	v2 =	vsel vm2, $0x3410, v2;
	v3 =	vsel vm2, $0x4D90, v3;
	v4 =	vsel vm2, $0x550, v4  }
0x10: {  	v5 =	vsel vm2, $0x1ED0, v5;
	v6 =	vsel vm2, $0x3850, v6;
	v7 =	vsel vm2, $0x51D0, v7  }
0x11: {  	v0 =	vsel vm3, $0x198, v0;
	v1 =	vsel vm3, $0x1B18, v1;
	v2 =	vsel vm3, $0x3498, v2  }
0x12: {  	v3 =	vsel vm3, $0x4E18, v3;
	v4 =	vsel vm3, $0x5D8, v4;
	v5 =	vsel vm3, $0x1F58, v5  }
0x13: {  	v6 =	vsel vm3, $0x38D8, v6;
	v7 =	vsel vm3, $0x5258, v7;
	v0 =	vsel vm4, $0x220, v0  }
0x14: {  	v1 =	vsel vm4, $0x1BA0, v1;
	v2 =	vsel vm4, $0x3520, v2;
	v3 =	vsel vm4, $0x4EA0, v3  }
0x15: {  	v4 =	vsel vm4, $0x660, v4;
	v5 =	vsel vm4, $0x1FE0, v5;
	v6 =	vsel vm4, $0x3960, v6  }
0x16: {  	v7 =	vsel vm4, $0x52E0, v7;
	v0 =	vsel vm5, $0x2A8, v0;
	v1 =	vsel vm5, $0x1C28, v1  }
0x17: {  	v2 =	vsel vm5, $0x35A8, v2;
	v3 =	vsel vm5, $0x4F28, v3;
	v4 =	vsel vm5, $0x6E8, v4  }
0x18: {  	v5 =	vsel vm5, $0x2068, v5;
	v6 =	vsel vm5, $0x39E8, v6;
	v7 =	vsel vm5, $0x5368, v7  }
0x19: {  	v0 =	vsel vm6, $0x330, v0;
	v1 =	vsel vm6, $0x1CB0, v1;
	v2 =	vsel vm6, $0x3630, v2  }
0x1a: {  	v3 =	vsel vm6, $0x4FB0, v3;
	v4 =	vsel vm6, $0x770, v4;
	v5 =	vsel vm6, $0x20F0, v5  }
0x1b: {  	v6 =	vsel vm6, $0x3A70, v6;
	v7 =	vsel vm6, $0x53F0, v7;
	v0 =	vsel vm7, $0x3B8, v0  }
0x1c: {  	v1 =	vsel vm7, $0x1D38, v1;
	v2 =	vsel vm7, $0x36B8, v2;
	v3 =	vsel vm7, $0x5038, v3  }
0x1d: {  	v4 =	vsel vm7, $0x7F8, v4;
	v5 =	vsel vm7, $0x2178, v5;
	v6 =	vsel vm7, $0x3AF8, v6  }
0x1e: {  	v7 =	vsel vm7, $0x5478, v7;
	v0 =	vsel vm8, $0xCC0, v0;
	v1 =	vsel vm8, $0x2640, v1  }
0x1f: {  	s0 =	rddreg [dreg:$0x0];
	v2 =	vsel vm8, $0x3FC0, v2;
	v3 =	vsel vm8, $0x5940, v3;
	v4 =	vsel vm8, $0x1100, v4  }
0x20: {  	s1 =	rddreg [dreg:$0x1];
	v5 =	vsel vm8, $0x2A80, v5;
	v6 =	vsel vm8, $0x4400, v6;
	v7 =	vsel vm8, $0x5D80, v7  }
0x21: {  	s2 =	simm.s32 $0x0;
	s3 =	srdreg.scid;
	s9 =	stileid.u32;
	v0 =	vsel vm9, $0xD48, v0;
	v1 =	vsel vm9, $0x26C8, v1;
	v2 =	vsel vm9, $0x4048, v2  }
0x22: {  	s29 =	simm.s32 $0x3;
	s30 =	simm.s32 $0x8400;
	s12 =	simm.s32 $0x14670;
	v3 =	vsel vm9, $0x59C8, v3;
	v4 =	vsel vm9, $0x1188, v4;
	v5 =	vsel vm9, $0x2B08, v5  }
0x23: {  	s13 =	simm.s32 $0x146F8;
	s17 =	simm.s32 $0x14780;
	s22 =	simm.s32 $0x14808;
	v6 =	vsel vm9, $0x4488, v6;
	v7 =	vsel vm9, $0x5E08, v7;
	v0 =	vsel vm10, $0xDD0, v0  }
0x24: {  	s21 =	simm.s32 $0x14890;
	s31 =	simm.s32 $0x5;
	s19 =	simm.s32 $0x6;
	v1 =	vsel vm10, $0x2750, v1;
	v2 =	vsel vm10, $0x40D0, v2;
	v3 =	vsel vm10, $0x5A50, v3  }
0x25: {  	s20 =	simm.s32 $0x0;
	[smem:$0x7FF] =	sst s2;
	s4 =	sadd.s32 $0x14C00, s0;
	v4 =	vsel vm10, $0x1210, v4;
	v5 =	vsel vm10, $0x2B90, v5;
	v6 =	vsel vm10, $0x4510, v6  }
0x26: {  	s5 =	sadd.s32 $0x1EA00, s0;
	s3 =	sand.u32 $0x1, s3;
	s6 =	sadd.s32 $0x1000, s0;
	v7 =	vsel vm10, $0x5E90, v7;
	v0 =	vsel vm11, $0xE58, v0;
	v1 =	vsel vm11, $0x27D8, v1  }
0x27: {  	s8 =	sshll.u32 s9, $0x1;
	s7 =	sadd.s32 $0xAE00, s0;
	p0 =	seq.s32 s9, $0x0;
	v2 =	vsel vm11, $0x4158, v2;
	v3 =	vsel vm11, $0x5AD8, v3;
	v4 =	vsel vm11, $0x1298, v4  }
0x28: {  	_ =	strace $0x80000047;
	s10 =	ssub.s32 $0x2, s3;
	s3 =	sor.u32 s3, s8;
	v5 =	vsel vm11, $0x2C18, v5;
	v6 =	vsel vm11, $0x4598, v6;
	v7 =	vsel vm11, $0x5F18, v7  }
0x29: {  	s8 =	simm.s32 $0x28;
	s24 =	sshrl.u32 s10, $0x1;
	s9 =	sshll.u32 s3, $0x5;
	v0 =	vsel vm12, $0xEE0, v0;
	v1 =	vsel vm12, $0x2860, v1;
	v2 =	vsel vm12, $0x41E0, v2  }
0x2a: {  	s8 =	simm.s32 @!p0 $0x27;
	s16 =	sshll.u32 s3, $0xB;
	s3 =	simm.s32 $0xEA00;
	v3 =	vsel vm12, $0x5B60, v3;
	v4 =	vsel vm12, $0x1320, v4;
	v5 =	vsel vm12, $0x2CA0, v5  }
0x2b: {  	s0 =	ssub.s32 s10, s24;
	s25 =	sor.u32 $0x400, s9;
	s11 =	sadd.s32 s6, s9;
	v6 =	vsel vm12, $0x4620, v6;
	v7 =	vsel vm12, $0x5FA0, v7;
	v0 =	vsel vm13, $0xF68, v0  }
.Ltmp0:
0x2c: {  	s26 =	sadd.s32 s7, s9;
	[dreg:$0x3] =	wrdreg s11;
	v1 =	vsel vm13, $0x28E8, v1;
	v2 =	vsel vm13, $0x4268, v2;
	v3 =	vsel vm13, $0x5BE8, v3;
	(pc) =	sbr.rel .LBB2_1-.Ltmp0, $4  }
0x2d: {  	s14 =	sadd.s32 $0xFFFFFFFF, s8;
	[dreg:$0x4] =	wrdreg s26;
	s28 =	sadd.s32 s6, s25;
	v4 =	vsel vm13, $0x13A8, v4;
	v5 =	vsel vm13, $0x2D28, v5;
	v6 =	vsel vm13, $0x46A8, v6  }
0x2e: {  	s15 =	sadd.s32 $0xFFFFFFFE, s8;
	s10 =	sadd.s32 s7, s25;
	[dreg:$0x5] =	wrdreg s28;
	v7 =	vsel vm13, $0x6028, v7;
	v0 =	vsel vm14, $0xFF0, v0;
	v1 =	vsel vm14, $0x2970, v1  }
0x2f: {  	s0 =	smax.u32 s0, $0x1;
	s11 =	simm.s32 $0x145E8;
	[dreg:$0x6] =	wrdreg s10;
	v2 =	vsel vm14, $0x42F0, v2;
	v3 =	vsel vm14, $0x5C70, v3;
	v4 =	vsel vm14, $0x1430, v4  }
0x30: {  	[dreg:$0x7] =	wrdreg s0;
	s0 =	simm.s32 $0x4;
	s10 =	simm.s32 $0x14560;
	v5 =	vsel vm14, $0x2DB0, v5;
	v6 =	vsel vm14, $0x4730, v6;
	v7 =	vsel vm14, $0x60B0, v7  }
.LBB2_15:
0x31: {  	_ =	swait.ge [sflag:s31], $0x800  }
0x32: {  	[sflag:s31] =	ssyncset.done $0x0  }
0x33: {  	[sflag:s31] =	ssyncadd.s32 $0xFFFFF800  }
0x34: {  	_ =	swait.ge [sflag:s31], $0x800  }
0x35: {  	[sflag:s31] =	ssyncset.done $0x0  }
0x36: {  	[sflag:s31] =	ssyncadd.s32 $0xFFFFF800  }
0x37: {  	_ =	swait.ge [sflag:s31], $0x800  }
0x38: {  	[sflag:s31] =	ssyncset.done $0x0  }
0x39: {  	[sflag:s31] =	ssyncadd.s32 $0xFFFFF800  }
0x3a: {  	_ =	swait.ge [sflag:s31], $0x800  }
0x3b: {  	[sflag:s31] =	ssyncset.done $0x0  }
0x3c: {  	[sflag:s31] =	ssyncadd.s32 $0xFFFFF800  }
0x3d: {  	_ =	swait.ge [sflag:s31], $0x800  }
0x3e: {  	[sflag:s31] =	ssyncset.done $0x0  }
0x3f: {  	[sflag:s31] =	ssyncadd.s32 $0xFFFFF800  }
0x40: {  	_ =	swait.ge [sflag:s31], $0x800  }
0x41: {  	[sflag:s31] =	ssyncset.done $0x0  }
0x42: {  	[sflag:s31] =	ssyncadd.s32 $0xFFFFF800  }
0x43: {  	_ =	swait.ge [sflag:s31], $0x800  }
0x44: {  	[sflag:s31] =	ssyncset.done $0x0  }
0x45: {  	[sflag:s31] =	ssyncadd.s32 $0xFFFFF800  }
0x46: {  	_ =	swait.ge [sflag:s31], $0x800  }
0x47: {  	[sflag:s31] =	ssyncset.done $0x0  }
0x48: {  	[sflag:s31] =	ssyncadd.s32 $0xFFFFF800  }
0x49: {  	_ =	swait.ge [sflag:s19], $0x800  }
0x4a: {  	[sflag:s19] =	ssyncset.done $0x0  }
0x4b: {  	[sflag:s19] =	ssyncadd.s32 $0xFFFFF800  }
0x4c: {  	_ =	swait.ge [sflag:s19], $0x800  }
0x4d: {  	[sflag:s19] =	ssyncset.done $0x0  }
0x4e: {  	[sflag:s19] =	ssyncadd.s32 $0xFFFFF800  }
0x4f: {  	_ =	swait.ge [sflag:s19], $0x800  }
0x50: {  	[sflag:s19] =	ssyncset.done $0x0  }
0x51: {  	[sflag:s19] =	ssyncadd.s32 $0xFFFFF800  }
0x52: {  	_ =	swait.ge [sflag:s19], $0x800  }
0x53: {  	[sflag:s19] =	ssyncset.done $0x0  }
0x54: {  	[sflag:s19] =	ssyncadd.s32 $0xFFFFF800  }
0x55: {  	_ =	swait.ge [sflag:s19], $0x800  }
0x56: {  	[sflag:s19] =	ssyncset.done $0x0  }
0x57: {  	[sflag:s19] =	ssyncadd.s32 $0xFFFFF800  }
0x58: {  	_ =	swait.ge [sflag:s19], $0x800  }
0x59: {  	[sflag:s19] =	ssyncset.done $0x0  }
0x5a: {  	[sflag:s19] =	ssyncadd.s32 $0xFFFFF800  }
0x5b: {  	_ =	swait.ge [sflag:s19], $0x800  }
0x5c: {  	[sflag:s19] =	ssyncset.done $0x0  }
0x5d: {  	[sflag:s19] =	ssyncadd.s32 $0xFFFFF800  }
0x5e: {  	_ =	swait.ge [sflag:s19], $0x800  }
0x5f: {  	s20 =	rddreg [dreg:$0x8]  }
0x60: {  	s18 =	rddreg [dreg:$0x7];
	s20 =	sadd.s32 $0x1, s20  }
0x61: {  	p0 =	sne.s32 s20, s18  }
.Ltmp1:
0x62: {  	_ = 	snop;
	(pc) =	sbr.rel @!p0 .LBB2_16-.Ltmp1, $3  }
0x63: {  	_ =	sdelay $0x1  }
0x64: {  	[sflag:s19] =	ssyncset.done $0x0  }
0x65: {  	[sflag:s19] =	ssyncadd.s32 $0xFFFFF800  }
.LBB2_1:
0x66: {  	[dreg:$0x8] =	wrdreg s20  }
0x67: {  	s18 =	rddreg [dreg:$0x3]  }
0x68: {  	[tilespmem:s2], [sflag:$0x1] =	stream.linear.gather [hbm4b:s18+s2], $0x100, $0x38;
	[tilespmem:$0x15000] =	vst v63  }
0x69: {  	s26 =	rddreg [dreg:$0x4];
	s20 =	simm.s32 $0x200  }
0x6a: {  	[tilespmem:s20], [sflag:$0x1] =	stream.linear.gather [hbm4b:s26+s2], $0x100, $0x38;
	[tilespmem:$0x15000] =	vst v63  }
0x6b: {  	s28 =	rddreg [dreg:$0x5];
	s23 =	simm.s32 $0x100  }
0x6c: {  	[tilespmem:s23], [sflag:$0x2] =	stream.linear.gather [hbm4b:s28+s2], $0x100, $0x38;
	[tilespmem:$0x15000] =	vst v63  }
0x6d: {  	s24 =	rddreg [dreg:$0x6];
	s25 =	simm.s32 $0x300;
	s26 =	simm.s32 $0x1  }
0x6e: {  	[tilespmem:s25], [sflag:$0x2] =	stream.linear.gather [hbm4b:s24+s2], $0x100, $0x38;
	[tilespmem:$0x15000] =	vst v63  }
0x6f: {  	_ =	swait.ge [sflag:s26], $0x100  }
0x70: {  	[sflag:s26] =	ssyncset.done $0x0  }
0x71: {  	[sflag:s26] =	ssyncadd.s32 $0xFFFFFF00  }
0x72: {  	_ =	swait.ge [sflag:s26], $0x100  }
0x73: {  	[sflag:s26] =	ssyncset.done $0x0  }
0x74: {  	s18 =	simm.s32 $0x80;
	s28 =	simm.s32 $0x400;
	[sflag:s26] =	ssyncadd.s32 $0xFFFFFF00  }
0x75: {  	[tilespmem:s28], [sflag:$0x3] =	stream.indirect.gather [hbm4b:s4+s18], $0x20, s2, s18, $0xb8;
	[tilespmem:$0x15000] =	vst v63  }
0x76: {  	s24 =	simm.s32 $0x4400  }
0x77: {  	[tilespmem:s24], [sflag:$0x3] =	stream.indirect.gather [hbm4b:s5+s18], $0x20, s20, s18, $0xb8;
	[tilespmem:$0x15000] =	vst v63  }
.Ltmp2:
0x78: {  	_ = 	snop;
	(pc) =	sbr.rel .LBB2_2-.Ltmp2, $4  }
0x79: {  	s25 =	simm.s32 $0x1400  }
0x7a: {  	[tilespmem:s25], [sflag:$0x3] =	stream.indirect.gather [hbm4b:s4+s18], $0x20, s18, s18, $0xb8;
	[tilespmem:$0x15000] =	vst v63  }
0x7b: {  	s26 =	simm.s32 $0x280;
	s28 =	simm.s32 $0x5400;
	s20 =	simm.s32 $0x0  }
0x7c: {  	[tilespmem:s28], [sflag:$0x3] =	stream.indirect.gather [hbm4b:s5+s18], $0x20, s26, s18, $0xb8;
	[tilespmem:$0x15000] =	vst v63  }
.LBB2_13:
0x7d: {  	_ =	sdelay $0x3  }
0x7e: {  	v22 =	vld [tilespmem:s25+$0xFFFFFFC0];
	v23 =	vadd.s32 v6, v10;
	v36 =	vadd.s32 v7, v10;
	[tilespmem:v11+s3+$0x0] =	vst.idx.msk $0xffff, v21;
	v37 =	vmul.f32 $2.000000030e-01, v17  }
0x7f: {  	v38 =	vld [tilespmem:s23+$0xFFFFFFC0];
	v24 =	vadd.s32 v6, v9;
	v39 =	vmax.f32 v18, v20;
	v40 =	vunpack.i.u.bf16.f32 v15;
	[tilespmem:v13+s3+$0x0] =	vst.idx.msk $0xffff, v19  }
0x80: {  	v41 =	vunpack.i.l.bf16.f32 v15;
	v42 =	vunpack.i.l.bf16.f32 v16;
	v43 =	vunpack.i.u.bf16.f32 v16;
	v19 =	vld [tilespmem:s25+$0xFFFFFFE0]  }
0x81: {  	v44 =	vadd.s32 v7, v9;
	v15 =	vadd.f32 v42, v41;
	v16 =	vadd.f32 v43, v40;
	v45 =	vld [tilespmem:s23+$0xFFFFFFE0]  }
0x82: {  	v46 =	vadd.s32 v6, v8;
	v8 =	vadd.s32 v7, v8;
	v11 =	vmax.f32 v17, v37  }
0x83: {  	v48 =	vmul.f32 $2.000000030e-01, v15;
	v52 =	vmul.f32 $2.000000030e-01, v16;
	v47 =	vunpack.i.u.bf16.f32 v22  }
0x84: {  	v22 =	vunpack.i.l.bf16.f32 v22;
	v25 =	vunpack.i.l.bf16.f32 v38;
	v21 =	vunpack.i.u.bf16.f32 v38  }
0x85: {  	v54 =	vmax.f32 v15, v48;
	v22 =	vadd.f32 v25, v22;
	v18 =	vadd.f32 v21, v47  }
0x86: {  	[tilespmem:v12+s3+$0x0] =	vst.idx.msk $0xffff, v39;
	v49 =	vunpack.i.u.bf16.f32 v19;
	v19 =	vunpack.i.l.bf16.f32 v19;
	v51 =	vunpack.i.l.bf16.f32 v45  }
0x87: {  	[tilespmem:v14+s3+$0x0] =	vst.idx.msk $0xffff, v11;
	v50 =	vunpack.i.u.bf16.f32 v45;
	v53 =	vadd.f32 v51, v19;
	v55 =	vmul.f32 $2.000000030e-01, v22  }
0x88: {  	v57 =	vmax.f32 v16, v52;
	[tilespmem:v23+s3+$0x0] =	vst.idx.msk $0xffff, v54;
	v12 =	vadd.f32 v50, v49;
	v56 =	vmul.f32 $2.000000030e-01, v18  }
0x89: {  	[tilespmem:v36+s3+$0x0] =	vst.idx.msk $0xffff, v57;
	v58 =	vmul.f32 $2.000000030e-01, v53;
	v59 =	vmax.f32 v22, v55  }
0x8a: {  	s18 =	sshll.u32 s24, $0x10;
	v60 =	vmul.f32 $2.000000030e-01, v12;
	v61 =	vmax.f32 v18, v56;
	[tilespmem:v24+s3+$0x0] =	vst.idx.msk $0xffff, v59  }
0x8b: {  	s18 =	sor.u32 s16, s18;
	v62 =	vmax.f32 v53, v58;
	[tilespmem:v44+s3+$0x0] =	vst.idx.msk $0xffff, v61  }
0x8c: {  	s18 =	sshrl.u32 s18, $0x3;
	v63 =	vmax.f32 v12, v60;
	[tilespmem:v46+s3+$0x0] =	vst.idx.msk $0xffff, v62  }
0x8d: {  	s23 =	sadd.s32 s1, s18;
	[tilespmem:v8+s3+$0x0] =	vst.idx.msk $0xffff, v63  }
0x8e: {  	[hbm4b:s23+s2] =	stream.linear.scatter [tilespmem:s3], [sflag:$0x6], $0x80, $0x38;
	[tilespmem:$0x15000] =	vst v63  }
0x8f: {  	s28 =	simm.s32 $0xEA88;
	s18 =	sadd.s32 $0x10, s23  }
0x90: {  	[hbm4b:s18+s2] =	stream.linear.scatter [tilespmem:s28], [sflag:$0x6], $0x80, $0x38;
	[tilespmem:$0x15000] =	vst v63  }
0x91: {  	s25 =	simm.s32 $0xEB10;
	s24 =	sadd.s32 $0x20, s23  }
0x92: {  	[hbm4b:s24+s2] =	stream.linear.scatter [tilespmem:s25], [sflag:$0x6], $0x80, $0x38;
	[tilespmem:$0x15000] =	vst v63  }
0x93: {  	s26 =	sadd.s32 $0x30, s23;
	s28 =	simm.s32 $0xEB98  }
0x94: {  	[hbm4b:s26+s2] =	stream.linear.scatter [tilespmem:s28], [sflag:$0x6], $0x80, $0x38;
	[tilespmem:$0x15000] =	vst v63  }
0x95: {  	s24 =	sadd.s32 $0x40, s23;
	s25 =	simm.s32 $0xEC20  }
0x96: {  	[hbm4b:s24+s2] =	stream.linear.scatter [tilespmem:s25], [sflag:$0x6], $0x80, $0x38;
	[tilespmem:$0x15000] =	vst v63  }
0x97: {  	s26 =	sadd.s32 $0x50, s23;
	s28 =	simm.s32 $0xECA8  }
0x98: {  	[hbm4b:s26+s2] =	stream.linear.scatter [tilespmem:s28], [sflag:$0x6], $0x80, $0x38;
	[tilespmem:$0x15000] =	vst v63  }
0x99: {  	s24 =	sadd.s32 $0x60, s23;
	s25 =	simm.s32 $0xED30  }
0x9a: {  	[hbm4b:s24+s2] =	stream.linear.scatter [tilespmem:s25], [sflag:$0x6], $0x80, $0x38;
	[tilespmem:$0x15000] =	vst v63  }
0x9b: {  	s26 =	sadd.s32 $0x70, s23;
	s28 =	simm.s32 $0xEDB8  }
0x9c: {  	[hbm4b:s26+s2] =	stream.linear.scatter [tilespmem:s28], [sflag:$0x6], $0x80, $0x38;
	[tilespmem:$0x15000] =	vst v63  }
0x9d: {  	s24 =	sadd.s32 $0x80, s23;
	s25 =	simm.s32 $0xEE40  }
0x9e: {  	[hbm4b:s24+s2] =	stream.linear.scatter [tilespmem:s25], [sflag:$0x6], $0x80, $0x38;
	[tilespmem:$0x15000] =	vst v63  }
0x9f: {  	s26 =	sadd.s32 $0x90, s23;
	s28 =	simm.s32 $0xEEC8  }
0xa0: {  	[hbm4b:s26+s2] =	stream.linear.scatter [tilespmem:s28], [sflag:$0x6], $0x80, $0x38;
	[tilespmem:$0x15000] =	vst v63  }
0xa1: {  	s24 =	sadd.s32 $0xA0, s23;
	s25 =	simm.s32 $0xEF50  }
0xa2: {  	[hbm4b:s24+s2] =	stream.linear.scatter [tilespmem:s25], [sflag:$0x6], $0x80, $0x38;
	[tilespmem:$0x15000] =	vst v63  }
0xa3: {  	s26 =	sadd.s32 $0xB0, s23;
	s28 =	simm.s32 $0xEFD8  }
0xa4: {  	[hbm4b:s26+s2] =	stream.linear.scatter [tilespmem:s28], [sflag:$0x6], $0x80, $0x38;
	[tilespmem:$0x15000] =	vst v63  }
0xa5: {  	s24 =	sadd.s32 $0xC0, s23;
	s25 =	simm.s32 $0xF060  }
0xa6: {  	[hbm4b:s24+s2] =	stream.linear.scatter [tilespmem:s25], [sflag:$0x6], $0x80, $0x38;
	[tilespmem:$0x15000] =	vst v63  }
0xa7: {  	s26 =	sadd.s32 $0xD0, s23;
	s28 =	simm.s32 $0xF0E8  }
0xa8: {  	[hbm4b:s26+s2] =	stream.linear.scatter [tilespmem:s28], [sflag:$0x6], $0x80, $0x38;
	[tilespmem:$0x15000] =	vst v63  }
0xa9: {  	s24 =	sadd.s32 $0xE0, s23;
	s25 =	simm.s32 $0xF170  }
0xaa: {  	[hbm4b:s24+s2] =	stream.linear.scatter [tilespmem:s25], [sflag:$0x6], $0x80, $0x38;
	[tilespmem:$0x15000] =	vst v63  }
0xab: {  	s26 =	sadd.s32 $0xF0, s23;
	s28 =	simm.s32 $0xF1F8  }
0xac: {  	[hbm4b:s26+s2] =	stream.linear.scatter [tilespmem:s28], [sflag:$0x6], $0x80, $0x38;
	[tilespmem:$0x15000] =	vst v63  }
0xad: {  	s18 =	sadd.s32 $0x4E200, s23;
	s25 =	simm.s32 $0xF6C0  }
0xae: {  	[hbm4b:s18+s2] =	stream.linear.scatter [tilespmem:s25], [sflag:$0x6], $0x80, $0x38;
	[tilespmem:$0x15000] =	vst v63  }
0xaf: {  	s26 =	sadd.s32 $0x10, s18;
	s28 =	simm.s32 $0xF748  }
0xb0: {  	[hbm4b:s26+s2] =	stream.linear.scatter [tilespmem:s28], [sflag:$0x6], $0x80, $0x38;
	[tilespmem:$0x15000] =	vst v63  }
0xb1: {  	s26 =	sadd.s32 $0x20, s18;
	s28 =	simm.s32 $0xF7D0  }
0xb2: {  	[hbm4b:s26+s2] =	stream.linear.scatter [tilespmem:s28], [sflag:$0x6], $0x80, $0x38;
	[tilespmem:$0x15000] =	vst v63  }
0xb3: {  	s26 =	sadd.s32 $0x30, s18;
	s28 =	simm.s32 $0xF858  }
0xb4: {  	[hbm4b:s26+s2] =	stream.linear.scatter [tilespmem:s28], [sflag:$0x6], $0x80, $0x38;
	[tilespmem:$0x15000] =	vst v63  }
0xb5: {  	s26 =	sadd.s32 $0x40, s18;
	s28 =	simm.s32 $0xF8E0  }
0xb6: {  	[hbm4b:s26+s2] =	stream.linear.scatter [tilespmem:s28], [sflag:$0x6], $0x80, $0x38;
	[tilespmem:$0x15000] =	vst v63  }
0xb7: {  	s26 =	sadd.s32 $0x50, s18;
	s28 =	simm.s32 $0xF968  }
0xb8: {  	[hbm4b:s26+s2] =	stream.linear.scatter [tilespmem:s28], [sflag:$0x6], $0x80, $0x38;
	[tilespmem:$0x15000] =	vst v63  }
0xb9: {  	s26 =	sadd.s32 $0x60, s18;
	s28 =	simm.s32 $0xF9F0  }
0xba: {  	[hbm4b:s26+s2] =	stream.linear.scatter [tilespmem:s28], [sflag:$0x6], $0x80, $0x38;
	[tilespmem:$0x15000] =	vst v63  }
0xbb: {  	s26 =	sadd.s32 $0x70, s18;
	s28 =	simm.s32 $0xFA78  }
0xbc: {  	[hbm4b:s26+s2] =	stream.linear.scatter [tilespmem:s28], [sflag:$0x6], $0x80, $0x38;
	[tilespmem:$0x15000] =	vst v63  }
0xbd: {  	s26 =	sadd.s32 $0x80, s18;
	s28 =	simm.s32 $0xFB00  }
0xbe: {  	[hbm4b:s26+s2] =	stream.linear.scatter [tilespmem:s28], [sflag:$0x6], $0x80, $0x38;
	[tilespmem:$0x15000] =	vst v63  }
0xbf: {  	s26 =	sadd.s32 $0x90, s18;
	s28 =	simm.s32 $0xFB88  }
0xc0: {  	[hbm4b:s26+s2] =	stream.linear.scatter [tilespmem:s28], [sflag:$0x6], $0x80, $0x38;
	[tilespmem:$0x15000] =	vst v63  }
0xc1: {  	s26 =	sadd.s32 $0xA0, s18;
	s28 =	simm.s32 $0xFC10  }
0xc2: {  	[hbm4b:s26+s2] =	stream.linear.scatter [tilespmem:s28], [sflag:$0x6], $0x80, $0x38;
	[tilespmem:$0x15000] =	vst v63  }
0xc3: {  	s26 =	sadd.s32 $0xB0, s18;
	s28 =	simm.s32 $0xFC98  }
0xc4: {  	[hbm4b:s26+s2] =	stream.linear.scatter [tilespmem:s28], [sflag:$0x6], $0x80, $0x38;
	[tilespmem:$0x15000] =	vst v63  }
0xc5: {  	s26 =	sadd.s32 $0xC0, s18;
	s28 =	simm.s32 $0xFD20  }
0xc6: {  	[hbm4b:s26+s2] =	stream.linear.scatter [tilespmem:s28], [sflag:$0x6], $0x80, $0x38;
	[tilespmem:$0x15000] =	vst v63  }
0xc7: {  	s26 =	sadd.s32 $0xD0, s18;
	s28 =	simm.s32 $0xFDA8  }
0xc8: {  	[hbm4b:s26+s2] =	stream.linear.scatter [tilespmem:s28], [sflag:$0x6], $0x80, $0x38;
	[tilespmem:$0x15000] =	vst v63  }
0xc9: {  	s25 =	sadd.s32 $0xE0, s18;
	s26 =	simm.s32 $0xFE30  }
0xca: {  	[hbm4b:s25+s2] =	stream.linear.scatter [tilespmem:s26], [sflag:$0x6], $0x80, $0x38;
	[tilespmem:$0x15000] =	vst v63  }
0xcb: {  	s18 =	sadd.s32 $0xF0, s18;
	s28 =	simm.s32 $0xFEB8  }
0xcc: {  	[hbm4b:s18+s2] =	stream.linear.scatter [tilespmem:s28], [sflag:$0x6], $0x80, $0x38;
	[tilespmem:$0x15000] =	vst v63  }
0xcd: {  	s25 =	simm.s32 $0x10380;
	s18 =	sadd.s32 $0x9C400, s23  }
0xce: {  	[hbm4b:s18+s2] =	stream.linear.scatter [tilespmem:s25], [sflag:$0x6], $0x80, $0x38;
	[tilespmem:$0x15000] =	vst v63  }
0xcf: {  	s28 =	simm.s32 $0x10408;
	s26 =	sadd.s32 $0x10, s18  }
0xd0: {  	[hbm4b:s26+s2] =	stream.linear.scatter [tilespmem:s28], [sflag:$0x6], $0x80, $0x38;
	[tilespmem:$0x15000] =	vst v63  }
0xd1: {  	s26 =	sadd.s32 $0x20, s18;
	s28 =	simm.s32 $0x10490  }
0xd2: {  	[hbm4b:s26+s2] =	stream.linear.scatter [tilespmem:s28], [sflag:$0x6], $0x80, $0x38;
	[tilespmem:$0x15000] =	vst v63  }
0xd3: {  	s26 =	sadd.s32 $0x30, s18;
	s28 =	simm.s32 $0x10518  }
0xd4: {  	[hbm4b:s26+s2] =	stream.linear.scatter [tilespmem:s28], [sflag:$0x6], $0x80, $0x38;
	[tilespmem:$0x15000] =	vst v63  }
0xd5: {  	s26 =	sadd.s32 $0x40, s18;
	s28 =	simm.s32 $0x105A0  }
0xd6: {  	[hbm4b:s26+s2] =	stream.linear.scatter [tilespmem:s28], [sflag:$0x6], $0x80, $0x38;
	[tilespmem:$0x15000] =	vst v63  }
0xd7: {  	s26 =	sadd.s32 $0x50, s18;
	s28 =	simm.s32 $0x10628  }
0xd8: {  	[hbm4b:s26+s2] =	stream.linear.scatter [tilespmem:s28], [sflag:$0x6], $0x80, $0x38;
	[tilespmem:$0x15000] =	vst v63  }
0xd9: {  	s26 =	sadd.s32 $0x60, s18;
	s28 =	simm.s32 $0x106B0  }
0xda: {  	[hbm4b:s26+s2] =	stream.linear.scatter [tilespmem:s28], [sflag:$0x6], $0x80, $0x38;
	[tilespmem:$0x15000] =	vst v63  }
0xdb: {  	s26 =	sadd.s32 $0x70, s18;
	s28 =	simm.s32 $0x10738  }
0xdc: {  	[hbm4b:s26+s2] =	stream.linear.scatter [tilespmem:s28], [sflag:$0x6], $0x80, $0x38;
	[tilespmem:$0x15000] =	vst v63  }
0xdd: {  	s26 =	sadd.s32 $0x80, s18;
	s28 =	simm.s32 $0x107C0  }
0xde: {  	[hbm4b:s26+s2] =	stream.linear.scatter [tilespmem:s28], [sflag:$0x6], $0x80, $0x38;
	[tilespmem:$0x15000] =	vst v63  }
0xdf: {  	s26 =	sadd.s32 $0x90, s18;
	s28 =	simm.s32 $0x10848  }
0xe0: {  	[hbm4b:s26+s2] =	stream.linear.scatter [tilespmem:s28], [sflag:$0x6], $0x80, $0x38;
	[tilespmem:$0x15000] =	vst v63  }
0xe1: {  	s26 =	sadd.s32 $0xA0, s18;
	s28 =	simm.s32 $0x108D0  }
0xe2: {  	[hbm4b:s26+s2] =	stream.linear.scatter [tilespmem:s28], [sflag:$0x6], $0x80, $0x38;
	[tilespmem:$0x15000] =	vst v63  }
0xe3: {  	s26 =	sadd.s32 $0xB0, s18;
	s28 =	simm.s32 $0x10958  }
0xe4: {  	[hbm4b:s26+s2] =	stream.linear.scatter [tilespmem:s28], [sflag:$0x6], $0x80, $0x38;
	[tilespmem:$0x15000] =	vst v63  }
0xe5: {  	s26 =	sadd.s32 $0xC0, s18;
	s28 =	simm.s32 $0x109E0  }
0xe6: {  	[hbm4b:s26+s2] =	stream.linear.scatter [tilespmem:s28], [sflag:$0x6], $0x80, $0x38;
	[tilespmem:$0x15000] =	vst v63  }
0xe7: {  	s26 =	sadd.s32 $0xD0, s18;
	s28 =	simm.s32 $0x10A68  }
0xe8: {  	[hbm4b:s26+s2] =	stream.linear.scatter [tilespmem:s28], [sflag:$0x6], $0x80, $0x38;
	[tilespmem:$0x15000] =	vst v63  }
0xe9: {  	s25 =	sadd.s32 $0xE0, s18;
	s26 =	simm.s32 $0x10AF0  }
0xea: {  	[hbm4b:s25+s2] =	stream.linear.scatter [tilespmem:s26], [sflag:$0x6], $0x80, $0x38;
	[tilespmem:$0x15000] =	vst v63  }
0xeb: {  	s18 =	sadd.s32 $0xF0, s18;
	s28 =	simm.s32 $0x10B78  }
0xec: {  	[hbm4b:s18+s2] =	stream.linear.scatter [tilespmem:s28], [sflag:$0x6], $0x80, $0x38;
	[tilespmem:$0x15000] =	vst v63  }
0xed: {  	s25 =	simm.s32 $0x11040;
	s18 =	sadd.s32 $0xEA600, s23  }
0xee: {  	[hbm4b:s18+s2] =	stream.linear.scatter [tilespmem:s25], [sflag:$0x6], $0x80, $0x38;
	[tilespmem:$0x15000] =	vst v63  }
0xef: {  	s28 =	simm.s32 $0x110C8;
	s26 =	sadd.s32 $0x10, s18  }
0xf0: {  	[hbm4b:s26+s2] =	stream.linear.scatter [tilespmem:s28], [sflag:$0x6], $0x80, $0x38;
	[tilespmem:$0x15000] =	vst v63  }
0xf1: {  	s26 =	sadd.s32 $0x20, s18;
	s28 =	simm.s32 $0x11150  }
0xf2: {  	[hbm4b:s26+s2] =	stream.linear.scatter [tilespmem:s28], [sflag:$0x6], $0x80, $0x38;
	[tilespmem:$0x15000] =	vst v63  }
0xf3: {  	s26 =	sadd.s32 $0x30, s18;
	s28 =	simm.s32 $0x111D8  }
0xf4: {  	[hbm4b:s26+s2] =	stream.linear.scatter [tilespmem:s28], [sflag:$0x6], $0x80, $0x38;
	[tilespmem:$0x15000] =	vst v63  }
0xf5: {  	s26 =	sadd.s32 $0x40, s18;
	s28 =	simm.s32 $0x11260  }
0xf6: {  	[hbm4b:s26+s2] =	stream.linear.scatter [tilespmem:s28], [sflag:$0x6], $0x80, $0x38;
	[tilespmem:$0x15000] =	vst v63  }
0xf7: {  	s26 =	sadd.s32 $0x50, s18;
	s28 =	simm.s32 $0x112E8  }
0xf8: {  	[hbm4b:s26+s2] =	stream.linear.scatter [tilespmem:s28], [sflag:$0x6], $0x80, $0x38;
	[tilespmem:$0x15000] =	vst v63  }
0xf9: {  	s26 =	sadd.s32 $0x60, s18;
	s28 =	simm.s32 $0x11370  }
0xfa: {  	[hbm4b:s26+s2] =	stream.linear.scatter [tilespmem:s28], [sflag:$0x6], $0x80, $0x38;
	[tilespmem:$0x15000] =	vst v63  }
0xfb: {  	s26 =	sadd.s32 $0x70, s18;
	s28 =	simm.s32 $0x113F8  }
0xfc: {  	[hbm4b:s26+s2] =	stream.linear.scatter [tilespmem:s28], [sflag:$0x6], $0x80, $0x38;
	[tilespmem:$0x15000] =	vst v63  }
0xfd: {  	s26 =	sadd.s32 $0x80, s18;
	s28 =	simm.s32 $0x11480  }
0xfe: {  	[hbm4b:s26+s2] =	stream.linear.scatter [tilespmem:s28], [sflag:$0x6], $0x80, $0x38;
	[tilespmem:$0x15000] =	vst v63  }
0xff: {  	s26 =	sadd.s32 $0x90, s18;
	s28 =	simm.s32 $0x11508  }
0x100: {  	[hbm4b:s26+s2] =	stream.linear.scatter [tilespmem:s28], [sflag:$0x6], $0x80, $0x38;
	[tilespmem:$0x15000] =	vst v63  }
0x101: {  	s26 =	sadd.s32 $0xA0, s18;
	s28 =	simm.s32 $0x11590  }
0x102: {  	[hbm4b:s26+s2] =	stream.linear.scatter [tilespmem:s28], [sflag:$0x6], $0x80, $0x38;
	[tilespmem:$0x15000] =	vst v63  }
0x103: {  	s26 =	sadd.s32 $0xB0, s18;
	s28 =	simm.s32 $0x11618  }
0x104: {  	[hbm4b:s26+s2] =	stream.linear.scatter [tilespmem:s28], [sflag:$0x6], $0x80, $0x38;
	[tilespmem:$0x15000] =	vst v63  }
0x105: {  	s26 =	sadd.s32 $0xC0, s18;
	s28 =	simm.s32 $0x116A0  }
0x106: {  	[hbm4b:s26+s2] =	stream.linear.scatter [tilespmem:s28], [sflag:$0x6], $0x80, $0x38;
	[tilespmem:$0x15000] =	vst v63  }
0x107: {  	s26 =	sadd.s32 $0xD0, s18;
	s28 =	simm.s32 $0x11728  }
0x108: {  	[hbm4b:s26+s2] =	stream.linear.scatter [tilespmem:s28], [sflag:$0x6], $0x80, $0x38;
	[tilespmem:$0x15000] =	vst v63  }
0x109: {  	s25 =	sadd.s32 $0xE0, s18;
	s26 =	simm.s32 $0x117B0  }
0x10a: {  	[hbm4b:s25+s2] =	stream.linear.scatter [tilespmem:s26], [sflag:$0x6], $0x80, $0x38;
	[tilespmem:$0x15000] =	vst v63  }
0x10b: {  	s18 =	sadd.s32 $0xF0, s18;
	s28 =	simm.s32 $0x11838  }
0x10c: {  	[hbm4b:s18+s2] =	stream.linear.scatter [tilespmem:s28], [sflag:$0x6], $0x80, $0x38;
	[tilespmem:$0x15000] =	vst v63  }
0x10d: {  	s25 =	simm.s32 $0x11D00;
	s18 =	sadd.s32 $0x138800, s23  }
0x10e: {  	[hbm4b:s18+s2] =	stream.linear.scatter [tilespmem:s25], [sflag:$0x6], $0x80, $0x38;
	[tilespmem:$0x15000] =	vst v63  }
0x10f: {  	s28 =	simm.s32 $0x11D88;
	s26 =	sadd.s32 $0x10, s18  }
0x110: {  	[hbm4b:s26+s2] =	stream.linear.scatter [tilespmem:s28], [sflag:$0x6], $0x80, $0x38;
	[tilespmem:$0x15000] =	vst v63  }
0x111: {  	s26 =	sadd.s32 $0x20, s18;
	s28 =	simm.s32 $0x11E10  }
0x112: {  	[hbm4b:s26+s2] =	stream.linear.scatter [tilespmem:s28], [sflag:$0x6], $0x80, $0x38;
	[tilespmem:$0x15000] =	vst v63  }
0x113: {  	s26 =	sadd.s32 $0x30, s18;
	s28 =	simm.s32 $0x11E98  }
0x114: {  	[hbm4b:s26+s2] =	stream.linear.scatter [tilespmem:s28], [sflag:$0x6], $0x80, $0x38;
	[tilespmem:$0x15000] =	vst v63  }
0x115: {  	s26 =	sadd.s32 $0x40, s18;
	s28 =	simm.s32 $0x11F20  }
0x116: {  	[hbm4b:s26+s2] =	stream.linear.scatter [tilespmem:s28], [sflag:$0x6], $0x80, $0x38;
	[tilespmem:$0x15000] =	vst v63  }
0x117: {  	s26 =	sadd.s32 $0x50, s18;
	s28 =	simm.s32 $0x11FA8  }
0x118: {  	[hbm4b:s26+s2] =	stream.linear.scatter [tilespmem:s28], [sflag:$0x6], $0x80, $0x38;
	[tilespmem:$0x15000] =	vst v63  }
0x119: {  	s26 =	sadd.s32 $0x60, s18;
	s28 =	simm.s32 $0x12030  }
0x11a: {  	[hbm4b:s26+s2] =	stream.linear.scatter [tilespmem:s28], [sflag:$0x6], $0x80, $0x38;
	[tilespmem:$0x15000] =	vst v63  }
0x11b: {  	s26 =	sadd.s32 $0x70, s18;
	s28 =	simm.s32 $0x120B8  }
0x11c: {  	[hbm4b:s26+s2] =	stream.linear.scatter [tilespmem:s28], [sflag:$0x6], $0x80, $0x38;
	[tilespmem:$0x15000] =	vst v63  }
0x11d: {  	s26 =	sadd.s32 $0x80, s18;
	s28 =	simm.s32 $0x12140  }
0x11e: {  	[hbm4b:s26+s2] =	stream.linear.scatter [tilespmem:s28], [sflag:$0x6], $0x80, $0x38;
	[tilespmem:$0x15000] =	vst v63  }
0x11f: {  	s26 =	sadd.s32 $0x90, s18;
	s28 =	simm.s32 $0x121C8  }
0x120: {  	[hbm4b:s26+s2] =	stream.linear.scatter [tilespmem:s28], [sflag:$0x6], $0x80, $0x38;
	[tilespmem:$0x15000] =	vst v63  }
0x121: {  	s26 =	sadd.s32 $0xA0, s18;
	s28 =	simm.s32 $0x12250  }
0x122: {  	[hbm4b:s26+s2] =	stream.linear.scatter [tilespmem:s28], [sflag:$0x6], $0x80, $0x38;
	[tilespmem:$0x15000] =	vst v63  }
0x123: {  	s26 =	sadd.s32 $0xB0, s18;
	s28 =	simm.s32 $0x122D8  }
0x124: {  	[hbm4b:s26+s2] =	stream.linear.scatter [tilespmem:s28], [sflag:$0x6], $0x80, $0x38;
	[tilespmem:$0x15000] =	vst v63  }
0x125: {  	s26 =	sadd.s32 $0xC0, s18;
	s28 =	simm.s32 $0x12360  }
0x126: {  	[hbm4b:s26+s2] =	stream.linear.scatter [tilespmem:s28], [sflag:$0x6], $0x80, $0x38;
	[tilespmem:$0x15000] =	vst v63  }
0x127: {  	s26 =	sadd.s32 $0xD0, s18;
	s28 =	simm.s32 $0x123E8  }
0x128: {  	[hbm4b:s26+s2] =	stream.linear.scatter [tilespmem:s28], [sflag:$0x6], $0x80, $0x38;
	[tilespmem:$0x15000] =	vst v63  }
0x129: {  	s25 =	sadd.s32 $0xE0, s18;
	s26 =	simm.s32 $0x12470  }
0x12a: {  	[hbm4b:s25+s2] =	stream.linear.scatter [tilespmem:s26], [sflag:$0x6], $0x80, $0x38;
	[tilespmem:$0x15000] =	vst v63  }
0x12b: {  	s18 =	sadd.s32 $0xF0, s18;
	s28 =	simm.s32 $0x124F8  }
0x12c: {  	[hbm4b:s18+s2] =	stream.linear.scatter [tilespmem:s28], [sflag:$0x6], $0x80, $0x38;
	[tilespmem:$0x15000] =	vst v63  }
0x12d: {  	s25 =	simm.s32 $0x129C0;
	s18 =	sadd.s32 $0x186A00, s23  }
0x12e: {  	[hbm4b:s18+s2] =	stream.linear.scatter [tilespmem:s25], [sflag:$0x6], $0x80, $0x38;
	[tilespmem:$0x15000] =	vst v63  }
0x12f: {  	s28 =	simm.s32 $0x12A48;
	s26 =	sadd.s32 $0x10, s18  }
0x130: {  	[hbm4b:s26+s2] =	stream.linear.scatter [tilespmem:s28], [sflag:$0x6], $0x80, $0x38;
	[tilespmem:$0x15000] =	vst v63  }
0x131: {  	s26 =	sadd.s32 $0x20, s18;
	s28 =	simm.s32 $0x12AD0  }
0x132: {  	[hbm4b:s26+s2] =	stream.linear.scatter [tilespmem:s28], [sflag:$0x6], $0x80, $0x38;
	[tilespmem:$0x15000] =	vst v63  }
0x133: {  	s26 =	sadd.s32 $0x30, s18;
	s28 =	simm.s32 $0x12B58  }
0x134: {  	[hbm4b:s26+s2] =	stream.linear.scatter [tilespmem:s28], [sflag:$0x6], $0x80, $0x38;
	[tilespmem:$0x15000] =	vst v63  }
0x135: {  	s26 =	sadd.s32 $0x40, s18;
	s28 =	simm.s32 $0x12BE0  }
0x136: {  	[hbm4b:s26+s2] =	stream.linear.scatter [tilespmem:s28], [sflag:$0x6], $0x80, $0x38;
	[tilespmem:$0x15000] =	vst v63  }
0x137: {  	s26 =	sadd.s32 $0x50, s18;
	s28 =	simm.s32 $0x12C68  }
0x138: {  	[hbm4b:s26+s2] =	stream.linear.scatter [tilespmem:s28], [sflag:$0x6], $0x80, $0x38;
	[tilespmem:$0x15000] =	vst v63  }
0x139: {  	s26 =	sadd.s32 $0x60, s18;
	s28 =	simm.s32 $0x12CF0  }
0x13a: {  	[hbm4b:s26+s2] =	stream.linear.scatter [tilespmem:s28], [sflag:$0x6], $0x80, $0x38;
	[tilespmem:$0x15000] =	vst v63  }
0x13b: {  	s26 =	sadd.s32 $0x70, s18;
	s28 =	simm.s32 $0x12D78  }
0x13c: {  	[hbm4b:s26+s2] =	stream.linear.scatter [tilespmem:s28], [sflag:$0x6], $0x80, $0x38;
	[tilespmem:$0x15000] =	vst v63  }
0x13d: {  	s26 =	sadd.s32 $0x80, s18;
	s28 =	simm.s32 $0x12E00  }
0x13e: {  	[hbm4b:s26+s2] =	stream.linear.scatter [tilespmem:s28], [sflag:$0x6], $0x80, $0x38;
	[tilespmem:$0x15000] =	vst v63  }
0x13f: {  	s26 =	sadd.s32 $0x90, s18;
	s28 =	simm.s32 $0x12E88  }
0x140: {  	[hbm4b:s26+s2] =	stream.linear.scatter [tilespmem:s28], [sflag:$0x6], $0x80, $0x38;
	[tilespmem:$0x15000] =	vst v63  }
0x141: {  	s26 =	sadd.s32 $0xA0, s18;
	s28 =	simm.s32 $0x12F10  }
0x142: {  	[hbm4b:s26+s2] =	stream.linear.scatter [tilespmem:s28], [sflag:$0x6], $0x80, $0x38;
	[tilespmem:$0x15000] =	vst v63  }
0x143: {  	s26 =	sadd.s32 $0xB0, s18;
	s28 =	simm.s32 $0x12F98  }
0x144: {  	[hbm4b:s26+s2] =	stream.linear.scatter [tilespmem:s28], [sflag:$0x6], $0x80, $0x38;
	[tilespmem:$0x15000] =	vst v63  }
0x145: {  	s26 =	sadd.s32 $0xC0, s18;
	s28 =	simm.s32 $0x13020  }
0x146: {  	[hbm4b:s26+s2] =	stream.linear.scatter [tilespmem:s28], [sflag:$0x6], $0x80, $0x38;
	[tilespmem:$0x15000] =	vst v63  }
0x147: {  	s26 =	sadd.s32 $0xD0, s18;
	s28 =	simm.s32 $0x130A8  }
0x148: {  	[hbm4b:s26+s2] =	stream.linear.scatter [tilespmem:s28], [sflag:$0x6], $0x80, $0x38;
	[tilespmem:$0x15000] =	vst v63  }
0x149: {  	s25 =	sadd.s32 $0xE0, s18;
	s26 =	simm.s32 $0x13130  }
0x14a: {  	[hbm4b:s25+s2] =	stream.linear.scatter [tilespmem:s26], [sflag:$0x6], $0x80, $0x38;
	[tilespmem:$0x15000] =	vst v63  }
0x14b: {  	s18 =	sadd.s32 $0xF0, s18;
	s28 =	simm.s32 $0x131B8  }
0x14c: {  	[hbm4b:s18+s2] =	stream.linear.scatter [tilespmem:s28], [sflag:$0x6], $0x80, $0x38;
	[tilespmem:$0x15000] =	vst v63  }
0x14d: {  	s25 =	simm.s32 $0x13680;
	s18 =	sadd.s32 $0x1D4C00, s23  }
0x14e: {  	[hbm4b:s18+s2] =	stream.linear.scatter [tilespmem:s25], [sflag:$0x6], $0x80, $0x38;
	[tilespmem:$0x15000] =	vst v63  }
0x14f: {  	s28 =	simm.s32 $0x13708;
	s26 =	sadd.s32 $0x10, s18  }
0x150: {  	[hbm4b:s26+s2] =	stream.linear.scatter [tilespmem:s28], [sflag:$0x6], $0x80, $0x38;
	[tilespmem:$0x15000] =	vst v63  }
0x151: {  	s26 =	sadd.s32 $0x20, s18;
	s28 =	simm.s32 $0x13790  }
0x152: {  	[hbm4b:s26+s2] =	stream.linear.scatter [tilespmem:s28], [sflag:$0x6], $0x80, $0x38;
	[tilespmem:$0x15000] =	vst v63  }
0x153: {  	s26 =	sadd.s32 $0x30, s18;
	s28 =	simm.s32 $0x13818  }
0x154: {  	[hbm4b:s26+s2] =	stream.linear.scatter [tilespmem:s28], [sflag:$0x6], $0x80, $0x38;
	[tilespmem:$0x15000] =	vst v63  }
0x155: {  	s26 =	sadd.s32 $0x40, s18;
	s28 =	simm.s32 $0x138A0  }
0x156: {  	[hbm4b:s26+s2] =	stream.linear.scatter [tilespmem:s28], [sflag:$0x6], $0x80, $0x38;
	[tilespmem:$0x15000] =	vst v63  }
0x157: {  	s26 =	sadd.s32 $0x50, s18;
	s28 =	simm.s32 $0x13928  }
0x158: {  	[hbm4b:s26+s2] =	stream.linear.scatter [tilespmem:s28], [sflag:$0x6], $0x80, $0x38;
	[tilespmem:$0x15000] =	vst v63  }
0x159: {  	s26 =	sadd.s32 $0x60, s18;
	s28 =	simm.s32 $0x139B0  }
0x15a: {  	[hbm4b:s26+s2] =	stream.linear.scatter [tilespmem:s28], [sflag:$0x6], $0x80, $0x38;
	[tilespmem:$0x15000] =	vst v63  }
0x15b: {  	s26 =	sadd.s32 $0x70, s18;
	s28 =	simm.s32 $0x13A38  }
0x15c: {  	[hbm4b:s26+s2] =	stream.linear.scatter [tilespmem:s28], [sflag:$0x6], $0x80, $0x38;
	[tilespmem:$0x15000] =	vst v63  }
0x15d: {  	s26 =	sadd.s32 $0x80, s18;
	s28 =	simm.s32 $0x13AC0  }
0x15e: {  	[hbm4b:s26+s2] =	stream.linear.scatter [tilespmem:s28], [sflag:$0x6], $0x80, $0x38;
	[tilespmem:$0x15000] =	vst v63  }
0x15f: {  	s26 =	sadd.s32 $0x90, s18;
	s28 =	simm.s32 $0x13B48  }
0x160: {  	[hbm4b:s26+s2] =	stream.linear.scatter [tilespmem:s28], [sflag:$0x6], $0x80, $0x38;
	[tilespmem:$0x15000] =	vst v63  }
0x161: {  	s26 =	sadd.s32 $0xA0, s18;
	s28 =	simm.s32 $0x13BD0  }
0x162: {  	[hbm4b:s26+s2] =	stream.linear.scatter [tilespmem:s28], [sflag:$0x6], $0x80, $0x38;
	[tilespmem:$0x15000] =	vst v63  }
0x163: {  	s26 =	sadd.s32 $0xB0, s18;
	s28 =	simm.s32 $0x13C58  }
0x164: {  	[hbm4b:s26+s2] =	stream.linear.scatter [tilespmem:s28], [sflag:$0x6], $0x80, $0x38;
	[tilespmem:$0x15000] =	vst v63  }
0x165: {  	s26 =	sadd.s32 $0xC0, s18;
	s28 =	simm.s32 $0x13CE0  }
0x166: {  	[hbm4b:s26+s2] =	stream.linear.scatter [tilespmem:s28], [sflag:$0x6], $0x80, $0x38;
	[tilespmem:$0x15000] =	vst v63  }
0x167: {  	s26 =	sadd.s32 $0xD0, s18;
	s28 =	simm.s32 $0x13D68  }
0x168: {  	[hbm4b:s26+s2] =	stream.linear.scatter [tilespmem:s28], [sflag:$0x6], $0x80, $0x38;
	[tilespmem:$0x15000] =	vst v63  }
0x169: {  	s26 =	sadd.s32 $0xE0, s18;
	s28 =	simm.s32 $0x13DF0  }
0x16a: {  	[hbm4b:s26+s2] =	stream.linear.scatter [tilespmem:s28], [sflag:$0x6], $0x80, $0x38;
	[tilespmem:$0x15000] =	vst v63  }
0x16b: {  	s18 =	sadd.s32 $0xF0, s18;
	s26 =	simm.s32 $0x13E78  }
0x16c: {  	[hbm4b:s18+s2] =	stream.linear.scatter [tilespmem:s26], [sflag:$0x6], $0x80, $0x38;
	[tilespmem:$0x15000] =	vst v63  }
0x16d: {  	s28 =	simm.s32 $0x14340;
	s18 =	sadd.s32 $0x222E00, s23  }
0x16e: {  	[hbm4b:s18+s2] =	stream.linear.scatter [tilespmem:s28], [sflag:$0x6], $0x80, $0x38;
	[tilespmem:$0x15000] =	vst v63  }
0x16f: {  	s25 =	simm.s32 $0x143C8;
	s24 =	sadd.s32 $0x10, s18  }
0x170: {  	[hbm4b:s24+s2] =	stream.linear.scatter [tilespmem:s25], [sflag:$0x6], $0x80, $0x38;
	[tilespmem:$0x15000] =	vst v63  }
0x171: {  	s26 =	sadd.s32 $0x20, s18;
	s28 =	simm.s32 $0x14450  }
0x172: {  	[hbm4b:s26+s2] =	stream.linear.scatter [tilespmem:s28], [sflag:$0x6], $0x80, $0x38;
	[tilespmem:$0x15000] =	vst v63  }
0x173: {  	s25 =	sadd.s32 $0x30, s18;
	s26 =	simm.s32 $0x144D8  }
0x174: {  	[hbm4b:s25+s2] =	stream.linear.scatter [tilespmem:s26], [sflag:$0x6], $0x80, $0x38;
	[tilespmem:$0x15000] =	vst v63  }
0x175: {  	s28 =	sadd.s32 $0x40, s18  }
0x176: {  	[hbm4b:s28+s2] =	stream.linear.scatter [tilespmem:s10], [sflag:$0x6], $0x80, $0x38;
	[tilespmem:$0x15000] =	vst v63  }
0x177: {  	s24 =	sadd.s32 $0x50, s18  }
0x178: {  	[hbm4b:s24+s2] =	stream.linear.scatter [tilespmem:s11], [sflag:$0x6], $0x80, $0x38;
	[tilespmem:$0x15000] =	vst v63  }
0x179: {  	s25 =	sadd.s32 $0x60, s18  }
0x17a: {  	[hbm4b:s25+s2] =	stream.linear.scatter [tilespmem:s12], [sflag:$0x6], $0x80, $0x38;
	[tilespmem:$0x15000] =	vst v63  }
0x17b: {  	s26 =	sadd.s32 $0x70, s18  }
0x17c: {  	[hbm4b:s26+s2] =	stream.linear.scatter [tilespmem:s13], [sflag:$0x6], $0x80, $0x38;
	[tilespmem:$0x15000] =	vst v63  }
0x17d: {  	s28 =	sadd.s32 $0x80, s18  }
0x17e: {  	[hbm4b:s28+s2] =	stream.linear.scatter [tilespmem:s17], [sflag:$0x6], $0x80, $0x38;
	[tilespmem:$0x15000] =	vst v63  }
0x17f: {  	s24 =	sadd.s32 $0x90, s18  }
0x180: {  	[hbm4b:s24+s2] =	stream.linear.scatter [tilespmem:s22], [sflag:$0x6], $0x80, $0x38;
	[tilespmem:$0x15000] =	vst v63  }
0x181: {  	s25 =	sadd.s32 $0xA0, s18  }
0x182: {  	[hbm4b:s25+s2] =	stream.linear.scatter [tilespmem:s21], [sflag:$0x6], $0x80, $0x38;
	[tilespmem:$0x15000] =	vst v63  }
0x183: {  	s26 =	sadd.s32 $0xB0, s18;
	s28 =	simm.s32 $0x14918  }
0x184: {  	[hbm4b:s26+s2] =	stream.linear.scatter [tilespmem:s28], [sflag:$0x6], $0x80, $0x38;
	[tilespmem:$0x15000] =	vst v63  }
0x185: {  	s24 =	sadd.s32 $0xC0, s18;
	s25 =	simm.s32 $0x149A0  }
0x186: {  	[hbm4b:s24+s2] =	stream.linear.scatter [tilespmem:s25], [sflag:$0x6], $0x80, $0x38;
	[tilespmem:$0x15000] =	vst v63  }
0x187: {  	s26 =	sadd.s32 $0xD0, s18;
	s28 =	simm.s32 $0x14A28  }
0x188: {  	[hbm4b:s26+s2] =	stream.linear.scatter [tilespmem:s28], [sflag:$0x6], $0x80, $0x38;
	[tilespmem:$0x15000] =	vst v63  }
0x189: {  	s25 =	sadd.s32 $0xE0, s18;
	s26 =	simm.s32 $0x14AB0  }
0x18a: {  	[hbm4b:s25+s2] =	stream.linear.scatter [tilespmem:s26], [sflag:$0x6], $0x80, $0x38;
	[tilespmem:$0x15000] =	vst v63  }
0x18b: {  	s18 =	sadd.s32 $0xF0, s18;
	s28 =	simm.s32 $0x14B38  }
0x18c: {  	[hbm4b:s18+s2] =	stream.linear.scatter [tilespmem:s28], [sflag:$0x6], $0x80, $0x38;
	[tilespmem:$0x15000] =	vst v63  }
.LBB2_14:
0x18d: {  	s20 =	sadd.s32 $0x1, s20  }
0x18e: {  	p0 =	sne.s32 s20, $0x14  }
.Ltmp3:
0x18f: {  	_ = 	snop;
	(pc) =	sbr.rel @!p0 .LBB2_15-.Ltmp3, $1  }
0x190: {  	_ =	sdelay $0x3  }
.LBB2_2:
0x191: {  	s23 =	sshll.u32 s20, $0x1  }
0x192: {  	p0 =	sge.u32 s23, s8  }
.Ltmp4:
0x193: {  	_ = 	snop;
	(pc) =	sbr.rel @p0 .LBB2_8-.Ltmp4, $1  }
0x194: {  	_ =	sdelay $0x3  }
0x195: {  	p0 =	sge.u32 s23, s14  }
0x196: {  	s24 =	simm.s32 @!p0 $0x2  }
0x197: {  	_ =	swait.ge @!p0 [sflag:s24], $0x100  }
0x198: {  	[sflag:s24] =	ssyncset.done @!p0 $0x0  }
0x199: {  	[sflag:s24] =	ssyncadd.s32 @!p0 $0xFFFFFF00  }
0x19a: {  	_ =	swait.ge @!p0 [sflag:s24], $0x100  }
0x19b: {  	s25 =	simm.s32 @!p0 $0x100;
	[sflag:s24] =	ssyncset.done @!p0 $0x0  }
0x19c: {  	s26 =	simm.s32 @!p0 $0x2400;
	[sflag:s24] =	ssyncadd.s32 @!p0 $0xFFFFFF00;
	s24 =	simm.s32 @!p0 $0x80  }
0x19d: {  	[tilespmem:s26], [sflag:$0x4] =	stream.indirect.gather @!p0 [hbm4b:s4+s24], $0x20, s25, s24, $0xb8;
	[tilespmem:$0x15000] =	vst v63  }
0x19e: {  	s25 =	simm.s32 @!p0 $0x300;
	s26 =	simm.s32 @!p0 $0x6400  }
0x19f: {  	[tilespmem:s26], [sflag:$0x4] =	stream.indirect.gather @!p0 [hbm4b:s5+s24], $0x20, s25, s24, $0xb8;
	[tilespmem:$0x15000] =	vst v63  }
0x1a0: {  	s25 =	simm.s32 @!p0 $0x180;
	s26 =	simm.s32 @!p0 $0x3400  }
0x1a1: {  	[tilespmem:s26], [sflag:$0x4] =	stream.indirect.gather @!p0 [hbm4b:s4+s24], $0x20, s25, s24, $0xb8;
	[tilespmem:$0x15000] =	vst v63  }
0x1a2: {  	s25 =	simm.s32 @!p0 $0x380;
	s26 =	simm.s32 @!p0 $0x7400  }
0x1a3: {  	[tilespmem:s26], [sflag:$0x4] =	stream.indirect.gather @!p0 [hbm4b:s5+s24], $0x20, s25, s24, $0xb8;
	[tilespmem:$0x15000] =	vst v63  }
0x1a4: {  	_ =	swait.ge [sflag:s29], $0x2000  }
0x1a5: {  	s24 =	sadd.s32 $0x2, s23;
	[sflag:s29] =	ssyncset.done $0x0  }
0x1a6: {  	p0 =	sge.u32 s24, s8;
	[sflag:s29] =	ssyncadd.s32 $0xFFFFE000  }
0x1a7: {  	s24 =	sshll.u32 @!p0 s24, $0xA;
	_ =	swait.ge [sflag:s29], $0x2000  }
0x1a8: {  	s24 =	sor.u32 @!p0 s9, s24;
	[sflag:s29] =	ssyncset.done $0x0  }
0x1a9: {  	s26 =	simm.s32 @!p0 $0x0;
	s25 =	sadd.s32 @!p0 s6, s24;
	[sflag:s29] =	ssyncadd.s32 $0xFFFFE000  }
0x1aa: {  	[tilespmem:s26], [sflag:$0x1] =	stream.linear.gather @!p0 [hbm4b:s25+s26], $0x100, $0x38;
	[tilespmem:$0x15000] =	vst v63  }
0x1ab: {  	s24 =	sadd.s32 @!p0 s7, s24;
	s25 =	simm.s32 @!p0 $0x200  }
0x1ac: {  	[tilespmem:s25], [sflag:$0x1] =	stream.linear.gather @!p0 [hbm4b:s24+s26], $0x100, $0x38;
	[tilespmem:$0x15000] =	vst v63  }
0x1ad: {  	p0 =	seq.s32 s20, $0x0  }
0x1ae: {  	s24 =	simm.s32 @!p0 $0x5  }
0x1af: {  	_ =	swait.ge @!p0 [sflag:s24], $0x800  }
0x1b0: {  	[sflag:s24] =	ssyncset.done @!p0 $0x0  }
0x1b1: {  	[sflag:s24] =	ssyncadd.s32 @!p0 $0xFFFFF800  }
0x1b2: {  	_ =	swait.ge @!p0 [sflag:s24], $0x800  }
0x1b3: {  	[sflag:s24] =	ssyncset.done @!p0 $0x0  }
0x1b4: {  	[sflag:s24] =	ssyncadd.s32 @!p0 $0xFFFFF800  }
0x1b5: {  	_ =	swait.ge @!p0 [sflag:s24], $0x800  }
0x1b6: {  	[sflag:s24] =	ssyncset.done @!p0 $0x0  }
0x1b7: {  	[sflag:s24] =	ssyncadd.s32 @!p0 $0xFFFFF800  }
0x1b8: {  	_ =	swait.ge @!p0 [sflag:s24], $0x800  }
0x1b9: {  	[sflag:s24] =	ssyncset.done @!p0 $0x0  }
0x1ba: {  	[sflag:s24] =	ssyncadd.s32 @!p0 $0xFFFFF800  }
0x1bb: {  	_ =	swait.ge @!p0 [sflag:s24], $0x800  }
0x1bc: {  	[sflag:s24] =	ssyncset.done @!p0 $0x0  }
0x1bd: {  	[sflag:s24] =	ssyncadd.s32 @!p0 $0xFFFFF800  }
0x1be: {  	_ =	swait.ge @!p0 [sflag:s24], $0x800  }
0x1bf: {  	[sflag:s24] =	ssyncset.done @!p0 $0x0  }
0x1c0: {  	[sflag:s24] =	ssyncadd.s32 @!p0 $0xFFFFF800  }
0x1c1: {  	_ =	swait.ge @!p0 [sflag:s24], $0x800  }
0x1c2: {  	[sflag:s24] =	ssyncset.done @!p0 $0x0  }
0x1c3: {  	[sflag:s24] =	ssyncadd.s32 @!p0 $0xFFFFF800  }
0x1c4: {  	_ =	swait.ge @!p0 [sflag:s24], $0x800  }
0x1c5: {  	[sflag:s24] =	ssyncset.done @!p0 $0x0  }
0x1c6: {  	s25 =	simm.s32 $0x440;
	[sflag:s24] =	ssyncadd.s32 @!p0 $0xFFFFF800  }
0x1c7: {  	s28 =	simm.s32 $0x0;
	s24 =	simm.s32 $0x4440;
	v8 =	vld [tilespmem:s25+$0x20]  }
0x1c8: {  	s18 =	simm.s32 $0x1;
	v9 =	vmov s28;
	s28 =	simm.s32 $0x2;
	v10 =	vld [tilespmem:s24+$0x20]  }
0x1c9: {  	v13 =	vmov s18;
	s18 =	simm.s32 $0x3;
	v9 =	vand.u32 $0x7C, v9;
	v14 =	vmov s28  }
0x1ca: {  	v13 =	vand.u32 $0x7D, v13;
	v17 =	vmov s18;
	v12 =	vadd.s32 v0, v9  }
0x1cb: {  	v16 =	vadd.s32 v1, v9;
	v19 =	vadd.s32 v0, v13;
	v17 =	vand.u32 $0x7F, v17;
	v11 =	vld [tilespmem:s25+$0xFFFFFFC0]  }
0x1cc: {  	v14 =	vand.u32 $0x7E, v14;
	v60 =	vadd.s32 v3, v13;
	v23 =	vadd.s32 v0, v17;
	v15 =	vld [tilespmem:s24+$0xFFFFFFC0]  }
0x1cd: {  	v53 =	vadd.s32 v0, v14;
	v18 =	vld [tilespmem:s25+$0xFFFFFFE0];
	v21 =	vunpack.i.l.bf16.f32 v8;
	v22 =	vunpack.i.l.bf16.f32 v10  }
0x1ce: {  	v20 =	vld [tilespmem:s24+$0xFFFFFFE0];
	v8 =	vunpack.i.u.bf16.f32 v8;
	v10 =	vunpack.i.u.bf16.f32 v10;
	v21 =	vadd.f32 v22, v21  }
0x1cf: {  	v57 =	vadd.s32 v1, v14;
	v24 =	vld [tilespmem:s25+$0x0];
	v8 =	vadd.f32 v10, v8;
	v10 =	vadd.s32 v1, v17  }
0x1d0: {  	v61 =	vadd.s32 v2, v14;
	v25 =	vunpack.i.u.bf16.f32 v11;
	v27 =	vmul.f32 $2.000000030e-01, v21  }
0x1d1: {  	v11 =	vunpack.i.l.bf16.f32 v11;
	v26 =	vunpack.i.u.bf16.f32 v15;
	v22 =	vld [tilespmem:s24+$0x0];
	v29 =	vmul.f32 $2.000000030e-01, v8  }
0x1d2: {  	v28 =	vunpack.i.u.bf16.f32 v18;
	v18 =	vunpack.i.l.bf16.f32 v18;
	v21 =	vmax.f32 v21, v27  }
0x1d3: {  	v30 =	vunpack.i.u.bf16.f32 v20;
	v20 =	vunpack.i.l.bf16.f32 v20;
	v8 =	vmax.f32 v8, v29;
	[tilespmem:v23+s30+$0x0] =	vst.idx.msk $0xffff, v21  }
0x1d4: {  	v15 =	vunpack.i.l.bf16.f32 v15;
	v52 =	vunpack.i.u.bf16.f32 v24;
	v18 =	vadd.f32 v20, v18;
	[tilespmem:v10+s30+$0x0] =	vst.idx.msk $0xffff, v8  }
0x1d5: {  	v20 =	vadd.f32 v30, v28;
	v21 =	vunpack.i.l.bf16.f32 v24;
	v8 =	vadd.f32 v15, v11;
	v15 =	vld [tilespmem:s25+$0x30]  }
0x1d6: {  	v23 =	vunpack.i.u.bf16.f32 v22;
	v22 =	vunpack.i.l.bf16.f32 v22;
	v10 =	vadd.f32 v26, v25;
	v54 =	vld [tilespmem:s24+$0x30]  }
0x1d7: {  	v56 =	vmul.f32 $2.000000030e-01, v18;
	v21 =	vadd.f32 v22, v21;
	v55 =	vmul.f32 $2.000000030e-01, v8  }
0x1d8: {  	v11 =	vadd.s32 v1, v13;
	v22 =	vadd.f32 v23, v52;
	v23 =	vmul.f32 $2.000000030e-01, v10  }
0x1d9: {  	v58 =	vmul.f32 $2.000000030e-01, v20;
	v59 =	vmul.f32 $2.000000030e-01, v21;
	v8 =	vmax.f32 v8, v55  }
0x1da: {  	[tilespmem:v12+s30+$0x0] =	vst.idx.msk $0xffff, v8;
	v8 =	vmax.f32 v10, v23;
	v10 =	vmax.f32 v18, v56;
	v12 =	vmul.f32 $2.000000030e-01, v22  }
0x1db: {  	v18 =	vadd.s32 v2, v17;
	[tilespmem:v16+s30+$0x0] =	vst.idx.msk $0xffff, v8;
	v8 =	vunpack.i.l.bf16.f32 v15;
	v16 =	vunpack.i.l.bf16.f32 v54  }
0x1dc: {  	[tilespmem:v19+s30+$0x0] =	vst.idx.msk $0xffff, v10;
	v10 =	vunpack.i.u.bf16.f32 v15;
	v15 =	vunpack.i.u.bf16.f32 v54;
	v19 =	vmax.f32 v20, v58;
	v23 =	vld [tilespmem:s25+$0xFFFFFFD0]  }
0x1dd: {  	v8 =	vadd.f32 v16, v8;
	v16 =	vld [tilespmem:s24+$0xFFFFFFD0];
	v10 =	vadd.f32 v15, v10;
	[tilespmem:v11+s30+$0x0] =	vst.idx.msk $0xffff, v19  }
0x1de: {  	v15 =	vadd.s32 v3, v17;
	v11 =	vmax.f32 v21, v59;
	v12 =	vmax.f32 v22, v12;
	v20 =	vld [tilespmem:s25+$0xFFFFFFF0]  }
0x1df: {  	v19 =	vadd.s32 v2, v9;
	[tilespmem:v53+s30+$0x0] =	vst.idx.msk $0xffff, v11;
	v21 =	vld [tilespmem:s24+$0xFFFFFFF0];
	v17 =	vmul.f32 $2.000000030e-01, v8;
	v11 =	vmul.f32 $2.000000030e-01, v10  }
0x1e0: {  	v9 =	vadd.s32 v3, v9;
	v22 =	vadd.s32 v2, v13;
	[tilespmem:v57+s30+$0x0] =	vst.idx.msk $0xffff, v12  }
0x1e1: {  	v13 =	vld [tilespmem:s24+$0x10];
	v12 =	vmax.f32 v8, v17;
	v10 =	vmax.f32 v10, v11;
	v8 =	vunpack.i.u.bf16.f32 v23  }
0x1e2: {  	v17 =	vunpack.i.l.bf16.f32 v23;
	v23 =	vld [tilespmem:s25+$0x10];
	v11 =	vunpack.i.u.bf16.f32 v16;
	v16 =	vunpack.i.l.bf16.f32 v16  }
0x1e3: {  	v16 =	vadd.f32 v16, v17;
	v11 =	vadd.f32 v11, v8;
	v17 =	vunpack.i.u.bf16.f32 v20  }
0x1e4: {  	v20 =	vunpack.i.l.bf16.f32 v20;
	v62 =	vunpack.i.u.bf16.f32 v21;
	v21 =	vunpack.i.l.bf16.f32 v21  }
0x1e5: {  	v8 =	vadd.s32 v3, v14;
	v20 =	vadd.f32 v21, v20;
	v17 =	vadd.f32 v62, v17  }
0x1e6: {  	v14 =	vmul.f32 $2.000000030e-01, v16;
	v63 =	vunpack.i.u.bf16.f32 v13;
	v13 =	vunpack.i.l.bf16.f32 v13  }
0x1e7: {  	[tilespmem:v18+s30+$0x0] =	vst.idx.msk $0xffff, v12;
	v12 =	vmul.f32 $2.000000030e-01, v11;
	v21 =	vunpack.i.u.bf16.f32 v23;
	v23 =	vunpack.i.l.bf16.f32 v23  }
0x1e8: {  	[tilespmem:v15+s30+$0x0] =	vst.idx.msk $0xffff, v10;
	v15 =	vmul.f32 $2.000000030e-01, v20;
	v10 =	vmax.f32 v16, v14;
	v13 =	vadd.f32 v13, v23  }
0x1e9: {  	s28 =	simm.s32 $0x4;
	s24 =	simm.s32 $0x4C0;
	v18 =	vadd.f32 v63, v21;
	[tilespmem:v19+s30+$0x0] =	vst.idx.msk $0xffff, v10;
	v10 =	vmax.f32 v11, v12  }
0x1ea: {  	s25 =	simm.s32 $0x44C0;
	v14 =	vld [tilespmem:s24+$0x20];
	v21 =	vmul.f32 $2.000000030e-01, v17;
	v19 =	vmov s28;
	[tilespmem:v9+s30+$0x0] =	vst.idx.msk $0xffff, v10;
	v9 =	vmax.f32 v20, v15  }
0x1eb: {  	s18 =	simm.s32 $0x6;
	s26 =	simm.s32 $0x5;
	v16 =	vld [tilespmem:s25+$0x20];
	v10 =	vand.u32 $0x7C, v19;
	v11 =	vmul.f32 $2.000000030e-01, v13;
	v12 =	vmul.f32 $2.000000030e-01, v18  }
0x1ec: {  	v15 =	vld [tilespmem:s24+$0xFFFFFFC0];
	v19 =	vmov s18;
	v20 =	vmax.f32 v17, v21;
	[tilespmem:v22+s30+$0x0] =	vst.idx.msk $0xffff, v9;
	v9 =	vmov s26  }
0x1ed: {  	s28 =	simm.s32 $0x7;
	v17 =	vld [tilespmem:s25+$0xFFFFFFC0];
	[tilespmem:v60+s30+$0x0] =	vst.idx.msk $0xffff, v20;
	v9 =	vand.u32 $0x7D, v9;
	v21 =	vmax.f32 v13, v11;
	v13 =	vmax.f32 v18, v12  }
0x1ee: {  	s26 =	simm.s32 $0x8;
	v20 =	vmov s28;
	v11 =	vadd.s32 v0, v10;
	v12 =	vadd.s32 v1, v10;
	v18 =	vld [tilespmem:s24+$0xFFFFFFE0];
	[tilespmem:v61+s30+$0x0] =	vst.idx.msk $0xffff, v21  }
.LBB2_4:
0x1ef: {  	p0 =	slt.u32 s26, $0x7C;
	v21 =	vld [tilespmem:s25+$0xFFFFFFE0];
	v22 =	vadd.s32 v0, v9;
	v19 =	vand.u32 $0x7E, v19;
	v20 =	vand.u32 $0x7F, v20;
	[tilespmem:v8+s30+$0x0] =	vst.idx.msk $0xffff, v13  }
0x1f0: {  	v13 =	vunpack.i.l.bf16.f32 v14;
	v8 =	vld [tilespmem:s24+$0x0];
	v23 =	vunpack.i.l.bf16.f32 v16;
	v24 =	vadd.s32 v0, v20  }
0x1f1: {  	v14 =	vunpack.i.u.bf16.f32 v14;
	v16 =	vunpack.i.u.bf16.f32 v16;
	v25 =	vld [tilespmem:s25+$0x0];
	v13 =	vadd.f32 v23, v13  }
0x1f2: {  	v23 =	vunpack.i.u.bf16.f32 v15;
	v14 =	vadd.f32 v16, v14;
	v16 =	vadd.s32 v1, v20  }
0x1f3: {  	v15 =	vunpack.i.l.bf16.f32 v15;
	v26 =	vunpack.i.u.bf16.f32 v17;
	v27 =	vmul.f32 $2.000000030e-01, v13  }
0x1f4: {  	v17 =	vunpack.i.l.bf16.f32 v17;
	v28 =	vunpack.i.u.bf16.f32 v18;
	v29 =	vmul.f32 $2.000000030e-01, v14  }
0x1f5: {  	v18 =	vunpack.i.l.bf16.f32 v18;
	v30 =	vunpack.i.u.bf16.f32 v21;
	v13 =	vmax.f32 v13, v27  }
0x1f6: {  	v21 =	vunpack.i.l.bf16.f32 v21;
	v27 =	vunpack.i.u.bf16.f32 v8;
	[tilespmem:v24+s30+$0x0] =	vst.idx.msk $0xffff, v13;
	v13 =	vmax.f32 v14, v29  }
0x1f7: {  	v8 =	vunpack.i.l.bf16.f32 v8;
	v14 =	vunpack.i.u.bf16.f32 v25;
	v24 =	vunpack.i.l.bf16.f32 v25;
	[tilespmem:v16+s30+$0x0] =	vst.idx.msk $0xffff, v13  }
0x1f8: {  	v13 =	vadd.f32 v17, v15;
	v15 =	vadd.f32 v26, v23;
	v16 =	vadd.s32 v1, v9;
	v17 =	vld [tilespmem:s24+$0x30]  }
0x1f9: {  	v18 =	vadd.f32 v21, v18;
	v21 =	vadd.f32 v30, v28;
	v23 =	vadd.s32 v0, v19;
	v25 =	vld [tilespmem:s25+$0x30]  }
0x1fa: {  	v8 =	vadd.f32 v24, v8;
	v14 =	vadd.f32 v14, v27;
	v26 =	vmul.f32 $2.000000030e-01, v13  }
0x1fb: {  	v28 =	vadd.s32 v1, v19;
	v27 =	vmul.f32 $2.000000030e-01, v18;
	v24 =	vmul.f32 $2.000000030e-01, v15  }
0x1fc: {  	v29 =	vmul.f32 $2.000000030e-01, v8;
	v13 =	vmax.f32 v13, v26;
	v26 =	vmul.f32 $2.000000030e-01, v21  }
0x1fd: {  	[tilespmem:v11+s30+$0x0] =	vst.idx.msk $0xffff, v13;
	v11 =	vmax.f32 v15, v24;
	v13 =	vmax.f32 v18, v27;
	v15 =	vmul.f32 $2.000000030e-01, v14  }
0x1fe: {  	v18 =	vadd.s32 v2, v20;
	[tilespmem:v12+s30+$0x0] =	vst.idx.msk $0xffff, v11;
	v11 =	vunpack.i.l.bf16.f32 v17;
	v12 =	vunpack.i.l.bf16.f32 v25  }
0x1ff: {  	v24 =	vld [tilespmem:s24+$0xFFFFFFD0];
	[tilespmem:v22+s30+$0x0] =	vst.idx.msk $0xffff, v13;
	v13 =	vunpack.i.u.bf16.f32 v17;
	v17 =	vunpack.i.u.bf16.f32 v25;
	v11 =	vadd.f32 v12, v11  }
0x200: {  	v21 =	vmax.f32 v21, v26;
	v12 =	vld [tilespmem:s25+$0xFFFFFFD0];
	v13 =	vadd.f32 v17, v13;
	v17 =	vadd.s32 v3, v20  }
0x201: {  	v8 =	vmax.f32 v8, v29;
	v14 =	vmax.f32 v14, v15;
	[tilespmem:v16+s30+$0x0] =	vst.idx.msk $0xffff, v21;
	v15 =	vmul.f32 $2.000000030e-01, v11  }
0x202: {  	v16 =	vadd.s32 v2, v10;
	v10 =	vadd.s32 v3, v10;
	v20 =	vld [tilespmem:s24+$0xFFFFFFF0];
	[tilespmem:v23+s30+$0x0] =	vst.idx.msk $0xffff, v8;
	v8 =	vmul.f32 $2.000000030e-01, v13  }
0x203: {  	v22 =	vadd.s32 v2, v9;
	v21 =	vld [tilespmem:s25+$0xFFFFFFF0];
	[tilespmem:v28+s30+$0x0] =	vst.idx.msk $0xffff, v14;
	v11 =	vmax.f32 v11, v15  }
0x204: {  	v14 =	vunpack.i.u.bf16.f32 v24;
	v15 =	vunpack.i.l.bf16.f32 v24;
	v23 =	vld [tilespmem:s24+$0x10];
	[tilespmem:v18+s30+$0x0] =	vst.idx.msk $0xffff, v11;
	v8 =	vmax.f32 v13, v8  }
0x205: {  	v9 =	vadd.s32 v3, v9;
	v11 =	vunpack.i.u.bf16.f32 v12;
	v12 =	vunpack.i.l.bf16.f32 v12;
	v13 =	vld [tilespmem:s25+$0x10];
	[tilespmem:v17+s30+$0x0] =	vst.idx.msk $0xffff, v8  }
0x206: {  	v24 =	vadd.s32 v2, v19;
	v12 =	vadd.f32 v12, v15;
	v11 =	vadd.f32 v11, v14  }
0x207: {  	v8 =	vadd.s32 v3, v19;
	v14 =	vunpack.i.u.bf16.f32 v20;
	v15 =	vunpack.i.l.bf16.f32 v20  }
0x208: {  	v17 =	vmul.f32 $2.000000030e-01, v12;
	v18 =	vunpack.i.u.bf16.f32 v21;
	v19 =	vunpack.i.l.bf16.f32 v21  }
0x209: {  	v15 =	vadd.f32 v19, v15;
	v19 =	vunpack.i.u.bf16.f32 v23;
	v20 =	vunpack.i.l.bf16.f32 v23  }
0x20a: {  	v18 =	vadd.f32 v18, v14;
	v14 =	vunpack.i.u.bf16.f32 v13;
	v13 =	vunpack.i.l.bf16.f32 v13  }
0x20b: {  	v21 =	vmul.f32 $2.000000030e-01, v11;
	v13 =	vadd.f32 v13, v20;
	v19 =	vadd.f32 v14, v19  }
0x20c: {  	s24 =	sadd.s32 $0x80, s24;
	v12 =	vmax.f32 v12, v17;
	v17 =	vmul.f32 $2.000000030e-01, v15;
	v20 =	vmul.f32 $2.000000030e-01, v18  }
.Ltmp5:
0x20d: {  	s25 =	sadd.s32 $0x80, s25;
	v11 =	vmax.f32 v11, v21;
	v14 =	vld [tilespmem:s24+$0x20];
	[tilespmem:v16+s30+$0x0] =	vst.idx.msk $0xffff, v12;
	v12 =	vmul.f32 $2.000000030e-01, v13;
	v21 =	vmul.f32 $2.000000030e-01, v19;
	(pc) =	sbr.rel @p0 .LBB2_4-.Ltmp5, $4  }
0x20e: {  	v23 =	vmov s26;
	v18 =	vmax.f32 v18, v20;
	v16 =	vld [tilespmem:s25+$0x20];
	[tilespmem:v10+s30+$0x0] =	vst.idx.msk $0xffff, v11;
	v11 =	vmax.f32 v15, v17  }
0x20f: {  	s28 =	sadd.s32 $0x1, s26;
	s18 =	sadd.s32 $0x2, s26;
	v10 =	vand.u32 $0x7C, v23;
	v15 =	vld [tilespmem:s24+$0xFFFFFFC0];
	[tilespmem:v22+s30+$0x0] =	vst.idx.msk $0xffff, v11;
	v22 =	vmax.f32 v13, v12;
	v13 =	vmax.f32 v19, v21  }
0x210: {  	v20 =	vmov s28;
	v11 =	vadd.s32 v0, v10;
	v19 =	vmov s18;
	s18 =	sadd.s32 $0x3, s26;
	v17 =	vld [tilespmem:s25+$0xFFFFFFC0];
	[tilespmem:v9+s30+$0x0] =	vst.idx.msk $0xffff, v18  }
0x211: {  	v12 =	vadd.s32 v1, v10;
	s26 =	sadd.s32 $0x4, s26;
	v9 =	vand.u32 $0x7D, v20;
	v20 =	vmov s18;
	v18 =	vld [tilespmem:s24+$0xFFFFFFE0];
	[tilespmem:v24+s30+$0x0] =	vst.idx.msk $0xffff, v22  }
0x212: {  	v21 =	vadd.s32 v0, v9;
	v19 =	vand.u32 $0x7E, v19  }
0x213: {  	v20 =	vand.u32 $0x7F, v20;
	v22 =	vunpack.i.l.bf16.f32 v14;
	v14 =	vunpack.i.u.bf16.f32 v14  }
0x214: {  	v23 =	vld [tilespmem:s25+$0xFFFFFFE0];
	v24 =	vunpack.i.l.bf16.f32 v16;
	v25 =	vadd.s32 v0, v20;
	v16 =	vunpack.i.u.bf16.f32 v16  }
0x215: {  	v26 =	vld [tilespmem:s24+$0x0];
	v37 =	vadd.s32 v0, v19;
	v42 =	vadd.s32 v1, v19;
	v22 =	vadd.f32 v24, v22  }
0x216: {  	v27 =	vld [tilespmem:s25+$0x0];
	v44 =	vadd.s32 v2, v20;
	v14 =	vadd.f32 v16, v14;
	v16 =	vadd.s32 v1, v20  }
0x217: {  	v33 =	vunpack.i.u.bf16.f32 v15;
	v15 =	vunpack.i.l.bf16.f32 v15;
	v29 =	vmul.f32 $2.000000030e-01, v22  }
0x218: {  	v28 =	vunpack.i.u.bf16.f32 v17;
	v17 =	vunpack.i.l.bf16.f32 v17;
	v31 =	vmul.f32 $2.000000030e-01, v14  }
0x219: {  	v30 =	vunpack.i.u.bf16.f32 v18;
	v18 =	vunpack.i.l.bf16.f32 v18;
	v22 =	vmax.f32 v22, v29  }
0x21a: {  	v34 =	vunpack.i.u.bf16.f32 v23;
	v23 =	vunpack.i.l.bf16.f32 v23;
	v14 =	vmax.f32 v14, v31;
	[tilespmem:v25+s30+$0x0] =	vst.idx.msk $0xffff, v22  }
0x21b: {  	v35 =	vunpack.i.l.bf16.f32 v26;
	v36 =	vunpack.i.u.bf16.f32 v27;
	[tilespmem:v16+s30+$0x0] =	vst.idx.msk $0xffff, v14;
	v14 =	vadd.f32 v17, v15  }
0x21c: {  	v27 =	vunpack.i.l.bf16.f32 v27;
	v18 =	vadd.f32 v23, v18;
	v15 =	vadd.f32 v28, v33;
	v17 =	vld [tilespmem:s24+$0x30]  }
0x21d: {  	v23 =	vadd.f32 v34, v30;
	v22 =	vunpack.i.u.bf16.f32 v26;
	v38 =	vld [tilespmem:s25+$0x30];
	v39 =	vmul.f32 $2.000000030e-01, v14  }
0x21e: {  	v25 =	vadd.f32 v27, v35;
	v16 =	vadd.s32 v1, v9;
	v40 =	vmul.f32 $2.000000030e-01, v15  }
0x21f: {  	v22 =	vadd.f32 v36, v22;
	v41 =	vmul.f32 $2.000000030e-01, v18;
	v14 =	vmax.f32 v14, v39  }
0x220: {  	v43 =	vmul.f32 $2.000000030e-01, v23;
	[tilespmem:v11+s30+$0x0] =	vst.idx.msk $0xffff, v14;
	v11 =	vmul.f32 $2.000000030e-01, v25;
	v14 =	vmax.f32 v15, v40  }
0x221: {  	v15 =	vmax.f32 v18, v41;
	v18 =	vmul.f32 $2.000000030e-01, v22;
	[tilespmem:v12+s30+$0x0] =	vst.idx.msk $0xffff, v14;
	v12 =	vunpack.i.l.bf16.f32 v17  }
0x222: {  	v14 =	vunpack.i.l.bf16.f32 v38;
	v17 =	vunpack.i.u.bf16.f32 v17;
	[tilespmem:v21+s30+$0x0] =	vst.idx.msk $0xffff, v15;
	v15 =	vunpack.i.u.bf16.f32 v38;
	v45 =	vld [tilespmem:s24+$0xFFFFFFD0]  }
0x223: {  	v21 =	vmax.f32 v23, v43;
	v23 =	vadd.s32 v2, v9;
	v12 =	vadd.f32 v14, v12;
	v14 =	vld [tilespmem:s25+$0xFFFFFFD0]  }
0x224: {  	v15 =	vadd.f32 v15, v17;
	v17 =	vadd.s32 v3, v20;
	[tilespmem:v16+s30+$0x0] =	vst.idx.msk $0xffff, v21  }
0x225: {  	v11 =	vmax.f32 v25, v11;
	v16 =	vmax.f32 v22, v18;
	v20 =	vld [tilespmem:s24+$0xFFFFFFF0];
	v18 =	vmul.f32 $2.000000030e-01, v12  }
0x226: {  	v9 =	vadd.s32 v3, v9;
	v21 =	vadd.s32 v2, v10;
	[tilespmem:v37+s30+$0x0] =	vst.idx.msk $0xffff, v11;
	v22 =	vld [tilespmem:s25+$0xFFFFFFF0];
	v11 =	vmul.f32 $2.000000030e-01, v15  }
0x227: {  	v10 =	vadd.s32 v3, v10;
	[tilespmem:v42+s30+$0x0] =	vst.idx.msk $0xffff, v16;
	v12 =	vmax.f32 v12, v18  }
0x228: {  	v24 =	vld [tilespmem:s24+$0x10];
	v11 =	vmax.f32 v15, v11;
	v18 =	vunpack.i.l.bf16.f32 v45;
	v15 =	vunpack.i.l.bf16.f32 v14  }
0x229: {  	v46 =	vld [tilespmem:s25+$0x10];
	v16 =	vunpack.i.u.bf16.f32 v45;
	v14 =	vunpack.i.u.bf16.f32 v14;
	v15 =	vadd.f32 v15, v18  }
0x22a: {  	v14 =	vadd.f32 v14, v16;
	v16 =	vadd.s32 v2, v19;
	v18 =	vunpack.i.u.bf16.f32 v20  }
0x22b: {  	v20 =	vunpack.i.l.bf16.f32 v20;
	v47 =	vunpack.i.l.bf16.f32 v22;
	v22 =	vunpack.i.u.bf16.f32 v22  }
0x22c: {  	v19 =	vadd.s32 v3, v19;
	v20 =	vadd.f32 v47, v20;
	v18 =	vadd.f32 v22, v18  }
0x22d: {  	[tilespmem:v8+s30+$0x0] =	vst.idx.msk $0xffff, v13;
	v48 =	vmul.f32 $2.000000030e-01, v15;
	v8 =	vunpack.i.u.bf16.f32 v24;
	v13 =	vunpack.i.l.bf16.f32 v24  }
0x22e: {  	[tilespmem:v44+s30+$0x0] =	vst.idx.msk $0xffff, v12;
	v12 =	vunpack.i.u.bf16.f32 v46;
	v22 =	vunpack.i.l.bf16.f32 v46;
	v49 =	vmul.f32 $2.000000030e-01, v14  }
0x22f: {  	[tilespmem:v17+s30+$0x0] =	vst.idx.msk $0xffff, v11;
	v11 =	vadd.f32 v22, v13;
	v13 =	vmax.f32 v15, v48;
	v15 =	vmul.f32 $2.000000030e-01, v20  }
0x230: {  	v8 =	vadd.f32 v12, v8;
	v12 =	vmul.f32 $2.000000030e-01, v18;
	[tilespmem:v21+s30+$0x0] =	vst.idx.msk $0xffff, v13;
	v13 =	vmax.f32 v14, v49  }
0x231: {  	v14 =	vmul.f32 $2.000000030e-01, v11;
	[tilespmem:v10+s30+$0x0] =	vst.idx.msk $0xffff, v13;
	v10 =	vmax.f32 v20, v15  }
0x232: {  	v12 =	vmax.f32 v18, v12;
	v13 =	vmul.f32 $2.000000030e-01, v8;
	[tilespmem:v23+s30+$0x0] =	vst.idx.msk $0xffff, v10  }
0x233: {  	v10 =	vmax.f32 v11, v14;
	[tilespmem:v9+s30+$0x0] =	vst.idx.msk $0xffff, v12  }
0x234: {  	v8 =	vmax.f32 v8, v13;
	[tilespmem:v16+s30+$0x0] =	vst.idx.msk $0xffff, v10  }
0x235: {  	s25 =	simm.s32 $0x1470;
	[tilespmem:v19+s30+$0x0] =	vst.idx.msk $0xffff, v8  }
0x236: {  	s24 =	simm.s32 $0x5470;
	v11 =	vld [tilespmem:s25+$0xFFFFFFF0]  }
0x237: {  	s26 =	simm.s32 $0x1;
	v12 =	vld [tilespmem:s24+$0xFFFFFFF0]  }
0x238: {  	s18 =	simm.s32 $0x0;
	v9 =	vmov s26;
	v16 =	vld [tilespmem:s25+$0xFFFFFFB0]  }
0x239: {  	s28 =	simm.s32 $0x2;
	s26 =	simm.s32 $0x3;
	v8 =	vmov s18;
	v9 =	vand.u32 $0xFFFFFFFD, v9  }
0x23a: {  	v22 =	vadd.s32 s26, v4;
	v10 =	vand.u32 $0xFFFFFFFC, v8;
	v8 =	vmov s28;
	v18 =	vld [tilespmem:s24+$0xFFFFFFB0]  }
0x23b: {  	v19 =	vadd.s32 v4, v9;
	v15 =	vadd.s32 v4, v10;
	v17 =	vadd.s32 v5, v10  }
0x23c: {  	v13 =	vld [tilespmem:s25+$0xFFFFFF90];
	v20 =	vunpack.i.l.bf16.f32 v11;
	v21 =	vunpack.i.l.bf16.f32 v12;
	v11 =	vunpack.i.u.bf16.f32 v11  }
0x23d: {  	v14 =	vld [tilespmem:s24+$0xFFFFFF90];
	v12 =	vunpack.i.u.bf16.f32 v12;
	v53 =	vunpack.i.u.bf16.f32 v16;
	v20 =	vadd.f32 v21, v20  }
0x23e: {  	v23 =	vld [tilespmem:s25+$0xFFFFFFD0];
	v16 =	vunpack.i.l.bf16.f32 v16;
	v11 =	vadd.f32 v12, v11;
	v12 =	vadd.s32 s26, v5  }
0x23f: {  	v55 =	vunpack.i.u.bf16.f32 v18;
	v18 =	vunpack.i.l.bf16.f32 v18;
	v52 =	vmul.f32 $2.000000030e-01, v20  }
0x240: {  	v8 =	vand.u32 $0xFFFFFFFE, v8;
	v21 =	vld [tilespmem:s24+$0xFFFFFFD0];
	v16 =	vadd.f32 v18, v16;
	v54 =	vmul.f32 $2.000000030e-01, v11  }
0x241: {  	v50 =	vunpack.i.u.bf16.f32 v13;
	v13 =	vunpack.i.l.bf16.f32 v13;
	v20 =	vmax.f32 v20, v52  }
0x242: {  	v58 =	vadd.f32 v55, v53;
	v60 =	vmul.f32 $2.000000030e-01, v16;
	v11 =	vmax.f32 v11, v54;
	[tilespmem:v22+s30+$0x0] =	vst.idx.msk $0xffff, v20  }
0x243: {  	v51 =	vunpack.i.u.bf16.f32 v14;
	v14 =	vunpack.i.l.bf16.f32 v14;
	v56 =	vunpack.i.u.bf16.f32 v23;
	[tilespmem:v12+s30+$0x0] =	vst.idx.msk $0xffff, v11  }
0x244: {  	v61 =	vmul.f32 $2.000000030e-01, v58;
	v16 =	vmax.f32 v16, v60;
	v12 =	vadd.f32 v14, v13;
	v57 =	vld [tilespmem:s25+$0x0]  }
0x245: {  	v20 =	vunpack.i.l.bf16.f32 v23;
	v22 =	vunpack.i.u.bf16.f32 v21;
	v14 =	vadd.f32 v51, v50;
	v18 =	vld [tilespmem:s24+$0x0]  }
0x246: {  	v21 =	vunpack.i.l.bf16.f32 v21;
	v23 =	vadd.s32 v5, v9;
	v59 =	vmul.f32 $2.000000030e-01, v12  }
0x247: {  	v20 =	vadd.f32 v21, v20;
	v22 =	vadd.f32 v22, v56;
	v21 =	vmul.f32 $2.000000030e-01, v14  }
0x248: {  	p0 =	por $0x1, $0x1;
	v11 =	vadd.s32 v4, v8;
	v13 =	vadd.s32 v5, v8;
	v12 =	vmax.f32 v12, v59  }
.Ltmp6:
0x249: {  	v62 =	vmul.f32 $2.000000030e-01, v20;
	v63 =	vmul.f32 $2.000000030e-01, v22;
	v14 =	vmax.f32 v14, v21;
	[tilespmem:v15+s30+$0x0] =	vst.idx.msk $0xffff, v12;
	(pc) =	sbr.rel @!p0 .LBB2_7-.Ltmp6, $4  }
0x24a: {  	v12 =	vadd.s32 s26, v6;
	v15 =	vunpack.i.l.bf16.f32 v57;
	v21 =	vunpack.i.l.bf16.f32 v18;
	[tilespmem:v17+s30+$0x0] =	vst.idx.msk $0xffff, v14  }
0x24b: {  	v14 =	vunpack.i.u.bf16.f32 v57;
	v17 =	vunpack.i.u.bf16.f32 v18;
	v18 =	vadd.f32 v21, v15;
	v15 =	vld [tilespmem:s25+$0xFFFFFFA0]  }
0x24c: {  	[tilespmem:v19+s30+$0x0] =	vst.idx.msk $0xffff, v16;
	v19 =	vmax.f32 v58, v61;
	v17 =	vadd.f32 v17, v14;
	v14 =	vadd.s32 s26, v7;
	v16 =	vld [tilespmem:s24+$0xFFFFFFA0]  }
0x24d: {  	[tilespmem:v23+s30+$0x0] =	vst.idx.msk $0xffff, v19;
	v19 =	vmax.f32 v22, v63;
	s26 =	simm.s32 $0x80;
	v21 =	vmax.f32 v20, v62;
	v20 =	vmul.f32 $2.000000030e-01, v18  }
.LBB2_6:
0x24e: {  	s18 =	sadd.s32 $0xFFFFFF84, s26;
	v22 =	vadd.s32 v6, v10;
	v10 =	vadd.s32 v7, v10;
	v23 =	vld [tilespmem:s25+$0xFFFFFFC0];
	[tilespmem:v11+s30+$0x0] =	vst.idx.msk $0xffff, v21;
	v11 =	vmul.f32 $2.000000030e-01, v17;
	s28 =	smov.u32 s26  }
0x24f: {  	v25 =	vadd.s32 v6, v9;
	v21 =	vmov s18;
	v24 =	vld [tilespmem:s24+$0xFFFFFFC0];
	[tilespmem:v13+s30+$0x0] =	vst.idx.msk $0xffff, v19;
	v13 =	vmax.f32 v18, v20  }
0x250: {  	v18 =	vunpack.i.u.bf16.f32 v15;
	v15 =	vunpack.i.l.bf16.f32 v15;
	v19 =	vld [tilespmem:s25+$0xFFFFFFE0];
	[tilespmem:v12+s30+$0x0] =	vst.idx.msk $0xffff, v13;
	v11 =	vmax.f32 v17, v11  }
0x251: {  	v12 =	vunpack.i.u.bf16.f32 v16;
	v13 =	vunpack.i.l.bf16.f32 v16;
	v16 =	vadd.s32 v7, v9;
	v9 =	vld [tilespmem:s24+$0xFFFFFFE0];
	[tilespmem:v14+s30+$0x0] =	vst.idx.msk $0xffff, v11  }
0x252: {  	v11 =	vadd.f32 v13, v15;
	v12 =	vadd.f32 v12, v18;
	v13 =	vadd.s32 v6, v8  }
0x253: {  	v17 =	vadd.s32 v7, v8;
	v14 =	vunpack.i.u.bf16.f32 v23;
	v15 =	vunpack.i.l.bf16.f32 v23  }
0x254: {  	v8 =	vmul.f32 $2.000000030e-01, v11;
	v18 =	vunpack.i.u.bf16.f32 v24;
	v20 =	vunpack.i.l.bf16.f32 v24  }
0x255: {  	v15 =	vadd.f32 v20, v15;
	v20 =	vunpack.i.u.bf16.f32 v19;
	v19 =	vunpack.i.l.bf16.f32 v19  }
0x256: {  	v14 =	vadd.f32 v18, v14;
	v18 =	vunpack.i.u.bf16.f32 v9;
	v9 =	vunpack.i.l.bf16.f32 v9  }
0x257: {  	s25 =	sadd.s32 $0x80, s25;
	v23 =	vmul.f32 $2.000000030e-01, v12;
	v9 =	vadd.f32 v9, v19;
	v18 =	vadd.f32 v18, v20  }
0x258: {  	s24 =	sadd.s32 $0x80, s24;
	v8 =	vmax.f32 v11, v8;
	v11 =	vmul.f32 $2.000000030e-01, v15;
	v20 =	vmul.f32 $2.000000030e-01, v14;
	v19 =	vld [tilespmem:s25+$0xFFFFFFF0]  }
0x259: {  	s18 =	sadd.s32 $0xFFFFFF85, s26;
	v24 =	vld [tilespmem:s24+$0xFFFFFFF0];
	[tilespmem:v22+s30+$0x0] =	vst.idx.msk $0xffff, v8;
	v8 =	vmax.f32 v12, v23;
	v12 =	vmul.f32 $2.000000030e-01, v9;
	v22 =	vmul.f32 $2.000000030e-01, v18  }
0x25a: {  	v26 =	vmov s18;
	v23 =	vld [tilespmem:s25+$0xFFFFFF90];
	[tilespmem:v10+s30+$0x0] =	vst.idx.msk $0xffff, v8;
	v8 =	vmax.f32 v15, v11;
	v11 =	vmax.f32 v14, v20  }
0x25b: {  	s18 =	sadd.s32 $0xFFFFFF86, s26;
	v10 =	vand.u32 $0xFFFFFFFC, v21;
	v14 =	vld [tilespmem:s24+$0xFFFFFF90];
	[tilespmem:v25+s30+$0x0] =	vst.idx.msk $0xffff, v8;
	v12 =	vmax.f32 v9, v12;
	v15 =	vmax.f32 v18, v22  }
0x25c: {  	s26 =	sadd.s32 $0x4, s26;
	v18 =	vadd.s32 v4, v10;
	v9 =	vand.u32 $0xFFFFFFFD, v26;
	v8 =	vmov s18;
	v20 =	vld [tilespmem:s25+$0xFFFFFFB0];
	[tilespmem:v16+s30+$0x0] =	vst.idx.msk $0xffff, v11  }
0x25d: {  	s28 =	sadd.s32 $0xFFFFFF87, s28;
	p0 =	slt.u32 s26, $0xFC;
	v16 =	vadd.s32 v5, v10;
	v21 =	vadd.s32 v4, v9;
	v8 =	vand.u32 $0xFFFFFFFE, v8;
	v11 =	vld [tilespmem:s24+$0xFFFFFFB0];
	[tilespmem:v13+s30+$0x0] =	vst.idx.msk $0xffff, v12  }
0x25e: {  	v25 =	vadd.s32 s28, v4;
	v13 =	vunpack.i.l.bf16.f32 v19;
	v12 =	vld [tilespmem:s25+$0xFFFFFFD0];
	v22 =	vunpack.i.l.bf16.f32 v24;
	[tilespmem:v17+s30+$0x0] =	vst.idx.msk $0xffff, v15  }
0x25f: {  	v17 =	vunpack.i.u.bf16.f32 v19;
	v19 =	vunpack.i.u.bf16.f32 v24;
	v15 =	vld [tilespmem:s24+$0xFFFFFFD0];
	v13 =	vadd.f32 v22, v13  }
0x260: {  	v22 =	vunpack.i.u.bf16.f32 v23;
	v17 =	vadd.f32 v19, v17;
	v19 =	vadd.s32 s28, v5  }
0x261: {  	v23 =	vunpack.i.l.bf16.f32 v23;
	v24 =	vunpack.i.u.bf16.f32 v14;
	v26 =	vmul.f32 $2.000000030e-01, v13  }
0x262: {  	v14 =	vunpack.i.l.bf16.f32 v14;
	v27 =	vunpack.i.u.bf16.f32 v20;
	v28 =	vmul.f32 $2.000000030e-01, v17  }
0x263: {  	v20 =	vunpack.i.l.bf16.f32 v20;
	v29 =	vunpack.i.u.bf16.f32 v11;
	v13 =	vmax.f32 v13, v26  }
0x264: {  	v11 =	vunpack.i.l.bf16.f32 v11;
	v26 =	vunpack.i.u.bf16.f32 v12;
	[tilespmem:v25+s30+$0x0] =	vst.idx.msk $0xffff, v13;
	v13 =	vmax.f32 v17, v28  }
0x265: {  	v12 =	vunpack.i.l.bf16.f32 v12;
	v17 =	vunpack.i.u.bf16.f32 v15;
	v15 =	vunpack.i.l.bf16.f32 v15;
	[tilespmem:v19+s30+$0x0] =	vst.idx.msk $0xffff, v13  }
0x266: {  	v14 =	vadd.f32 v14, v23;
	v19 =	vadd.f32 v24, v22;
	v22 =	vadd.s32 v5, v9;
	v23 =	vld [tilespmem:s25+$0x0]  }
0x267: {  	v20 =	vadd.f32 v11, v20;
	v11 =	vadd.s32 v4, v8;
	v24 =	vadd.f32 v29, v27;
	v25 =	vld [tilespmem:s24+$0x0]  }
0x268: {  	v27 =	vmul.f32 $2.000000030e-01, v14;
	v28 =	vadd.f32 v15, v12;
	v26 =	vadd.f32 v17, v26  }
0x269: {  	v15 =	vmul.f32 $2.000000030e-01, v20;
	v13 =	vadd.s32 v5, v8;
	v12 =	vmul.f32 $2.000000030e-01, v19  }
0x26a: {  	v14 =	vmax.f32 v14, v27;
	v17 =	vmul.f32 $2.000000030e-01, v24;
	v27 =	vmul.f32 $2.000000030e-01, v28  }
.Ltmp7:
0x26b: {  	v12 =	vmax.f32 v19, v12;
	v19 =	vmul.f32 $2.000000030e-01, v26;
	[tilespmem:v18+s30+$0x0] =	vst.idx.msk $0xffff, v14;
	v14 =	vmax.f32 v20, v15;
	(pc) =	sbr.rel @p0 .LBB2_6-.Ltmp7, $4  }
0x26c: {  	[tilespmem:v16+s30+$0x0] =	vst.idx.msk $0xffff, v12;
	v16 =	vunpack.i.l.bf16.f32 v23;
	v18 =	vunpack.i.l.bf16.f32 v25;
	v12 =	vadd.s32 s28, v6  }
0x26d: {  	v20 =	vunpack.i.u.bf16.f32 v25;
	v15 =	vld [tilespmem:s25+$0xFFFFFFA0];
	[tilespmem:v21+s30+$0x0] =	vst.idx.msk $0xffff, v14;
	v14 =	vunpack.i.u.bf16.f32 v23;
	v18 =	vadd.f32 v18, v16  }
0x26e: {  	v21 =	vmax.f32 v24, v17;
	v16 =	vld [tilespmem:s24+$0xFFFFFFA0];
	v17 =	vadd.f32 v20, v14;
	v14 =	vadd.s32 s28, v7  }
0x26f: {  	v19 =	vmax.f32 v26, v19;
	[tilespmem:v22+s30+$0x0] =	vst.idx.msk $0xffff, v21;
	v21 =	vmax.f32 v28, v27;
	v20 =	vmul.f32 $2.000000030e-01, v18  }
.LBB2_7:
0x270: {  	_ =	sdelay $0x2  }
0x271: {  	v22 =	vld [tilespmem:s25+$0xFFFFFFC0];
	v23 =	vadd.s32 v6, v10  }
0x272: {  	v36 =	vadd.s32 v7, v10;
	[tilespmem:v11+s30+$0x0] =	vst.idx.msk $0xffff, v21;
	v38 =	vld [tilespmem:s24+$0xFFFFFFC0];
	v24 =	vadd.s32 v6, v9  }
0x273: {  	v37 =	vmul.f32 $2.000000030e-01, v17;
	v44 =	vadd.s32 v7, v9;
	v46 =	vadd.s32 v6, v8;
	[tilespmem:v13+s30+$0x0] =	vst.idx.msk $0xffff, v19  }
0x274: {  	v8 =	vadd.s32 v7, v8;
	v39 =	vmax.f32 v18, v20;
	v40 =	vunpack.i.u.bf16.f32 v15;
	v19 =	vld [tilespmem:s25+$0xFFFFFFE0]  }
0x275: {  	v41 =	vunpack.i.l.bf16.f32 v15;
	v45 =	vld [tilespmem:s24+$0xFFFFFFE0];
	v42 =	vunpack.i.l.bf16.f32 v16;
	v43 =	vunpack.i.u.bf16.f32 v16  }
0x276: {  	v11 =	vmax.f32 v17, v37;
	v15 =	vadd.f32 v42, v41;
	v16 =	vadd.f32 v43, v40  }
0x277: {  	v47 =	vunpack.i.u.bf16.f32 v22;
	v22 =	vunpack.i.l.bf16.f32 v22;
	v25 =	vunpack.i.l.bf16.f32 v38  }
0x278: {  	v21 =	vunpack.i.u.bf16.f32 v38;
	v22 =	vadd.f32 v25, v22;
	v48 =	vmul.f32 $2.000000030e-01, v15  }
0x279: {  	v18 =	vadd.f32 v21, v47;
	v52 =	vmul.f32 $2.000000030e-01, v16;
	v49 =	vunpack.i.u.bf16.f32 v19  }
0x27a: {  	[tilespmem:v12+s30+$0x0] =	vst.idx.msk $0xffff, v39;
	v19 =	vunpack.i.l.bf16.f32 v19;
	v50 =	vunpack.i.u.bf16.f32 v45;
	v51 =	vunpack.i.l.bf16.f32 v45  }
0x27b: {  	[tilespmem:v14+s30+$0x0] =	vst.idx.msk $0xffff, v11;
	v53 =	vadd.f32 v51, v19;
	v54 =	vmax.f32 v15, v48;
	v55 =	vmul.f32 $2.000000030e-01, v22  }
0x27c: {  	v12 =	vadd.f32 v50, v49;
	v56 =	vmul.f32 $2.000000030e-01, v18;
	v57 =	vmax.f32 v16, v52;
	[tilespmem:v23+s30+$0x0] =	vst.idx.msk $0xffff, v54  }
0x27d: {  	v58 =	vmul.f32 $2.000000030e-01, v53;
	[tilespmem:v36+s30+$0x0] =	vst.idx.msk $0xffff, v57;
	v59 =	vmax.f32 v22, v55  }
0x27e: {  	s18 =	sshll.u32 s20, $0x11;
	v60 =	vmul.f32 $2.000000030e-01, v12;
	v61 =	vmax.f32 v18, v56;
	[tilespmem:v24+s30+$0x0] =	vst.idx.msk $0xffff, v59  }
0x27f: {  	s18 =	sor.u32 s16, s18;
	v62 =	vmax.f32 v53, v58;
	[tilespmem:v44+s30+$0x0] =	vst.idx.msk $0xffff, v61  }
0x280: {  	s18 =	sshrl.u32 s18, $0x3;
	v63 =	vmax.f32 v12, v60;
	[tilespmem:v46+s30+$0x0] =	vst.idx.msk $0xffff, v62  }
0x281: {  	s24 =	sadd.s32 s1, s18;
	[tilespmem:v8+s30+$0x0] =	vst.idx.msk $0xffff, v63  }
0x282: {  	[hbm4b:s24+s2] =	stream.linear.scatter [tilespmem:s30], [sflag:$0x5], $0x80, $0x38;
	[tilespmem:$0x15000] =	vst v63  }
0x283: {  	s28 =	simm.s32 $0x8488;
	s18 =	sadd.s32 $0x10, s24  }
0x284: {  	[hbm4b:s18+s2] =	stream.linear.scatter [tilespmem:s28], [sflag:$0x5], $0x80, $0x38;
	[tilespmem:$0x15000] =	vst v63  }
0x285: {  	s26 =	sadd.s32 $0x20, s24;
	s28 =	simm.s32 $0x8510  }
0x286: {  	[hbm4b:s26+s2] =	stream.linear.scatter [tilespmem:s28], [sflag:$0x5], $0x80, $0x38;
	[tilespmem:$0x15000] =	vst v63  }
0x287: {  	s26 =	sadd.s32 $0x30, s24;
	s28 =	simm.s32 $0x8598  }
0x288: {  	[hbm4b:s26+s2] =	stream.linear.scatter [tilespmem:s28], [sflag:$0x5], $0x80, $0x38;
	[tilespmem:$0x15000] =	vst v63  }
0x289: {  	s26 =	sadd.s32 $0x40, s24;
	s28 =	simm.s32 $0x8620  }
0x28a: {  	[hbm4b:s26+s2] =	stream.linear.scatter [tilespmem:s28], [sflag:$0x5], $0x80, $0x38;
	[tilespmem:$0x15000] =	vst v63  }
0x28b: {  	s26 =	sadd.s32 $0x50, s24;
	s28 =	simm.s32 $0x86A8  }
0x28c: {  	[hbm4b:s26+s2] =	stream.linear.scatter [tilespmem:s28], [sflag:$0x5], $0x80, $0x38;
	[tilespmem:$0x15000] =	vst v63  }
0x28d: {  	s26 =	sadd.s32 $0x60, s24;
	s28 =	simm.s32 $0x8730  }
0x28e: {  	[hbm4b:s26+s2] =	stream.linear.scatter [tilespmem:s28], [sflag:$0x5], $0x80, $0x38;
	[tilespmem:$0x15000] =	vst v63  }
0x28f: {  	s26 =	sadd.s32 $0x70, s24;
	s28 =	simm.s32 $0x87B8  }
0x290: {  	[hbm4b:s26+s2] =	stream.linear.scatter [tilespmem:s28], [sflag:$0x5], $0x80, $0x38;
	[tilespmem:$0x15000] =	vst v63  }
0x291: {  	s26 =	sadd.s32 $0x80, s24;
	s28 =	simm.s32 $0x8840  }
0x292: {  	[hbm4b:s26+s2] =	stream.linear.scatter [tilespmem:s28], [sflag:$0x5], $0x80, $0x38;
	[tilespmem:$0x15000] =	vst v63  }
0x293: {  	s26 =	sadd.s32 $0x90, s24;
	s28 =	simm.s32 $0x88C8  }
0x294: {  	[hbm4b:s26+s2] =	stream.linear.scatter [tilespmem:s28], [sflag:$0x5], $0x80, $0x38;
	[tilespmem:$0x15000] =	vst v63  }
0x295: {  	s26 =	sadd.s32 $0xA0, s24;
	s28 =	simm.s32 $0x8950  }
0x296: {  	[hbm4b:s26+s2] =	stream.linear.scatter [tilespmem:s28], [sflag:$0x5], $0x80, $0x38;
	[tilespmem:$0x15000] =	vst v63  }
0x297: {  	s26 =	sadd.s32 $0xB0, s24;
	s28 =	simm.s32 $0x89D8  }
0x298: {  	[hbm4b:s26+s2] =	stream.linear.scatter [tilespmem:s28], [sflag:$0x5], $0x80, $0x38;
	[tilespmem:$0x15000] =	vst v63  }
0x299: {  	s26 =	sadd.s32 $0xC0, s24;
	s28 =	simm.s32 $0x8A60  }
0x29a: {  	[hbm4b:s26+s2] =	stream.linear.scatter [tilespmem:s28], [sflag:$0x5], $0x80, $0x38;
	[tilespmem:$0x15000] =	vst v63  }
0x29b: {  	s26 =	sadd.s32 $0xD0, s24;
	s28 =	simm.s32 $0x8AE8  }
0x29c: {  	[hbm4b:s26+s2] =	stream.linear.scatter [tilespmem:s28], [sflag:$0x5], $0x80, $0x38;
	[tilespmem:$0x15000] =	vst v63  }
0x29d: {  	s26 =	sadd.s32 $0xE0, s24;
	s28 =	simm.s32 $0x8B70  }
0x29e: {  	[hbm4b:s26+s2] =	stream.linear.scatter [tilespmem:s28], [sflag:$0x5], $0x80, $0x38;
	[tilespmem:$0x15000] =	vst v63  }
0x29f: {  	s26 =	sadd.s32 $0xF0, s24;
	s28 =	simm.s32 $0x8BF8  }
0x2a0: {  	[hbm4b:s26+s2] =	stream.linear.scatter [tilespmem:s28], [sflag:$0x5], $0x80, $0x38;
	[tilespmem:$0x15000] =	vst v63  }
0x2a1: {  	s18 =	sadd.s32 $0x4E200, s24;
	s26 =	simm.s32 $0x90C0  }
0x2a2: {  	[hbm4b:s18+s2] =	stream.linear.scatter [tilespmem:s26], [sflag:$0x5], $0x80, $0x38;
	[tilespmem:$0x15000] =	vst v63  }
0x2a3: {  	s28 =	sadd.s32 $0x10, s18;
	s26 =	simm.s32 $0x9148  }
0x2a4: {  	[hbm4b:s28+s2] =	stream.linear.scatter [tilespmem:s26], [sflag:$0x5], $0x80, $0x38;
	[tilespmem:$0x15000] =	vst v63  }
0x2a5: {  	s26 =	sadd.s32 $0x20, s18;
	s28 =	simm.s32 $0x91D0  }
0x2a6: {  	[hbm4b:s26+s2] =	stream.linear.scatter [tilespmem:s28], [sflag:$0x5], $0x80, $0x38;
	[tilespmem:$0x15000] =	vst v63  }
0x2a7: {  	s26 =	sadd.s32 $0x30, s18;
	s28 =	simm.s32 $0x9258  }
0x2a8: {  	[hbm4b:s26+s2] =	stream.linear.scatter [tilespmem:s28], [sflag:$0x5], $0x80, $0x38;
	[tilespmem:$0x15000] =	vst v63  }
0x2a9: {  	s26 =	sadd.s32 $0x40, s18;
	s28 =	simm.s32 $0x92E0  }
0x2aa: {  	[hbm4b:s26+s2] =	stream.linear.scatter [tilespmem:s28], [sflag:$0x5], $0x80, $0x38;
	[tilespmem:$0x15000] =	vst v63  }
0x2ab: {  	s26 =	sadd.s32 $0x50, s18;
	s28 =	simm.s32 $0x9368  }
0x2ac: {  	[hbm4b:s26+s2] =	stream.linear.scatter [tilespmem:s28], [sflag:$0x5], $0x80, $0x38;
	[tilespmem:$0x15000] =	vst v63  }
0x2ad: {  	s26 =	sadd.s32 $0x60, s18;
	s28 =	simm.s32 $0x93F0  }
0x2ae: {  	[hbm4b:s26+s2] =	stream.linear.scatter [tilespmem:s28], [sflag:$0x5], $0x80, $0x38;
	[tilespmem:$0x15000] =	vst v63  }
0x2af: {  	s26 =	sadd.s32 $0x70, s18;
	s28 =	simm.s32 $0x9478  }
0x2b0: {  	[hbm4b:s26+s2] =	stream.linear.scatter [tilespmem:s28], [sflag:$0x5], $0x80, $0x38;
	[tilespmem:$0x15000] =	vst v63  }
0x2b1: {  	s26 =	sadd.s32 $0x80, s18;
	s28 =	simm.s32 $0x9500  }
0x2b2: {  	[hbm4b:s26+s2] =	stream.linear.scatter [tilespmem:s28], [sflag:$0x5], $0x80, $0x38;
	[tilespmem:$0x15000] =	vst v63  }
0x2b3: {  	s26 =	sadd.s32 $0x90, s18;
	s28 =	simm.s32 $0x9588  }
0x2b4: {  	[hbm4b:s26+s2] =	stream.linear.scatter [tilespmem:s28], [sflag:$0x5], $0x80, $0x38;
	[tilespmem:$0x15000] =	vst v63  }
0x2b5: {  	s26 =	sadd.s32 $0xA0, s18;
	s28 =	simm.s32 $0x9610  }
0x2b6: {  	[hbm4b:s26+s2] =	stream.linear.scatter [tilespmem:s28], [sflag:$0x5], $0x80, $0x38;
	[tilespmem:$0x15000] =	vst v63  }
0x2b7: {  	s26 =	sadd.s32 $0xB0, s18;
	s28 =	simm.s32 $0x9698  }
0x2b8: {  	[hbm4b:s26+s2] =	stream.linear.scatter [tilespmem:s28], [sflag:$0x5], $0x80, $0x38;
	[tilespmem:$0x15000] =	vst v63  }
0x2b9: {  	s26 =	sadd.s32 $0xC0, s18;
	s28 =	simm.s32 $0x9720  }
0x2ba: {  	[hbm4b:s26+s2] =	stream.linear.scatter [tilespmem:s28], [sflag:$0x5], $0x80, $0x38;
	[tilespmem:$0x15000] =	vst v63  }
0x2bb: {  	s26 =	sadd.s32 $0xD0, s18;
	s28 =	simm.s32 $0x97A8  }
0x2bc: {  	[hbm4b:s26+s2] =	stream.linear.scatter [tilespmem:s28], [sflag:$0x5], $0x80, $0x38;
	[tilespmem:$0x15000] =	vst v63  }
0x2bd: {  	s26 =	sadd.s32 $0xE0, s18;
	s28 =	simm.s32 $0x9830  }
0x2be: {  	[hbm4b:s26+s2] =	stream.linear.scatter [tilespmem:s28], [sflag:$0x5], $0x80, $0x38;
	[tilespmem:$0x15000] =	vst v63  }
0x2bf: {  	s18 =	sadd.s32 $0xF0, s18;
	s26 =	simm.s32 $0x98B8  }
0x2c0: {  	[hbm4b:s18+s2] =	stream.linear.scatter [tilespmem:s26], [sflag:$0x5], $0x80, $0x38;
	[tilespmem:$0x15000] =	vst v63  }
0x2c1: {  	s28 =	simm.s32 $0x9D80;
	s18 =	sadd.s32 $0x9C400, s24  }
0x2c2: {  	[hbm4b:s18+s2] =	stream.linear.scatter [tilespmem:s28], [sflag:$0x5], $0x80, $0x38;
	[tilespmem:$0x15000] =	vst v63  }
0x2c3: {  	s26 =	sadd.s32 $0x10, s18;
	s28 =	simm.s32 $0x9E08  }
0x2c4: {  	[hbm4b:s26+s2] =	stream.linear.scatter [tilespmem:s28], [sflag:$0x5], $0x80, $0x38;
	[tilespmem:$0x15000] =	vst v63  }
0x2c5: {  	s26 =	sadd.s32 $0x20, s18;
	s28 =	simm.s32 $0x9E90  }
0x2c6: {  	[hbm4b:s26+s2] =	stream.linear.scatter [tilespmem:s28], [sflag:$0x5], $0x80, $0x38;
	[tilespmem:$0x15000] =	vst v63  }
0x2c7: {  	s26 =	sadd.s32 $0x30, s18;
	s28 =	simm.s32 $0x9F18  }
0x2c8: {  	[hbm4b:s26+s2] =	stream.linear.scatter [tilespmem:s28], [sflag:$0x5], $0x80, $0x38;
	[tilespmem:$0x15000] =	vst v63  }
0x2c9: {  	s26 =	sadd.s32 $0x40, s18;
	s28 =	simm.s32 $0x9FA0  }
0x2ca: {  	[hbm4b:s26+s2] =	stream.linear.scatter [tilespmem:s28], [sflag:$0x5], $0x80, $0x38;
	[tilespmem:$0x15000] =	vst v63  }
0x2cb: {  	s26 =	sadd.s32 $0x50, s18;
	s28 =	simm.s32 $0xA028  }
0x2cc: {  	[hbm4b:s26+s2] =	stream.linear.scatter [tilespmem:s28], [sflag:$0x5], $0x80, $0x38;
	[tilespmem:$0x15000] =	vst v63  }
0x2cd: {  	s26 =	sadd.s32 $0x60, s18;
	s28 =	simm.s32 $0xA0B0  }
0x2ce: {  	[hbm4b:s26+s2] =	stream.linear.scatter [tilespmem:s28], [sflag:$0x5], $0x80, $0x38;
	[tilespmem:$0x15000] =	vst v63  }
0x2cf: {  	s26 =	sadd.s32 $0x70, s18;
	s28 =	simm.s32 $0xA138  }
0x2d0: {  	[hbm4b:s26+s2] =	stream.linear.scatter [tilespmem:s28], [sflag:$0x5], $0x80, $0x38;
	[tilespmem:$0x15000] =	vst v63  }
0x2d1: {  	s26 =	sadd.s32 $0x80, s18;
	s28 =	simm.s32 $0xA1C0  }
0x2d2: {  	[hbm4b:s26+s2] =	stream.linear.scatter [tilespmem:s28], [sflag:$0x5], $0x80, $0x38;
	[tilespmem:$0x15000] =	vst v63  }
0x2d3: {  	s26 =	sadd.s32 $0x90, s18;
	s28 =	simm.s32 $0xA248  }
0x2d4: {  	[hbm4b:s26+s2] =	stream.linear.scatter [tilespmem:s28], [sflag:$0x5], $0x80, $0x38;
	[tilespmem:$0x15000] =	vst v63  }
0x2d5: {  	s26 =	sadd.s32 $0xA0, s18;
	s28 =	simm.s32 $0xA2D0  }
0x2d6: {  	[hbm4b:s26+s2] =	stream.linear.scatter [tilespmem:s28], [sflag:$0x5], $0x80, $0x38;
	[tilespmem:$0x15000] =	vst v63  }
0x2d7: {  	s26 =	sadd.s32 $0xB0, s18;
	s28 =	simm.s32 $0xA358  }
0x2d8: {  	[hbm4b:s26+s2] =	stream.linear.scatter [tilespmem:s28], [sflag:$0x5], $0x80, $0x38;
	[tilespmem:$0x15000] =	vst v63  }
0x2d9: {  	s26 =	sadd.s32 $0xC0, s18;
	s28 =	simm.s32 $0xA3E0  }
0x2da: {  	[hbm4b:s26+s2] =	stream.linear.scatter [tilespmem:s28], [sflag:$0x5], $0x80, $0x38;
	[tilespmem:$0x15000] =	vst v63  }
0x2db: {  	s26 =	sadd.s32 $0xD0, s18;
	s28 =	simm.s32 $0xA468  }
0x2dc: {  	[hbm4b:s26+s2] =	stream.linear.scatter [tilespmem:s28], [sflag:$0x5], $0x80, $0x38;
	[tilespmem:$0x15000] =	vst v63  }
0x2dd: {  	s26 =	sadd.s32 $0xE0, s18;
	s28 =	simm.s32 $0xA4F0  }
0x2de: {  	[hbm4b:s26+s2] =	stream.linear.scatter [tilespmem:s28], [sflag:$0x5], $0x80, $0x38;
	[tilespmem:$0x15000] =	vst v63  }
0x2df: {  	s18 =	sadd.s32 $0xF0, s18;
	s26 =	simm.s32 $0xA578  }
0x2e0: {  	[hbm4b:s18+s2] =	stream.linear.scatter [tilespmem:s26], [sflag:$0x5], $0x80, $0x38;
	[tilespmem:$0x15000] =	vst v63  }
0x2e1: {  	s28 =	simm.s32 $0xAA40;
	s18 =	sadd.s32 $0xEA600, s24  }
0x2e2: {  	[hbm4b:s18+s2] =	stream.linear.scatter [tilespmem:s28], [sflag:$0x5], $0x80, $0x38;
	[tilespmem:$0x15000] =	vst v63  }
0x2e3: {  	s26 =	sadd.s32 $0x10, s18;
	s28 =	simm.s32 $0xAAC8  }
0x2e4: {  	[hbm4b:s26+s2] =	stream.linear.scatter [tilespmem:s28], [sflag:$0x5], $0x80, $0x38;
	[tilespmem:$0x15000] =	vst v63  }
0x2e5: {  	s26 =	sadd.s32 $0x20, s18;
	s28 =	simm.s32 $0xAB50  }
0x2e6: {  	[hbm4b:s26+s2] =	stream.linear.scatter [tilespmem:s28], [sflag:$0x5], $0x80, $0x38;
	[tilespmem:$0x15000] =	vst v63  }
0x2e7: {  	s26 =	sadd.s32 $0x30, s18;
	s28 =	simm.s32 $0xABD8  }
0x2e8: {  	[hbm4b:s26+s2] =	stream.linear.scatter [tilespmem:s28], [sflag:$0x5], $0x80, $0x38;
	[tilespmem:$0x15000] =	vst v63  }
0x2e9: {  	s26 =	sadd.s32 $0x40, s18;
	s28 =	simm.s32 $0xAC60  }
0x2ea: {  	[hbm4b:s26+s2] =	stream.linear.scatter [tilespmem:s28], [sflag:$0x5], $0x80, $0x38;
	[tilespmem:$0x15000] =	vst v63  }
0x2eb: {  	s26 =	sadd.s32 $0x50, s18;
	s28 =	simm.s32 $0xACE8  }
0x2ec: {  	[hbm4b:s26+s2] =	stream.linear.scatter [tilespmem:s28], [sflag:$0x5], $0x80, $0x38;
	[tilespmem:$0x15000] =	vst v63  }
0x2ed: {  	s26 =	sadd.s32 $0x60, s18;
	s28 =	simm.s32 $0xAD70  }
0x2ee: {  	[hbm4b:s26+s2] =	stream.linear.scatter [tilespmem:s28], [sflag:$0x5], $0x80, $0x38;
	[tilespmem:$0x15000] =	vst v63  }
0x2ef: {  	s26 =	sadd.s32 $0x70, s18;
	s28 =	simm.s32 $0xADF8  }
0x2f0: {  	[hbm4b:s26+s2] =	stream.linear.scatter [tilespmem:s28], [sflag:$0x5], $0x80, $0x38;
	[tilespmem:$0x15000] =	vst v63  }
0x2f1: {  	s26 =	sadd.s32 $0x80, s18;
	s28 =	simm.s32 $0xAE80  }
0x2f2: {  	[hbm4b:s26+s2] =	stream.linear.scatter [tilespmem:s28], [sflag:$0x5], $0x80, $0x38;
	[tilespmem:$0x15000] =	vst v63  }
0x2f3: {  	s26 =	sadd.s32 $0x90, s18;
	s28 =	simm.s32 $0xAF08  }
0x2f4: {  	[hbm4b:s26+s2] =	stream.linear.scatter [tilespmem:s28], [sflag:$0x5], $0x80, $0x38;
	[tilespmem:$0x15000] =	vst v63  }
0x2f5: {  	s26 =	sadd.s32 $0xA0, s18;
	s28 =	simm.s32 $0xAF90  }
0x2f6: {  	[hbm4b:s26+s2] =	stream.linear.scatter [tilespmem:s28], [sflag:$0x5], $0x80, $0x38;
	[tilespmem:$0x15000] =	vst v63  }
0x2f7: {  	s26 =	sadd.s32 $0xB0, s18;
	s28 =	simm.s32 $0xB018  }
0x2f8: {  	[hbm4b:s26+s2] =	stream.linear.scatter [tilespmem:s28], [sflag:$0x5], $0x80, $0x38;
	[tilespmem:$0x15000] =	vst v63  }
0x2f9: {  	s26 =	sadd.s32 $0xC0, s18;
	s28 =	simm.s32 $0xB0A0  }
0x2fa: {  	[hbm4b:s26+s2] =	stream.linear.scatter [tilespmem:s28], [sflag:$0x5], $0x80, $0x38;
	[tilespmem:$0x15000] =	vst v63  }
0x2fb: {  	s26 =	sadd.s32 $0xD0, s18;
	s28 =	simm.s32 $0xB128  }
0x2fc: {  	[hbm4b:s26+s2] =	stream.linear.scatter [tilespmem:s28], [sflag:$0x5], $0x80, $0x38;
	[tilespmem:$0x15000] =	vst v63  }
0x2fd: {  	s26 =	sadd.s32 $0xE0, s18;
	s28 =	simm.s32 $0xB1B0  }
0x2fe: {  	[hbm4b:s26+s2] =	stream.linear.scatter [tilespmem:s28], [sflag:$0x5], $0x80, $0x38;
	[tilespmem:$0x15000] =	vst v63  }
0x2ff: {  	s18 =	sadd.s32 $0xF0, s18;
	s26 =	simm.s32 $0xB238  }
0x300: {  	[hbm4b:s18+s2] =	stream.linear.scatter [tilespmem:s26], [sflag:$0x5], $0x80, $0x38;
	[tilespmem:$0x15000] =	vst v63  }
0x301: {  	s28 =	simm.s32 $0xB700;
	s18 =	sadd.s32 $0x138800, s24  }
0x302: {  	[hbm4b:s18+s2] =	stream.linear.scatter [tilespmem:s28], [sflag:$0x5], $0x80, $0x38;
	[tilespmem:$0x15000] =	vst v63  }
0x303: {  	s26 =	sadd.s32 $0x10, s18;
	s28 =	simm.s32 $0xB788  }
0x304: {  	[hbm4b:s26+s2] =	stream.linear.scatter [tilespmem:s28], [sflag:$0x5], $0x80, $0x38;
	[tilespmem:$0x15000] =	vst v63  }
0x305: {  	s26 =	sadd.s32 $0x20, s18;
	s28 =	simm.s32 $0xB810  }
0x306: {  	[hbm4b:s26+s2] =	stream.linear.scatter [tilespmem:s28], [sflag:$0x5], $0x80, $0x38;
	[tilespmem:$0x15000] =	vst v63  }
0x307: {  	s26 =	sadd.s32 $0x30, s18;
	s28 =	simm.s32 $0xB898  }
0x308: {  	[hbm4b:s26+s2] =	stream.linear.scatter [tilespmem:s28], [sflag:$0x5], $0x80, $0x38;
	[tilespmem:$0x15000] =	vst v63  }
0x309: {  	s26 =	sadd.s32 $0x40, s18;
	s28 =	simm.s32 $0xB920  }
0x30a: {  	[hbm4b:s26+s2] =	stream.linear.scatter [tilespmem:s28], [sflag:$0x5], $0x80, $0x38;
	[tilespmem:$0x15000] =	vst v63  }
0x30b: {  	s26 =	sadd.s32 $0x50, s18;
	s28 =	simm.s32 $0xB9A8  }
0x30c: {  	[hbm4b:s26+s2] =	stream.linear.scatter [tilespmem:s28], [sflag:$0x5], $0x80, $0x38;
	[tilespmem:$0x15000] =	vst v63  }
0x30d: {  	s26 =	sadd.s32 $0x60, s18;
	s28 =	simm.s32 $0xBA30  }
0x30e: {  	[hbm4b:s26+s2] =	stream.linear.scatter [tilespmem:s28], [sflag:$0x5], $0x80, $0x38;
	[tilespmem:$0x15000] =	vst v63  }
0x30f: {  	s26 =	sadd.s32 $0x70, s18;
	s28 =	simm.s32 $0xBAB8  }
0x310: {  	[hbm4b:s26+s2] =	stream.linear.scatter [tilespmem:s28], [sflag:$0x5], $0x80, $0x38;
	[tilespmem:$0x15000] =	vst v63  }
0x311: {  	s26 =	sadd.s32 $0x80, s18;
	s28 =	simm.s32 $0xBB40  }
0x312: {  	[hbm4b:s26+s2] =	stream.linear.scatter [tilespmem:s28], [sflag:$0x5], $0x80, $0x38;
	[tilespmem:$0x15000] =	vst v63  }
0x313: {  	s26 =	sadd.s32 $0x90, s18;
	s28 =	simm.s32 $0xBBC8  }
0x314: {  	[hbm4b:s26+s2] =	stream.linear.scatter [tilespmem:s28], [sflag:$0x5], $0x80, $0x38;
	[tilespmem:$0x15000] =	vst v63  }
0x315: {  	s26 =	sadd.s32 $0xA0, s18;
	s28 =	simm.s32 $0xBC50  }
0x316: {  	[hbm4b:s26+s2] =	stream.linear.scatter [tilespmem:s28], [sflag:$0x5], $0x80, $0x38;
	[tilespmem:$0x15000] =	vst v63  }
0x317: {  	s26 =	sadd.s32 $0xB0, s18;
	s28 =	simm.s32 $0xBCD8  }
0x318: {  	[hbm4b:s26+s2] =	stream.linear.scatter [tilespmem:s28], [sflag:$0x5], $0x80, $0x38;
	[tilespmem:$0x15000] =	vst v63  }
0x319: {  	s26 =	sadd.s32 $0xC0, s18;
	s28 =	simm.s32 $0xBD60  }
0x31a: {  	[hbm4b:s26+s2] =	stream.linear.scatter [tilespmem:s28], [sflag:$0x5], $0x80, $0x38;
	[tilespmem:$0x15000] =	vst v63  }
0x31b: {  	s26 =	sadd.s32 $0xD0, s18;
	s28 =	simm.s32 $0xBDE8  }
0x31c: {  	[hbm4b:s26+s2] =	stream.linear.scatter [tilespmem:s28], [sflag:$0x5], $0x80, $0x38;
	[tilespmem:$0x15000] =	vst v63  }
0x31d: {  	s26 =	sadd.s32 $0xE0, s18;
	s28 =	simm.s32 $0xBE70  }
0x31e: {  	[hbm4b:s26+s2] =	stream.linear.scatter [tilespmem:s28], [sflag:$0x5], $0x80, $0x38;
	[tilespmem:$0x15000] =	vst v63  }
0x31f: {  	s18 =	sadd.s32 $0xF0, s18;
	s26 =	simm.s32 $0xBEF8  }
0x320: {  	[hbm4b:s18+s2] =	stream.linear.scatter [tilespmem:s26], [sflag:$0x5], $0x80, $0x38;
	[tilespmem:$0x15000] =	vst v63  }
0x321: {  	s28 =	simm.s32 $0xC3C0;
	s18 =	sadd.s32 $0x186A00, s24  }
0x322: {  	[hbm4b:s18+s2] =	stream.linear.scatter [tilespmem:s28], [sflag:$0x5], $0x80, $0x38;
	[tilespmem:$0x15000] =	vst v63  }
0x323: {  	s26 =	sadd.s32 $0x10, s18;
	s28 =	simm.s32 $0xC448  }
0x324: {  	[hbm4b:s26+s2] =	stream.linear.scatter [tilespmem:s28], [sflag:$0x5], $0x80, $0x38;
	[tilespmem:$0x15000] =	vst v63  }
0x325: {  	s26 =	sadd.s32 $0x20, s18;
	s28 =	simm.s32 $0xC4D0  }
0x326: {  	[hbm4b:s26+s2] =	stream.linear.scatter [tilespmem:s28], [sflag:$0x5], $0x80, $0x38;
	[tilespmem:$0x15000] =	vst v63  }
0x327: {  	s26 =	sadd.s32 $0x30, s18;
	s28 =	simm.s32 $0xC558  }
0x328: {  	[hbm4b:s26+s2] =	stream.linear.scatter [tilespmem:s28], [sflag:$0x5], $0x80, $0x38;
	[tilespmem:$0x15000] =	vst v63  }
0x329: {  	s26 =	sadd.s32 $0x40, s18;
	s28 =	simm.s32 $0xC5E0  }
0x32a: {  	[hbm4b:s26+s2] =	stream.linear.scatter [tilespmem:s28], [sflag:$0x5], $0x80, $0x38;
	[tilespmem:$0x15000] =	vst v63  }
0x32b: {  	s26 =	sadd.s32 $0x50, s18;
	s28 =	simm.s32 $0xC668  }
0x32c: {  	[hbm4b:s26+s2] =	stream.linear.scatter [tilespmem:s28], [sflag:$0x5], $0x80, $0x38;
	[tilespmem:$0x15000] =	vst v63  }
0x32d: {  	s26 =	sadd.s32 $0x60, s18;
	s28 =	simm.s32 $0xC6F0  }
0x32e: {  	[hbm4b:s26+s2] =	stream.linear.scatter [tilespmem:s28], [sflag:$0x5], $0x80, $0x38;
	[tilespmem:$0x15000] =	vst v63  }
0x32f: {  	s26 =	sadd.s32 $0x70, s18;
	s28 =	simm.s32 $0xC778  }
0x330: {  	[hbm4b:s26+s2] =	stream.linear.scatter [tilespmem:s28], [sflag:$0x5], $0x80, $0x38;
	[tilespmem:$0x15000] =	vst v63  }
0x331: {  	s26 =	sadd.s32 $0x80, s18;
	s28 =	simm.s32 $0xC800  }
0x332: {  	[hbm4b:s26+s2] =	stream.linear.scatter [tilespmem:s28], [sflag:$0x5], $0x80, $0x38;
	[tilespmem:$0x15000] =	vst v63  }
0x333: {  	s26 =	sadd.s32 $0x90, s18;
	s28 =	simm.s32 $0xC888  }
0x334: {  	[hbm4b:s26+s2] =	stream.linear.scatter [tilespmem:s28], [sflag:$0x5], $0x80, $0x38;
	[tilespmem:$0x15000] =	vst v63  }
0x335: {  	s26 =	sadd.s32 $0xA0, s18;
	s28 =	simm.s32 $0xC910  }
0x336: {  	[hbm4b:s26+s2] =	stream.linear.scatter [tilespmem:s28], [sflag:$0x5], $0x80, $0x38;
	[tilespmem:$0x15000] =	vst v63  }
0x337: {  	s26 =	sadd.s32 $0xB0, s18;
	s28 =	simm.s32 $0xC998  }
0x338: {  	[hbm4b:s26+s2] =	stream.linear.scatter [tilespmem:s28], [sflag:$0x5], $0x80, $0x38;
	[tilespmem:$0x15000] =	vst v63  }
0x339: {  	s26 =	sadd.s32 $0xC0, s18;
	s28 =	simm.s32 $0xCA20  }
0x33a: {  	[hbm4b:s26+s2] =	stream.linear.scatter [tilespmem:s28], [sflag:$0x5], $0x80, $0x38;
	[tilespmem:$0x15000] =	vst v63  }
0x33b: {  	s26 =	sadd.s32 $0xD0, s18;
	s28 =	simm.s32 $0xCAA8  }
0x33c: {  	[hbm4b:s26+s2] =	stream.linear.scatter [tilespmem:s28], [sflag:$0x5], $0x80, $0x38;
	[tilespmem:$0x15000] =	vst v63  }
0x33d: {  	s26 =	sadd.s32 $0xE0, s18;
	s28 =	simm.s32 $0xCB30  }
0x33e: {  	[hbm4b:s26+s2] =	stream.linear.scatter [tilespmem:s28], [sflag:$0x5], $0x80, $0x38;
	[tilespmem:$0x15000] =	vst v63  }
0x33f: {  	s18 =	sadd.s32 $0xF0, s18;
	s26 =	simm.s32 $0xCBB8  }
0x340: {  	[hbm4b:s18+s2] =	stream.linear.scatter [tilespmem:s26], [sflag:$0x5], $0x80, $0x38;
	[tilespmem:$0x15000] =	vst v63  }
0x341: {  	s28 =	simm.s32 $0xD080;
	s18 =	sadd.s32 $0x1D4C00, s24  }
0x342: {  	[hbm4b:s18+s2] =	stream.linear.scatter [tilespmem:s28], [sflag:$0x5], $0x80, $0x38;
	[tilespmem:$0x15000] =	vst v63  }
0x343: {  	s26 =	sadd.s32 $0x10, s18;
	s28 =	simm.s32 $0xD108  }
0x344: {  	[hbm4b:s26+s2] =	stream.linear.scatter [tilespmem:s28], [sflag:$0x5], $0x80, $0x38;
	[tilespmem:$0x15000] =	vst v63  }
0x345: {  	s26 =	sadd.s32 $0x20, s18;
	s28 =	simm.s32 $0xD190  }
0x346: {  	[hbm4b:s26+s2] =	stream.linear.scatter [tilespmem:s28], [sflag:$0x5], $0x80, $0x38;
	[tilespmem:$0x15000] =	vst v63  }
0x347: {  	s26 =	sadd.s32 $0x30, s18;
	s28 =	simm.s32 $0xD218  }
0x348: {  	[hbm4b:s26+s2] =	stream.linear.scatter [tilespmem:s28], [sflag:$0x5], $0x80, $0x38;
	[tilespmem:$0x15000] =	vst v63  }
0x349: {  	s26 =	sadd.s32 $0x40, s18;
	s28 =	simm.s32 $0xD2A0  }
0x34a: {  	[hbm4b:s26+s2] =	stream.linear.scatter [tilespmem:s28], [sflag:$0x5], $0x80, $0x38;
	[tilespmem:$0x15000] =	vst v63  }
0x34b: {  	s26 =	sadd.s32 $0x50, s18;
	s28 =	simm.s32 $0xD328  }
0x34c: {  	[hbm4b:s26+s2] =	stream.linear.scatter [tilespmem:s28], [sflag:$0x5], $0x80, $0x38;
	[tilespmem:$0x15000] =	vst v63  }
0x34d: {  	s26 =	sadd.s32 $0x60, s18;
	s28 =	simm.s32 $0xD3B0  }
0x34e: {  	[hbm4b:s26+s2] =	stream.linear.scatter [tilespmem:s28], [sflag:$0x5], $0x80, $0x38;
	[tilespmem:$0x15000] =	vst v63  }
0x34f: {  	s26 =	sadd.s32 $0x70, s18;
	s28 =	simm.s32 $0xD438  }
0x350: {  	[hbm4b:s26+s2] =	stream.linear.scatter [tilespmem:s28], [sflag:$0x5], $0x80, $0x38;
	[tilespmem:$0x15000] =	vst v63  }
0x351: {  	s26 =	sadd.s32 $0x80, s18;
	s28 =	simm.s32 $0xD4C0  }
0x352: {  	[hbm4b:s26+s2] =	stream.linear.scatter [tilespmem:s28], [sflag:$0x5], $0x80, $0x38;
	[tilespmem:$0x15000] =	vst v63  }
0x353: {  	s26 =	sadd.s32 $0x90, s18;
	s28 =	simm.s32 $0xD548  }
0x354: {  	[hbm4b:s26+s2] =	stream.linear.scatter [tilespmem:s28], [sflag:$0x5], $0x80, $0x38;
	[tilespmem:$0x15000] =	vst v63  }
0x355: {  	s26 =	sadd.s32 $0xA0, s18;
	s28 =	simm.s32 $0xD5D0  }
0x356: {  	[hbm4b:s26+s2] =	stream.linear.scatter [tilespmem:s28], [sflag:$0x5], $0x80, $0x38;
	[tilespmem:$0x15000] =	vst v63  }
0x357: {  	s26 =	sadd.s32 $0xB0, s18;
	s28 =	simm.s32 $0xD658  }
0x358: {  	[hbm4b:s26+s2] =	stream.linear.scatter [tilespmem:s28], [sflag:$0x5], $0x80, $0x38;
	[tilespmem:$0x15000] =	vst v63  }
0x359: {  	s26 =	sadd.s32 $0xC0, s18;
	s28 =	simm.s32 $0xD6E0  }
0x35a: {  	[hbm4b:s26+s2] =	stream.linear.scatter [tilespmem:s28], [sflag:$0x5], $0x80, $0x38;
	[tilespmem:$0x15000] =	vst v63  }
0x35b: {  	s26 =	sadd.s32 $0xD0, s18;
	s28 =	simm.s32 $0xD768  }
0x35c: {  	[hbm4b:s26+s2] =	stream.linear.scatter [tilespmem:s28], [sflag:$0x5], $0x80, $0x38;
	[tilespmem:$0x15000] =	vst v63  }
0x35d: {  	s26 =	sadd.s32 $0xE0, s18;
	s28 =	simm.s32 $0xD7F0  }
0x35e: {  	[hbm4b:s26+s2] =	stream.linear.scatter [tilespmem:s28], [sflag:$0x5], $0x80, $0x38;
	[tilespmem:$0x15000] =	vst v63  }
0x35f: {  	s18 =	sadd.s32 $0xF0, s18;
	s28 =	simm.s32 $0xD878  }
0x360: {  	[hbm4b:s18+s2] =	stream.linear.scatter [tilespmem:s28], [sflag:$0x5], $0x80, $0x38;
	[tilespmem:$0x15000] =	vst v63  }
0x361: {  	s25 =	simm.s32 $0xDD40;
	s18 =	sadd.s32 $0x222E00, s24  }
0x362: {  	[hbm4b:s18+s2] =	stream.linear.scatter [tilespmem:s25], [sflag:$0x5], $0x80, $0x38;
	[tilespmem:$0x15000] =	vst v63  }
0x363: {  	s28 =	simm.s32 $0xDDC8;
	s26 =	sadd.s32 $0x10, s18  }
0x364: {  	[hbm4b:s26+s2] =	stream.linear.scatter [tilespmem:s28], [sflag:$0x5], $0x80, $0x38;
	[tilespmem:$0x15000] =	vst v63  }
0x365: {  	s26 =	sadd.s32 $0x20, s18;
	s28 =	simm.s32 $0xDE50  }
0x366: {  	[hbm4b:s26+s2] =	stream.linear.scatter [tilespmem:s28], [sflag:$0x5], $0x80, $0x38;
	[tilespmem:$0x15000] =	vst v63  }
0x367: {  	s26 =	sadd.s32 $0x30, s18;
	s28 =	simm.s32 $0xDED8  }
0x368: {  	[hbm4b:s26+s2] =	stream.linear.scatter [tilespmem:s28], [sflag:$0x5], $0x80, $0x38;
	[tilespmem:$0x15000] =	vst v63  }
0x369: {  	s26 =	sadd.s32 $0x40, s18;
	s28 =	simm.s32 $0xDF60  }
0x36a: {  	[hbm4b:s26+s2] =	stream.linear.scatter [tilespmem:s28], [sflag:$0x5], $0x80, $0x38;
	[tilespmem:$0x15000] =	vst v63  }
0x36b: {  	s26 =	sadd.s32 $0x50, s18;
	s28 =	simm.s32 $0xDFE8  }
0x36c: {  	[hbm4b:s26+s2] =	stream.linear.scatter [tilespmem:s28], [sflag:$0x5], $0x80, $0x38;
	[tilespmem:$0x15000] =	vst v63  }
0x36d: {  	s26 =	sadd.s32 $0x60, s18;
	s28 =	simm.s32 $0xE070  }
0x36e: {  	[hbm4b:s26+s2] =	stream.linear.scatter [tilespmem:s28], [sflag:$0x5], $0x80, $0x38;
	[tilespmem:$0x15000] =	vst v63  }
0x36f: {  	s26 =	sadd.s32 $0x70, s18;
	s28 =	simm.s32 $0xE0F8  }
0x370: {  	[hbm4b:s26+s2] =	stream.linear.scatter [tilespmem:s28], [sflag:$0x5], $0x80, $0x38;
	[tilespmem:$0x15000] =	vst v63  }
0x371: {  	s26 =	sadd.s32 $0x80, s18;
	s28 =	simm.s32 $0xE180  }
0x372: {  	[hbm4b:s26+s2] =	stream.linear.scatter [tilespmem:s28], [sflag:$0x5], $0x80, $0x38;
	[tilespmem:$0x15000] =	vst v63  }
0x373: {  	s26 =	sadd.s32 $0x90, s18;
	s28 =	simm.s32 $0xE208  }
0x374: {  	[hbm4b:s26+s2] =	stream.linear.scatter [tilespmem:s28], [sflag:$0x5], $0x80, $0x38;
	[tilespmem:$0x15000] =	vst v63  }
0x375: {  	s26 =	sadd.s32 $0xA0, s18;
	s28 =	simm.s32 $0xE290  }
0x376: {  	[hbm4b:s26+s2] =	stream.linear.scatter [tilespmem:s28], [sflag:$0x5], $0x80, $0x38;
	[tilespmem:$0x15000] =	vst v63  }
0x377: {  	s26 =	sadd.s32 $0xB0, s18;
	s28 =	simm.s32 $0xE318  }
0x378: {  	[hbm4b:s26+s2] =	stream.linear.scatter [tilespmem:s28], [sflag:$0x5], $0x80, $0x38;
	[tilespmem:$0x15000] =	vst v63  }
0x379: {  	s26 =	sadd.s32 $0xC0, s18;
	s28 =	simm.s32 $0xE3A0  }
0x37a: {  	[hbm4b:s26+s2] =	stream.linear.scatter [tilespmem:s28], [sflag:$0x5], $0x80, $0x38;
	[tilespmem:$0x15000] =	vst v63  }
0x37b: {  	s26 =	sadd.s32 $0xD0, s18;
	s28 =	simm.s32 $0xE428  }
0x37c: {  	[hbm4b:s26+s2] =	stream.linear.scatter [tilespmem:s28], [sflag:$0x5], $0x80, $0x38;
	[tilespmem:$0x15000] =	vst v63  }
0x37d: {  	s25 =	sadd.s32 $0xE0, s18;
	s26 =	simm.s32 $0xE4B0  }
0x37e: {  	[hbm4b:s25+s2] =	stream.linear.scatter [tilespmem:s26], [sflag:$0x5], $0x80, $0x38;
	[tilespmem:$0x15000] =	vst v63  }
0x37f: {  	s18 =	sadd.s32 $0xF0, s18;
	s28 =	simm.s32 $0xE538  }
0x380: {  	[hbm4b:s18+s2] =	stream.linear.scatter [tilespmem:s28], [sflag:$0x5], $0x80, $0x38;
	[tilespmem:$0x15000] =	vst v63  }
.LBB2_8:
0x381: {  	s24 =	sor.u32 $0x1, s23  }
0x382: {  	p0 =	sge.u32 s24, s8  }
.Ltmp8:
0x383: {  	_ = 	snop;
	(pc) =	sbr.rel @p0 .LBB2_14-.Ltmp8, $1  }
0x384: {  	_ =	sdelay $0x3  }
0x385: {  	p0 =	sge.u32 s23, s15  }
0x386: {  	s18 =	simm.s32 @!p0 $0x1  }
0x387: {  	_ =	swait.ge @!p0 [sflag:s18], $0x100  }
0x388: {  	[sflag:s18] =	ssyncset.done @!p0 $0x0  }
0x389: {  	[sflag:s18] =	ssyncadd.s32 @!p0 $0xFFFFFF00  }
0x38a: {  	_ =	swait.ge @!p0 [sflag:s18], $0x100  }
0x38b: {  	s25 =	simm.s32 @!p0 $0x0;
	[sflag:s18] =	ssyncset.done @!p0 $0x0  }
0x38c: {  	s26 =	simm.s32 @!p0 $0x400;
	[sflag:s18] =	ssyncadd.s32 @!p0 $0xFFFFFF00;
	s18 =	simm.s32 @!p0 $0x80  }
0x38d: {  	[tilespmem:s26], [sflag:$0x3] =	stream.indirect.gather @!p0 [hbm4b:s4+s18], $0x20, s25, s18, $0xb8;
	[tilespmem:$0x15000] =	vst v63  }
0x38e: {  	s25 =	simm.s32 @!p0 $0x200;
	s26 =	simm.s32 @!p0 $0x4400  }
0x38f: {  	[tilespmem:s26], [sflag:$0x3] =	stream.indirect.gather @!p0 [hbm4b:s5+s18], $0x20, s25, s18, $0xb8;
	[tilespmem:$0x15000] =	vst v63  }
0x390: {  	s25 =	simm.s32 @!p0 $0x1400  }
0x391: {  	[tilespmem:s25], [sflag:$0x3] =	stream.indirect.gather @!p0 [hbm4b:s4+s18], $0x20, s18, s18, $0xb8;
	[tilespmem:$0x15000] =	vst v63  }
0x392: {  	s26 =	simm.s32 @!p0 $0x5400;
	s25 =	simm.s32 @!p0 $0x280  }
0x393: {  	[tilespmem:s26], [sflag:$0x3] =	stream.indirect.gather @!p0 [hbm4b:s5+s18], $0x20, s25, s18, $0xb8;
	[tilespmem:$0x15000] =	vst v63  }
0x394: {  	_ =	swait.ge [sflag:s0], $0x2000  }
0x395: {  	s18 =	sadd.s32 $0x3, s23;
	[sflag:s0] =	ssyncset.done $0x0  }
0x396: {  	p0 =	sge.u32 s18, s8;
	[sflag:s0] =	ssyncadd.s32 $0xFFFFE000  }
0x397: {  	s18 =	sshll.u32 @!p0 s18, $0xA;
	_ =	swait.ge [sflag:s0], $0x2000  }
0x398: {  	s25 =	simm.s32 @!p0 $0x0;
	s18 =	sor.u32 @!p0 s9, s18;
	[sflag:s0] =	ssyncset.done $0x0  }
0x399: {  	s26 =	simm.s32 @!p0 $0x100;
	s23 =	sadd.s32 @!p0 s6, s18;
	[sflag:s0] =	ssyncadd.s32 $0xFFFFE000  }
0x39a: {  	[tilespmem:s26], [sflag:$0x2] =	stream.linear.gather @!p0 [hbm4b:s23+s25], $0x100, $0x38;
	[tilespmem:$0x15000] =	vst v63  }
0x39b: {  	s18 =	sadd.s32 @!p0 s7, s18;
	s23 =	simm.s32 @!p0 $0x300  }
0x39c: {  	[tilespmem:s23], [sflag:$0x2] =	stream.linear.gather @!p0 [hbm4b:s18+s25], $0x100, $0x38;
	[tilespmem:$0x15000] =	vst v63  }
0x39d: {  	p0 =	seq.s32 s20, $0x0  }
0x39e: {  	s18 =	simm.s32 @!p0 $0x6  }
0x39f: {  	_ =	swait.ge @!p0 [sflag:s18], $0x800  }
0x3a0: {  	[sflag:s18] =	ssyncset.done @!p0 $0x0  }
0x3a1: {  	[sflag:s18] =	ssyncadd.s32 @!p0 $0xFFFFF800  }
0x3a2: {  	_ =	swait.ge @!p0 [sflag:s18], $0x800  }
0x3a3: {  	[sflag:s18] =	ssyncset.done @!p0 $0x0  }
0x3a4: {  	[sflag:s18] =	ssyncadd.s32 @!p0 $0xFFFFF800  }
0x3a5: {  	_ =	swait.ge @!p0 [sflag:s18], $0x800  }
0x3a6: {  	[sflag:s18] =	ssyncset.done @!p0 $0x0  }
0x3a7: {  	[sflag:s18] =	ssyncadd.s32 @!p0 $0xFFFFF800  }
0x3a8: {  	_ =	swait.ge @!p0 [sflag:s18], $0x800  }
0x3a9: {  	[sflag:s18] =	ssyncset.done @!p0 $0x0  }
0x3aa: {  	[sflag:s18] =	ssyncadd.s32 @!p0 $0xFFFFF800  }
0x3ab: {  	_ =	swait.ge @!p0 [sflag:s18], $0x800  }
0x3ac: {  	[sflag:s18] =	ssyncset.done @!p0 $0x0  }
0x3ad: {  	[sflag:s18] =	ssyncadd.s32 @!p0 $0xFFFFF800  }
0x3ae: {  	_ =	swait.ge @!p0 [sflag:s18], $0x800  }
0x3af: {  	[sflag:s18] =	ssyncset.done @!p0 $0x0  }
0x3b0: {  	[sflag:s18] =	ssyncadd.s32 @!p0 $0xFFFFF800  }
0x3b1: {  	_ =	swait.ge @!p0 [sflag:s18], $0x800  }
0x3b2: {  	[sflag:s18] =	ssyncset.done @!p0 $0x0  }
0x3b3: {  	[sflag:s18] =	ssyncadd.s32 @!p0 $0xFFFFF800  }
0x3b4: {  	_ =	swait.ge @!p0 [sflag:s18], $0x800  }
0x3b5: {  	[sflag:s18] =	ssyncset.done @!p0 $0x0  }
0x3b6: {  	s28 =	simm.s32 $0x0;
	s25 =	simm.s32 $0x2440;
	[sflag:s18] =	ssyncadd.s32 @!p0 $0xFFFFF800  }
0x3b7: {  	v9 =	vmov s28;
	s23 =	simm.s32 $0x6440;
	v8 =	vld [tilespmem:s25+$0x20]  }
0x3b8: {  	s28 =	simm.s32 $0x2;
	v9 =	vand.u32 $0x7C, v9;
	v10 =	vld [tilespmem:s23+$0x20]  }
0x3b9: {  	v14 =	vmov s28;
	v12 =	vadd.s32 v0, v9;
	s26 =	simm.s32 $0x1  }
0x3ba: {  	v16 =	vadd.s32 v1, v9;
	v14 =	vand.u32 $0x7E, v14;
	v13 =	vmov s26;
	s26 =	simm.s32 $0x3  }
0x3bb: {  	v53 =	vadd.s32 v0, v14;
	v57 =	vadd.s32 v1, v14;
	v17 =	vmov s26;
	v11 =	vld [tilespmem:s25+$0xFFFFFFC0]  }
0x3bc: {  	v61 =	vadd.s32 v2, v14;
	v13 =	vand.u32 $0x7D, v13;
	v17 =	vand.u32 $0x7F, v17;
	v15 =	vld [tilespmem:s23+$0xFFFFFFC0]  }
0x3bd: {  	v23 =	vadd.s32 v0, v17;
	v18 =	vld [tilespmem:s25+$0xFFFFFFE0];
	v21 =	vunpack.i.l.bf16.f32 v8;
	v22 =	vunpack.i.l.bf16.f32 v10  }
0x3be: {  	v20 =	vld [tilespmem:s23+$0xFFFFFFE0];
	v8 =	vunpack.i.u.bf16.f32 v8;
	v10 =	vunpack.i.u.bf16.f32 v10;
	v21 =	vadd.f32 v22, v21  }
0x3bf: {  	v19 =	vadd.s32 v0, v13;
	v24 =	vld [tilespmem:s25+$0x0];
	v8 =	vadd.f32 v10, v8;
	v10 =	vadd.s32 v1, v17  }
0x3c0: {  	v60 =	vadd.s32 v3, v13;
	v25 =	vunpack.i.u.bf16.f32 v11;
	v27 =	vmul.f32 $2.000000030e-01, v21  }
0x3c1: {  	v11 =	vunpack.i.l.bf16.f32 v11;
	v26 =	vunpack.i.u.bf16.f32 v15;
	v22 =	vld [tilespmem:s23+$0x0];
	v29 =	vmul.f32 $2.000000030e-01, v8  }
0x3c2: {  	v28 =	vunpack.i.u.bf16.f32 v18;
	v18 =	vunpack.i.l.bf16.f32 v18;
	v21 =	vmax.f32 v21, v27  }
0x3c3: {  	v30 =	vunpack.i.u.bf16.f32 v20;
	v20 =	vunpack.i.l.bf16.f32 v20;
	v8 =	vmax.f32 v8, v29;
	[tilespmem:v23+s3+$0x0] =	vst.idx.msk $0xffff, v21  }
0x3c4: {  	v15 =	vunpack.i.l.bf16.f32 v15;
	v52 =	vunpack.i.u.bf16.f32 v24;
	v18 =	vadd.f32 v20, v18;
	[tilespmem:v10+s3+$0x0] =	vst.idx.msk $0xffff, v8  }
0x3c5: {  	v20 =	vadd.f32 v30, v28;
	v21 =	vunpack.i.l.bf16.f32 v24;
	v8 =	vadd.f32 v15, v11;
	v15 =	vld [tilespmem:s25+$0x30]  }
0x3c6: {  	v23 =	vunpack.i.u.bf16.f32 v22;
	v22 =	vunpack.i.l.bf16.f32 v22;
	v10 =	vadd.f32 v26, v25;
	v54 =	vld [tilespmem:s23+$0x30]  }
0x3c7: {  	v56 =	vmul.f32 $2.000000030e-01, v18;
	v21 =	vadd.f32 v22, v21;
	v55 =	vmul.f32 $2.000000030e-01, v8  }
0x3c8: {  	v11 =	vadd.s32 v1, v13;
	v22 =	vadd.f32 v23, v52;
	v23 =	vmul.f32 $2.000000030e-01, v10  }
0x3c9: {  	v58 =	vmul.f32 $2.000000030e-01, v20;
	v59 =	vmul.f32 $2.000000030e-01, v21;
	v8 =	vmax.f32 v8, v55  }
0x3ca: {  	[tilespmem:v12+s3+$0x0] =	vst.idx.msk $0xffff, v8;
	v8 =	vmax.f32 v10, v23;
	v10 =	vmax.f32 v18, v56;
	v12 =	vmul.f32 $2.000000030e-01, v22  }
0x3cb: {  	v18 =	vadd.s32 v2, v17;
	[tilespmem:v16+s3+$0x0] =	vst.idx.msk $0xffff, v8;
	v8 =	vunpack.i.l.bf16.f32 v15;
	v16 =	vunpack.i.l.bf16.f32 v54  }
0x3cc: {  	[tilespmem:v19+s3+$0x0] =	vst.idx.msk $0xffff, v10;
	v10 =	vunpack.i.u.bf16.f32 v15;
	v15 =	vunpack.i.u.bf16.f32 v54;
	v19 =	vmax.f32 v20, v58;
	v23 =	vld [tilespmem:s25+$0xFFFFFFD0]  }
0x3cd: {  	v8 =	vadd.f32 v16, v8;
	v16 =	vld [tilespmem:s23+$0xFFFFFFD0];
	v10 =	vadd.f32 v15, v10;
	[tilespmem:v11+s3+$0x0] =	vst.idx.msk $0xffff, v19  }
0x3ce: {  	v15 =	vadd.s32 v3, v17;
	v11 =	vmax.f32 v21, v59;
	v12 =	vmax.f32 v22, v12;
	v20 =	vld [tilespmem:s25+$0xFFFFFFF0]  }
0x3cf: {  	v19 =	vadd.s32 v2, v9;
	[tilespmem:v53+s3+$0x0] =	vst.idx.msk $0xffff, v11;
	v21 =	vld [tilespmem:s23+$0xFFFFFFF0];
	v17 =	vmul.f32 $2.000000030e-01, v8;
	v11 =	vmul.f32 $2.000000030e-01, v10  }
0x3d0: {  	v9 =	vadd.s32 v3, v9;
	v22 =	vadd.s32 v2, v13;
	[tilespmem:v57+s3+$0x0] =	vst.idx.msk $0xffff, v12  }
0x3d1: {  	v13 =	vld [tilespmem:s23+$0x10];
	v12 =	vmax.f32 v8, v17;
	v10 =	vmax.f32 v10, v11;
	v8 =	vunpack.i.u.bf16.f32 v23  }
0x3d2: {  	v17 =	vunpack.i.l.bf16.f32 v23;
	v23 =	vld [tilespmem:s25+$0x10];
	v11 =	vunpack.i.u.bf16.f32 v16;
	v16 =	vunpack.i.l.bf16.f32 v16  }
0x3d3: {  	v16 =	vadd.f32 v16, v17;
	v11 =	vadd.f32 v11, v8;
	v17 =	vunpack.i.u.bf16.f32 v20  }
0x3d4: {  	v20 =	vunpack.i.l.bf16.f32 v20;
	v62 =	vunpack.i.u.bf16.f32 v21;
	v21 =	vunpack.i.l.bf16.f32 v21  }
0x3d5: {  	v8 =	vadd.s32 v3, v14;
	v20 =	vadd.f32 v21, v20;
	v17 =	vadd.f32 v62, v17  }
0x3d6: {  	v14 =	vmul.f32 $2.000000030e-01, v16;
	v63 =	vunpack.i.u.bf16.f32 v13;
	v13 =	vunpack.i.l.bf16.f32 v13  }
0x3d7: {  	[tilespmem:v18+s3+$0x0] =	vst.idx.msk $0xffff, v12;
	v12 =	vmul.f32 $2.000000030e-01, v11;
	v21 =	vunpack.i.u.bf16.f32 v23;
	v23 =	vunpack.i.l.bf16.f32 v23  }
0x3d8: {  	[tilespmem:v15+s3+$0x0] =	vst.idx.msk $0xffff, v10;
	v15 =	vmul.f32 $2.000000030e-01, v20;
	v10 =	vmax.f32 v16, v14;
	v13 =	vadd.f32 v13, v23  }
0x3d9: {  	s28 =	simm.s32 $0x4;
	s23 =	simm.s32 $0x24C0;
	v18 =	vadd.f32 v63, v21;
	[tilespmem:v19+s3+$0x0] =	vst.idx.msk $0xffff, v10;
	v10 =	vmax.f32 v11, v12  }
0x3da: {  	s25 =	simm.s32 $0x64C0;
	v14 =	vld [tilespmem:s23+$0x20];
	v21 =	vmul.f32 $2.000000030e-01, v17;
	v19 =	vmov s28;
	[tilespmem:v9+s3+$0x0] =	vst.idx.msk $0xffff, v10;
	v9 =	vmax.f32 v20, v15  }
0x3db: {  	s26 =	simm.s32 $0x5;
	v16 =	vld [tilespmem:s25+$0x20];
	s28 =	simm.s32 $0x6;
	v10 =	vand.u32 $0x7C, v19;
	v11 =	vmul.f32 $2.000000030e-01, v13;
	v12 =	vmul.f32 $2.000000030e-01, v18  }
0x3dc: {  	v15 =	vld [tilespmem:s23+$0xFFFFFFC0];
	v19 =	vmov s28;
	v20 =	vmax.f32 v17, v21;
	[tilespmem:v22+s3+$0x0] =	vst.idx.msk $0xffff, v9;
	v9 =	vmov s26  }
0x3dd: {  	s28 =	simm.s32 $0x7;
	v17 =	vld [tilespmem:s25+$0xFFFFFFC0];
	[tilespmem:v60+s3+$0x0] =	vst.idx.msk $0xffff, v20;
	v9 =	vand.u32 $0x7D, v9;
	v21 =	vmax.f32 v13, v11;
	v13 =	vmax.f32 v18, v12  }
0x3de: {  	s26 =	simm.s32 $0x8;
	v20 =	vmov s28;
	v11 =	vadd.s32 v0, v10;
	v12 =	vadd.s32 v1, v10;
	v18 =	vld [tilespmem:s23+$0xFFFFFFE0];
	[tilespmem:v61+s3+$0x0] =	vst.idx.msk $0xffff, v21  }
.LBB2_10:
0x3df: {  	p0 =	slt.u32 s26, $0x7C;
	v21 =	vld [tilespmem:s25+$0xFFFFFFE0];
	v22 =	vadd.s32 v0, v9;
	v19 =	vand.u32 $0x7E, v19;
	v20 =	vand.u32 $0x7F, v20;
	[tilespmem:v8+s3+$0x0] =	vst.idx.msk $0xffff, v13  }
0x3e0: {  	v13 =	vunpack.i.l.bf16.f32 v14;
	v8 =	vld [tilespmem:s23+$0x0];
	v23 =	vunpack.i.l.bf16.f32 v16;
	v24 =	vadd.s32 v0, v20  }
0x3e1: {  	v14 =	vunpack.i.u.bf16.f32 v14;
	v16 =	vunpack.i.u.bf16.f32 v16;
	v25 =	vld [tilespmem:s25+$0x0];
	v13 =	vadd.f32 v23, v13  }
0x3e2: {  	v23 =	vunpack.i.u.bf16.f32 v15;
	v14 =	vadd.f32 v16, v14;
	v16 =	vadd.s32 v1, v20  }
0x3e3: {  	v15 =	vunpack.i.l.bf16.f32 v15;
	v26 =	vunpack.i.u.bf16.f32 v17;
	v27 =	vmul.f32 $2.000000030e-01, v13  }
0x3e4: {  	v17 =	vunpack.i.l.bf16.f32 v17;
	v28 =	vunpack.i.u.bf16.f32 v18;
	v29 =	vmul.f32 $2.000000030e-01, v14  }
0x3e5: {  	v18 =	vunpack.i.l.bf16.f32 v18;
	v30 =	vunpack.i.u.bf16.f32 v21;
	v13 =	vmax.f32 v13, v27  }
0x3e6: {  	v21 =	vunpack.i.l.bf16.f32 v21;
	v27 =	vunpack.i.u.bf16.f32 v8;
	[tilespmem:v24+s3+$0x0] =	vst.idx.msk $0xffff, v13;
	v13 =	vmax.f32 v14, v29  }
0x3e7: {  	v8 =	vunpack.i.l.bf16.f32 v8;
	v14 =	vunpack.i.u.bf16.f32 v25;
	v24 =	vunpack.i.l.bf16.f32 v25;
	[tilespmem:v16+s3+$0x0] =	vst.idx.msk $0xffff, v13  }
0x3e8: {  	v13 =	vadd.f32 v17, v15;
	v15 =	vadd.f32 v26, v23;
	v16 =	vadd.s32 v1, v9;
	v17 =	vld [tilespmem:s23+$0x30]  }
0x3e9: {  	v18 =	vadd.f32 v21, v18;
	v21 =	vadd.f32 v30, v28;
	v23 =	vadd.s32 v0, v19;
	v25 =	vld [tilespmem:s25+$0x30]  }
0x3ea: {  	v8 =	vadd.f32 v24, v8;
	v14 =	vadd.f32 v14, v27;
	v26 =	vmul.f32 $2.000000030e-01, v13  }
0x3eb: {  	v28 =	vadd.s32 v1, v19;
	v27 =	vmul.f32 $2.000000030e-01, v18;
	v24 =	vmul.f32 $2.000000030e-01, v15  }
0x3ec: {  	v29 =	vmul.f32 $2.000000030e-01, v8;
	v13 =	vmax.f32 v13, v26;
	v26 =	vmul.f32 $2.000000030e-01, v21  }
0x3ed: {  	[tilespmem:v11+s3+$0x0] =	vst.idx.msk $0xffff, v13;
	v11 =	vmax.f32 v15, v24;
	v13 =	vmax.f32 v18, v27;
	v15 =	vmul.f32 $2.000000030e-01, v14  }
0x3ee: {  	v18 =	vadd.s32 v2, v20;
	[tilespmem:v12+s3+$0x0] =	vst.idx.msk $0xffff, v11;
	v11 =	vunpack.i.l.bf16.f32 v17;
	v12 =	vunpack.i.l.bf16.f32 v25  }
0x3ef: {  	v24 =	vld [tilespmem:s23+$0xFFFFFFD0];
	[tilespmem:v22+s3+$0x0] =	vst.idx.msk $0xffff, v13;
	v13 =	vunpack.i.u.bf16.f32 v17;
	v17 =	vunpack.i.u.bf16.f32 v25;
	v11 =	vadd.f32 v12, v11  }
0x3f0: {  	v21 =	vmax.f32 v21, v26;
	v12 =	vld [tilespmem:s25+$0xFFFFFFD0];
	v13 =	vadd.f32 v17, v13;
	v17 =	vadd.s32 v3, v20  }
0x3f1: {  	v8 =	vmax.f32 v8, v29;
	v14 =	vmax.f32 v14, v15;
	[tilespmem:v16+s3+$0x0] =	vst.idx.msk $0xffff, v21;
	v15 =	vmul.f32 $2.000000030e-01, v11  }
0x3f2: {  	v16 =	vadd.s32 v2, v10;
	v10 =	vadd.s32 v3, v10;
	v20 =	vld [tilespmem:s23+$0xFFFFFFF0];
	[tilespmem:v23+s3+$0x0] =	vst.idx.msk $0xffff, v8;
	v8 =	vmul.f32 $2.000000030e-01, v13  }
0x3f3: {  	v22 =	vadd.s32 v2, v9;
	v21 =	vld [tilespmem:s25+$0xFFFFFFF0];
	[tilespmem:v28+s3+$0x0] =	vst.idx.msk $0xffff, v14;
	v11 =	vmax.f32 v11, v15  }
0x3f4: {  	v14 =	vunpack.i.u.bf16.f32 v24;
	v15 =	vunpack.i.l.bf16.f32 v24;
	v23 =	vld [tilespmem:s23+$0x10];
	[tilespmem:v18+s3+$0x0] =	vst.idx.msk $0xffff, v11;
	v8 =	vmax.f32 v13, v8  }
0x3f5: {  	v9 =	vadd.s32 v3, v9;
	v11 =	vunpack.i.u.bf16.f32 v12;
	v12 =	vunpack.i.l.bf16.f32 v12;
	v13 =	vld [tilespmem:s25+$0x10];
	[tilespmem:v17+s3+$0x0] =	vst.idx.msk $0xffff, v8  }
0x3f6: {  	v24 =	vadd.s32 v2, v19;
	v12 =	vadd.f32 v12, v15;
	v11 =	vadd.f32 v11, v14  }
0x3f7: {  	v8 =	vadd.s32 v3, v19;
	v14 =	vunpack.i.u.bf16.f32 v20;
	v15 =	vunpack.i.l.bf16.f32 v20  }
0x3f8: {  	v17 =	vmul.f32 $2.000000030e-01, v12;
	v18 =	vunpack.i.u.bf16.f32 v21;
	v19 =	vunpack.i.l.bf16.f32 v21  }
0x3f9: {  	v15 =	vadd.f32 v19, v15;
	v19 =	vunpack.i.u.bf16.f32 v23;
	v20 =	vunpack.i.l.bf16.f32 v23  }
0x3fa: {  	v18 =	vadd.f32 v18, v14;
	v14 =	vunpack.i.u.bf16.f32 v13;
	v13 =	vunpack.i.l.bf16.f32 v13  }
0x3fb: {  	v21 =	vmul.f32 $2.000000030e-01, v11;
	v13 =	vadd.f32 v13, v20;
	v19 =	vadd.f32 v14, v19  }
0x3fc: {  	s23 =	sadd.s32 $0x80, s23;
	v12 =	vmax.f32 v12, v17;
	v17 =	vmul.f32 $2.000000030e-01, v15;
	v20 =	vmul.f32 $2.000000030e-01, v18  }
.Ltmp9:
0x3fd: {  	s25 =	sadd.s32 $0x80, s25;
	v11 =	vmax.f32 v11, v21;
	v14 =	vld [tilespmem:s23+$0x20];
	[tilespmem:v16+s3+$0x0] =	vst.idx.msk $0xffff, v12;
	v12 =	vmul.f32 $2.000000030e-01, v13;
	v21 =	vmul.f32 $2.000000030e-01, v19;
	(pc) =	sbr.rel @p0 .LBB2_10-.Ltmp9, $4  }
0x3fe: {  	v23 =	vmov s26;
	v18 =	vmax.f32 v18, v20;
	v16 =	vld [tilespmem:s25+$0x20];
	[tilespmem:v10+s3+$0x0] =	vst.idx.msk $0xffff, v11;
	v11 =	vmax.f32 v15, v17  }
0x3ff: {  	s18 =	sadd.s32 $0x1, s26;
	s28 =	sadd.s32 $0x2, s26;
	v10 =	vand.u32 $0x7C, v23;
	v15 =	vld [tilespmem:s23+$0xFFFFFFC0];
	[tilespmem:v22+s3+$0x0] =	vst.idx.msk $0xffff, v11;
	v22 =	vmax.f32 v13, v12;
	v13 =	vmax.f32 v19, v21  }
0x400: {  	v20 =	vmov s18;
	s18 =	sadd.s32 $0x3, s26;
	v11 =	vadd.s32 v0, v10;
	v19 =	vmov s28;
	v17 =	vld [tilespmem:s25+$0xFFFFFFC0];
	[tilespmem:v9+s3+$0x0] =	vst.idx.msk $0xffff, v18  }
0x401: {  	s26 =	sadd.s32 $0x4, s26;
	v12 =	vadd.s32 v1, v10;
	v9 =	vand.u32 $0x7D, v20;
	v20 =	vmov s18;
	v18 =	vld [tilespmem:s23+$0xFFFFFFE0];
	[tilespmem:v24+s3+$0x0] =	vst.idx.msk $0xffff, v22  }
0x402: {  	v21 =	vadd.s32 v0, v9;
	v19 =	vand.u32 $0x7E, v19  }
0x403: {  	v20 =	vand.u32 $0x7F, v20;
	v22 =	vunpack.i.l.bf16.f32 v14;
	v14 =	vunpack.i.u.bf16.f32 v14  }
0x404: {  	v23 =	vld [tilespmem:s25+$0xFFFFFFE0];
	v24 =	vunpack.i.l.bf16.f32 v16;
	v25 =	vadd.s32 v0, v20;
	v16 =	vunpack.i.u.bf16.f32 v16  }
0x405: {  	v26 =	vld [tilespmem:s23+$0x0];
	v37 =	vadd.s32 v0, v19;
	v42 =	vadd.s32 v1, v19;
	v22 =	vadd.f32 v24, v22  }
0x406: {  	v27 =	vld [tilespmem:s25+$0x0];
	v44 =	vadd.s32 v2, v20;
	v14 =	vadd.f32 v16, v14;
	v16 =	vadd.s32 v1, v20  }
0x407: {  	v33 =	vunpack.i.u.bf16.f32 v15;
	v15 =	vunpack.i.l.bf16.f32 v15;
	v29 =	vmul.f32 $2.000000030e-01, v22  }
0x408: {  	v28 =	vunpack.i.u.bf16.f32 v17;
	v17 =	vunpack.i.l.bf16.f32 v17;
	v31 =	vmul.f32 $2.000000030e-01, v14  }
0x409: {  	v30 =	vunpack.i.u.bf16.f32 v18;
	v18 =	vunpack.i.l.bf16.f32 v18;
	v22 =	vmax.f32 v22, v29  }
0x40a: {  	v34 =	vunpack.i.u.bf16.f32 v23;
	v23 =	vunpack.i.l.bf16.f32 v23;
	v14 =	vmax.f32 v14, v31;
	[tilespmem:v25+s3+$0x0] =	vst.idx.msk $0xffff, v22  }
0x40b: {  	v35 =	vunpack.i.l.bf16.f32 v26;
	v36 =	vunpack.i.u.bf16.f32 v27;
	[tilespmem:v16+s3+$0x0] =	vst.idx.msk $0xffff, v14;
	v14 =	vadd.f32 v17, v15  }
0x40c: {  	v27 =	vunpack.i.l.bf16.f32 v27;
	v18 =	vadd.f32 v23, v18;
	v15 =	vadd.f32 v28, v33;
	v17 =	vld [tilespmem:s23+$0x30]  }
0x40d: {  	v23 =	vadd.f32 v34, v30;
	v22 =	vunpack.i.u.bf16.f32 v26;
	v38 =	vld [tilespmem:s25+$0x30];
	v39 =	vmul.f32 $2.000000030e-01, v14  }
0x40e: {  	v25 =	vadd.f32 v27, v35;
	v16 =	vadd.s32 v1, v9;
	v40 =	vmul.f32 $2.000000030e-01, v15  }
0x40f: {  	v22 =	vadd.f32 v36, v22;
	v41 =	vmul.f32 $2.000000030e-01, v18;
	v14 =	vmax.f32 v14, v39  }
0x410: {  	v43 =	vmul.f32 $2.000000030e-01, v23;
	[tilespmem:v11+s3+$0x0] =	vst.idx.msk $0xffff, v14;
	v11 =	vmul.f32 $2.000000030e-01, v25;
	v14 =	vmax.f32 v15, v40  }
0x411: {  	v15 =	vmax.f32 v18, v41;
	v18 =	vmul.f32 $2.000000030e-01, v22;
	[tilespmem:v12+s3+$0x0] =	vst.idx.msk $0xffff, v14;
	v12 =	vunpack.i.l.bf16.f32 v17  }
0x412: {  	v14 =	vunpack.i.l.bf16.f32 v38;
	v17 =	vunpack.i.u.bf16.f32 v17;
	[tilespmem:v21+s3+$0x0] =	vst.idx.msk $0xffff, v15;
	v15 =	vunpack.i.u.bf16.f32 v38;
	v45 =	vld [tilespmem:s23+$0xFFFFFFD0]  }
0x413: {  	v21 =	vmax.f32 v23, v43;
	v23 =	vadd.s32 v2, v9;
	v12 =	vadd.f32 v14, v12;
	v14 =	vld [tilespmem:s25+$0xFFFFFFD0]  }
0x414: {  	v15 =	vadd.f32 v15, v17;
	v17 =	vadd.s32 v3, v20;
	[tilespmem:v16+s3+$0x0] =	vst.idx.msk $0xffff, v21  }
0x415: {  	v11 =	vmax.f32 v25, v11;
	v16 =	vmax.f32 v22, v18;
	v20 =	vld [tilespmem:s23+$0xFFFFFFF0];
	v18 =	vmul.f32 $2.000000030e-01, v12  }
0x416: {  	v9 =	vadd.s32 v3, v9;
	v21 =	vadd.s32 v2, v10;
	[tilespmem:v37+s3+$0x0] =	vst.idx.msk $0xffff, v11;
	v22 =	vld [tilespmem:s25+$0xFFFFFFF0];
	v11 =	vmul.f32 $2.000000030e-01, v15  }
0x417: {  	v10 =	vadd.s32 v3, v10;
	[tilespmem:v42+s3+$0x0] =	vst.idx.msk $0xffff, v16;
	v12 =	vmax.f32 v12, v18  }
0x418: {  	v24 =	vld [tilespmem:s23+$0x10];
	v11 =	vmax.f32 v15, v11;
	v18 =	vunpack.i.l.bf16.f32 v45;
	v15 =	vunpack.i.l.bf16.f32 v14  }
0x419: {  	v46 =	vld [tilespmem:s25+$0x10];
	v16 =	vunpack.i.u.bf16.f32 v45;
	v14 =	vunpack.i.u.bf16.f32 v14;
	v15 =	vadd.f32 v15, v18  }
0x41a: {  	v14 =	vadd.f32 v14, v16;
	v16 =	vadd.s32 v2, v19;
	v18 =	vunpack.i.u.bf16.f32 v20  }
0x41b: {  	v20 =	vunpack.i.l.bf16.f32 v20;
	v47 =	vunpack.i.l.bf16.f32 v22;
	v22 =	vunpack.i.u.bf16.f32 v22  }
0x41c: {  	v19 =	vadd.s32 v3, v19;
	v20 =	vadd.f32 v47, v20;
	v18 =	vadd.f32 v22, v18  }
0x41d: {  	[tilespmem:v8+s3+$0x0] =	vst.idx.msk $0xffff, v13;
	v48 =	vmul.f32 $2.000000030e-01, v15;
	v8 =	vunpack.i.u.bf16.f32 v24;
	v13 =	vunpack.i.l.bf16.f32 v24  }
0x41e: {  	[tilespmem:v44+s3+$0x0] =	vst.idx.msk $0xffff, v12;
	v12 =	vunpack.i.u.bf16.f32 v46;
	v22 =	vunpack.i.l.bf16.f32 v46;
	v49 =	vmul.f32 $2.000000030e-01, v14  }
0x41f: {  	[tilespmem:v17+s3+$0x0] =	vst.idx.msk $0xffff, v11;
	v11 =	vadd.f32 v22, v13;
	v13 =	vmax.f32 v15, v48;
	v15 =	vmul.f32 $2.000000030e-01, v20  }
0x420: {  	v8 =	vadd.f32 v12, v8;
	v12 =	vmul.f32 $2.000000030e-01, v18;
	[tilespmem:v21+s3+$0x0] =	vst.idx.msk $0xffff, v13;
	v13 =	vmax.f32 v14, v49  }
0x421: {  	v14 =	vmul.f32 $2.000000030e-01, v11;
	[tilespmem:v10+s3+$0x0] =	vst.idx.msk $0xffff, v13;
	v10 =	vmax.f32 v20, v15  }
0x422: {  	v12 =	vmax.f32 v18, v12;
	v13 =	vmul.f32 $2.000000030e-01, v8;
	[tilespmem:v23+s3+$0x0] =	vst.idx.msk $0xffff, v10  }
0x423: {  	v10 =	vmax.f32 v11, v14;
	[tilespmem:v9+s3+$0x0] =	vst.idx.msk $0xffff, v12  }
0x424: {  	v8 =	vmax.f32 v8, v13;
	[tilespmem:v16+s3+$0x0] =	vst.idx.msk $0xffff, v10  }
0x425: {  	s25 =	simm.s32 $0x3470;
	[tilespmem:v19+s3+$0x0] =	vst.idx.msk $0xffff, v8  }
0x426: {  	s23 =	simm.s32 $0x7470;
	v11 =	vld [tilespmem:s25+$0xFFFFFFF0]  }
0x427: {  	s26 =	simm.s32 $0x1;
	v12 =	vld [tilespmem:s23+$0xFFFFFFF0]  }
0x428: {  	s18 =	simm.s32 $0x0;
	v9 =	vmov s26;
	v16 =	vld [tilespmem:s25+$0xFFFFFFB0]  }
0x429: {  	s28 =	simm.s32 $0x2;
	s26 =	simm.s32 $0x3;
	v8 =	vmov s18;
	v9 =	vand.u32 $0xFFFFFFFD, v9  }
0x42a: {  	v22 =	vadd.s32 s26, v4;
	v10 =	vand.u32 $0xFFFFFFFC, v8;
	v8 =	vmov s28;
	v18 =	vld [tilespmem:s23+$0xFFFFFFB0]  }
0x42b: {  	v19 =	vadd.s32 v4, v9;
	v15 =	vadd.s32 v4, v10;
	v17 =	vadd.s32 v5, v10  }
0x42c: {  	v13 =	vld [tilespmem:s25+$0xFFFFFF90];
	v20 =	vunpack.i.l.bf16.f32 v11;
	v21 =	vunpack.i.l.bf16.f32 v12;
	v11 =	vunpack.i.u.bf16.f32 v11  }
0x42d: {  	v14 =	vld [tilespmem:s23+$0xFFFFFF90];
	v12 =	vunpack.i.u.bf16.f32 v12;
	v53 =	vunpack.i.u.bf16.f32 v16;
	v20 =	vadd.f32 v21, v20  }
0x42e: {  	v23 =	vld [tilespmem:s25+$0xFFFFFFD0];
	v16 =	vunpack.i.l.bf16.f32 v16;
	v11 =	vadd.f32 v12, v11;
	v12 =	vadd.s32 s26, v5  }
0x42f: {  	v55 =	vunpack.i.u.bf16.f32 v18;
	v18 =	vunpack.i.l.bf16.f32 v18;
	v52 =	vmul.f32 $2.000000030e-01, v20  }
0x430: {  	v8 =	vand.u32 $0xFFFFFFFE, v8;
	v21 =	vld [tilespmem:s23+$0xFFFFFFD0];
	v16 =	vadd.f32 v18, v16;
	v54 =	vmul.f32 $2.000000030e-01, v11  }
0x431: {  	v50 =	vunpack.i.u.bf16.f32 v13;
	v13 =	vunpack.i.l.bf16.f32 v13;
	v20 =	vmax.f32 v20, v52  }
0x432: {  	v58 =	vadd.f32 v55, v53;
	v60 =	vmul.f32 $2.000000030e-01, v16;
	v11 =	vmax.f32 v11, v54;
	[tilespmem:v22+s3+$0x0] =	vst.idx.msk $0xffff, v20  }
0x433: {  	v51 =	vunpack.i.u.bf16.f32 v14;
	v14 =	vunpack.i.l.bf16.f32 v14;
	v56 =	vunpack.i.u.bf16.f32 v23;
	[tilespmem:v12+s3+$0x0] =	vst.idx.msk $0xffff, v11  }
0x434: {  	v61 =	vmul.f32 $2.000000030e-01, v58;
	v16 =	vmax.f32 v16, v60;
	v12 =	vadd.f32 v14, v13;
	v57 =	vld [tilespmem:s25+$0x0]  }
0x435: {  	v20 =	vunpack.i.l.bf16.f32 v23;
	v22 =	vunpack.i.u.bf16.f32 v21;
	v14 =	vadd.f32 v51, v50;
	v18 =	vld [tilespmem:s23+$0x0]  }
0x436: {  	v21 =	vunpack.i.l.bf16.f32 v21;
	v23 =	vadd.s32 v5, v9;
	v59 =	vmul.f32 $2.000000030e-01, v12  }
0x437: {  	v20 =	vadd.f32 v21, v20;
	v22 =	vadd.f32 v22, v56;
	v21 =	vmul.f32 $2.000000030e-01, v14  }
0x438: {  	p0 =	por $0x1, $0x1;
	v11 =	vadd.s32 v4, v8;
	v13 =	vadd.s32 v5, v8;
	v12 =	vmax.f32 v12, v59  }
.Ltmp10:
0x439: {  	v62 =	vmul.f32 $2.000000030e-01, v20;
	v63 =	vmul.f32 $2.000000030e-01, v22;
	v14 =	vmax.f32 v14, v21;
	[tilespmem:v15+s3+$0x0] =	vst.idx.msk $0xffff, v12;
	(pc) =	sbr.rel @!p0 .LBB2_13-.Ltmp10, $4  }
0x43a: {  	v12 =	vadd.s32 s26, v6;
	v15 =	vunpack.i.l.bf16.f32 v57;
	v21 =	vunpack.i.l.bf16.f32 v18;
	[tilespmem:v17+s3+$0x0] =	vst.idx.msk $0xffff, v14  }
0x43b: {  	v14 =	vunpack.i.u.bf16.f32 v57;
	v17 =	vunpack.i.u.bf16.f32 v18;
	v18 =	vadd.f32 v21, v15;
	v15 =	vld [tilespmem:s25+$0xFFFFFFA0]  }
0x43c: {  	[tilespmem:v19+s3+$0x0] =	vst.idx.msk $0xffff, v16;
	v19 =	vmax.f32 v58, v61;
	v17 =	vadd.f32 v17, v14;
	v14 =	vadd.s32 s26, v7;
	v16 =	vld [tilespmem:s23+$0xFFFFFFA0]  }
0x43d: {  	[tilespmem:v23+s3+$0x0] =	vst.idx.msk $0xffff, v19;
	v19 =	vmax.f32 v22, v63;
	s26 =	simm.s32 $0x80;
	v21 =	vmax.f32 v20, v62;
	v20 =	vmul.f32 $2.000000030e-01, v18  }
.LBB2_12:
0x43e: {  	s18 =	sadd.s32 $0xFFFFFF84, s26;
	v22 =	vadd.s32 v6, v10;
	v10 =	vadd.s32 v7, v10;
	v23 =	vld [tilespmem:s25+$0xFFFFFFC0];
	[tilespmem:v11+s3+$0x0] =	vst.idx.msk $0xffff, v21;
	v11 =	vmul.f32 $2.000000030e-01, v17;
	s28 =	smov.u32 s26  }
0x43f: {  	v25 =	vadd.s32 v6, v9;
	v21 =	vmov s18;
	v24 =	vld [tilespmem:s23+$0xFFFFFFC0];
	[tilespmem:v13+s3+$0x0] =	vst.idx.msk $0xffff, v19;
	v13 =	vmax.f32 v18, v20  }
0x440: {  	v18 =	vunpack.i.u.bf16.f32 v15;
	v15 =	vunpack.i.l.bf16.f32 v15;
	v19 =	vld [tilespmem:s25+$0xFFFFFFE0];
	[tilespmem:v12+s3+$0x0] =	vst.idx.msk $0xffff, v13;
	v11 =	vmax.f32 v17, v11  }
0x441: {  	v12 =	vunpack.i.u.bf16.f32 v16;
	v13 =	vunpack.i.l.bf16.f32 v16;
	v16 =	vadd.s32 v7, v9;
	v9 =	vld [tilespmem:s23+$0xFFFFFFE0];
	[tilespmem:v14+s3+$0x0] =	vst.idx.msk $0xffff, v11  }
0x442: {  	v11 =	vadd.f32 v13, v15;
	v12 =	vadd.f32 v12, v18;
	v13 =	vadd.s32 v6, v8  }
0x443: {  	v17 =	vadd.s32 v7, v8;
	v14 =	vunpack.i.u.bf16.f32 v23;
	v15 =	vunpack.i.l.bf16.f32 v23  }
0x444: {  	v8 =	vmul.f32 $2.000000030e-01, v11;
	v18 =	vunpack.i.u.bf16.f32 v24;
	v20 =	vunpack.i.l.bf16.f32 v24  }
0x445: {  	v15 =	vadd.f32 v20, v15;
	v20 =	vunpack.i.u.bf16.f32 v19;
	v19 =	vunpack.i.l.bf16.f32 v19  }
0x446: {  	v14 =	vadd.f32 v18, v14;
	v18 =	vunpack.i.u.bf16.f32 v9;
	v9 =	vunpack.i.l.bf16.f32 v9  }
0x447: {  	s25 =	sadd.s32 $0x80, s25;
	v23 =	vmul.f32 $2.000000030e-01, v12;
	v9 =	vadd.f32 v9, v19;
	v18 =	vadd.f32 v18, v20  }
0x448: {  	s23 =	sadd.s32 $0x80, s23;
	v8 =	vmax.f32 v11, v8;
	v11 =	vmul.f32 $2.000000030e-01, v15;
	v20 =	vmul.f32 $2.000000030e-01, v14;
	v19 =	vld [tilespmem:s25+$0xFFFFFFF0]  }
0x449: {  	s18 =	sadd.s32 $0xFFFFFF85, s26;
	v24 =	vld [tilespmem:s23+$0xFFFFFFF0];
	[tilespmem:v22+s3+$0x0] =	vst.idx.msk $0xffff, v8;
	v8 =	vmax.f32 v12, v23;
	v12 =	vmul.f32 $2.000000030e-01, v9;
	v22 =	vmul.f32 $2.000000030e-01, v18  }
0x44a: {  	v26 =	vmov s18;
	v23 =	vld [tilespmem:s25+$0xFFFFFF90];
	[tilespmem:v10+s3+$0x0] =	vst.idx.msk $0xffff, v8;
	v8 =	vmax.f32 v15, v11;
	v11 =	vmax.f32 v14, v20  }
0x44b: {  	s18 =	sadd.s32 $0xFFFFFF86, s26;
	v10 =	vand.u32 $0xFFFFFFFC, v21;
	v14 =	vld [tilespmem:s23+$0xFFFFFF90];
	[tilespmem:v25+s3+$0x0] =	vst.idx.msk $0xffff, v8;
	v12 =	vmax.f32 v9, v12;
	v15 =	vmax.f32 v18, v22  }
0x44c: {  	s26 =	sadd.s32 $0x4, s26;
	v18 =	vadd.s32 v4, v10;
	v9 =	vand.u32 $0xFFFFFFFD, v26;
	v8 =	vmov s18;
	v20 =	vld [tilespmem:s25+$0xFFFFFFB0];
	[tilespmem:v16+s3+$0x0] =	vst.idx.msk $0xffff, v11  }
0x44d: {  	s28 =	sadd.s32 $0xFFFFFF87, s28;
	p0 =	slt.u32 s26, $0xFC;
	v16 =	vadd.s32 v5, v10;
	v21 =	vadd.s32 v4, v9;
	v8 =	vand.u32 $0xFFFFFFFE, v8;
	v11 =	vld [tilespmem:s23+$0xFFFFFFB0];
	[tilespmem:v13+s3+$0x0] =	vst.idx.msk $0xffff, v12  }
0x44e: {  	v25 =	vadd.s32 s28, v4;
	v13 =	vunpack.i.l.bf16.f32 v19;
	v12 =	vld [tilespmem:s25+$0xFFFFFFD0];
	v22 =	vunpack.i.l.bf16.f32 v24;
	[tilespmem:v17+s3+$0x0] =	vst.idx.msk $0xffff, v15  }
0x44f: {  	v17 =	vunpack.i.u.bf16.f32 v19;
	v19 =	vunpack.i.u.bf16.f32 v24;
	v15 =	vld [tilespmem:s23+$0xFFFFFFD0];
	v13 =	vadd.f32 v22, v13  }
0x450: {  	v22 =	vunpack.i.u.bf16.f32 v23;
	v17 =	vadd.f32 v19, v17;
	v19 =	vadd.s32 s28, v5  }
0x451: {  	v23 =	vunpack.i.l.bf16.f32 v23;
	v24 =	vunpack.i.u.bf16.f32 v14;
	v26 =	vmul.f32 $2.000000030e-01, v13  }
0x452: {  	v14 =	vunpack.i.l.bf16.f32 v14;
	v27 =	vunpack.i.u.bf16.f32 v20;
	v28 =	vmul.f32 $2.000000030e-01, v17  }
0x453: {  	v20 =	vunpack.i.l.bf16.f32 v20;
	v29 =	vunpack.i.u.bf16.f32 v11;
	v13 =	vmax.f32 v13, v26  }
0x454: {  	v11 =	vunpack.i.l.bf16.f32 v11;
	v26 =	vunpack.i.u.bf16.f32 v12;
	[tilespmem:v25+s3+$0x0] =	vst.idx.msk $0xffff, v13;
	v13 =	vmax.f32 v17, v28  }
0x455: {  	v12 =	vunpack.i.l.bf16.f32 v12;
	v17 =	vunpack.i.u.bf16.f32 v15;
	v15 =	vunpack.i.l.bf16.f32 v15;
	[tilespmem:v19+s3+$0x0] =	vst.idx.msk $0xffff, v13  }
0x456: {  	v14 =	vadd.f32 v14, v23;
	v19 =	vadd.f32 v24, v22;
	v22 =	vadd.s32 v5, v9;
	v23 =	vld [tilespmem:s25+$0x0]  }
0x457: {  	v20 =	vadd.f32 v11, v20;
	v11 =	vadd.s32 v4, v8;
	v24 =	vadd.f32 v29, v27;
	v25 =	vld [tilespmem:s23+$0x0]  }
0x458: {  	v27 =	vmul.f32 $2.000000030e-01, v14;
	v28 =	vadd.f32 v15, v12;
	v26 =	vadd.f32 v17, v26  }
0x459: {  	v15 =	vmul.f32 $2.000000030e-01, v20;
	v13 =	vadd.s32 v5, v8;
	v12 =	vmul.f32 $2.000000030e-01, v19  }
0x45a: {  	v14 =	vmax.f32 v14, v27;
	v17 =	vmul.f32 $2.000000030e-01, v24;
	v27 =	vmul.f32 $2.000000030e-01, v28  }
.Ltmp11:
0x45b: {  	v12 =	vmax.f32 v19, v12;
	v19 =	vmul.f32 $2.000000030e-01, v26;
	[tilespmem:v18+s3+$0x0] =	vst.idx.msk $0xffff, v14;
	v14 =	vmax.f32 v20, v15;
	(pc) =	sbr.rel @p0 .LBB2_12-.Ltmp11, $4  }
0x45c: {  	[tilespmem:v16+s3+$0x0] =	vst.idx.msk $0xffff, v12;
	v16 =	vunpack.i.l.bf16.f32 v23;
	v18 =	vunpack.i.l.bf16.f32 v25;
	v12 =	vadd.s32 s28, v6  }
0x45d: {  	v20 =	vunpack.i.u.bf16.f32 v25;
	v15 =	vld [tilespmem:s25+$0xFFFFFFA0];
	[tilespmem:v21+s3+$0x0] =	vst.idx.msk $0xffff, v14;
	v14 =	vunpack.i.u.bf16.f32 v23;
	v18 =	vadd.f32 v18, v16  }
0x45e: {  	v21 =	vmax.f32 v24, v17;
	v16 =	vld [tilespmem:s23+$0xFFFFFFA0];
	v17 =	vadd.f32 v20, v14;
	v14 =	vadd.s32 s28, v7  }
0x45f: {  	v19 =	vmax.f32 v26, v19;
	[tilespmem:v22+s3+$0x0] =	vst.idx.msk $0xffff, v21;
	v21 =	vmax.f32 v28, v27;
	v20 =	vmul.f32 $2.000000030e-01, v18  }
.Ltmp12:
0x460: {  	_ = 	snop;
	(pc) =	sbr.rel .LBB2_13-.Ltmp12, $1  }
0x461: {  	_ =	sdelay $0x3  }
.LBB2_16:
0x462: {  	_ =	sfence.sel $0x180000  }
0x463: {  	[bflag:$0x0] =	sbarrier.arrive $0xFFFF  }
0x464: {  	_ =	strace $0x90000047  }
0x465: {  	s0 =	stileid.u32;
	[bflag:$0x2] =	sbarrier.arrive $0xFFFF  }
0x466: {  	p0 =	sne.s32 s0, $0x0;
	s0 =	rddreg [dreg:$0x2]  }
0x467: {  	s0 =	sadd.s32 @!p0 $0x100000, s0  }
0x468: {  	[sflag:s0] =	ssyncadd.tile.s32 @!p0 $0x1;
	_ =	shalt  }
.Lfunc_end2:
_tile_overlayer_lowered:
.L_overlay_start_2:
0x469: {  	(tag) =	ssettag $0x2  }
0x46a: {  	s0 =	rddreg [dreg:$0x0];
	s2 =	stileid.u32  }
0x46b: {  	s1 =	rddreg [dreg:$0x1];
	p0 =	sne.s32 s2, $0x0  }
0x46c: {  	s3 =	rddreg [dreg:$0x2];
	[bflag:$0x3] =	sbarrier.arrive $0xFFFF;
	s2 =	simm.s32 @!p0 $0x1C07  }
0x46d: {  	[timem:s3], [sflag:s2] =	dma.local @!p0 [hbm:s0], s1  }
0x46e: {  	s0 =	simm.s32 @!p0 $0x7  }
0x46f: {  	_ =	swait.ge @!p0 [sflag:s0], s1  }
0x470: {  	s1 =	ssub.s32 @!p0 $0x0, s1;
	[sflag:s0] =	ssyncset.done @!p0 $0x0  }
0x471: {  	[sflag:s0] =	ssyncadd.s32 @!p0 s1  }
0x472: {  	[bflag:$0x3] =	sbarrier.arrive $0xFFFF  }
0x473: {  	_ =	shalt  }

</sc_bundles>
